<compile_context>
chip_gen: v7x
topology: tpu7x:2x2x1
jax: 0.10.2.dev20260603
libtpu: 0.0.44.dev20260713+nightly
codegen_flags: <defaults>
</compile_context>

<pallas_src>
import functools

import jax
import jax.numpy as jnp
from jax import lax
from jax.experimental import pallas as pl
from jax.experimental.pallas import tpu as pltpu
from jax.experimental.pallas import tpu_sc as plsc

B = 16384
F = 3
VOCAB = 1000000
EMB = 16

NW = 32
BPW = B // NW
RPW = F * BPW
NCH = RPW // 128
TPW = RPW // 16
GPW = BPW // 16

_mesh = plsc.VectorSubcoreMesh(core_axis_name="c", subcore_axis_name="s")
_params = pltpu.CompilerParams(needs_layout_passes=False,
                               use_tc_tiling_on_sc=False)


def _iota16():
    return lax.iota(jnp.int32, 16)


def _splat(x):
    return jnp.broadcast_to(jnp.asarray(x, jnp.int32), (16,))


def _bcast_lane(vec, c):
    dn = lax.GatherDimensionNumbers(offset_dims=(), collapsed_slice_dims=(0,),
                                    start_index_map=(0,))
    return lax.gather(vec, _splat(c)[:, None], dn, (1,),
                      mode=lax.GatherScatterMode.PROMISE_IN_BOUNDS)


@functools.partial(
    pl.kernel,
    out_type=(
        jax.ShapeDtypeStruct((F * B,), jnp.float32),
        jax.ShapeDtypeStruct((F * B,), jnp.float32),
    ),
    mesh=_mesh,
    compiler_params=_params,
    scratch_types=[
        pltpu.VMEM((NCH, 128), jnp.int32),
        pltpu.VMEM((RPW, EMB), jnp.float32),
        pltpu.VMEM((RPW,), jnp.float32),
        pltpu.VMEM(((F + 15) * 16,), jnp.float32),
        pltpu.VMEM((RPW,), jnp.float32),
        pltpu.VMEM((RPW,), jnp.float32),
        pltpu.SemaphoreType.DMA,
    ],
)
def _attn_terms(so_hbm, idx_hbm, xv_hbm, par_hbm, t1_hbm, t2_hbm,
                idx_v, rows_v, xv_v, par_v, t1loc, t2loc, sem):
    w = lax.axis_index("s") * 2 + lax.axis_index("c")

    pltpu.sync_copy(idx_hbm.at[w], idx_v)
    copies = []
    for j in range(NCH):
        copies.append(pltpu.async_copy(
            so_hbm.at[idx_v.at[j]], rows_v.at[pl.ds(j * 128, 128)], sem))
    pltpu.sync_copy(xv_hbm.at[w], xv_v)
    pltpu.sync_copy(par_hbm, par_v)

    v_acc = jnp.zeros((16,), jnp.float32)
    for k in range(16):
        hk = plsc.load_gather(par_v, [_splat(256 + k)])
        v_acc = v_acc + hk * par_v[pl.ds(k * 16, 16)]
    p_vec = par_v[pl.ds(272, 16)]

    for c in copies:
        c.wait()

    lane96 = _iota16() * 96

    def tile_body(ft, _):
        xv = xv_v[pl.ds(ft * 16, 16)]
        xv2 = xv * xv
        u1 = xv2 * v_acc
        u2 = xv2 * p_vec
        acc1 = jnp.zeros((16,), jnp.float32)
        acc2 = jnp.zeros((16,), jnp.float32)
        for c in range(16):
            row = rows_v[ft * 16 + c, :]
            rsq = row * row
            acc1 = acc1 + _bcast_lane(u1, c) * rsq
            acc2 = acc2 + _bcast_lane(u2, c) * rsq
        idx = lane96 + _splat(ft)
        plsc.store_scatter(t1loc, [idx], acc1)
        plsc.store_scatter(t2loc, [idx], acc2)
        return _

    lax.fori_loop(0, TPW, tile_body, None)

    for e in range(16):
        for f in range(F):
            src = pl.ds(e * 96 + f * 32, 32)
            dst = pl.ds(e * 3072 + f * 1024 + w * 32, 32)
            pltpu.sync_copy(t1loc.at[src], t1_hbm.at[dst])
            pltpu.sync_copy(t2loc.at[src], t2_hbm.at[dst])


@functools.partial(
    pl.kernel,
    out_type=jax.ShapeDtypeStruct((B,), jnp.float32),
    mesh=_mesh,
    compiler_params=_params,
    scratch_types=[
        pltpu.VMEM((NCH, 128), jnp.int32),
        pltpu.VMEM((RPW,), jnp.float32),
        pltpu.VMEM((RPW,), jnp.float32),
        pltpu.VMEM((RPW,), jnp.float32),
        pltpu.VMEM((RPW,), jnp.float32),
        pltpu.VMEM((16,), jnp.float32),
        pltpu.VMEM((BPW,), jnp.float32),
        pltpu.SemaphoreType.DMA,
    ],
)
def _combine(fo_hbm, idx_hbm, xv_hbm, t1f_hbm, t2f_hbm, bias_hbm, out_hbm,
             idx_v, fo_v, t1_v, t2_v, xv_v, bias_v, out_loc, sem):
    w = lax.axis_index("s") * 2 + lax.axis_index("c")

    pltpu.sync_copy(idx_hbm.at[w], idx_v)
    copies = []
    for j in range(NCH):
        copies.append(pltpu.async_copy(
            fo_hbm.at[idx_v.at[j]], fo_v.at[pl.ds(j * 128, 128)], sem))
    pltpu.sync_copy(t1f_hbm.at[pl.ds(w * RPW, RPW)], t1_v)
    pltpu.sync_copy(t2f_hbm.at[pl.ds(w * RPW, RPW)], t2_v)
    pltpu.sync_copy(xv_hbm.at[w], xv_v)
    pltpu.sync_copy(bias_hbm, bias_v)

    bias_vec = bias_v[...]
    lane3 = _iota16() * 3

    for c in copies:
        c.wait()

    def out_body(g, _):
        base = g * 16
        acc = bias_vec
        for f in range(F):
            acc = acc + fo_v[pl.ds(f * BPW + base, 16)] * \
                xv_v[pl.ds(f * BPW + base, 16)]
        i0 = _splat(base * 3) + lane3
        a0 = plsc.load_gather(t1_v, [i0])
        a1 = plsc.load_gather(t1_v, [i0 + 1])
        a2 = plsc.load_gather(t1_v, [i0 + 2])
        b0 = plsc.load_gather(t2_v, [i0])
        b1 = plsc.load_gather(t2_v, [i0 + 1])
        b2 = plsc.load_gather(t2_v, [i0 + 2])
        mx = jnp.maximum(a0, jnp.maximum(a1, a2))
        e0 = jnp.exp(a0 - mx)
        e1 = jnp.exp(a1 - mx)
        e2 = jnp.exp(a2 - mx)
        num = e0 * b0 + e1 * b1 + e2 * b2
        den = e0 + e1 + e2
        out_loc[pl.ds(base, 16)] = acc + num / den
        return _

    lax.fori_loop(0, GPW, out_body, None)

    pltpu.sync_copy(out_loc, out_hbm.at[pl.ds(w * BPW, BPW)])


def kernel(Xi, Xv, fo_tables, so_tables, W_att, b_att, H, P, bias):
    fo_flat = fo_tables.reshape(F * VOCAB)

    so_flat = so_tables.reshape(F * VOCAB, EMB)

    XiT = Xi.T.astype(jnp.int32)
    idxf = XiT + (jnp.arange(F, dtype=jnp.int32) * VOCAB)[:, None]
    idx_w = idxf.reshape(F, NW, BPW).transpose(1, 0, 2).reshape(NW, NCH, 128)
    xv_w = Xv.T.reshape(F, NW, BPW).transpose(1, 0, 2).reshape(NW, RPW)

    params = jnp.concatenate(
        [W_att.T, H[None, :], P[None, :]], axis=0).astype(jnp.float32)
    bias16 = jnp.broadcast_to(bias.astype(jnp.float32), (16,))

    t1, t2 = _attn_terms(so_flat, idx_w, xv_w, params.reshape(-1))
    return _combine(fo_flat, idx_w, xv_w, t1, t2, bias16)

# --- scband reference (transcript-rebuilt; emitter-appended) ---
"""Pipeline reference for scband-afmadam-16999480558300 (READ-ONLY COPY).

The authoritative reference and input builder live on the scoring server;
editing this copy changes nothing except your own understanding.
"""

import jax, jax.numpy as jnp
import numpy as np

B = 16384
F = 3
VOCAB = 1000000
EMB = 16
ATT = 16

def setup_inputs(seed: int = 0) -> dict:
    key = jax.random.key(seed)
    ks = jax.random.split(key, 8)
    Xi = jax.random.randint(ks[0], (B, F), 0, VOCAB, dtype=jnp.int64 if jax.config.jax_enable_x64 else jnp.int32).astype(jnp.int32)
    Xv = jax.random.uniform(ks[1], (B, F), dtype=jnp.float32)
    fo_tables = jax.random.normal(ks[2], (F, VOCAB), dtype=jnp.float32)
    so_tables = jax.random.normal(ks[3], (F, VOCAB, EMB), dtype=jnp.float32)
    W_att = jax.random.normal(ks[4], (EMB, ATT), dtype=jnp.float32) * (1.0 / np.sqrt(EMB))
    b_att = jnp.zeros((ATT,), dtype=jnp.float32)
    H = jax.random.normal(ks[5], (ATT,), dtype=jnp.float32)
    P = jax.random.normal(ks[6], (EMB,), dtype=jnp.float32)
    bias = jnp.asarray(0.99, dtype=jnp.float32)
    return {"Xi": Xi, "Xv": Xv, "fo_tables": fo_tables, "so_tables": so_tables, "W_att": W_att, "b_att": b_att, "H": H, "P": P, "bias": bias}

def reference(Xi, Xv, fo_tables, so_tables, W_att, b_att, H, P, bias):
    b, f = Xi.shape
    emb = so_tables.shape[-1]
    pairs = f * (f - 1) // 2
    fi = jnp.arange(f)
    # first-order embeddings: per-field gather [B, F], scaled by Xv
    fo_vals = fo_tables[fi[None, :], Xi]
    first_order = fo_vals * Xv
    # second-order embeddings: per-field gather [B, F, EMB]
    so_vals = so_tables[fi[None, :], Xi]
    # list of [EMB, B] per field, stacked as [F, EMB, B]
    arr = jnp.transpose(so_vals, (1, 2, 0)) * jnp.transpose(Xv)[:, None, :]
    sum_so = arr.sum(axis=0)
    sq = arr * arr
    second_order = (sum_so * sum_so - sq.sum(axis=0)) * 0.5  # computed but unused, as in original
    # cat of squared per-field tensors along dim 1 -> [EMB, F*B]
    interaction = jnp.transpose(sq, (1, 0, 2)).reshape(emb, f * b)
    IL2 = interaction.reshape(-1, emb)  # [F*B, EMB]
    att_tmp = IL2 @ W_att + b_att
    att_tmp = att_tmp * H
    att_tmp = att_tmp.sum(axis=1).reshape(-1, pairs)
    att_w = jax.nn.softmax(att_tmp, axis=1)
    att_out = (IL2 * P).sum(axis=1).reshape(-1, pairs)
    att_out = att_out * att_w
    total = bias + first_order.sum(axis=1) + att_out.sum(axis=1)
    return total

if __name__ == "__main__":
    import jax
    _d = setup_inputs()
    print(jax.jit(kernel)(*tuple(_d.values())))

</pallas_src>

<mosaic_0001>
#map = affine_map<(d0, d1) -> (0, 0)>
#map1 = affine_map<(d0, d1) -> (0, 0, 0)>
#map2 = affine_map<(d0, d1) -> (0)>
module attributes {stable_mosaic.version = 14 : i64} {
  func.func @_attn_terms(%arg0: i32, %arg1: i32, %arg2: memref<3000000x16xf32, #tpu.memory_space<hbm>>, %arg3: memref<32x12x128xi32, #tpu.memory_space<hbm>>, %arg4: memref<32x1536xf32, #tpu.memory_space<hbm>>, %arg5: memref<288xf32, #tpu.memory_space<hbm>>, %arg6: memref<49152xf32, #tpu.memory_space<hbm>>, %arg7: memref<49152xf32, #tpu.memory_space<hbm>>, %arg8: memref<12x128xi32, #tpu.memory_space<vmem>>, %arg9: memref<1536x16xf32, #tpu.memory_space<vmem>>, %arg10: memref<1536xf32, #tpu.memory_space<vmem>>, %arg11: memref<288xf32, #tpu.memory_space<vmem>>, %arg12: memref<1536xf32, #tpu.memory_space<vmem>>, %arg13: memref<1536xf32, #tpu.memory_space<vmem>>, %arg14: memref<!tpu.dma_semaphore, #tpu.memory_space<semaphore_mem>>) attributes {dimension_semantics = [#tpu.dimension_semantics<core_parallel>, #tpu.dimension_semantics<subcore_parallel>], iteration_bounds = array<i64: 2, 16>, scalar_prefetch = 0 : i64, scratch_operands = 7 : i64, tpu.core_type = #tpu.core_type<sc_vector_subcore>, window_params = [{transform_indices = #map}, {transform_indices = #map1}, {transform_indices = #map}, {transform_indices = #map2}, {transform_indices = #map2}, {transform_indices = #map2}]} {
    %mul3A = arith.constant 2 : i32
    %mul3A_0 = arith.muli %arg1, %mul3A : i32
    %add3A = arith.addi %mul3A_0, %arg0 : i32
    "tpu.region"() ({
      %run_scoped3A = tpu.sem_alloc : memref<!tpu.dma_semaphore, #tpu.memory_space<semaphore_mem>>
      %dma_start3A_551 = arith.constant 0 : i32
      %dma_start3A_552 = arith.constant 0 : i32
      %dma_start3A_553 = tpu.memref_slice %arg3[%add3A, %dma_start3A_551, %dma_start3A_552] : memref<32x12x128xi32, #tpu.memory_space<hbm>> -> memref<1x12x128xi32, #tpu.memory_space<hbm>>
      %dma_start3A_554 = tpu.memref_squeeze %dma_start3A_553 : memref<1x12x128xi32, #tpu.memory_space<hbm>> -> memref<12x128xi32, #tpu.memory_space<hbm>>
      %dma_start3A_555 = arith.constant 0 : i32
      %dma_start3A_556 = arith.constant 0 : i32
      %dma_start3A_557 = tpu.memref_slice %arg3[%add3A, %dma_start3A_555, %dma_start3A_556] : memref<32x12x128xi32, #tpu.memory_space<hbm>> -> memref<1x12x128xi32, #tpu.memory_space<hbm>>
      %dma_start3A_558 = tpu.memref_squeeze %dma_start3A_557 : memref<1x12x128xi32, #tpu.memory_space<hbm>> -> memref<12x128xi32, #tpu.memory_space<hbm>>
      tpu.enqueue_dma source(%dma_start3A_558 : memref<12x128xi32, #tpu.memory_space<hbm>>) target(%arg8 : memref<12x128xi32, #tpu.memory_space<vmem>>) target_semaphore(%run_scoped3A : memref<!tpu.dma_semaphore, #tpu.memory_space<semaphore_mem>>)
      %dma_wait3A_559 = arith.constant 0 : i32
      %dma_wait3A_560 = arith.constant 0 : i32
      %dma_wait3A_561 = tpu.memref_slice %arg3[%add3A, %dma_wait3A_559, %dma_wait3A_560] : memref<32x12x128xi32, #tpu.memory_space<hbm>> -> memref<1x12x128xi32, #tpu.memory_space<hbm>>
      %dma_wait3A_562 = tpu.memref_squeeze %dma_wait3A_561 : memref<1x12x128xi32, #tpu.memory_space<hbm>> -> memref<12x128xi32, #tpu.memory_space<hbm>>
      %dma_wait3A_563 = arith.constant 0 : i32
      %dma_wait3A_564 = arith.constant 0 : i32
      %dma_wait3A_565 = tpu.memref_slice %arg3[%add3A, %dma_wait3A_563, %dma_wait3A_564] : memref<32x12x128xi32, #tpu.memory_space<hbm>> -> memref<1x12x128xi32, #tpu.memory_space<hbm>>
      %dma_wait3A_566 = tpu.memref_squeeze %dma_wait3A_565 : memref<1x12x128xi32, #tpu.memory_space<hbm>> -> memref<12x128xi32, #tpu.memory_space<hbm>>
      tpu.wait_dma2 semaphore(%run_scoped3A : memref<!tpu.dma_semaphore, #tpu.memory_space<semaphore_mem>>) src(%dma_wait3A_566 : memref<12x128xi32, #tpu.memory_space<hbm>>) dst(%arg8 : memref<12x128xi32, #tpu.memory_space<vmem>>)
      tpu.yield
    }) : () -> ()
    %dma_start3A = arith.constant 0 : i32
    %dma_start3A_1 = arith.constant 0 : i32
    %dma_start3A_2 = arith.constant 0 : i32
    %dma_start3A_3 = tpu.memref_slice %arg9[%dma_start3A_1, %dma_start3A_2] : memref<1536x16xf32, #tpu.memory_space<vmem>> -> memref<128x16xf32, #tpu.memory_space<vmem>>
    %dma_start3A_4 = arith.constant 0 : i32
    %dma_start3A_5 = tpu.memref_slice %arg8[%dma_start3A, %dma_start3A_4] : memref<12x128xi32, #tpu.memory_space<vmem>> -> memref<1x128xi32, #tpu.memory_space<vmem>>
    %dma_start3A_6 = tpu.memref_squeeze %dma_start3A_5 : memref<1x128xi32, #tpu.memory_space<vmem>> -> memref<128xi32, #tpu.memory_space<vmem>>
    %dma_start3A_7 = arith.constant 0 : i32
    %dma_start3A_8 = arith.constant 0 : i32
    %dma_start3A_9 = tpu.memref_slice %arg2[%dma_start3A_7, %dma_start3A_8] : memref<3000000x16xf32, #tpu.memory_space<hbm>> -> memref<3000000x16xf32, #tpu.memory_space<hbm>>
    tpu.enqueue_indirect_dma source(%dma_start3A_9 : memref<3000000x16xf32, #tpu.memory_space<hbm>>) target(%dma_start3A_3 : memref<128x16xf32, #tpu.memory_space<vmem>>) offsets(%dma_start3A_6 : memref<128xi32, #tpu.memory_space<vmem>>) semaphore(%arg14 : memref<!tpu.dma_semaphore, #tpu.memory_space<semaphore_mem>>)
    %dma_start3A_10 = arith.constant 1 : i32
    %dma_start3A_11 = arith.constant 128 : i32
    %dma_start3A_12 = arith.constant 0 : i32
    %dma_start3A_13 = tpu.memref_slice %arg9[%dma_start3A_11, %dma_start3A_12] : memref<1536x16xf32, #tpu.memory_space<vmem>> -> memref<128x16xf32, #tpu.memory_space<vmem>>
    %dma_start3A_14 = arith.constant 0 : i32
    %dma_start3A_15 = tpu.memref_slice %arg8[%dma_start3A_10, %dma_start3A_14] : memref<12x128xi32, #tpu.memory_space<vmem>> -> memref<1x128xi32, #tpu.memory_space<vmem>>
    %dma_start3A_16 = tpu.memref_squeeze %dma_start3A_15 : memref<1x128xi32, #tpu.memory_space<vmem>> -> memref<128xi32, #tpu.memory_space<vmem>>
    %dma_start3A_17 = arith.constant 0 : i32
    %dma_start3A_18 = arith.constant 0 : i32
    %dma_start3A_19 = tpu.memref_slice %arg2[%dma_start3A_17, %dma_start3A_18] : memref<3000000x16xf32, #tpu.memory_space<hbm>> -> memref<3000000x16xf32, #tpu.memory_space<hbm>>
    tpu.enqueue_indirect_dma source(%dma_start3A_19 : memref<3000000x16xf32, #tpu.memory_space<hbm>>) target(%dma_start3A_13 : memref<128x16xf32, #tpu.memory_space<vmem>>) offsets(%dma_start3A_16 : memref<128xi32, #tpu.memory_space<vmem>>) semaphore(%arg14 : memref<!tpu.dma_semaphore, #tpu.memory_space<semaphore_mem>>)
    %dma_start3A_20 = arith.constant 2 : i32
    %dma_start3A_21 = arith.constant 256 : i32
    %dma_start3A_22 = arith.constant 0 : i32
    %dma_start3A_23 = tpu.memref_slice %arg9[%dma_start3A_21, %dma_start3A_22] : memref<1536x16xf32, #tpu.memory_space<vmem>> -> memref<128x16xf32, #tpu.memory_space<vmem>>
    %dma_start3A_24 = arith.constant 0 : i32
    %dma_start3A_25 = tpu.memref_slice %arg8[%dma_start3A_20, %dma_start3A_24] : memref<12x128xi32, #tpu.memory_space<vmem>> -> memref<1x128xi32, #tpu.memory_space<vmem>>
    %dma_start3A_26 = tpu.memref_squeeze %dma_start3A_25 : memref<1x128xi32, #tpu.memory_space<vmem>> -> memref<128xi32, #tpu.memory_space<vmem>>
    %dma_start3A_27 = arith.constant 0 : i32
    %dma_start3A_28 = arith.constant 0 : i32
    %dma_start3A_29 = tpu.memref_slice %arg2[%dma_start3A_27, %dma_start3A_28] : memref<3000000x16xf32, #tpu.memory_space<hbm>> -> memref<3000000x16xf32, #tpu.memory_space<hbm>>
    tpu.enqueue_indirect_dma source(%dma_start3A_29 : memref<3000000x16xf32, #tpu.memory_space<hbm>>) target(%dma_start3A_23 : memref<128x16xf32, #tpu.memory_space<vmem>>) offsets(%dma_start3A_26 : memref<128xi32, #tpu.memory_space<vmem>>) semaphore(%arg14 : memref<!tpu.dma_semaphore, #tpu.memory_space<semaphore_mem>>)
    %dma_start3A_30 = arith.constant 3 : i32
    %dma_start3A_31 = arith.constant 384 : i32
    %dma_start3A_32 = arith.constant 0 : i32
    %dma_start3A_33 = tpu.memref_slice %arg9[%dma_start3A_31, %dma_start3A_32] : memref<1536x16xf32, #tpu.memory_space<vmem>> -> memref<128x16xf32, #tpu.memory_space<vmem>>
    %dma_start3A_34 = arith.constant 0 : i32
    %dma_start3A_35 = tpu.memref_slice %arg8[%dma_start3A_30, %dma_start3A_34] : memref<12x128xi32, #tpu.memory_space<vmem>> -> memref<1x128xi32, #tpu.memory_space<vmem>>
    %dma_start3A_36 = tpu.memref_squeeze %dma_start3A_35 : memref<1x128xi32, #tpu.memory_space<vmem>> -> memref<128xi32, #tpu.memory_space<vmem>>
    %dma_start3A_37 = arith.constant 0 : i32
    %dma_start3A_38 = arith.constant 0 : i32
    %dma_start3A_39 = tpu.memref_slice %arg2[%dma_start3A_37, %dma_start3A_38] : memref<3000000x16xf32, #tpu.memory_space<hbm>> -> memref<3000000x16xf32, #tpu.memory_space<hbm>>
    tpu.enqueue_indirect_dma source(%dma_start3A_39 : memref<3000000x16xf32, #tpu.memory_space<hbm>>) target(%dma_start3A_33 : memref<128x16xf32, #tpu.memory_space<vmem>>) offsets(%dma_start3A_36 : memref<128xi32, #tpu.memory_space<vmem>>) semaphore(%arg14 : memref<!tpu.dma_semaphore, #tpu.memory_space<semaphore_mem>>)
    %dma_start3A_40 = arith.constant 4 : i32
    %dma_start3A_41 = arith.constant 512 : i32
    %dma_start3A_42 = arith.constant 0 : i32
    %dma_start3A_43 = tpu.memref_slice %arg9[%dma_start3A_41, %dma_start3A_42] : memref<1536x16xf32, #tpu.memory_space<vmem>> -> memref<128x16xf32, #tpu.memory_space<vmem>>
    %dma_start3A_44 = arith.constant 0 : i32
    %dma_start3A_45 = tpu.memref_slice %arg8[%dma_start3A_40, %dma_start3A_44] : memref<12x128xi32, #tpu.memory_space<vmem>> -> memref<1x128xi32, #tpu.memory_space<vmem>>
    %dma_start3A_46 = tpu.memref_squeeze %dma_start3A_45 : memref<1x128xi32, #tpu.memory_space<vmem>> -> memref<128xi32, #tpu.memory_space<vmem>>
    %dma_start3A_47 = arith.constant 0 : i32
    %dma_start3A_48 = arith.constant 0 : i32
    %dma_start3A_49 = tpu.memref_slice %arg2[%dma_start3A_47, %dma_start3A_48] : memref<3000000x16xf32, #tpu.memory_space<hbm>> -> memref<3000000x16xf32, #tpu.memory_space<hbm>>
    tpu.enqueue_indirect_dma source(%dma_start3A_49 : memref<3000000x16xf32, #tpu.memory_space<hbm>>) target(%dma_start3A_43 : memref<128x16xf32, #tpu.memory_space<vmem>>) offsets(%dma_start3A_46 : memref<128xi32, #tpu.memory_space<vmem>>) semaphore(%arg14 : memref<!tpu.dma_semaphore, #tpu.memory_space<semaphore_mem>>)
    %dma_start3A_50 = arith.constant 5 : i32
    %dma_start3A_51 = arith.constant 640 : i32
    %dma_start3A_52 = arith.constant 0 : i32
    %dma_start3A_53 = tpu.memref_slice %arg9[%dma_start3A_51, %dma_start3A_52] : memref<1536x16xf32, #tpu.memory_space<vmem>> -> memref<128x16xf32, #tpu.memory_space<vmem>>
    %dma_start3A_54 = arith.constant 0 : i32
    %dma_start3A_55 = tpu.memref_slice %arg8[%dma_start3A_50, %dma_start3A_54] : memref<12x128xi32, #tpu.memory_space<vmem>> -> memref<1x128xi32, #tpu.memory_space<vmem>>
    %dma_start3A_56 = tpu.memref_squeeze %dma_start3A_55 : memref<1x128xi32, #tpu.memory_space<vmem>> -> memref<128xi32, #tpu.memory_space<vmem>>
    %dma_start3A_57 = arith.constant 0 : i32
    %dma_start3A_58 = arith.constant 0 : i32
    %dma_start3A_59 = tpu.memref_slice %arg2[%dma_start3A_57, %dma_start3A_58] : memref<3000000x16xf32, #tpu.memory_space<hbm>> -> memref<3000000x16xf32, #tpu.memory_space<hbm>>
    tpu.enqueue_indirect_dma source(%dma_start3A_59 : memref<3000000x16xf32, #tpu.memory_space<hbm>>) target(%dma_start3A_53 : memref<128x16xf32, #tpu.memory_space<vmem>>) offsets(%dma_start3A_56 : memref<128xi32, #tpu.memory_space<vmem>>) semaphore(%arg14 : memref<!tpu.dma_semaphore, #tpu.memory_space<semaphore_mem>>)
    %dma_start3A_60 = arith.constant 6 : i32
    %dma_start3A_61 = arith.constant 768 : i32
    %dma_start3A_62 = arith.constant 0 : i32
    %dma_start3A_63 = tpu.memref_slice %arg9[%dma_start3A_61, %dma_start3A_62] : memref<1536x16xf32, #tpu.memory_space<vmem>> -> memref<128x16xf32, #tpu.memory_space<vmem>>
    %dma_start3A_64 = arith.constant 0 : i32
    %dma_start3A_65 = tpu.memref_slice %arg8[%dma_start3A_60, %dma_start3A_64] : memref<12x128xi32, #tpu.memory_space<vmem>> -> memref<1x128xi32, #tpu.memory_space<vmem>>
    %dma_start3A_66 = tpu.memref_squeeze %dma_start3A_65 : memref<1x128xi32, #tpu.memory_space<vmem>> -> memref<128xi32, #tpu.memory_space<vmem>>
    %dma_start3A_67 = arith.constant 0 : i32
    %dma_start3A_68 = arith.constant 0 : i32
    %dma_start3A_69 = tpu.memref_slice %arg2[%dma_start3A_67, %dma_start3A_68] : memref<3000000x16xf32, #tpu.memory_space<hbm>> -> memref<3000000x16xf32, #tpu.memory_space<hbm>>
    tpu.enqueue_indirect_dma source(%dma_start3A_69 : memref<3000000x16xf32, #tpu.memory_space<hbm>>) target(%dma_start3A_63 : memref<128x16xf32, #tpu.memory_space<vmem>>) offsets(%dma_start3A_66 : memref<128xi32, #tpu.memory_space<vmem>>) semaphore(%arg14 : memref<!tpu.dma_semaphore, #tpu.memory_space<semaphore_mem>>)
    %dma_start3A_70 = arith.constant 7 : i32
    %dma_start3A_71 = arith.constant 896 : i32
    %dma_start3A_72 = arith.constant 0 : i32
    %dma_start3A_73 = tpu.memref_slice %arg9[%dma_start3A_71, %dma_start3A_72] : memref<1536x16xf32, #tpu.memory_space<vmem>> -> memref<128x16xf32, #tpu.memory_space<vmem>>
    %dma_start3A_74 = arith.constant 0 : i32
    %dma_start3A_75 = tpu.memref_slice %arg8[%dma_start3A_70, %dma_start3A_74] : memref<12x128xi32, #tpu.memory_space<vmem>> -> memref<1x128xi32, #tpu.memory_space<vmem>>
    %dma_start3A_76 = tpu.memref_squeeze %dma_start3A_75 : memref<1x128xi32, #tpu.memory_space<vmem>> -> memref<128xi32, #tpu.memory_space<vmem>>
    %dma_start3A_77 = arith.constant 0 : i32
    %dma_start3A_78 = arith.constant 0 : i32
    %dma_start3A_79 = tpu.memref_slice %arg2[%dma_start3A_77, %dma_start3A_78] : memref<3000000x16xf32, #tpu.memory_space<hbm>> -> memref<3000000x16xf32, #tpu.memory_space<hbm>>
    tpu.enqueue_indirect_dma source(%dma_start3A_79 : memref<3000000x16xf32, #tpu.memory_space<hbm>>) target(%dma_start3A_73 : memref<128x16xf32, #tpu.memory_space<vmem>>) offsets(%dma_start3A_76 : memref<128xi32, #tpu.memory_space<vmem>>) semaphore(%arg14 : memref<!tpu.dma_semaphore, #tpu.memory_space<semaphore_mem>>)
    %dma_start3A_80 = arith.constant 8 : i32
    %dma_start3A_81 = arith.constant 1024 : i32
    %dma_start3A_82 = arith.constant 0 : i32
    %dma_start3A_83 = tpu.memref_slice %arg9[%dma_start3A_81, %dma_start3A_82] : memref<1536x16xf32, #tpu.memory_space<vmem>> -> memref<128x16xf32, #tpu.memory_space<vmem>>
    %dma_start3A_84 = arith.constant 0 : i32
    %dma_start3A_85 = tpu.memref_slice %arg8[%dma_start3A_80, %dma_start3A_84] : memref<12x128xi32, #tpu.memory_space<vmem>> -> memref<1x128xi32, #tpu.memory_space<vmem>>
    %dma_start3A_86 = tpu.memref_squeeze %dma_start3A_85 : memref<1x128xi32, #tpu.memory_space<vmem>> -> memref<128xi32, #tpu.memory_space<vmem>>
    %dma_start3A_87 = arith.constant 0 : i32
    %dma_start3A_88 = arith.constant 0 : i32
    %dma_start3A_89 = tpu.memref_slice %arg2[%dma_start3A_87, %dma_start3A_88] : memref<3000000x16xf32, #tpu.memory_space<hbm>> -> memref<3000000x16xf32, #tpu.memory_space<hbm>>
    tpu.enqueue_indirect_dma source(%dma_start3A_89 : memref<3000000x16xf32, #tpu.memory_space<hbm>>) target(%dma_start3A_83 : memref<128x16xf32, #tpu.memory_space<vmem>>) offsets(%dma_start3A_86 : memref<128xi32, #tpu.memory_space<vmem>>) semaphore(%arg14 : memref<!tpu.dma_semaphore, #tpu.memory_space<semaphore_mem>>)
    %dma_start3A_90 = arith.constant 9 : i32
    %dma_start3A_91 = arith.constant 1152 : i32
    %dma_start3A_92 = arith.constant 0 : i32
    %dma_start3A_93 = tpu.memref_slice %arg9[%dma_start3A_91, %dma_start3A_92] : memref<1536x16xf32, #tpu.memory_space<vmem>> -> memref<128x16xf32, #tpu.memory_space<vmem>>
    %dma_start3A_94 = arith.constant 0 : i32
    %dma_start3A_95 = tpu.memref_slice %arg8[%dma_start3A_90, %dma_start3A_94] : memref<12x128xi32, #tpu.memory_space<vmem>> -> memref<1x128xi32, #tpu.memory_space<vmem>>
    %dma_start3A_96 = tpu.memref_squeeze %dma_start3A_95 : memref<1x128xi32, #tpu.memory_space<vmem>> -> memref<128xi32, #tpu.memory_space<vmem>>
    %dma_start3A_97 = arith.constant 0 : i32
    %dma_start3A_98 = arith.constant 0 : i32
    %dma_start3A_99 = tpu.memref_slice %arg2[%dma_start3A_97, %dma_start3A_98] : memref<3000000x16xf32, #tpu.memory_space<hbm>> -> memref<3000000x16xf32, #tpu.memory_space<hbm>>
    tpu.enqueue_indirect_dma source(%dma_start3A_99 : memref<3000000x16xf32, #tpu.memory_space<hbm>>) target(%dma_start3A_93 : memref<128x16xf32, #tpu.memory_space<vmem>>) offsets(%dma_start3A_96 : memref<128xi32, #tpu.memory_space<vmem>>) semaphore(%arg14 : memref<!tpu.dma_semaphore, #tpu.memory_space<semaphore_mem>>)
    %dma_start3A_100 = arith.constant 10 : i32
    %dma_start3A_101 = arith.constant 1280 : i32
    %dma_start3A_102 = arith.constant 0 : i32
    %dma_start3A_103 = tpu.memref_slice %arg9[%dma_start3A_101, %dma_start3A_102] : memref<1536x16xf32, #tpu.memory_space<vmem>> -> memref<128x16xf32, #tpu.memory_space<vmem>>
    %dma_start3A_104 = arith.constant 0 : i32
    %dma_start3A_105 = tpu.memref_slice %arg8[%dma_start3A_100, %dma_start3A_104] : memref<12x128xi32, #tpu.memory_space<vmem>> -> memref<1x128xi32, #tpu.memory_space<vmem>>
    %dma_start3A_106 = tpu.memref_squeeze %dma_start3A_105 : memref<1x128xi32, #tpu.memory_space<vmem>> -> memref<128xi32, #tpu.memory_space<vmem>>
    %dma_start3A_107 = arith.constant 0 : i32
    %dma_start3A_108 = arith.constant 0 : i32
    %dma_start3A_109 = tpu.memref_slice %arg2[%dma_start3A_107, %dma_start3A_108] : memref<3000000x16xf32, #tpu.memory_space<hbm>> -> memref<3000000x16xf32, #tpu.memory_space<hbm>>
    tpu.enqueue_indirect_dma source(%dma_start3A_109 : memref<3000000x16xf32, #tpu.memory_space<hbm>>) target(%dma_start3A_103 : memref<128x16xf32, #tpu.memory_space<vmem>>) offsets(%dma_start3A_106 : memref<128xi32, #tpu.memory_space<vmem>>) semaphore(%arg14 : memref<!tpu.dma_semaphore, #tpu.memory_space<semaphore_mem>>)
    %dma_start3A_110 = arith.constant 11 : i32
    %dma_start3A_111 = arith.constant 1408 : i32
    %dma_start3A_112 = arith.constant 0 : i32
    %dma_start3A_113 = tpu.memref_slice %arg9[%dma_start3A_111, %dma_start3A_112] : memref<1536x16xf32, #tpu.memory_space<vmem>> -> memref<128x16xf32, #tpu.memory_space<vmem>>
    %dma_start3A_114 = arith.constant 0 : i32
    %dma_start3A_115 = tpu.memref_slice %arg8[%dma_start3A_110, %dma_start3A_114] : memref<12x128xi32, #tpu.memory_space<vmem>> -> memref<1x128xi32, #tpu.memory_space<vmem>>
    %dma_start3A_116 = tpu.memref_squeeze %dma_start3A_115 : memref<1x128xi32, #tpu.memory_space<vmem>> -> memref<128xi32, #tpu.memory_space<vmem>>
    %dma_start3A_117 = arith.constant 0 : i32
    %dma_start3A_118 = arith.constant 0 : i32
    %dma_start3A_119 = tpu.memref_slice %arg2[%dma_start3A_117, %dma_start3A_118] : memref<3000000x16xf32, #tpu.memory_space<hbm>> -> memref<3000000x16xf32, #tpu.memory_space<hbm>>
    tpu.enqueue_indirect_dma source(%dma_start3A_119 : memref<3000000x16xf32, #tpu.memory_space<hbm>>) target(%dma_start3A_113 : memref<128x16xf32, #tpu.memory_space<vmem>>) offsets(%dma_start3A_116 : memref<128xi32, #tpu.memory_space<vmem>>) semaphore(%arg14 : memref<!tpu.dma_semaphore, #tpu.memory_space<semaphore_mem>>)
    "tpu.region"() ({
      %run_scoped3A = tpu.sem_alloc : memref<!tpu.dma_semaphore, #tpu.memory_space<semaphore_mem>>
      %dma_start3A_551 = arith.constant 0 : i32
      %dma_start3A_552 = tpu.memref_slice %arg4[%add3A, %dma_start3A_551] : memref<32x1536xf32, #tpu.memory_space<hbm>> -> memref<1x1536xf32, #tpu.memory_space<hbm>>
      %dma_start3A_553 = tpu.memref_squeeze %dma_start3A_552 : memref<1x1536xf32, #tpu.memory_space<hbm>> -> memref<1536xf32, #tpu.memory_space<hbm>>
      %dma_start3A_554 = arith.constant 0 : i32
      %dma_start3A_555 = tpu.memref_slice %arg4[%add3A, %dma_start3A_554] : memref<32x1536xf32, #tpu.memory_space<hbm>> -> memref<1x1536xf32, #tpu.memory_space<hbm>>
      %dma_start3A_556 = tpu.memref_squeeze %dma_start3A_555 : memref<1x1536xf32, #tpu.memory_space<hbm>> -> memref<1536xf32, #tpu.memory_space<hbm>>
      tpu.enqueue_dma source(%dma_start3A_556 : memref<1536xf32, #tpu.memory_space<hbm>>) target(%arg10 : memref<1536xf32, #tpu.memory_space<vmem>>) target_semaphore(%run_scoped3A : memref<!tpu.dma_semaphore, #tpu.memory_space<semaphore_mem>>)
      %dma_wait3A_557 = arith.constant 0 : i32
      %dma_wait3A_558 = tpu.memref_slice %arg4[%add3A, %dma_wait3A_557] : memref<32x1536xf32, #tpu.memory_space<hbm>> -> memref<1x1536xf32, #tpu.memory_space<hbm>>
      %dma_wait3A_559 = tpu.memref_squeeze %dma_wait3A_558 : memref<1x1536xf32, #tpu.memory_space<hbm>> -> memref<1536xf32, #tpu.memory_space<hbm>>
      %dma_wait3A_560 = arith.constant 0 : i32
      %dma_wait3A_561 = tpu.memref_slice %arg4[%add3A, %dma_wait3A_560] : memref<32x1536xf32, #tpu.memory_space<hbm>> -> memref<1x1536xf32, #tpu.memory_space<hbm>>
      %dma_wait3A_562 = tpu.memref_squeeze %dma_wait3A_561 : memref<1x1536xf32, #tpu.memory_space<hbm>> -> memref<1536xf32, #tpu.memory_space<hbm>>
      tpu.wait_dma2 semaphore(%run_scoped3A : memref<!tpu.dma_semaphore, #tpu.memory_space<semaphore_mem>>) src(%dma_wait3A_562 : memref<1536xf32, #tpu.memory_space<hbm>>) dst(%arg10 : memref<1536xf32, #tpu.memory_space<vmem>>)
      tpu.yield
    }) : () -> ()
    "tpu.region"() ({
      %run_scoped3A = tpu.sem_alloc : memref<!tpu.dma_semaphore, #tpu.memory_space<semaphore_mem>>
      tpu.enqueue_dma source(%arg5 : memref<288xf32, #tpu.memory_space<hbm>>) target(%arg11 : memref<288xf32, #tpu.memory_space<vmem>>) target_semaphore(%run_scoped3A : memref<!tpu.dma_semaphore, #tpu.memory_space<semaphore_mem>>)
      tpu.wait_dma2 semaphore(%run_scoped3A : memref<!tpu.dma_semaphore, #tpu.memory_space<semaphore_mem>>) src(%arg5 : memref<288xf32, #tpu.memory_space<hbm>>) dst(%arg11 : memref<288xf32, #tpu.memory_space<vmem>>)
      tpu.yield
    }) : () -> ()
    %broadcast_in_dim3A = arith.constant 0.000000e+00 : f32
    %broadcast_in_dim3A_120 = vector.broadcast %broadcast_in_dim3A : f32 to vector<16xf32>
    %broadcast_in_dim3A_121 = arith.constant 256 : i32
    %broadcast_in_dim3A_122 = vector.broadcast %broadcast_in_dim3A_121 : i32 to vector<16xi32>
    %gather3A = tpu.vector_load_idx %arg11[%broadcast_in_dim3A_122] : memref<288xf32, #tpu.memory_space<vmem>>[vector<16xi32>], vector<16xf32>,
    %get3A = arith.constant 0 : index
    %get3A_123 = tpu.vector_load %arg11[%get3A] {strides = array<i32>} : memref<288xf32, #tpu.memory_space<vmem>>, vector<16xf32>,
    %mul3A_124 = arith.mulf %gather3A, %get3A_123 : vector<16xf32>
    %add3A_125 = arith.addf %broadcast_in_dim3A_120, %mul3A_124 : vector<16xf32>
    %broadcast_in_dim3A_126 = arith.constant 257 : i32
    %broadcast_in_dim3A_127 = vector.broadcast %broadcast_in_dim3A_126 : i32 to vector<16xi32>
    %gather3A_128 = tpu.vector_load_idx %arg11[%broadcast_in_dim3A_127] : memref<288xf32, #tpu.memory_space<vmem>>[vector<16xi32>], vector<16xf32>,
    %get3A_129 = arith.constant 16 : index
    %get3A_130 = tpu.vector_load %arg11[%get3A_129] {strides = array<i32>} : memref<288xf32, #tpu.memory_space<vmem>>, vector<16xf32>,
    %mul3A_131 = arith.mulf %gather3A_128, %get3A_130 : vector<16xf32>
    %add3A_132 = arith.addf %add3A_125, %mul3A_131 : vector<16xf32>
    %broadcast_in_dim3A_133 = arith.constant 258 : i32
    %broadcast_in_dim3A_134 = vector.broadcast %broadcast_in_dim3A_133 : i32 to vector<16xi32>
    %gather3A_135 = tpu.vector_load_idx %arg11[%broadcast_in_dim3A_134] : memref<288xf32, #tpu.memory_space<vmem>>[vector<16xi32>], vector<16xf32>,
    %get3A_136 = arith.constant 32 : index
    %get3A_137 = tpu.vector_load %arg11[%get3A_136] {strides = array<i32>} : memref<288xf32, #tpu.memory_space<vmem>>, vector<16xf32>,
    %mul3A_138 = arith.mulf %gather3A_135, %get3A_137 : vector<16xf32>
    %add3A_139 = arith.addf %add3A_132, %mul3A_138 : vector<16xf32>
    %broadcast_in_dim3A_140 = arith.constant 259 : i32
    %broadcast_in_dim3A_141 = vector.broadcast %broadcast_in_dim3A_140 : i32 to vector<16xi32>
    %gather3A_142 = tpu.vector_load_idx %arg11[%broadcast_in_dim3A_141] : memref<288xf32, #tpu.memory_space<vmem>>[vector<16xi32>], vector<16xf32>,
    %get3A_143 = arith.constant 48 : index
    %get3A_144 = tpu.vector_load %arg11[%get3A_143] {strides = array<i32>} : memref<288xf32, #tpu.memory_space<vmem>>, vector<16xf32>,
    %mul3A_145 = arith.mulf %gather3A_142, %get3A_144 : vector<16xf32>
    %add3A_146 = arith.addf %add3A_139, %mul3A_145 : vector<16xf32>
    %broadcast_in_dim3A_147 = arith.constant 260 : i32
    %broadcast_in_dim3A_148 = vector.broadcast %broadcast_in_dim3A_147 : i32 to vector<16xi32>
    %gather3A_149 = tpu.vector_load_idx %arg11[%broadcast_in_dim3A_148] : memref<288xf32, #tpu.memory_space<vmem>>[vector<16xi32>], vector<16xf32>,
    %get3A_150 = arith.constant 64 : index
    %get3A_151 = tpu.vector_load %arg11[%get3A_150] {strides = array<i32>} : memref<288xf32, #tpu.memory_space<vmem>>, vector<16xf32>,
    %mul3A_152 = arith.mulf %gather3A_149, %get3A_151 : vector<16xf32>
    %add3A_153 = arith.addf %add3A_146, %mul3A_152 : vector<16xf32>
    %broadcast_in_dim3A_154 = arith.constant 261 : i32
    %broadcast_in_dim3A_155 = vector.broadcast %broadcast_in_dim3A_154 : i32 to vector<16xi32>
    %gather3A_156 = tpu.vector_load_idx %arg11[%broadcast_in_dim3A_155] : memref<288xf32, #tpu.memory_space<vmem>>[vector<16xi32>], vector<16xf32>,
    %get3A_157 = arith.constant 80 : index
    %get3A_158 = tpu.vector_load %arg11[%get3A_157] {strides = array<i32>} : memref<288xf32, #tpu.memory_space<vmem>>, vector<16xf32>,
    %mul3A_159 = arith.mulf %gather3A_156, %get3A_158 : vector<16xf32>
    %add3A_160 = arith.addf %add3A_153, %mul3A_159 : vector<16xf32>
    %broadcast_in_dim3A_161 = arith.constant 262 : i32
    %broadcast_in_dim3A_162 = vector.broadcast %broadcast_in_dim3A_161 : i32 to vector<16xi32>
    %gather3A_163 = tpu.vector_load_idx %arg11[%broadcast_in_dim3A_162] : memref<288xf32, #tpu.memory_space<vmem>>[vector<16xi32>], vector<16xf32>,
    %get3A_164 = arith.constant 96 : index
    %get3A_165 = tpu.vector_load %arg11[%get3A_164] {strides = array<i32>} : memref<288xf32, #tpu.memory_space<vmem>>, vector<16xf32>,
    %mul3A_166 = arith.mulf %gather3A_163, %get3A_165 : vector<16xf32>
    %add3A_167 = arith.addf %add3A_160, %mul3A_166 : vector<16xf32>
    %broadcast_in_dim3A_168 = arith.constant 263 : i32
    %broadcast_in_dim3A_169 = vector.broadcast %broadcast_in_dim3A_168 : i32 to vector<16xi32>
    %gather3A_170 = tpu.vector_load_idx %arg11[%broadcast_in_dim3A_169] : memref<288xf32, #tpu.memory_space<vmem>>[vector<16xi32>], vector<16xf32>,
    %get3A_171 = arith.constant 112 : index
    %get3A_172 = tpu.vector_load %arg11[%get3A_171] {strides = array<i32>} : memref<288xf32, #tpu.memory_space<vmem>>, vector<16xf32>,
    %mul3A_173 = arith.mulf %gather3A_170, %get3A_172 : vector<16xf32>
    %add3A_174 = arith.addf %add3A_167, %mul3A_173 : vector<16xf32>
    %broadcast_in_dim3A_175 = arith.constant 264 : i32
    %broadcast_in_dim3A_176 = vector.broadcast %broadcast_in_dim3A_175 : i32 to vector<16xi32>
    %gather3A_177 = tpu.vector_load_idx %arg11[%broadcast_in_dim3A_176] : memref<288xf32, #tpu.memory_space<vmem>>[vector<16xi32>], vector<16xf32>,
    %get3A_178 = arith.constant 128 : index
    %get3A_179 = tpu.vector_load %arg11[%get3A_178] {strides = array<i32>} : memref<288xf32, #tpu.memory_space<vmem>>, vector<16xf32>,
    %mul3A_180 = arith.mulf %gather3A_177, %get3A_179 : vector<16xf32>
    %add3A_181 = arith.addf %add3A_174, %mul3A_180 : vector<16xf32>
    %broadcast_in_dim3A_182 = arith.constant 265 : i32
    %broadcast_in_dim3A_183 = vector.broadcast %broadcast_in_dim3A_182 : i32 to vector<16xi32>
    %gather3A_184 = tpu.vector_load_idx %arg11[%broadcast_in_dim3A_183] : memref<288xf32, #tpu.memory_space<vmem>>[vector<16xi32>], vector<16xf32>,
    %get3A_185 = arith.constant 144 : index
    %get3A_186 = tpu.vector_load %arg11[%get3A_185] {strides = array<i32>} : memref<288xf32, #tpu.memory_space<vmem>>, vector<16xf32>,
    %mul3A_187 = arith.mulf %gather3A_184, %get3A_186 : vector<16xf32>
    %add3A_188 = arith.addf %add3A_181, %mul3A_187 : vector<16xf32>
    %broadcast_in_dim3A_189 = arith.constant 266 : i32
    %broadcast_in_dim3A_190 = vector.broadcast %broadcast_in_dim3A_189 : i32 to vector<16xi32>
    %gather3A_191 = tpu.vector_load_idx %arg11[%broadcast_in_dim3A_190] : memref<288xf32, #tpu.memory_space<vmem>>[vector<16xi32>], vector<16xf32>,
    %get3A_192 = arith.constant 160 : index
    %get3A_193 = tpu.vector_load %arg11[%get3A_192] {strides = array<i32>} : memref<288xf32, #tpu.memory_space<vmem>>, vector<16xf32>,
    %mul3A_194 = arith.mulf %gather3A_191, %get3A_193 : vector<16xf32>
    %add3A_195 = arith.addf %add3A_188, %mul3A_194 : vector<16xf32>
    %broadcast_in_dim3A_196 = arith.constant 267 : i32
    %broadcast_in_dim3A_197 = vector.broadcast %broadcast_in_dim3A_196 : i32 to vector<16xi32>
    %gather3A_198 = tpu.vector_load_idx %arg11[%broadcast_in_dim3A_197] : memref<288xf32, #tpu.memory_space<vmem>>[vector<16xi32>], vector<16xf32>,
    %get3A_199 = arith.constant 176 : index
    %get3A_200 = tpu.vector_load %arg11[%get3A_199] {strides = array<i32>} : memref<288xf32, #tpu.memory_space<vmem>>, vector<16xf32>,
    %mul3A_201 = arith.mulf %gather3A_198, %get3A_200 : vector<16xf32>
    %add3A_202 = arith.addf %add3A_195, %mul3A_201 : vector<16xf32>
    %broadcast_in_dim3A_203 = arith.constant 268 : i32
    %broadcast_in_dim3A_204 = vector.broadcast %broadcast_in_dim3A_203 : i32 to vector<16xi32>
    %gather3A_205 = tpu.vector_load_idx %arg11[%broadcast_in_dim3A_204] : memref<288xf32, #tpu.memory_space<vmem>>[vector<16xi32>], vector<16xf32>,
    %get3A_206 = arith.constant 192 : index
    %get3A_207 = tpu.vector_load %arg11[%get3A_206] {strides = array<i32>} : memref<288xf32, #tpu.memory_space<vmem>>, vector<16xf32>,
    %mul3A_208 = arith.mulf %gather3A_205, %get3A_207 : vector<16xf32>
    %add3A_209 = arith.addf %add3A_202, %mul3A_208 : vector<16xf32>
    %broadcast_in_dim3A_210 = arith.constant 269 : i32
    %broadcast_in_dim3A_211 = vector.broadcast %broadcast_in_dim3A_210 : i32 to vector<16xi32>
    %gather3A_212 = tpu.vector_load_idx %arg11[%broadcast_in_dim3A_211] : memref<288xf32, #tpu.memory_space<vmem>>[vector<16xi32>], vector<16xf32>,
    %get3A_213 = arith.constant 208 : index
    %get3A_214 = tpu.vector_load %arg11[%get3A_213] {strides = array<i32>} : memref<288xf32, #tpu.memory_space<vmem>>, vector<16xf32>,
    %mul3A_215 = arith.mulf %gather3A_212, %get3A_214 : vector<16xf32>
    %add3A_216 = arith.addf %add3A_209, %mul3A_215 : vector<16xf32>
    %broadcast_in_dim3A_217 = arith.constant 270 : i32
    %broadcast_in_dim3A_218 = vector.broadcast %broadcast_in_dim3A_217 : i32 to vector<16xi32>
    %gather3A_219 = tpu.vector_load_idx %arg11[%broadcast_in_dim3A_218] : memref<288xf32, #tpu.memory_space<vmem>>[vector<16xi32>], vector<16xf32>,
    %get3A_220 = arith.constant 224 : index
    %get3A_221 = tpu.vector_load %arg11[%get3A_220] {strides = array<i32>} : memref<288xf32, #tpu.memory_space<vmem>>, vector<16xf32>,
    %mul3A_222 = arith.mulf %gather3A_219, %get3A_221 : vector<16xf32>
    %add3A_223 = arith.addf %add3A_216, %mul3A_222 : vector<16xf32>
    %broadcast_in_dim3A_224 = arith.constant 271 : i32
    %broadcast_in_dim3A_225 = vector.broadcast %broadcast_in_dim3A_224 : i32 to vector<16xi32>
    %gather3A_226 = tpu.vector_load_idx %arg11[%broadcast_in_dim3A_225] : memref<288xf32, #tpu.memory_space<vmem>>[vector<16xi32>], vector<16xf32>,
    %get3A_227 = arith.constant 240 : index
    %get3A_228 = tpu.vector_load %arg11[%get3A_227] {strides = array<i32>} : memref<288xf32, #tpu.memory_space<vmem>>, vector<16xf32>,
    %mul3A_229 = arith.mulf %gather3A_226, %get3A_228 : vector<16xf32>
    %add3A_230 = arith.addf %add3A_223, %mul3A_229 : vector<16xf32>
    %get3A_231 = arith.constant 272 : index
    %get3A_232 = tpu.vector_load %arg11[%get3A_231] {strides = array<i32>} : memref<288xf32, #tpu.memory_space<vmem>>, vector<16xf32>,
    %dma_wait3A = arith.constant 0 : i32
    %dma_wait3A_233 = arith.constant 0 : i32
    %dma_wait3A_234 = arith.constant 0 : i32
    %dma_wait3A_235 = tpu.memref_slice %arg9[%dma_wait3A_233, %dma_wait3A_234] : memref<1536x16xf32, #tpu.memory_space<vmem>> -> memref<128x16xf32, #tpu.memory_space<vmem>>
    %dma_wait3A_236 = arith.constant 0 : i32
    %dma_wait3A_237 = tpu.memref_slice %arg8[%dma_wait3A, %dma_wait3A_236] : memref<12x128xi32, #tpu.memory_space<vmem>> -> memref<1x128xi32, #tpu.memory_space<vmem>>
    %dma_wait3A_238 = tpu.memref_squeeze %dma_wait3A_237 : memref<1x128xi32, #tpu.memory_space<vmem>> -> memref<128xi32, #tpu.memory_space<vmem>>
    %dma_wait3A_239 = arith.constant 0 : i32
    %dma_wait3A_240 = arith.constant 0 : i32
    %dma_wait3A_241 = tpu.memref_slice %arg2[%dma_wait3A_239, %dma_wait3A_240] : memref<3000000x16xf32, #tpu.memory_space<hbm>> -> memref<3000000x16xf32, #tpu.memory_space<hbm>>
    tpu.wait_indirect_dma semaphore(%arg14 : memref<!tpu.dma_semaphore, #tpu.memory_space<semaphore_mem>>) src(%dma_wait3A_241 : memref<3000000x16xf32, #tpu.memory_space<hbm>>) dst(%dma_wait3A_235 : memref<128x16xf32, #tpu.memory_space<vmem>>)
    %dma_wait3A_242 = arith.constant 1 : i32
    %dma_wait3A_243 = arith.constant 128 : i32
    %dma_wait3A_244 = arith.constant 0 : i32
    %dma_wait3A_245 = tpu.memref_slice %arg9[%dma_wait3A_243, %dma_wait3A_244] : memref<1536x16xf32, #tpu.memory_space<vmem>> -> memref<128x16xf32, #tpu.memory_space<vmem>>
    %dma_wait3A_246 = arith.constant 0 : i32
    %dma_wait3A_247 = tpu.memref_slice %arg8[%dma_wait3A_242, %dma_wait3A_246] : memref<12x128xi32, #tpu.memory_space<vmem>> -> memref<1x128xi32, #tpu.memory_space<vmem>>
    %dma_wait3A_248 = tpu.memref_squeeze %dma_wait3A_247 : memref<1x128xi32, #tpu.memory_space<vmem>> -> memref<128xi32, #tpu.memory_space<vmem>>
    %dma_wait3A_249 = arith.constant 0 : i32
    %dma_wait3A_250 = arith.constant 0 : i32
    %dma_wait3A_251 = tpu.memref_slice %arg2[%dma_wait3A_249, %dma_wait3A_250] : memref<3000000x16xf32, #tpu.memory_space<hbm>> -> memref<3000000x16xf32, #tpu.memory_space<hbm>>
    tpu.wait_indirect_dma semaphore(%arg14 : memref<!tpu.dma_semaphore, #tpu.memory_space<semaphore_mem>>) src(%dma_wait3A_251 : memref<3000000x16xf32, #tpu.memory_space<hbm>>) dst(%dma_wait3A_245 : memref<128x16xf32, #tpu.memory_space<vmem>>)
    %dma_wait3A_252 = arith.constant 2 : i32
    %dma_wait3A_253 = arith.constant 256 : i32
    %dma_wait3A_254 = arith.constant 0 : i32
    %dma_wait3A_255 = tpu.memref_slice %arg9[%dma_wait3A_253, %dma_wait3A_254] : memref<1536x16xf32, #tpu.memory_space<vmem>> -> memref<128x16xf32, #tpu.memory_space<vmem>>
    %dma_wait3A_256 = arith.constant 0 : i32
    %dma_wait3A_257 = tpu.memref_slice %arg8[%dma_wait3A_252, %dma_wait3A_256] : memref<12x128xi32, #tpu.memory_space<vmem>> -> memref<1x128xi32, #tpu.memory_space<vmem>>
    %dma_wait3A_258 = tpu.memref_squeeze %dma_wait3A_257 : memref<1x128xi32, #tpu.memory_space<vmem>> -> memref<128xi32, #tpu.memory_space<vmem>>
    %dma_wait3A_259 = arith.constant 0 : i32
    %dma_wait3A_260 = arith.constant 0 : i32
    %dma_wait3A_261 = tpu.memref_slice %arg2[%dma_wait3A_259, %dma_wait3A_260] : memref<3000000x16xf32, #tpu.memory_space<hbm>> -> memref<3000000x16xf32, #tpu.memory_space<hbm>>
    tpu.wait_indirect_dma semaphore(%arg14 : memref<!tpu.dma_semaphore, #tpu.memory_space<semaphore_mem>>) src(%dma_wait3A_261 : memref<3000000x16xf32, #tpu.memory_space<hbm>>) dst(%dma_wait3A_255 : memref<128x16xf32, #tpu.memory_space<vmem>>)
    %dma_wait3A_262 = arith.constant 3 : i32
    %dma_wait3A_263 = arith.constant 384 : i32
    %dma_wait3A_264 = arith.constant 0 : i32
    %dma_wait3A_265 = tpu.memref_slice %arg9[%dma_wait3A_263, %dma_wait3A_264] : memref<1536x16xf32, #tpu.memory_space<vmem>> -> memref<128x16xf32, #tpu.memory_space<vmem>>
    %dma_wait3A_266 = arith.constant 0 : i32
    %dma_wait3A_267 = tpu.memref_slice %arg8[%dma_wait3A_262, %dma_wait3A_266] : memref<12x128xi32, #tpu.memory_space<vmem>> -> memref<1x128xi32, #tpu.memory_space<vmem>>
    %dma_wait3A_268 = tpu.memref_squeeze %dma_wait3A_267 : memref<1x128xi32, #tpu.memory_space<vmem>> -> memref<128xi32, #tpu.memory_space<vmem>>
    %dma_wait3A_269 = arith.constant 0 : i32
    %dma_wait3A_270 = arith.constant 0 : i32
    %dma_wait3A_271 = tpu.memref_slice %arg2[%dma_wait3A_269, %dma_wait3A_270] : memref<3000000x16xf32, #tpu.memory_space<hbm>> -> memref<3000000x16xf32, #tpu.memory_space<hbm>>
    tpu.wait_indirect_dma semaphore(%arg14 : memref<!tpu.dma_semaphore, #tpu.memory_space<semaphore_mem>>) src(%dma_wait3A_271 : memref<3000000x16xf32, #tpu.memory_space<hbm>>) dst(%dma_wait3A_265 : memref<128x16xf32, #tpu.memory_space<vmem>>)
    %dma_wait3A_272 = arith.constant 4 : i32
    %dma_wait3A_273 = arith.constant 512 : i32
    %dma_wait3A_274 = arith.constant 0 : i32
    %dma_wait3A_275 = tpu.memref_slice %arg9[%dma_wait3A_273, %dma_wait3A_274] : memref<1536x16xf32, #tpu.memory_space<vmem>> -> memref<128x16xf32, #tpu.memory_space<vmem>>
    %dma_wait3A_276 = arith.constant 0 : i32
    %dma_wait3A_277 = tpu.memref_slice %arg8[%dma_wait3A_272, %dma_wait3A_276] : memref<12x128xi32, #tpu.memory_space<vmem>> -> memref<1x128xi32, #tpu.memory_space<vmem>>
    %dma_wait3A_278 = tpu.memref_squeeze %dma_wait3A_277 : memref<1x128xi32, #tpu.memory_space<vmem>> -> memref<128xi32, #tpu.memory_space<vmem>>
    %dma_wait3A_279 = arith.constant 0 : i32
    %dma_wait3A_280 = arith.constant 0 : i32
    %dma_wait3A_281 = tpu.memref_slice %arg2[%dma_wait3A_279, %dma_wait3A_280] : memref<3000000x16xf32, #tpu.memory_space<hbm>> -> memref<3000000x16xf32, #tpu.memory_space<hbm>>
    tpu.wait_indirect_dma semaphore(%arg14 : memref<!tpu.dma_semaphore, #tpu.memory_space<semaphore_mem>>) src(%dma_wait3A_281 : memref<3000000x16xf32, #tpu.memory_space<hbm>>) dst(%dma_wait3A_275 : memref<128x16xf32, #tpu.memory_space<vmem>>)
    %dma_wait3A_282 = arith.constant 5 : i32
    %dma_wait3A_283 = arith.constant 640 : i32
    %dma_wait3A_284 = arith.constant 0 : i32
    %dma_wait3A_285 = tpu.memref_slice %arg9[%dma_wait3A_283, %dma_wait3A_284] : memref<1536x16xf32, #tpu.memory_space<vmem>> -> memref<128x16xf32, #tpu.memory_space<vmem>>
    %dma_wait3A_286 = arith.constant 0 : i32
    %dma_wait3A_287 = tpu.memref_slice %arg8[%dma_wait3A_282, %dma_wait3A_286] : memref<12x128xi32, #tpu.memory_space<vmem>> -> memref<1x128xi32, #tpu.memory_space<vmem>>
    %dma_wait3A_288 = tpu.memref_squeeze %dma_wait3A_287 : memref<1x128xi32, #tpu.memory_space<vmem>> -> memref<128xi32, #tpu.memory_space<vmem>>
    %dma_wait3A_289 = arith.constant 0 : i32
    %dma_wait3A_290 = arith.constant 0 : i32
    %dma_wait3A_291 = tpu.memref_slice %arg2[%dma_wait3A_289, %dma_wait3A_290] : memref<3000000x16xf32, #tpu.memory_space<hbm>> -> memref<3000000x16xf32, #tpu.memory_space<hbm>>
    tpu.wait_indirect_dma semaphore(%arg14 : memref<!tpu.dma_semaphore, #tpu.memory_space<semaphore_mem>>) src(%dma_wait3A_291 : memref<3000000x16xf32, #tpu.memory_space<hbm>>) dst(%dma_wait3A_285 : memref<128x16xf32, #tpu.memory_space<vmem>>)
    %dma_wait3A_292 = arith.constant 6 : i32
    %dma_wait3A_293 = arith.constant 768 : i32
    %dma_wait3A_294 = arith.constant 0 : i32
    %dma_wait3A_295 = tpu.memref_slice %arg9[%dma_wait3A_293, %dma_wait3A_294] : memref<1536x16xf32, #tpu.memory_space<vmem>> -> memref<128x16xf32, #tpu.memory_space<vmem>>
    %dma_wait3A_296 = arith.constant 0 : i32
    %dma_wait3A_297 = tpu.memref_slice %arg8[%dma_wait3A_292, %dma_wait3A_296] : memref<12x128xi32, #tpu.memory_space<vmem>> -> memref<1x128xi32, #tpu.memory_space<vmem>>
    %dma_wait3A_298 = tpu.memref_squeeze %dma_wait3A_297 : memref<1x128xi32, #tpu.memory_space<vmem>> -> memref<128xi32, #tpu.memory_space<vmem>>
    %dma_wait3A_299 = arith.constant 0 : i32
    %dma_wait3A_300 = arith.constant 0 : i32
    %dma_wait3A_301 = tpu.memref_slice %arg2[%dma_wait3A_299, %dma_wait3A_300] : memref<3000000x16xf32, #tpu.memory_space<hbm>> -> memref<3000000x16xf32, #tpu.memory_space<hbm>>
    tpu.wait_indirect_dma semaphore(%arg14 : memref<!tpu.dma_semaphore, #tpu.memory_space<semaphore_mem>>) src(%dma_wait3A_301 : memref<3000000x16xf32, #tpu.memory_space<hbm>>) dst(%dma_wait3A_295 : memref<128x16xf32, #tpu.memory_space<vmem>>)
    %dma_wait3A_302 = arith.constant 7 : i32
    %dma_wait3A_303 = arith.constant 896 : i32
    %dma_wait3A_304 = arith.constant 0 : i32
    %dma_wait3A_305 = tpu.memref_slice %arg9[%dma_wait3A_303, %dma_wait3A_304] : memref<1536x16xf32, #tpu.memory_space<vmem>> -> memref<128x16xf32, #tpu.memory_space<vmem>>
    %dma_wait3A_306 = arith.constant 0 : i32
    %dma_wait3A_307 = tpu.memref_slice %arg8[%dma_wait3A_302, %dma_wait3A_306] : memref<12x128xi32, #tpu.memory_space<vmem>> -> memref<1x128xi32, #tpu.memory_space<vmem>>
    %dma_wait3A_308 = tpu.memref_squeeze %dma_wait3A_307 : memref<1x128xi32, #tpu.memory_space<vmem>> -> memref<128xi32, #tpu.memory_space<vmem>>
    %dma_wait3A_309 = arith.constant 0 : i32
    %dma_wait3A_310 = arith.constant 0 : i32
    %dma_wait3A_311 = tpu.memref_slice %arg2[%dma_wait3A_309, %dma_wait3A_310] : memref<3000000x16xf32, #tpu.memory_space<hbm>> -> memref<3000000x16xf32, #tpu.memory_space<hbm>>
    tpu.wait_indirect_dma semaphore(%arg14 : memref<!tpu.dma_semaphore, #tpu.memory_space<semaphore_mem>>) src(%dma_wait3A_311 : memref<3000000x16xf32, #tpu.memory_space<hbm>>) dst(%dma_wait3A_305 : memref<128x16xf32, #tpu.memory_space<vmem>>)
    %dma_wait3A_312 = arith.constant 8 : i32
    %dma_wait3A_313 = arith.constant 1024 : i32
    %dma_wait3A_314 = arith.constant 0 : i32
    %dma_wait3A_315 = tpu.memref_slice %arg9[%dma_wait3A_313, %dma_wait3A_314] : memref<1536x16xf32, #tpu.memory_space<vmem>> -> memref<128x16xf32, #tpu.memory_space<vmem>>
    %dma_wait3A_316 = arith.constant 0 : i32
    %dma_wait3A_317 = tpu.memref_slice %arg8[%dma_wait3A_312, %dma_wait3A_316] : memref<12x128xi32, #tpu.memory_space<vmem>> -> memref<1x128xi32, #tpu.memory_space<vmem>>
    %dma_wait3A_318 = tpu.memref_squeeze %dma_wait3A_317 : memref<1x128xi32, #tpu.memory_space<vmem>> -> memref<128xi32, #tpu.memory_space<vmem>>
    %dma_wait3A_319 = arith.constant 0 : i32
    %dma_wait3A_320 = arith.constant 0 : i32
    %dma_wait3A_321 = tpu.memref_slice %arg2[%dma_wait3A_319, %dma_wait3A_320] : memref<3000000x16xf32, #tpu.memory_space<hbm>> -> memref<3000000x16xf32, #tpu.memory_space<hbm>>
    tpu.wait_indirect_dma semaphore(%arg14 : memref<!tpu.dma_semaphore, #tpu.memory_space<semaphore_mem>>) src(%dma_wait3A_321 : memref<3000000x16xf32, #tpu.memory_space<hbm>>) dst(%dma_wait3A_315 : memref<128x16xf32, #tpu.memory_space<vmem>>)
    %dma_wait3A_322 = arith.constant 9 : i32
    %dma_wait3A_323 = arith.constant 1152 : i32
    %dma_wait3A_324 = arith.constant 0 : i32
    %dma_wait3A_325 = tpu.memref_slice %arg9[%dma_wait3A_323, %dma_wait3A_324] : memref<1536x16xf32, #tpu.memory_space<vmem>> -> memref<128x16xf32, #tpu.memory_space<vmem>>
    %dma_wait3A_326 = arith.constant 0 : i32
    %dma_wait3A_327 = tpu.memref_slice %arg8[%dma_wait3A_322, %dma_wait3A_326] : memref<12x128xi32, #tpu.memory_space<vmem>> -> memref<1x128xi32, #tpu.memory_space<vmem>>
    %dma_wait3A_328 = tpu.memref_squeeze %dma_wait3A_327 : memref<1x128xi32, #tpu.memory_space<vmem>> -> memref<128xi32, #tpu.memory_space<vmem>>
    %dma_wait3A_329 = arith.constant 0 : i32
    %dma_wait3A_330 = arith.constant 0 : i32
    %dma_wait3A_331 = tpu.memref_slice %arg2[%dma_wait3A_329, %dma_wait3A_330] : memref<3000000x16xf32, #tpu.memory_space<hbm>> -> memref<3000000x16xf32, #tpu.memory_space<hbm>>
    tpu.wait_indirect_dma semaphore(%arg14 : memref<!tpu.dma_semaphore, #tpu.memory_space<semaphore_mem>>) src(%dma_wait3A_331 : memref<3000000x16xf32, #tpu.memory_space<hbm>>) dst(%dma_wait3A_325 : memref<128x16xf32, #tpu.memory_space<vmem>>)
    %dma_wait3A_332 = arith.constant 10 : i32
    %dma_wait3A_333 = arith.constant 1280 : i32
    %dma_wait3A_334 = arith.constant 0 : i32
    %dma_wait3A_335 = tpu.memref_slice %arg9[%dma_wait3A_333, %dma_wait3A_334] : memref<1536x16xf32, #tpu.memory_space<vmem>> -> memref<128x16xf32, #tpu.memory_space<vmem>>
    %dma_wait3A_336 = arith.constant 0 : i32
    %dma_wait3A_337 = tpu.memref_slice %arg8[%dma_wait3A_332, %dma_wait3A_336] : memref<12x128xi32, #tpu.memory_space<vmem>> -> memref<1x128xi32, #tpu.memory_space<vmem>>
    %dma_wait3A_338 = tpu.memref_squeeze %dma_wait3A_337 : memref<1x128xi32, #tpu.memory_space<vmem>> -> memref<128xi32, #tpu.memory_space<vmem>>
    %dma_wait3A_339 = arith.constant 0 : i32
    %dma_wait3A_340 = arith.constant 0 : i32
    %dma_wait3A_341 = tpu.memref_slice %arg2[%dma_wait3A_339, %dma_wait3A_340] : memref<3000000x16xf32, #tpu.memory_space<hbm>> -> memref<3000000x16xf32, #tpu.memory_space<hbm>>
    tpu.wait_indirect_dma semaphore(%arg14 : memref<!tpu.dma_semaphore, #tpu.memory_space<semaphore_mem>>) src(%dma_wait3A_341 : memref<3000000x16xf32, #tpu.memory_space<hbm>>) dst(%dma_wait3A_335 : memref<128x16xf32, #tpu.memory_space<vmem>>)
    %dma_wait3A_342 = arith.constant 11 : i32
    %dma_wait3A_343 = arith.constant 1408 : i32
    %dma_wait3A_344 = arith.constant 0 : i32
    %dma_wait3A_345 = tpu.memref_slice %arg9[%dma_wait3A_343, %dma_wait3A_344] : memref<1536x16xf32, #tpu.memory_space<vmem>> -> memref<128x16xf32, #tpu.memory_space<vmem>>
    %dma_wait3A_346 = arith.constant 0 : i32
    %dma_wait3A_347 = tpu.memref_slice %arg8[%dma_wait3A_342, %dma_wait3A_346] : memref<12x128xi32, #tpu.memory_space<vmem>> -> memref<1x128xi32, #tpu.memory_space<vmem>>
    %dma_wait3A_348 = tpu.memref_squeeze %dma_wait3A_347 : memref<1x128xi32, #tpu.memory_space<vmem>> -> memref<128xi32, #tpu.memory_space<vmem>>
    %dma_wait3A_349 = arith.constant 0 : i32
    %dma_wait3A_350 = arith.constant 0 : i32
    %dma_wait3A_351 = tpu.memref_slice %arg2[%dma_wait3A_349, %dma_wait3A_350] : memref<3000000x16xf32, #tpu.memory_space<hbm>> -> memref<3000000x16xf32, #tpu.memory_space<hbm>>
    tpu.wait_indirect_dma semaphore(%arg14 : memref<!tpu.dma_semaphore, #tpu.memory_space<semaphore_mem>>) src(%dma_wait3A_351 : memref<3000000x16xf32, #tpu.memory_space<hbm>>) dst(%dma_wait3A_345 : memref<128x16xf32, #tpu.memory_space<vmem>>)
    %iota3A = tpu.iota {dimensions = array<i32: 0>} : vector<16xi32>
    %mul3A_352 = arith.constant 96 : i32
    %mul3A_353 = vector.broadcast %mul3A_352 : i32 to vector<16xi32>
    %mul3A_354 = arith.muli %iota3A, %mul3A_353 : vector<16xi32>
    %scan3A = arith.constant 0 : i32
    %scan3A_355 = arith.constant 96 : i32
    %scan3A_356 = arith.addi %scan3A, %scan3A_355 : i32
    %scan3A_357 = arith.constant 1 : i32
    scf.for %scan3A_551 = %scan3A to %scan3A_356 step %scan3A_357  : i32 {
      %mul3A_552 = arith.constant 16 : i32
      %mul3A_553 = arith.muli %scan3A_551, %mul3A_552 : i32
      %get3A_554 = arith.index_cast %mul3A_553 : i32 to index
      %get3A_555 = tpu.vector_load %arg10[%get3A_554] {strides = array<i32>} : memref<1536xf32, #tpu.memory_space<vmem>>, vector<16xf32>,
      %mul3A_556 = arith.mulf %get3A_555, %get3A_555 : vector<16xf32>
      %mul3A_557 = arith.mulf %mul3A_556, %add3A_230 : vector<16xf32>
      %mul3A_558 = arith.mulf %mul3A_556, %get3A_232 : vector<16xf32>
      %broadcast_in_dim3A_559 = arith.constant 0.000000e+00 : f32
      %broadcast_in_dim3A_560 = vector.broadcast %broadcast_in_dim3A_559 : f32 to vector<16xf32>
      %broadcast_in_dim3A_561 = arith.constant 0.000000e+00 : f32
      %broadcast_in_dim3A_562 = vector.broadcast %broadcast_in_dim3A_561 : f32 to vector<16xf32>
      %mul3A_563 = arith.constant 16 : i32
      %mul3A_564 = arith.muli %scan3A_551, %mul3A_563 : i32
      %add3A_565 = arith.constant 0 : i32
      %add3A_566 = arith.addi %mul3A_564, %add3A_565 : i32
      %get3A_567 = arith.index_cast %add3A_566 : i32 to index
      %get3A_568 = arith.constant 0 : index
      %get3A_569 = tpu.vector_load %arg9[%get3A_567, %get3A_568] {strides = array<i32>} : memref<1536x16xf32, #tpu.memory_space<vmem>>, vector<16xf32>,
      %mul3A_570 = arith.mulf %get3A_569, %get3A_569 : vector<16xf32>
      %broadcast_in_dim3A_571 = arith.constant 0 : i32
      %broadcast_in_dim3A_572 = vector.broadcast %broadcast_in_dim3A_571 : i32 to vector<16xi32>
      %broadcast_in_dim3A_573 = vector.shape_cast %broadcast_in_dim3A_572 : vector<16xi32> to vector<16x1xi32>
      %gather3A_574 = vector.shape_cast %broadcast_in_dim3A_573 : vector<16x1xi32> to vector<16xi32>
      %gather3A_575 = tpu.dynamic_gather %mul3A_557[%gather3A_574] in [0] : vector<16xf32>, vector<16xi32> -> vector<16xf32>
      %mul3A_576 = arith.mulf %gather3A_575, %mul3A_570 : vector<16xf32>
      %add3A_577 = arith.addf %broadcast_in_dim3A_560, %mul3A_576 : vector<16xf32>
      %broadcast_in_dim3A_578 = arith.constant 0 : i32
      %broadcast_in_dim3A_579 = vector.broadcast %broadcast_in_dim3A_578 : i32 to vector<16xi32>
      %broadcast_in_dim3A_580 = vector.shape_cast %broadcast_in_dim3A_579 : vector<16xi32> to vector<16x1xi32>
      %gather3A_581 = vector.shape_cast %broadcast_in_dim3A_580 : vector<16x1xi32> to vector<16xi32>
      %gather3A_582 = tpu.dynamic_gather %mul3A_558[%gather3A_581] in [0] : vector<16xf32>, vector<16xi32> -> vector<16xf32>
      %mul3A_583 = arith.mulf %gather3A_582, %mul3A_570 : vector<16xf32>
      %add3A_584 = arith.addf %broadcast_in_dim3A_562, %mul3A_583 : vector<16xf32>
      %mul3A_585 = arith.constant 16 : i32
      %mul3A_586 = arith.muli %scan3A_551, %mul3A_585 : i32
      %add3A_587 = arith.constant 1 : i32
      %add3A_588 = arith.addi %mul3A_586, %add3A_587 : i32
      %get3A_589 = arith.index_cast %add3A_588 : i32 to index
      %get3A_590 = arith.constant 0 : index
      %get3A_591 = tpu.vector_load %arg9[%get3A_589, %get3A_590] {strides = array<i32>} : memref<1536x16xf32, #tpu.memory_space<vmem>>, vector<16xf32>,
      %mul3A_592 = arith.mulf %get3A_591, %get3A_591 : vector<16xf32>
      %broadcast_in_dim3A_593 = arith.constant 1 : i32
      %broadcast_in_dim3A_594 = vector.broadcast %broadcast_in_dim3A_593 : i32 to vector<16xi32>
      %broadcast_in_dim3A_595 = vector.shape_cast %broadcast_in_dim3A_594 : vector<16xi32> to vector<16x1xi32>
      %gather3A_596 = vector.shape_cast %broadcast_in_dim3A_595 : vector<16x1xi32> to vector<16xi32>
      %gather3A_597 = tpu.dynamic_gather %mul3A_557[%gather3A_596] in [0] : vector<16xf32>, vector<16xi32> -> vector<16xf32>
      %mul3A_598 = arith.mulf %gather3A_597, %mul3A_592 : vector<16xf32>
      %add3A_599 = arith.addf %add3A_577, %mul3A_598 : vector<16xf32>
      %broadcast_in_dim3A_600 = arith.constant 1 : i32
      %broadcast_in_dim3A_601 = vector.broadcast %broadcast_in_dim3A_600 : i32 to vector<16xi32>
      %broadcast_in_dim3A_602 = vector.shape_cast %broadcast_in_dim3A_601 : vector<16xi32> to vector<16x1xi32>
      %gather3A_603 = vector.shape_cast %broadcast_in_dim3A_602 : vector<16x1xi32> to vector<16xi32>
      %gather3A_604 = tpu.dynamic_gather %mul3A_558[%gather3A_603] in [0] : vector<16xf32>, vector<16xi32> -> vector<16xf32>
      %mul3A_605 = arith.mulf %gather3A_604, %mul3A_592 : vector<16xf32>
      %add3A_606 = arith.addf %add3A_584, %mul3A_605 : vector<16xf32>
      %mul3A_607 = arith.constant 16 : i32
      %mul3A_608 = arith.muli %scan3A_551, %mul3A_607 : i32
      %add3A_609 = arith.constant 2 : i32
      %add3A_610 = arith.addi %mul3A_608, %add3A_609 : i32
      %get3A_611 = arith.index_cast %add3A_610 : i32 to index
      %get3A_612 = arith.constant 0 : index
      %get3A_613 = tpu.vector_load %arg9[%get3A_611, %get3A_612] {strides = array<i32>} : memref<1536x16xf32, #tpu.memory_space<vmem>>, vector<16xf32>,
      %mul3A_614 = arith.mulf %get3A_613, %get3A_613 : vector<16xf32>
      %broadcast_in_dim3A_615 = arith.constant 2 : i32
      %broadcast_in_dim3A_616 = vector.broadcast %broadcast_in_dim3A_615 : i32 to vector<16xi32>
      %broadcast_in_dim3A_617 = vector.shape_cast %broadcast_in_dim3A_616 : vector<16xi32> to vector<16x1xi32>
      %gather3A_618 = vector.shape_cast %broadcast_in_dim3A_617 : vector<16x1xi32> to vector<16xi32>
      %gather3A_619 = tpu.dynamic_gather %mul3A_557[%gather3A_618] in [0] : vector<16xf32>, vector<16xi32> -> vector<16xf32>
      %mul3A_620 = arith.mulf %gather3A_619, %mul3A_614 : vector<16xf32>
      %add3A_621 = arith.addf %add3A_599, %mul3A_620 : vector<16xf32>
      %broadcast_in_dim3A_622 = arith.constant 2 : i32
      %broadcast_in_dim3A_623 = vector.broadcast %broadcast_in_dim3A_622 : i32 to vector<16xi32>
      %broadcast_in_dim3A_624 = vector.shape_cast %broadcast_in_dim3A_623 : vector<16xi32> to vector<16x1xi32>
      %gather3A_625 = vector.shape_cast %broadcast_in_dim3A_624 : vector<16x1xi32> to vector<16xi32>
      %gather3A_626 = tpu.dynamic_gather %mul3A_558[%gather3A_625] in [0] : vector<16xf32>, vector<16xi32> -> vector<16xf32>
      %mul3A_627 = arith.mulf %gather3A_626, %mul3A_614 : vector<16xf32>
      %add3A_628 = arith.addf %add3A_606, %mul3A_627 : vector<16xf32>
      %mul3A_629 = arith.constant 16 : i32
      %mul3A_630 = arith.muli %scan3A_551, %mul3A_629 : i32
      %add3A_631 = arith.constant 3 : i32
      %add3A_632 = arith.addi %mul3A_630, %add3A_631 : i32
      %get3A_633 = arith.index_cast %add3A_632 : i32 to index
      %get3A_634 = arith.constant 0 : index
      %get3A_635 = tpu.vector_load %arg9[%get3A_633, %get3A_634] {strides = array<i32>} : memref<1536x16xf32, #tpu.memory_space<vmem>>, vector<16xf32>,
      %mul3A_636 = arith.mulf %get3A_635, %get3A_635 : vector<16xf32>
      %broadcast_in_dim3A_637 = arith.constant 3 : i32
      %broadcast_in_dim3A_638 = vector.broadcast %broadcast_in_dim3A_637 : i32 to vector<16xi32>
      %broadcast_in_dim3A_639 = vector.shape_cast %broadcast_in_dim3A_638 : vector<16xi32> to vector<16x1xi32>
      %gather3A_640 = vector.shape_cast %broadcast_in_dim3A_639 : vector<16x1xi32> to vector<16xi32>
      %gather3A_641 = tpu.dynamic_gather %mul3A_557[%gather3A_640] in [0] : vector<16xf32>, vector<16xi32> -> vector<16xf32>
      %mul3A_642 = arith.mulf %gather3A_641, %mul3A_636 : vector<16xf32>
      %add3A_643 = arith.addf %add3A_621, %mul3A_642 : vector<16xf32>
      %broadcast_in_dim3A_644 = arith.constant 3 : i32
      %broadcast_in_dim3A_645 = vector.broadcast %broadcast_in_dim3A_644 : i32 to vector<16xi32>
      %broadcast_in_dim3A_646 = vector.shape_cast %broadcast_in_dim3A_645 : vector<16xi32> to vector<16x1xi32>
      %gather3A_647 = vector.shape_cast %broadcast_in_dim3A_646 : vector<16x1xi32> to vector<16xi32>
      %gather3A_648 = tpu.dynamic_gather %mul3A_558[%gather3A_647] in [0] : vector<16xf32>, vector<16xi32> -> vector<16xf32>
      %mul3A_649 = arith.mulf %gather3A_648, %mul3A_636 : vector<16xf32>
      %add3A_650 = arith.addf %add3A_628, %mul3A_649 : vector<16xf32>
      %mul3A_651 = arith.constant 16 : i32
      %mul3A_652 = arith.muli %scan3A_551, %mul3A_651 : i32
      %add3A_653 = arith.constant 4 : i32
      %add3A_654 = arith.addi %mul3A_652, %add3A_653 : i32
      %get3A_655 = arith.index_cast %add3A_654 : i32 to index
      %get3A_656 = arith.constant 0 : index
      %get3A_657 = tpu.vector_load %arg9[%get3A_655, %get3A_656] {strides = array<i32>} : memref<1536x16xf32, #tpu.memory_space<vmem>>, vector<16xf32>,
      %mul3A_658 = arith.mulf %get3A_657, %get3A_657 : vector<16xf32>
      %broadcast_in_dim3A_659 = arith.constant 4 : i32
      %broadcast_in_dim3A_660 = vector.broadcast %broadcast_in_dim3A_659 : i32 to vector<16xi32>
      %broadcast_in_dim3A_661 = vector.shape_cast %broadcast_in_dim3A_660 : vector<16xi32> to vector<16x1xi32>
      %gather3A_662 = vector.shape_cast %broadcast_in_dim3A_661 : vector<16x1xi32> to vector<16xi32>
      %gather3A_663 = tpu.dynamic_gather %mul3A_557[%gather3A_662] in [0] : vector<16xf32>, vector<16xi32> -> vector<16xf32>
      %mul3A_664 = arith.mulf %gather3A_663, %mul3A_658 : vector<16xf32>
      %add3A_665 = arith.addf %add3A_643, %mul3A_664 : vector<16xf32>
      %broadcast_in_dim3A_666 = arith.constant 4 : i32
      %broadcast_in_dim3A_667 = vector.broadcast %broadcast_in_dim3A_666 : i32 to vector<16xi32>
      %broadcast_in_dim3A_668 = vector.shape_cast %broadcast_in_dim3A_667 : vector<16xi32> to vector<16x1xi32>
      %gather3A_669 = vector.shape_cast %broadcast_in_dim3A_668 : vector<16x1xi32> to vector<16xi32>
      %gather3A_670 = tpu.dynamic_gather %mul3A_558[%gather3A_669] in [0] : vector<16xf32>, vector<16xi32> -> vector<16xf32>
      %mul3A_671 = arith.mulf %gather3A_670, %mul3A_658 : vector<16xf32>
      %add3A_672 = arith.addf %add3A_650, %mul3A_671 : vector<16xf32>
      %mul3A_673 = arith.constant 16 : i32
      %mul3A_674 = arith.muli %scan3A_551, %mul3A_673 : i32
      %add3A_675 = arith.constant 5 : i32
      %add3A_676 = arith.addi %mul3A_674, %add3A_675 : i32
      %get3A_677 = arith.index_cast %add3A_676 : i32 to index
      %get3A_678 = arith.constant 0 : index
      %get3A_679 = tpu.vector_load %arg9[%get3A_677, %get3A_678] {strides = array<i32>} : memref<1536x16xf32, #tpu.memory_space<vmem>>, vector<16xf32>,
      %mul3A_680 = arith.mulf %get3A_679, %get3A_679 : vector<16xf32>
      %broadcast_in_dim3A_681 = arith.constant 5 : i32
      %broadcast_in_dim3A_682 = vector.broadcast %broadcast_in_dim3A_681 : i32 to vector<16xi32>
      %broadcast_in_dim3A_683 = vector.shape_cast %broadcast_in_dim3A_682 : vector<16xi32> to vector<16x1xi32>
      %gather3A_684 = vector.shape_cast %broadcast_in_dim3A_683 : vector<16x1xi32> to vector<16xi32>
      %gather3A_685 = tpu.dynamic_gather %mul3A_557[%gather3A_684] in [0] : vector<16xf32>, vector<16xi32> -> vector<16xf32>
      %mul3A_686 = arith.mulf %gather3A_685, %mul3A_680 : vector<16xf32>
      %add3A_687 = arith.addf %add3A_665, %mul3A_686 : vector<16xf32>
      %broadcast_in_dim3A_688 = arith.constant 5 : i32
      %broadcast_in_dim3A_689 = vector.broadcast %broadcast_in_dim3A_688 : i32 to vector<16xi32>
      %broadcast_in_dim3A_690 = vector.shape_cast %broadcast_in_dim3A_689 : vector<16xi32> to vector<16x1xi32>
      %gather3A_691 = vector.shape_cast %broadcast_in_dim3A_690 : vector<16x1xi32> to vector<16xi32>
      %gather3A_692 = tpu.dynamic_gather %mul3A_558[%gather3A_691] in [0] : vector<16xf32>, vector<16xi32> -> vector<16xf32>
      %mul3A_693 = arith.mulf %gather3A_692, %mul3A_680 : vector<16xf32>
      %add3A_694 = arith.addf %add3A_672, %mul3A_693 : vector<16xf32>
      %mul3A_695 = arith.constant 16 : i32
      %mul3A_696 = arith.muli %scan3A_551, %mul3A_695 : i32
      %add3A_697 = arith.constant 6 : i32
      %add3A_698 = arith.addi %mul3A_696, %add3A_697 : i32
      %get3A_699 = arith.index_cast %add3A_698 : i32 to index
      %get3A_700 = arith.constant 0 : index
      %get3A_701 = tpu.vector_load %arg9[%get3A_699, %get3A_700] {strides = array<i32>} : memref<1536x16xf32, #tpu.memory_space<vmem>>, vector<16xf32>,
      %mul3A_702 = arith.mulf %get3A_701, %get3A_701 : vector<16xf32>
      %broadcast_in_dim3A_703 = arith.constant 6 : i32
      %broadcast_in_dim3A_704 = vector.broadcast %broadcast_in_dim3A_703 : i32 to vector<16xi32>
      %broadcast_in_dim3A_705 = vector.shape_cast %broadcast_in_dim3A_704 : vector<16xi32> to vector<16x1xi32>
      %gather3A_706 = vector.shape_cast %broadcast_in_dim3A_705 : vector<16x1xi32> to vector<16xi32>
      %gather3A_707 = tpu.dynamic_gather %mul3A_557[%gather3A_706] in [0] : vector<16xf32>, vector<16xi32> -> vector<16xf32>
      %mul3A_708 = arith.mulf %gather3A_707, %mul3A_702 : vector<16xf32>
      %add3A_709 = arith.addf %add3A_687, %mul3A_708 : vector<16xf32>
      %broadcast_in_dim3A_710 = arith.constant 6 : i32
      %broadcast_in_dim3A_711 = vector.broadcast %broadcast_in_dim3A_710 : i32 to vector<16xi32>
      %broadcast_in_dim3A_712 = vector.shape_cast %broadcast_in_dim3A_711 : vector<16xi32> to vector<16x1xi32>
      %gather3A_713 = vector.shape_cast %broadcast_in_dim3A_712 : vector<16x1xi32> to vector<16xi32>
      %gather3A_714 = tpu.dynamic_gather %mul3A_558[%gather3A_713] in [0] : vector<16xf32>, vector<16xi32> -> vector<16xf32>
      %mul3A_715 = arith.mulf %gather3A_714, %mul3A_702 : vector<16xf32>
      %add3A_716 = arith.addf %add3A_694, %mul3A_715 : vector<16xf32>
      %mul3A_717 = arith.constant 16 : i32
      %mul3A_718 = arith.muli %scan3A_551, %mul3A_717 : i32
      %add3A_719 = arith.constant 7 : i32
      %add3A_720 = arith.addi %mul3A_718, %add3A_719 : i32
      %get3A_721 = arith.index_cast %add3A_720 : i32 to index
      %get3A_722 = arith.constant 0 : index
      %get3A_723 = tpu.vector_load %arg9[%get3A_721, %get3A_722] {strides = array<i32>} : memref<1536x16xf32, #tpu.memory_space<vmem>>, vector<16xf32>,
      %mul3A_724 = arith.mulf %get3A_723, %get3A_723 : vector<16xf32>
      %broadcast_in_dim3A_725 = arith.constant 7 : i32
      %broadcast_in_dim3A_726 = vector.broadcast %broadcast_in_dim3A_725 : i32 to vector<16xi32>
      %broadcast_in_dim3A_727 = vector.shape_cast %broadcast_in_dim3A_726 : vector<16xi32> to vector<16x1xi32>
      %gather3A_728 = vector.shape_cast %broadcast_in_dim3A_727 : vector<16x1xi32> to vector<16xi32>
      %gather3A_729 = tpu.dynamic_gather %mul3A_557[%gather3A_728] in [0] : vector<16xf32>, vector<16xi32> -> vector<16xf32>
      %mul3A_730 = arith.mulf %gather3A_729, %mul3A_724 : vector<16xf32>
      %add3A_731 = arith.addf %add3A_709, %mul3A_730 : vector<16xf32>
      %broadcast_in_dim3A_732 = arith.constant 7 : i32
      %broadcast_in_dim3A_733 = vector.broadcast %broadcast_in_dim3A_732 : i32 to vector<16xi32>
      %broadcast_in_dim3A_734 = vector.shape_cast %broadcast_in_dim3A_733 : vector<16xi32> to vector<16x1xi32>
      %gather3A_735 = vector.shape_cast %broadcast_in_dim3A_734 : vector<16x1xi32> to vector<16xi32>
      %gather3A_736 = tpu.dynamic_gather %mul3A_558[%gather3A_735] in [0] : vector<16xf32>, vector<16xi32> -> vector<16xf32>
      %mul3A_737 = arith.mulf %gather3A_736, %mul3A_724 : vector<16xf32>
      %add3A_738 = arith.addf %add3A_716, %mul3A_737 : vector<16xf32>
      %mul3A_739 = arith.constant 16 : i32
      %mul3A_740 = arith.muli %scan3A_551, %mul3A_739 : i32
      %add3A_741 = arith.constant 8 : i32
      %add3A_742 = arith.addi %mul3A_740, %add3A_741 : i32
      %get3A_743 = arith.index_cast %add3A_742 : i32 to index
      %get3A_744 = arith.constant 0 : index
      %get3A_745 = tpu.vector_load %arg9[%get3A_743, %get3A_744] {strides = array<i32>} : memref<1536x16xf32, #tpu.memory_space<vmem>>, vector<16xf32>,
      %mul3A_746 = arith.mulf %get3A_745, %get3A_745 : vector<16xf32>
      %broadcast_in_dim3A_747 = arith.constant 8 : i32
      %broadcast_in_dim3A_748 = vector.broadcast %broadcast_in_dim3A_747 : i32 to vector<16xi32>
      %broadcast_in_dim3A_749 = vector.shape_cast %broadcast_in_dim3A_748 : vector<16xi32> to vector<16x1xi32>
      %gather3A_750 = vector.shape_cast %broadcast_in_dim3A_749 : vector<16x1xi32> to vector<16xi32>
      %gather3A_751 = tpu.dynamic_gather %mul3A_557[%gather3A_750] in [0] : vector<16xf32>, vector<16xi32> -> vector<16xf32>
      %mul3A_752 = arith.mulf %gather3A_751, %mul3A_746 : vector<16xf32>
      %add3A_753 = arith.addf %add3A_731, %mul3A_752 : vector<16xf32>
      %broadcast_in_dim3A_754 = arith.constant 8 : i32
      %broadcast_in_dim3A_755 = vector.broadcast %broadcast_in_dim3A_754 : i32 to vector<16xi32>
      %broadcast_in_dim3A_756 = vector.shape_cast %broadcast_in_dim3A_755 : vector<16xi32> to vector<16x1xi32>
      %gather3A_757 = vector.shape_cast %broadcast_in_dim3A_756 : vector<16x1xi32> to vector<16xi32>
      %gather3A_758 = tpu.dynamic_gather %mul3A_558[%gather3A_757] in [0] : vector<16xf32>, vector<16xi32> -> vector<16xf32>
      %mul3A_759 = arith.mulf %gather3A_758, %mul3A_746 : vector<16xf32>
      %add3A_760 = arith.addf %add3A_738, %mul3A_759 : vector<16xf32>
      %mul3A_761 = arith.constant 16 : i32
      %mul3A_762 = arith.muli %scan3A_551, %mul3A_761 : i32
      %add3A_763 = arith.constant 9 : i32
      %add3A_764 = arith.addi %mul3A_762, %add3A_763 : i32
      %get3A_765 = arith.index_cast %add3A_764 : i32 to index
      %get3A_766 = arith.constant 0 : index
      %get3A_767 = tpu.vector_load %arg9[%get3A_765, %get3A_766] {strides = array<i32>} : memref<1536x16xf32, #tpu.memory_space<vmem>>, vector<16xf32>,
      %mul3A_768 = arith.mulf %get3A_767, %get3A_767 : vector<16xf32>
      %broadcast_in_dim3A_769 = arith.constant 9 : i32
      %broadcast_in_dim3A_770 = vector.broadcast %broadcast_in_dim3A_769 : i32 to vector<16xi32>
      %broadcast_in_dim3A_771 = vector.shape_cast %broadcast_in_dim3A_770 : vector<16xi32> to vector<16x1xi32>
      %gather3A_772 = vector.shape_cast %broadcast_in_dim3A_771 : vector<16x1xi32> to vector<16xi32>
      %gather3A_773 = tpu.dynamic_gather %mul3A_557[%gather3A_772] in [0] : vector<16xf32>, vector<16xi32> -> vector<16xf32>
      %mul3A_774 = arith.mulf %gather3A_773, %mul3A_768 : vector<16xf32>
      %add3A_775 = arith.addf %add3A_753, %mul3A_774 : vector<16xf32>
      %broadcast_in_dim3A_776 = arith.constant 9 : i32
      %broadcast_in_dim3A_777 = vector.broadcast %broadcast_in_dim3A_776 : i32 to vector<16xi32>
      %broadcast_in_dim3A_778 = vector.shape_cast %broadcast_in_dim3A_777 : vector<16xi32> to vector<16x1xi32>
      %gather3A_779 = vector.shape_cast %broadcast_in_dim3A_778 : vector<16x1xi32> to vector<16xi32>
      %gather3A_780 = tpu.dynamic_gather %mul3A_558[%gather3A_779] in [0] : vector<16xf32>, vector<16xi32> -> vector<16xf32>
      %mul3A_781 = arith.mulf %gather3A_780, %mul3A_768 : vector<16xf32>
      %add3A_782 = arith.addf %add3A_760, %mul3A_781 : vector<16xf32>
      %mul3A_783 = arith.constant 16 : i32
      %mul3A_784 = arith.muli %scan3A_551, %mul3A_783 : i32
      %add3A_785 = arith.constant 10 : i32
      %add3A_786 = arith.addi %mul3A_784, %add3A_785 : i32
      %get3A_787 = arith.index_cast %add3A_786 : i32 to index
      %get3A_788 = arith.constant 0 : index
      %get3A_789 = tpu.vector_load %arg9[%get3A_787, %get3A_788] {strides = array<i32>} : memref<1536x16xf32, #tpu.memory_space<vmem>>, vector<16xf32>,
      %mul3A_790 = arith.mulf %get3A_789, %get3A_789 : vector<16xf32>
      %broadcast_in_dim3A_791 = arith.constant 10 : i32
      %broadcast_in_dim3A_792 = vector.broadcast %broadcast_in_dim3A_791 : i32 to vector<16xi32>
      %broadcast_in_dim3A_793 = vector.shape_cast %broadcast_in_dim3A_792 : vector<16xi32> to vector<16x1xi32>
      %gather3A_794 = vector.shape_cast %broadcast_in_dim3A_793 : vector<16x1xi32> to vector<16xi32>
      %gather3A_795 = tpu.dynamic_gather %mul3A_557[%gather3A_794] in [0] : vector<16xf32>, vector<16xi32> -> vector<16xf32>
      %mul3A_796 = arith.mulf %gather3A_795, %mul3A_790 : vector<16xf32>
      %add3A_797 = arith.addf %add3A_775, %mul3A_796 : vector<16xf32>
      %broadcast_in_dim3A_798 = arith.constant 10 : i32
      %broadcast_in_dim3A_799 = vector.broadcast %broadcast_in_dim3A_798 : i32 to vector<16xi32>
      %broadcast_in_dim3A_800 = vector.shape_cast %broadcast_in_dim3A_799 : vector<16xi32> to vector<16x1xi32>
      %gather3A_801 = vector.shape_cast %broadcast_in_dim3A_800 : vector<16x1xi32> to vector<16xi32>
      %gather3A_802 = tpu.dynamic_gather %mul3A_558[%gather3A_801] in [0] : vector<16xf32>, vector<16xi32> -> vector<16xf32>
      %mul3A_803 = arith.mulf %gather3A_802, %mul3A_790 : vector<16xf32>
      %add3A_804 = arith.addf %add3A_782, %mul3A_803 : vector<16xf32>
      %mul3A_805 = arith.constant 16 : i32
      %mul3A_806 = arith.muli %scan3A_551, %mul3A_805 : i32
      %add3A_807 = arith.constant 11 : i32
      %add3A_808 = arith.addi %mul3A_806, %add3A_807 : i32
      %get3A_809 = arith.index_cast %add3A_808 : i32 to index
      %get3A_810 = arith.constant 0 : index
      %get3A_811 = tpu.vector_load %arg9[%get3A_809, %get3A_810] {strides = array<i32>} : memref<1536x16xf32, #tpu.memory_space<vmem>>, vector<16xf32>,
      %mul3A_812 = arith.mulf %get3A_811, %get3A_811 : vector<16xf32>
      %broadcast_in_dim3A_813 = arith.constant 11 : i32
      %broadcast_in_dim3A_814 = vector.broadcast %broadcast_in_dim3A_813 : i32 to vector<16xi32>
      %broadcast_in_dim3A_815 = vector.shape_cast %broadcast_in_dim3A_814 : vector<16xi32> to vector<16x1xi32>
      %gather3A_816 = vector.shape_cast %broadcast_in_dim3A_815 : vector<16x1xi32> to vector<16xi32>
      %gather3A_817 = tpu.dynamic_gather %mul3A_557[%gather3A_816] in [0] : vector<16xf32>, vector<16xi32> -> vector<16xf32>
      %mul3A_818 = arith.mulf %gather3A_817, %mul3A_812 : vector<16xf32>
      %add3A_819 = arith.addf %add3A_797, %mul3A_818 : vector<16xf32>
      %broadcast_in_dim3A_820 = arith.constant 11 : i32
      %broadcast_in_dim3A_821 = vector.broadcast %broadcast_in_dim3A_820 : i32 to vector<16xi32>
      %broadcast_in_dim3A_822 = vector.shape_cast %broadcast_in_dim3A_821 : vector<16xi32> to vector<16x1xi32>
      %gather3A_823 = vector.shape_cast %broadcast_in_dim3A_822 : vector<16x1xi32> to vector<16xi32>
      %gather3A_824 = tpu.dynamic_gather %mul3A_558[%gather3A_823] in [0] : vector<16xf32>, vector<16xi32> -> vector<16xf32>
      %mul3A_825 = arith.mulf %gather3A_824, %mul3A_812 : vector<16xf32>
      %add3A_826 = arith.addf %add3A_804, %mul3A_825 : vector<16xf32>
      %mul3A_827 = arith.constant 16 : i32
      %mul3A_828 = arith.muli %scan3A_551, %mul3A_827 : i32
      %add3A_829 = arith.constant 12 : i32
      %add3A_830 = arith.addi %mul3A_828, %add3A_829 : i32
      %get3A_831 = arith.index_cast %add3A_830 : i32 to index
      %get3A_832 = arith.constant 0 : index
      %get3A_833 = tpu.vector_load %arg9[%get3A_831, %get3A_832] {strides = array<i32>} : memref<1536x16xf32, #tpu.memory_space<vmem>>, vector<16xf32>,
      %mul3A_834 = arith.mulf %get3A_833, %get3A_833 : vector<16xf32>
      %broadcast_in_dim3A_835 = arith.constant 12 : i32
      %broadcast_in_dim3A_836 = vector.broadcast %broadcast_in_dim3A_835 : i32 to vector<16xi32>
      %broadcast_in_dim3A_837 = vector.shape_cast %broadcast_in_dim3A_836 : vector<16xi32> to vector<16x1xi32>
      %gather3A_838 = vector.shape_cast %broadcast_in_dim3A_837 : vector<16x1xi32> to vector<16xi32>
      %gather3A_839 = tpu.dynamic_gather %mul3A_557[%gather3A_838] in [0] : vector<16xf32>, vector<16xi32> -> vector<16xf32>
      %mul3A_840 = arith.mulf %gather3A_839, %mul3A_834 : vector<16xf32>
      %add3A_841 = arith.addf %add3A_819, %mul3A_840 : vector<16xf32>
      %broadcast_in_dim3A_842 = arith.constant 12 : i32
      %broadcast_in_dim3A_843 = vector.broadcast %broadcast_in_dim3A_842 : i32 to vector<16xi32>
      %broadcast_in_dim3A_844 = vector.shape_cast %broadcast_in_dim3A_843 : vector<16xi32> to vector<16x1xi32>
      %gather3A_845 = vector.shape_cast %broadcast_in_dim3A_844 : vector<16x1xi32> to vector<16xi32>
      %gather3A_846 = tpu.dynamic_gather %mul3A_558[%gather3A_845] in [0] : vector<16xf32>, vector<16xi32> -> vector<16xf32>
      %mul3A_847 = arith.mulf %gather3A_846, %mul3A_834 : vector<16xf32>
      %add3A_848 = arith.addf %add3A_826, %mul3A_847 : vector<16xf32>
      %mul3A_849 = arith.constant 16 : i32
      %mul3A_850 = arith.muli %scan3A_551, %mul3A_849 : i32
      %add3A_851 = arith.constant 13 : i32
      %add3A_852 = arith.addi %mul3A_850, %add3A_851 : i32
      %get3A_853 = arith.index_cast %add3A_852 : i32 to index
      %get3A_854 = arith.constant 0 : index
      %get3A_855 = tpu.vector_load %arg9[%get3A_853, %get3A_854] {strides = array<i32>} : memref<1536x16xf32, #tpu.memory_space<vmem>>, vector<16xf32>,
      %mul3A_856 = arith.mulf %get3A_855, %get3A_855 : vector<16xf32>
      %broadcast_in_dim3A_857 = arith.constant 13 : i32
      %broadcast_in_dim3A_858 = vector.broadcast %broadcast_in_dim3A_857 : i32 to vector<16xi32>
      %broadcast_in_dim3A_859 = vector.shape_cast %broadcast_in_dim3A_858 : vector<16xi32> to vector<16x1xi32>
      %gather3A_860 = vector.shape_cast %broadcast_in_dim3A_859 : vector<16x1xi32> to vector<16xi32>
      %gather3A_861 = tpu.dynamic_gather %mul3A_557[%gather3A_860] in [0] : vector<16xf32>, vector<16xi32> -> vector<16xf32>
      %mul3A_862 = arith.mulf %gather3A_861, %mul3A_856 : vector<16xf32>
      %add3A_863 = arith.addf %add3A_841, %mul3A_862 : vector<16xf32>
      %broadcast_in_dim3A_864 = arith.constant 13 : i32
      %broadcast_in_dim3A_865 = vector.broadcast %broadcast_in_dim3A_864 : i32 to vector<16xi32>
      %broadcast_in_dim3A_866 = vector.shape_cast %broadcast_in_dim3A_865 : vector<16xi32> to vector<16x1xi32>
      %gather3A_867 = vector.shape_cast %broadcast_in_dim3A_866 : vector<16x1xi32> to vector<16xi32>
      %gather3A_868 = tpu.dynamic_gather %mul3A_558[%gather3A_867] in [0] : vector<16xf32>, vector<16xi32> -> vector<16xf32>
      %mul3A_869 = arith.mulf %gather3A_868, %mul3A_856 : vector<16xf32>
      %add3A_870 = arith.addf %add3A_848, %mul3A_869 : vector<16xf32>
      %mul3A_871 = arith.constant 16 : i32
      %mul3A_872 = arith.muli %scan3A_551, %mul3A_871 : i32
      %add3A_873 = arith.constant 14 : i32
      %add3A_874 = arith.addi %mul3A_872, %add3A_873 : i32
      %get3A_875 = arith.index_cast %add3A_874 : i32 to index
      %get3A_876 = arith.constant 0 : index
      %get3A_877 = tpu.vector_load %arg9[%get3A_875, %get3A_876] {strides = array<i32>} : memref<1536x16xf32, #tpu.memory_space<vmem>>, vector<16xf32>,
      %mul3A_878 = arith.mulf %get3A_877, %get3A_877 : vector<16xf32>
      %broadcast_in_dim3A_879 = arith.constant 14 : i32
      %broadcast_in_dim3A_880 = vector.broadcast %broadcast_in_dim3A_879 : i32 to vector<16xi32>
      %broadcast_in_dim3A_881 = vector.shape_cast %broadcast_in_dim3A_880 : vector<16xi32> to vector<16x1xi32>
      %gather3A_882 = vector.shape_cast %broadcast_in_dim3A_881 : vector<16x1xi32> to vector<16xi32>
      %gather3A_883 = tpu.dynamic_gather %mul3A_557[%gather3A_882] in [0] : vector<16xf32>, vector<16xi32> -> vector<16xf32>
      %mul3A_884 = arith.mulf %gather3A_883, %mul3A_878 : vector<16xf32>
      %add3A_885 = arith.addf %add3A_863, %mul3A_884 : vector<16xf32>
      %broadcast_in_dim3A_886 = arith.constant 14 : i32
      %broadcast_in_dim3A_887 = vector.broadcast %broadcast_in_dim3A_886 : i32 to vector<16xi32>
      %broadcast_in_dim3A_888 = vector.shape_cast %broadcast_in_dim3A_887 : vector<16xi32> to vector<16x1xi32>
      %gather3A_889 = vector.shape_cast %broadcast_in_dim3A_888 : vector<16x1xi32> to vector<16xi32>
      %gather3A_890 = tpu.dynamic_gather %mul3A_558[%gather3A_889] in [0] : vector<16xf32>, vector<16xi32> -> vector<16xf32>
      %mul3A_891 = arith.mulf %gather3A_890, %mul3A_878 : vector<16xf32>
      %add3A_892 = arith.addf %add3A_870, %mul3A_891 : vector<16xf32>
      %mul3A_893 = arith.constant 16 : i32
      %mul3A_894 = arith.muli %scan3A_551, %mul3A_893 : i32
      %add3A_895 = arith.constant 15 : i32
      %add3A_896 = arith.addi %mul3A_894, %add3A_895 : i32
      %get3A_897 = arith.index_cast %add3A_896 : i32 to index
      %get3A_898 = arith.constant 0 : index
      %get3A_899 = tpu.vector_load %arg9[%get3A_897, %get3A_898] {strides = array<i32>} : memref<1536x16xf32, #tpu.memory_space<vmem>>, vector<16xf32>,
      %mul3A_900 = arith.mulf %get3A_899, %get3A_899 : vector<16xf32>
      %broadcast_in_dim3A_901 = arith.constant 15 : i32
      %broadcast_in_dim3A_902 = vector.broadcast %broadcast_in_dim3A_901 : i32 to vector<16xi32>
      %broadcast_in_dim3A_903 = vector.shape_cast %broadcast_in_dim3A_902 : vector<16xi32> to vector<16x1xi32>
      %gather3A_904 = vector.shape_cast %broadcast_in_dim3A_903 : vector<16x1xi32> to vector<16xi32>
      %gather3A_905 = tpu.dynamic_gather %mul3A_557[%gather3A_904] in [0] : vector<16xf32>, vector<16xi32> -> vector<16xf32>
      %mul3A_906 = arith.mulf %gather3A_905, %mul3A_900 : vector<16xf32>
      %add3A_907 = arith.addf %add3A_885, %mul3A_906 : vector<16xf32>
      %broadcast_in_dim3A_908 = arith.constant 15 : i32
      %broadcast_in_dim3A_909 = vector.broadcast %broadcast_in_dim3A_908 : i32 to vector<16xi32>
      %broadcast_in_dim3A_910 = vector.shape_cast %broadcast_in_dim3A_909 : vector<16xi32> to vector<16x1xi32>
      %gather3A_911 = vector.shape_cast %broadcast_in_dim3A_910 : vector<16x1xi32> to vector<16xi32>
      %gather3A_912 = tpu.dynamic_gather %mul3A_558[%gather3A_911] in [0] : vector<16xf32>, vector<16xi32> -> vector<16xf32>
      %mul3A_913 = arith.mulf %gather3A_912, %mul3A_900 : vector<16xf32>
      %add3A_914 = arith.addf %add3A_892, %mul3A_913 : vector<16xf32>
      %broadcast_in_dim3A_915 = vector.broadcast %scan3A_551 : i32 to vector<16xi32>
      %add3A_916 = arith.addi %mul3A_354, %broadcast_in_dim3A_915 : vector<16xi32>
      tpu.vector_store_idx %arg12[%add3A_916], %add3A_907 : memref<1536xf32, #tpu.memory_space<vmem>>[vector<16xi32>], vector<16xf32>,
      tpu.vector_store_idx %arg13[%add3A_916], %add3A_914 : memref<1536xf32, #tpu.memory_space<vmem>>[vector<16xi32>], vector<16xf32>,
    }
    %scan3A_358 = arith.constant 96 : i32
    %mul3A_359 = arith.constant 32 : i32
    %mul3A_360 = arith.muli %add3A, %mul3A_359 : i32
    %add3A_361 = arith.constant 0 : i32
    %add3A_362 = arith.addi %add3A_361, %mul3A_360 : i32
    "tpu.region"() ({
      %run_scoped3A = tpu.sem_alloc : memref<!tpu.dma_semaphore, #tpu.memory_space<semaphore_mem>>
      %dma_start3A_551 = arith.constant 0 : i32
      %dma_start3A_552 = tpu.memref_slice %arg12[%dma_start3A_551] : memref<1536xf32, #tpu.memory_space<vmem>> -> memref<32xf32, #tpu.memory_space<vmem>>
      %dma_start3A_553 = tpu.memref_slice %arg6[%add3A_362] : memref<49152xf32, #tpu.memory_space<hbm>> -> memref<32xf32, #tpu.memory_space<hbm>>
      %dma_start3A_554 = tpu.memref_slice %arg6[%add3A_362] : memref<49152xf32, #tpu.memory_space<hbm>> -> memref<32xf32, #tpu.memory_space<hbm>>
      %dma_start3A_555 = arith.constant 0 : i32
      %dma_start3A_556 = tpu.memref_slice %arg12[%dma_start3A_555] : memref<1536xf32, #tpu.memory_space<vmem>> -> memref<32xf32, #tpu.memory_space<vmem>>
      tpu.enqueue_dma source(%dma_start3A_556 : memref<32xf32, #tpu.memory_space<vmem>>) target(%dma_start3A_554 : memref<32xf32, #tpu.memory_space<hbm>>) target_semaphore(%run_scoped3A : memref<!tpu.dma_semaphore, #tpu.memory_space<semaphore_mem>>)
      %dma_wait3A_557 = arith.constant 0 : i32
      %dma_wait3A_558 = tpu.memref_slice %arg12[%dma_wait3A_557] : memref<1536xf32, #tpu.memory_space<vmem>> -> memref<32xf32, #tpu.memory_space<vmem>>
      %dma_wait3A_559 = tpu.memref_slice %arg6[%add3A_362] : memref<49152xf32, #tpu.memory_space<hbm>> -> memref<32xf32, #tpu.memory_space<hbm>>
      %dma_wait3A_560 = tpu.memref_slice %arg6[%add3A_362] : memref<49152xf32, #tpu.memory_space<hbm>> -> memref<32xf32, #tpu.memory_space<hbm>>
      %dma_wait3A_561 = arith.constant 0 : i32
      %dma_wait3A_562 = tpu.memref_slice %arg12[%dma_wait3A_561] : memref<1536xf32, #tpu.memory_space<vmem>> -> memref<32xf32, #tpu.memory_space<vmem>>
      tpu.wait_dma2 semaphore(%run_scoped3A : memref<!tpu.dma_semaphore, #tpu.memory_space<semaphore_mem>>) src(%dma_wait3A_562 : memref<32xf32, #tpu.memory_space<vmem>>) dst(%dma_wait3A_560 : memref<32xf32, #tpu.memory_space<hbm>>)
      tpu.yield
    }) : () -> ()
    "tpu.region"() ({
      %run_scoped3A = tpu.sem_alloc : memref<!tpu.dma_semaphore, #tpu.memory_space<semaphore_mem>>
      %dma_start3A_551 = arith.constant 0 : i32
      %dma_start3A_552 = tpu.memref_slice %arg13[%dma_start3A_551] : memref<1536xf32, #tpu.memory_space<vmem>> -> memref<32xf32, #tpu.memory_space<vmem>>
      %dma_start3A_553 = tpu.memref_slice %arg7[%add3A_362] : memref<49152xf32, #tpu.memory_space<hbm>> -> memref<32xf32, #tpu.memory_space<hbm>>
      %dma_start3A_554 = tpu.memref_slice %arg7[%add3A_362] : memref<49152xf32, #tpu.memory_space<hbm>> -> memref<32xf32, #tpu.memory_space<hbm>>
      %dma_start3A_555 = arith.constant 0 : i32
      %dma_start3A_556 = tpu.memref_slice %arg13[%dma_start3A_555] : memref<1536xf32, #tpu.memory_space<vmem>> -> memref<32xf32, #tpu.memory_space<vmem>>
      tpu.enqueue_dma source(%dma_start3A_556 : memref<32xf32, #tpu.memory_space<vmem>>) target(%dma_start3A_554 : memref<32xf32, #tpu.memory_space<hbm>>) target_semaphore(%run_scoped3A : memref<!tpu.dma_semaphore, #tpu.memory_space<semaphore_mem>>)
      %dma_wait3A_557 = arith.constant 0 : i32
      %dma_wait3A_558 = tpu.memref_slice %arg13[%dma_wait3A_557] : memref<1536xf32, #tpu.memory_space<vmem>> -> memref<32xf32, #tpu.memory_space<vmem>>
      %dma_wait3A_559 = tpu.memref_slice %arg7[%add3A_362] : memref<49152xf32, #tpu.memory_space<hbm>> -> memref<32xf32, #tpu.memory_space<hbm>>
      %dma_wait3A_560 = tpu.memref_slice %arg7[%add3A_362] : memref<49152xf32, #tpu.memory_space<hbm>> -> memref<32xf32, #tpu.memory_space<hbm>>
      %dma_wait3A_561 = arith.constant 0 : i32
      %dma_wait3A_562 = tpu.memref_slice %arg13[%dma_wait3A_561] : memref<1536xf32, #tpu.memory_space<vmem>> -> memref<32xf32, #tpu.memory_space<vmem>>
      tpu.wait_dma2 semaphore(%run_scoped3A : memref<!tpu.dma_semaphore, #tpu.memory_space<semaphore_mem>>) src(%dma_wait3A_562 : memref<32xf32, #tpu.memory_space<vmem>>) dst(%dma_wait3A_560 : memref<32xf32, #tpu.memory_space<hbm>>)
      tpu.yield
    }) : () -> ()
    %mul3A_363 = arith.constant 32 : i32
    %mul3A_364 = arith.muli %add3A, %mul3A_363 : i32
    %add3A_365 = arith.constant 1024 : i32
    %add3A_366 = arith.addi %add3A_365, %mul3A_364 : i32
    "tpu.region"() ({
      %run_scoped3A = tpu.sem_alloc : memref<!tpu.dma_semaphore, #tpu.memory_space<semaphore_mem>>
      %dma_start3A_551 = arith.constant 32 : i32
      %dma_start3A_552 = tpu.memref_slice %arg12[%dma_start3A_551] : memref<1536xf32, #tpu.memory_space<vmem>> -> memref<32xf32, #tpu.memory_space<vmem>>
      %dma_start3A_553 = tpu.memref_slice %arg6[%add3A_366] : memref<49152xf32, #tpu.memory_space<hbm>> -> memref<32xf32, #tpu.memory_space<hbm>>
      %dma_start3A_554 = tpu.memref_slice %arg6[%add3A_366] : memref<49152xf32, #tpu.memory_space<hbm>> -> memref<32xf32, #tpu.memory_space<hbm>>
      %dma_start3A_555 = arith.constant 32 : i32
      %dma_start3A_556 = tpu.memref_slice %arg12[%dma_start3A_555] : memref<1536xf32, #tpu.memory_space<vmem>> -> memref<32xf32, #tpu.memory_space<vmem>>
      tpu.enqueue_dma source(%dma_start3A_556 : memref<32xf32, #tpu.memory_space<vmem>>) target(%dma_start3A_554 : memref<32xf32, #tpu.memory_space<hbm>>) target_semaphore(%run_scoped3A : memref<!tpu.dma_semaphore, #tpu.memory_space<semaphore_mem>>)
      %dma_wait3A_557 = arith.constant 32 : i32
      %dma_wait3A_558 = tpu.memref_slice %arg12[%dma_wait3A_557] : memref<1536xf32, #tpu.memory_space<vmem>> -> memref<32xf32, #tpu.memory_space<vmem>>
      %dma_wait3A_559 = tpu.memref_slice %arg6[%add3A_366] : memref<49152xf32, #tpu.memory_space<hbm>> -> memref<32xf32, #tpu.memory_space<hbm>>
      %dma_wait3A_560 = tpu.memref_slice %arg6[%add3A_366] : memref<49152xf32, #tpu.memory_space<hbm>> -> memref<32xf32, #tpu.memory_space<hbm>>
      %dma_wait3A_561 = arith.constant 32 : i32
      %dma_wait3A_562 = tpu.memref_slice %arg12[%dma_wait3A_561] : memref<1536xf32, #tpu.memory_space<vmem>> -> memref<32xf32, #tpu.memory_space<vmem>>
      tpu.wait_dma2 semaphore(%run_scoped3A : memref<!tpu.dma_semaphore, #tpu.memory_space<semaphore_mem>>) src(%dma_wait3A_562 : memref<32xf32, #tpu.memory_space<vmem>>) dst(%dma_wait3A_560 : memref<32xf32, #tpu.memory_space<hbm>>)
      tpu.yield
    }) : () -> ()
    "tpu.region"() ({
      %run_scoped3A = tpu.sem_alloc : memref<!tpu.dma_semaphore, #tpu.memory_space<semaphore_mem>>
      %dma_start3A_551 = arith.constant 32 : i32
      %dma_start3A_552 = tpu.memref_slice %arg13[%dma_start3A_551] : memref<1536xf32, #tpu.memory_space<vmem>> -> memref<32xf32, #tpu.memory_space<vmem>>
      %dma_start3A_553 = tpu.memref_slice %arg7[%add3A_366] : memref<49152xf32, #tpu.memory_space<hbm>> -> memref<32xf32, #tpu.memory_space<hbm>>
      %dma_start3A_554 = tpu.memref_slice %arg7[%add3A_366] : memref<49152xf32, #tpu.memory_space<hbm>> -> memref<32xf32, #tpu.memory_space<hbm>>
      %dma_start3A_555 = arith.constant 32 : i32
      %dma_start3A_556 = tpu.memref_slice %arg13[%dma_start3A_555] : memref<1536xf32, #tpu.memory_space<vmem>> -> memref<32xf32, #tpu.memory_space<vmem>>
      tpu.enqueue_dma source(%dma_start3A_556 : memref<32xf32, #tpu.memory_space<vmem>>) target(%dma_start3A_554 : memref<32xf32, #tpu.memory_space<hbm>>) target_semaphore(%run_scoped3A : memref<!tpu.dma_semaphore, #tpu.memory_space<semaphore_mem>>)
      %dma_wait3A_557 = arith.constant 32 : i32
      %dma_wait3A_558 = tpu.memref_slice %arg13[%dma_wait3A_557] : memref<1536xf32, #tpu.memory_space<vmem>> -> memref<32xf32, #tpu.memory_space<vmem>>
      %dma_wait3A_559 = tpu.memref_slice %arg7[%add3A_366] : memref<49152xf32, #tpu.memory_space<hbm>> -> memref<32xf32, #tpu.memory_space<hbm>>
      %dma_wait3A_560 = tpu.memref_slice %arg7[%add3A_366] : memref<49152xf32, #tpu.memory_space<hbm>> -> memref<32xf32, #tpu.memory_space<hbm>>
      %dma_wait3A_561 = arith.constant 32 : i32
      %dma_wait3A_562 = tpu.memref_slice %arg13[%dma_wait3A_561] : memref<1536xf32, #tpu.memory_space<vmem>> -> memref<32xf32, #tpu.memory_space<vmem>>
      tpu.wait_dma2 semaphore(%run_scoped3A : memref<!tpu.dma_semaphore, #tpu.memory_space<semaphore_mem>>) src(%dma_wait3A_562 : memref<32xf32, #tpu.memory_space<vmem>>) dst(%dma_wait3A_560 : memref<32xf32, #tpu.memory_space<hbm>>)
      tpu.yield
    }) : () -> ()
    %mul3A_367 = arith.constant 32 : i32
    %mul3A_368 = arith.muli %add3A, %mul3A_367 : i32
    %add3A_369 = arith.constant 2048 : i32
    %add3A_370 = arith.addi %add3A_369, %mul3A_368 : i32
    "tpu.region"() ({
      %run_scoped3A = tpu.sem_alloc : memref<!tpu.dma_semaphore, #tpu.memory_space<semaphore_mem>>
      %dma_start3A_551 = arith.constant 64 : i32
      %dma_start3A_552 = tpu.memref_slice %arg12[%dma_start3A_551] : memref<1536xf32, #tpu.memory_space<vmem>> -> memref<32xf32, #tpu.memory_space<vmem>>
      %dma_start3A_553 = tpu.memref_slice %arg6[%add3A_370] : memref<49152xf32, #tpu.memory_space<hbm>> -> memref<32xf32, #tpu.memory_space<hbm>>
      %dma_start3A_554 = tpu.memref_slice %arg6[%add3A_370] : memref<49152xf32, #tpu.memory_space<hbm>> -> memref<32xf32, #tpu.memory_space<hbm>>
      %dma_start3A_555 = arith.constant 64 : i32
      %dma_start3A_556 = tpu.memref_slice %arg12[%dma_start3A_555] : memref<1536xf32, #tpu.memory_space<vmem>> -> memref<32xf32, #tpu.memory_space<vmem>>
      tpu.enqueue_dma source(%dma_start3A_556 : memref<32xf32, #tpu.memory_space<vmem>>) target(%dma_start3A_554 : memref<32xf32, #tpu.memory_space<hbm>>) target_semaphore(%run_scoped3A : memref<!tpu.dma_semaphore, #tpu.memory_space<semaphore_mem>>)
      %dma_wait3A_557 = arith.constant 64 : i32
      %dma_wait3A_558 = tpu.memref_slice %arg12[%dma_wait3A_557] : memref<1536xf32, #tpu.memory_space<vmem>> -> memref<32xf32, #tpu.memory_space<vmem>>
      %dma_wait3A_559 = tpu.memref_slice %arg6[%add3A_370] : memref<49152xf32, #tpu.memory_space<hbm>> -> memref<32xf32, #tpu.memory_space<hbm>>
      %dma_wait3A_560 = tpu.memref_slice %arg6[%add3A_370] : memref<49152xf32, #tpu.memory_space<hbm>> -> memref<32xf32, #tpu.memory_space<hbm>>
      %dma_wait3A_561 = arith.constant 64 : i32
      %dma_wait3A_562 = tpu.memref_slice %arg12[%dma_wait3A_561] : memref<1536xf32, #tpu.memory_space<vmem>> -> memref<32xf32, #tpu.memory_space<vmem>>
      tpu.wait_dma2 semaphore(%run_scoped3A : memref<!tpu.dma_semaphore, #tpu.memory_space<semaphore_mem>>) src(%dma_wait3A_562 : memref<32xf32, #tpu.memory_space<vmem>>) dst(%dma_wait3A_560 : memref<32xf32, #tpu.memory_space<hbm>>)
      tpu.yield
    }) : () -> ()
    "tpu.region"() ({
      %run_scoped3A = tpu.sem_alloc : memref<!tpu.dma_semaphore, #tpu.memory_space<semaphore_mem>>
      %dma_start3A_551 = arith.constant 64 : i32
      %dma_start3A_552 = tpu.memref_slice %arg13[%dma_start3A_551] : memref<1536xf32, #tpu.memory_space<vmem>> -> memref<32xf32, #tpu.memory_space<vmem>>
      %dma_start3A_553 = tpu.memref_slice %arg7[%add3A_370] : memref<49152xf32, #tpu.memory_space<hbm>> -> memref<32xf32, #tpu.memory_space<hbm>>
      %dma_start3A_554 = tpu.memref_slice %arg7[%add3A_370] : memref<49152xf32, #tpu.memory_space<hbm>> -> memref<32xf32, #tpu.memory_space<hbm>>
      %dma_start3A_555 = arith.constant 64 : i32
      %dma_start3A_556 = tpu.memref_slice %arg13[%dma_start3A_555] : memref<1536xf32, #tpu.memory_space<vmem>> -> memref<32xf32, #tpu.memory_space<vmem>>
      tpu.enqueue_dma source(%dma_start3A_556 : memref<32xf32, #tpu.memory_space<vmem>>) target(%dma_start3A_554 : memref<32xf32, #tpu.memory_space<hbm>>) target_semaphore(%run_scoped3A : memref<!tpu.dma_semaphore, #tpu.memory_space<semaphore_mem>>)
      %dma_wait3A_557 = arith.constant 64 : i32
      %dma_wait3A_558 = tpu.memref_slice %arg13[%dma_wait3A_557] : memref<1536xf32, #tpu.memory_space<vmem>> -> memref<32xf32, #tpu.memory_space<vmem>>
      %dma_wait3A_559 = tpu.memref_slice %arg7[%add3A_370] : memref<49152xf32, #tpu.memory_space<hbm>> -> memref<32xf32, #tpu.memory_space<hbm>>
      %dma_wait3A_560 = tpu.memref_slice %arg7[%add3A_370] : memref<49152xf32, #tpu.memory_space<hbm>> -> memref<32xf32, #tpu.memory_space<hbm>>
      %dma_wait3A_561 = arith.constant 64 : i32
      %dma_wait3A_562 = tpu.memref_slice %arg13[%dma_wait3A_561] : memref<1536xf32, #tpu.memory_space<vmem>> -> memref<32xf32, #tpu.memory_space<vmem>>
      tpu.wait_dma2 semaphore(%run_scoped3A : memref<!tpu.dma_semaphore, #tpu.memory_space<semaphore_mem>>) src(%dma_wait3A_562 : memref<32xf32, #tpu.memory_space<vmem>>) dst(%dma_wait3A_560 : memref<32xf32, #tpu.memory_space<hbm>>)
      tpu.yield
    }) : () -> ()
    %mul3A_371 = arith.constant 32 : i32
    %mul3A_372 = arith.muli %add3A, %mul3A_371 : i32
    %add3A_373 = arith.constant 3072 : i32
    %add3A_374 = arith.addi %add3A_373, %mul3A_372 : i32
    "tpu.region"() ({
      %run_scoped3A = tpu.sem_alloc : memref<!tpu.dma_semaphore, #tpu.memory_space<semaphore_mem>>
      %dma_start3A_551 = arith.constant 96 : i32
      %dma_start3A_552 = tpu.memref_slice %arg12[%dma_start3A_551] : memref<1536xf32, #tpu.memory_space<vmem>> -> memref<32xf32, #tpu.memory_space<vmem>>
      %dma_start3A_553 = tpu.memref_slice %arg6[%add3A_374] : memref<49152xf32, #tpu.memory_space<hbm>> -> memref<32xf32, #tpu.memory_space<hbm>>
      %dma_start3A_554 = tpu.memref_slice %arg6[%add3A_374] : memref<49152xf32, #tpu.memory_space<hbm>> -> memref<32xf32, #tpu.memory_space<hbm>>
      %dma_start3A_555 = arith.constant 96 : i32
      %dma_start3A_556 = tpu.memref_slice %arg12[%dma_start3A_555] : memref<1536xf32, #tpu.memory_space<vmem>> -> memref<32xf32, #tpu.memory_space<vmem>>
      tpu.enqueue_dma source(%dma_start3A_556 : memref<32xf32, #tpu.memory_space<vmem>>) target(%dma_start3A_554 : memref<32xf32, #tpu.memory_space<hbm>>) target_semaphore(%run_scoped3A : memref<!tpu.dma_semaphore, #tpu.memory_space<semaphore_mem>>)
      %dma_wait3A_557 = arith.constant 96 : i32
      %dma_wait3A_558 = tpu.memref_slice %arg12[%dma_wait3A_557] : memref<1536xf32, #tpu.memory_space<vmem>> -> memref<32xf32, #tpu.memory_space<vmem>>
      %dma_wait3A_559 = tpu.memref_slice %arg6[%add3A_374] : memref<49152xf32, #tpu.memory_space<hbm>> -> memref<32xf32, #tpu.memory_space<hbm>>
      %dma_wait3A_560 = tpu.memref_slice %arg6[%add3A_374] : memref<49152xf32, #tpu.memory_space<hbm>> -> memref<32xf32, #tpu.memory_space<hbm>>
      %dma_wait3A_561 = arith.constant 96 : i32
      %dma_wait3A_562 = tpu.memref_slice %arg12[%dma_wait3A_561] : memref<1536xf32, #tpu.memory_space<vmem>> -> memref<32xf32, #tpu.memory_space<vmem>>
      tpu.wait_dma2 semaphore(%run_scoped3A : memref<!tpu.dma_semaphore, #tpu.memory_space<semaphore_mem>>) src(%dma_wait3A_562 : memref<32xf32, #tpu.memory_space<vmem>>) dst(%dma_wait3A_560 : memref<32xf32, #tpu.memory_space<hbm>>)
      tpu.yield
    }) : () -> ()
    "tpu.region"() ({
      %run_scoped3A = tpu.sem_alloc : memref<!tpu.dma_semaphore, #tpu.memory_space<semaphore_mem>>
      %dma_start3A_551 = arith.constant 96 : i32
      %dma_start3A_552 = tpu.memref_slice %arg13[%dma_start3A_551] : memref<1536xf32, #tpu.memory_space<vmem>> -> memref<32xf32, #tpu.memory_space<vmem>>
      %dma_start3A_553 = tpu.memref_slice %arg7[%add3A_374] : memref<49152xf32, #tpu.memory_space<hbm>> -> memref<32xf32, #tpu.memory_space<hbm>>
      %dma_start3A_554 = tpu.memref_slice %arg7[%add3A_374] : memref<49152xf32, #tpu.memory_space<hbm>> -> memref<32xf32, #tpu.memory_space<hbm>>
      %dma_start3A_555 = arith.constant 96 : i32
      %dma_start3A_556 = tpu.memref_slice %arg13[%dma_start3A_555] : memref<1536xf32, #tpu.memory_space<vmem>> -> memref<32xf32, #tpu.memory_space<vmem>>
      tpu.enqueue_dma source(%dma_start3A_556 : memref<32xf32, #tpu.memory_space<vmem>>) target(%dma_start3A_554 : memref<32xf32, #tpu.memory_space<hbm>>) target_semaphore(%run_scoped3A : memref<!tpu.dma_semaphore, #tpu.memory_space<semaphore_mem>>)
      %dma_wait3A_557 = arith.constant 96 : i32
      %dma_wait3A_558 = tpu.memref_slice %arg13[%dma_wait3A_557] : memref<1536xf32, #tpu.memory_space<vmem>> -> memref<32xf32, #tpu.memory_space<vmem>>
      %dma_wait3A_559 = tpu.memref_slice %arg7[%add3A_374] : memref<49152xf32, #tpu.memory_space<hbm>> -> memref<32xf32, #tpu.memory_space<hbm>>
      %dma_wait3A_560 = tpu.memref_slice %arg7[%add3A_374] : memref<49152xf32, #tpu.memory_space<hbm>> -> memref<32xf32, #tpu.memory_space<hbm>>
      %dma_wait3A_561 = arith.constant 96 : i32
      %dma_wait3A_562 = tpu.memref_slice %arg13[%dma_wait3A_561] : memref<1536xf32, #tpu.memory_space<vmem>> -> memref<32xf32, #tpu.memory_space<vmem>>
      tpu.wait_dma2 semaphore(%run_scoped3A : memref<!tpu.dma_semaphore, #tpu.memory_space<semaphore_mem>>) src(%dma_wait3A_562 : memref<32xf32, #tpu.memory_space<vmem>>) dst(%dma_wait3A_560 : memref<32xf32, #tpu.memory_space<hbm>>)
      tpu.yield
    }) : () -> ()
    %mul3A_375 = arith.constant 32 : i32
    %mul3A_376 = arith.muli %add3A, %mul3A_375 : i32
    %add3A_377 = arith.constant 4096 : i32
    %add3A_378 = arith.addi %add3A_377, %mul3A_376 : i32
    "tpu.region"() ({
      %run_scoped3A = tpu.sem_alloc : memref<!tpu.dma_semaphore, #tpu.memory_space<semaphore_mem>>
      %dma_start3A_551 = arith.constant 128 : i32
      %dma_start3A_552 = tpu.memref_slice %arg12[%dma_start3A_551] : memref<1536xf32, #tpu.memory_space<vmem>> -> memref<32xf32, #tpu.memory_space<vmem>>
      %dma_start3A_553 = tpu.memref_slice %arg6[%add3A_378] : memref<49152xf32, #tpu.memory_space<hbm>> -> memref<32xf32, #tpu.memory_space<hbm>>
      %dma_start3A_554 = tpu.memref_slice %arg6[%add3A_378] : memref<49152xf32, #tpu.memory_space<hbm>> -> memref<32xf32, #tpu.memory_space<hbm>>
      %dma_start3A_555 = arith.constant 128 : i32
      %dma_start3A_556 = tpu.memref_slice %arg12[%dma_start3A_555] : memref<1536xf32, #tpu.memory_space<vmem>> -> memref<32xf32, #tpu.memory_space<vmem>>
      tpu.enqueue_dma source(%dma_start3A_556 : memref<32xf32, #tpu.memory_space<vmem>>) target(%dma_start3A_554 : memref<32xf32, #tpu.memory_space<hbm>>) target_semaphore(%run_scoped3A : memref<!tpu.dma_semaphore, #tpu.memory_space<semaphore_mem>>)
      %dma_wait3A_557 = arith.constant 128 : i32
      %dma_wait3A_558 = tpu.memref_slice %arg12[%dma_wait3A_557] : memref<1536xf32, #tpu.memory_space<vmem>> -> memref<32xf32, #tpu.memory_space<vmem>>
      %dma_wait3A_559 = tpu.memref_slice %arg6[%add3A_378] : memref<49152xf32, #tpu.memory_space<hbm>> -> memref<32xf32, #tpu.memory_space<hbm>>
      %dma_wait3A_560 = tpu.memref_slice %arg6[%add3A_378] : memref<49152xf32, #tpu.memory_space<hbm>> -> memref<32xf32, #tpu.memory_space<hbm>>
      %dma_wait3A_561 = arith.constant 128 : i32
      %dma_wait3A_562 = tpu.memref_slice %arg12[%dma_wait3A_561] : memref<1536xf32, #tpu.memory_space<vmem>> -> memref<32xf32, #tpu.memory_space<vmem>>
      tpu.wait_dma2 semaphore(%run_scoped3A : memref<!tpu.dma_semaphore, #tpu.memory_space<semaphore_mem>>) src(%dma_wait3A_562 : memref<32xf32, #tpu.memory_space<vmem>>) dst(%dma_wait3A_560 : memref<32xf32, #tpu.memory_space<hbm>>)
      tpu.yield
    }) : () -> ()
    "tpu.region"() ({
      %run_scoped3A = tpu.sem_alloc : memref<!tpu.dma_semaphore, #tpu.memory_space<semaphore_mem>>
      %dma_start3A_551 = arith.constant 128 : i32
      %dma_start3A_552 = tpu.memref_slice %arg13[%dma_start3A_551] : memref<1536xf32, #tpu.memory_space<vmem>> -> memref<32xf32, #tpu.memory_space<vmem>>
      %dma_start3A_553 = tpu.memref_slice %arg7[%add3A_378] : memref<49152xf32, #tpu.memory_space<hbm>> -> memref<32xf32, #tpu.memory_space<hbm>>
      %dma_start3A_554 = tpu.memref_slice %arg7[%add3A_378] : memref<49152xf32, #tpu.memory_space<hbm>> -> memref<32xf32, #tpu.memory_space<hbm>>
      %dma_start3A_555 = arith.constant 128 : i32
      %dma_start3A_556 = tpu.memref_slice %arg13[%dma_start3A_555] : memref<1536xf32, #tpu.memory_space<vmem>> -> memref<32xf32, #tpu.memory_space<vmem>>
      tpu.enqueue_dma source(%dma_start3A_556 : memref<32xf32, #tpu.memory_space<vmem>>) target(%dma_start3A_554 : memref<32xf32, #tpu.memory_space<hbm>>) target_semaphore(%run_scoped3A : memref<!tpu.dma_semaphore, #tpu.memory_space<semaphore_mem>>)
      %dma_wait3A_557 = arith.constant 128 : i32
      %dma_wait3A_558 = tpu.memref_slice %arg13[%dma_wait3A_557] : memref<1536xf32, #tpu.memory_space<vmem>> -> memref<32xf32, #tpu.memory_space<vmem>>
      %dma_wait3A_559 = tpu.memref_slice %arg7[%add3A_378] : memref<49152xf32, #tpu.memory_space<hbm>> -> memref<32xf32, #tpu.memory_space<hbm>>
      %dma_wait3A_560 = tpu.memref_slice %arg7[%add3A_378] : memref<49152xf32, #tpu.memory_space<hbm>> -> memref<32xf32, #tpu.memory_space<hbm>>
      %dma_wait3A_561 = arith.constant 128 : i32
      %dma_wait3A_562 = tpu.memref_slice %arg13[%dma_wait3A_561] : memref<1536xf32, #tpu.memory_space<vmem>> -> memref<32xf32, #tpu.memory_space<vmem>>
      tpu.wait_dma2 semaphore(%run_scoped3A : memref<!tpu.dma_semaphore, #tpu.memory_space<semaphore_mem>>) src(%dma_wait3A_562 : memref<32xf32, #tpu.memory_space<vmem>>) dst(%dma_wait3A_560 : memref<32xf32, #tpu.memory_space<hbm>>)
      tpu.yield
    }) : () -> ()
    %mul3A_379 = arith.constant 32 : i32
    %mul3A_380 = arith.muli %add3A, %mul3A_379 : i32
    %add3A_381 = arith.constant 5120 : i32
    %add3A_382 = arith.addi %add3A_381, %mul3A_380 : i32
    "tpu.region"() ({
      %run_scoped3A = tpu.sem_alloc : memref<!tpu.dma_semaphore, #tpu.memory_space<semaphore_mem>>
      %dma_start3A_551 = arith.constant 160 : i32
      %dma_start3A_552 = tpu.memref_slice %arg12[%dma_start3A_551] : memref<1536xf32, #tpu.memory_space<vmem>> -> memref<32xf32, #tpu.memory_space<vmem>>
      %dma_start3A_553 = tpu.memref_slice %arg6[%add3A_382] : memref<49152xf32, #tpu.memory_space<hbm>> -> memref<32xf32, #tpu.memory_space<hbm>>
      %dma_start3A_554 = tpu.memref_slice %arg6[%add3A_382] : memref<49152xf32, #tpu.memory_space<hbm>> -> memref<32xf32, #tpu.memory_space<hbm>>
      %dma_start3A_555 = arith.constant 160 : i32
      %dma_start3A_556 = tpu.memref_slice %arg12[%dma_start3A_555] : memref<1536xf32, #tpu.memory_space<vmem>> -> memref<32xf32, #tpu.memory_space<vmem>>
      tpu.enqueue_dma source(%dma_start3A_556 : memref<32xf32, #tpu.memory_space<vmem>>) target(%dma_start3A_554 : memref<32xf32, #tpu.memory_space<hbm>>) target_semaphore(%run_scoped3A : memref<!tpu.dma_semaphore, #tpu.memory_space<semaphore_mem>>)
      %dma_wait3A_557 = arith.constant 160 : i32
      %dma_wait3A_558 = tpu.memref_slice %arg12[%dma_wait3A_557] : memref<1536xf32, #tpu.memory_space<vmem>> -> memref<32xf32, #tpu.memory_space<vmem>>
      %dma_wait3A_559 = tpu.memref_slice %arg6[%add3A_382] : memref<49152xf32, #tpu.memory_space<hbm>> -> memref<32xf32, #tpu.memory_space<hbm>>
      %dma_wait3A_560 = tpu.memref_slice %arg6[%add3A_382] : memref<49152xf32, #tpu.memory_space<hbm>> -> memref<32xf32, #tpu.memory_space<hbm>>
      %dma_wait3A_561 = arith.constant 160 : i32
      %dma_wait3A_562 = tpu.memref_slice %arg12[%dma_wait3A_561] : memref<1536xf32, #tpu.memory_space<vmem>> -> memref<32xf32, #tpu.memory_space<vmem>>
      tpu.wait_dma2 semaphore(%run_scoped3A : memref<!tpu.dma_semaphore, #tpu.memory_space<semaphore_mem>>) src(%dma_wait3A_562 : memref<32xf32, #tpu.memory_space<vmem>>) dst(%dma_wait3A_560 : memref<32xf32, #tpu.memory_space<hbm>>)
      tpu.yield
    }) : () -> ()
    "tpu.region"() ({
      %run_scoped3A = tpu.sem_alloc : memref<!tpu.dma_semaphore, #tpu.memory_space<semaphore_mem>>
      %dma_start3A_551 = arith.constant 160 : i32
      %dma_start3A_552 = tpu.memref_slice %arg13[%dma_start3A_551] : memref<1536xf32, #tpu.memory_space<vmem>> -> memref<32xf32, #tpu.memory_space<vmem>>
      %dma_start3A_553 = tpu.memref_slice %arg7[%add3A_382] : memref<49152xf32, #tpu.memory_space<hbm>> -> memref<32xf32, #tpu.memory_space<hbm>>
      %dma_start3A_554 = tpu.memref_slice %arg7[%add3A_382] : memref<49152xf32, #tpu.memory_space<hbm>> -> memref<32xf32, #tpu.memory_space<hbm>>
      %dma_start3A_555 = arith.constant 160 : i32
      %dma_start3A_556 = tpu.memref_slice %arg13[%dma_start3A_555] : memref<1536xf32, #tpu.memory_space<vmem>> -> memref<32xf32, #tpu.memory_space<vmem>>
      tpu.enqueue_dma source(%dma_start3A_556 : memref<32xf32, #tpu.memory_space<vmem>>) target(%dma_start3A_554 : memref<32xf32, #tpu.memory_space<hbm>>) target_semaphore(%run_scoped3A : memref<!tpu.dma_semaphore, #tpu.memory_space<semaphore_mem>>)
      %dma_wait3A_557 = arith.constant 160 : i32
      %dma_wait3A_558 = tpu.memref_slice %arg13[%dma_wait3A_557] : memref<1536xf32, #tpu.memory_space<vmem>> -> memref<32xf32, #tpu.memory_space<vmem>>
      %dma_wait3A_559 = tpu.memref_slice %arg7[%add3A_382] : memref<49152xf32, #tpu.memory_space<hbm>> -> memref<32xf32, #tpu.memory_space<hbm>>
      %dma_wait3A_560 = tpu.memref_slice %arg7[%add3A_382] : memref<49152xf32, #tpu.memory_space<hbm>> -> memref<32xf32, #tpu.memory_space<hbm>>
      %dma_wait3A_561 = arith.constant 160 : i32
      %dma_wait3A_562 = tpu.memref_slice %arg13[%dma_wait3A_561] : memref<1536xf32, #tpu.memory_space<vmem>> -> memref<32xf32, #tpu.memory_space<vmem>>
      tpu.wait_dma2 semaphore(%run_scoped3A : memref<!tpu.dma_semaphore, #tpu.memory_space<semaphore_mem>>) src(%dma_wait3A_562 : memref<32xf32, #tpu.memory_space<vmem>>) dst(%dma_wait3A_560 : memref<32xf32, #tpu.memory_space<hbm>>)
      tpu.yield
    }) : () -> ()
    %mul3A_383 = arith.constant 32 : i32
    %mul3A_384 = arith.muli %add3A, %mul3A_383 : i32
    %add3A_385 = arith.constant 6144 : i32
    %add3A_386 = arith.addi %add3A_385, %mul3A_384 : i32
    "tpu.region"() ({
      %run_scoped3A = tpu.sem_alloc : memref<!tpu.dma_semaphore, #tpu.memory_space<semaphore_mem>>
      %dma_start3A_551 = arith.constant 192 : i32
      %dma_start3A_552 = tpu.memref_slice %arg12[%dma_start3A_551] : memref<1536xf32, #tpu.memory_space<vmem>> -> memref<32xf32, #tpu.memory_space<vmem>>
      %dma_start3A_553 = tpu.memref_slice %arg6[%add3A_386] : memref<49152xf32, #tpu.memory_space<hbm>> -> memref<32xf32, #tpu.memory_space<hbm>>
      %dma_start3A_554 = tpu.memref_slice %arg6[%add3A_386] : memref<49152xf32, #tpu.memory_space<hbm>> -> memref<32xf32, #tpu.memory_space<hbm>>
      %dma_start3A_555 = arith.constant 192 : i32
      %dma_start3A_556 = tpu.memref_slice %arg12[%dma_start3A_555] : memref<1536xf32, #tpu.memory_space<vmem>> -> memref<32xf32, #tpu.memory_space<vmem>>
      tpu.enqueue_dma source(%dma_start3A_556 : memref<32xf32, #tpu.memory_space<vmem>>) target(%dma_start3A_554 : memref<32xf32, #tpu.memory_space<hbm>>) target_semaphore(%run_scoped3A : memref<!tpu.dma_semaphore, #tpu.memory_space<semaphore_mem>>)
      %dma_wait3A_557 = arith.constant 192 : i32
      %dma_wait3A_558 = tpu.memref_slice %arg12[%dma_wait3A_557] : memref<1536xf32, #tpu.memory_space<vmem>> -> memref<32xf32, #tpu.memory_space<vmem>>
      %dma_wait3A_559 = tpu.memref_slice %arg6[%add3A_386] : memref<49152xf32, #tpu.memory_space<hbm>> -> memref<32xf32, #tpu.memory_space<hbm>>
      %dma_wait3A_560 = tpu.memref_slice %arg6[%add3A_386] : memref<49152xf32, #tpu.memory_space<hbm>> -> memref<32xf32, #tpu.memory_space<hbm>>
      %dma_wait3A_561 = arith.constant 192 : i32
      %dma_wait3A_562 = tpu.memref_slice %arg12[%dma_wait3A_561] : memref<1536xf32, #tpu.memory_space<vmem>> -> memref<32xf32, #tpu.memory_space<vmem>>
      tpu.wait_dma2 semaphore(%run_scoped3A : memref<!tpu.dma_semaphore, #tpu.memory_space<semaphore_mem>>) src(%dma_wait3A_562 : memref<32xf32, #tpu.memory_space<vmem>>) dst(%dma_wait3A_560 : memref<32xf32, #tpu.memory_space<hbm>>)
      tpu.yield
    }) : () -> ()
    "tpu.region"() ({
      %run_scoped3A = tpu.sem_alloc : memref<!tpu.dma_semaphore, #tpu.memory_space<semaphore_mem>>
      %dma_start3A_551 = arith.constant 192 : i32
      %dma_start3A_552 = tpu.memref_slice %arg13[%dma_start3A_551] : memref<1536xf32, #tpu.memory_space<vmem>> -> memref<32xf32, #tpu.memory_space<vmem>>
      %dma_start3A_553 = tpu.memref_slice %arg7[%add3A_386] : memref<49152xf32, #tpu.memory_space<hbm>> -> memref<32xf32, #tpu.memory_space<hbm>>
      %dma_start3A_554 = tpu.memref_slice %arg7[%add3A_386] : memref<49152xf32, #tpu.memory_space<hbm>> -> memref<32xf32, #tpu.memory_space<hbm>>
      %dma_start3A_555 = arith.constant 192 : i32
      %dma_start3A_556 = tpu.memref_slice %arg13[%dma_start3A_555] : memref<1536xf32, #tpu.memory_space<vmem>> -> memref<32xf32, #tpu.memory_space<vmem>>
      tpu.enqueue_dma source(%dma_start3A_556 : memref<32xf32, #tpu.memory_space<vmem>>) target(%dma_start3A_554 : memref<32xf32, #tpu.memory_space<hbm>>) target_semaphore(%run_scoped3A : memref<!tpu.dma_semaphore, #tpu.memory_space<semaphore_mem>>)
      %dma_wait3A_557 = arith.constant 192 : i32
      %dma_wait3A_558 = tpu.memref_slice %arg13[%dma_wait3A_557] : memref<1536xf32, #tpu.memory_space<vmem>> -> memref<32xf32, #tpu.memory_space<vmem>>
      %dma_wait3A_559 = tpu.memref_slice %arg7[%add3A_386] : memref<49152xf32, #tpu.memory_space<hbm>> -> memref<32xf32, #tpu.memory_space<hbm>>
      %dma_wait3A_560 = tpu.memref_slice %arg7[%add3A_386] : memref<49152xf32, #tpu.memory_space<hbm>> -> memref<32xf32, #tpu.memory_space<hbm>>
      %dma_wait3A_561 = arith.constant 192 : i32
      %dma_wait3A_562 = tpu.memref_slice %arg13[%dma_wait3A_561] : memref<1536xf32, #tpu.memory_space<vmem>> -> memref<32xf32, #tpu.memory_space<vmem>>
      tpu.wait_dma2 semaphore(%run_scoped3A : memref<!tpu.dma_semaphore, #tpu.memory_space<semaphore_mem>>) src(%dma_wait3A_562 : memref<32xf32, #tpu.memory_space<vmem>>) dst(%dma_wait3A_560 : memref<32xf32, #tpu.memory_space<hbm>>)
      tpu.yield
    }) : () -> ()
    %mul3A_387 = arith.constant 32 : i32
    %mul3A_388 = arith.muli %add3A, %mul3A_387 : i32
    %add3A_389 = arith.constant 7168 : i32
    %add3A_390 = arith.addi %add3A_389, %mul3A_388 : i32
    "tpu.region"() ({
      %run_scoped3A = tpu.sem_alloc : memref<!tpu.dma_semaphore, #tpu.memory_space<semaphore_mem>>
      %dma_start3A_551 = arith.constant 224 : i32
      %dma_start3A_552 = tpu.memref_slice %arg12[%dma_start3A_551] : memref<1536xf32, #tpu.memory_space<vmem>> -> memref<32xf32, #tpu.memory_space<vmem>>
      %dma_start3A_553 = tpu.memref_slice %arg6[%add3A_390] : memref<49152xf32, #tpu.memory_space<hbm>> -> memref<32xf32, #tpu.memory_space<hbm>>
      %dma_start3A_554 = tpu.memref_slice %arg6[%add3A_390] : memref<49152xf32, #tpu.memory_space<hbm>> -> memref<32xf32, #tpu.memory_space<hbm>>
      %dma_start3A_555 = arith.constant 224 : i32
      %dma_start3A_556 = tpu.memref_slice %arg12[%dma_start3A_555] : memref<1536xf32, #tpu.memory_space<vmem>> -> memref<32xf32, #tpu.memory_space<vmem>>
      tpu.enqueue_dma source(%dma_start3A_556 : memref<32xf32, #tpu.memory_space<vmem>>) target(%dma_start3A_554 : memref<32xf32, #tpu.memory_space<hbm>>) target_semaphore(%run_scoped3A : memref<!tpu.dma_semaphore, #tpu.memory_space<semaphore_mem>>)
      %dma_wait3A_557 = arith.constant 224 : i32
      %dma_wait3A_558 = tpu.memref_slice %arg12[%dma_wait3A_557] : memref<1536xf32, #tpu.memory_space<vmem>> -> memref<32xf32, #tpu.memory_space<vmem>>
      %dma_wait3A_559 = tpu.memref_slice %arg6[%add3A_390] : memref<49152xf32, #tpu.memory_space<hbm>> -> memref<32xf32, #tpu.memory_space<hbm>>
      %dma_wait3A_560 = tpu.memref_slice %arg6[%add3A_390] : memref<49152xf32, #tpu.memory_space<hbm>> -> memref<32xf32, #tpu.memory_space<hbm>>
      %dma_wait3A_561 = arith.constant 224 : i32
      %dma_wait3A_562 = tpu.memref_slice %arg12[%dma_wait3A_561] : memref<1536xf32, #tpu.memory_space<vmem>> -> memref<32xf32, #tpu.memory_space<vmem>>
      tpu.wait_dma2 semaphore(%run_scoped3A : memref<!tpu.dma_semaphore, #tpu.memory_space<semaphore_mem>>) src(%dma_wait3A_562 : memref<32xf32, #tpu.memory_space<vmem>>) dst(%dma_wait3A_560 : memref<32xf32, #tpu.memory_space<hbm>>)
      tpu.yield
    }) : () -> ()
    "tpu.region"() ({
      %run_scoped3A = tpu.sem_alloc : memref<!tpu.dma_semaphore, #tpu.memory_space<semaphore_mem>>
      %dma_start3A_551 = arith.constant 224 : i32
      %dma_start3A_552 = tpu.memref_slice %arg13[%dma_start3A_551] : memref<1536xf32, #tpu.memory_space<vmem>> -> memref<32xf32, #tpu.memory_space<vmem>>
      %dma_start3A_553 = tpu.memref_slice %arg7[%add3A_390] : memref<49152xf32, #tpu.memory_space<hbm>> -> memref<32xf32, #tpu.memory_space<hbm>>
      %dma_start3A_554 = tpu.memref_slice %arg7[%add3A_390] : memref<49152xf32, #tpu.memory_space<hbm>> -> memref<32xf32, #tpu.memory_space<hbm>>
      %dma_start3A_555 = arith.constant 224 : i32
      %dma_start3A_556 = tpu.memref_slice %arg13[%dma_start3A_555] : memref<1536xf32, #tpu.memory_space<vmem>> -> memref<32xf32, #tpu.memory_space<vmem>>
      tpu.enqueue_dma source(%dma_start3A_556 : memref<32xf32, #tpu.memory_space<vmem>>) target(%dma_start3A_554 : memref<32xf32, #tpu.memory_space<hbm>>) target_semaphore(%run_scoped3A : memref<!tpu.dma_semaphore, #tpu.memory_space<semaphore_mem>>)
      %dma_wait3A_557 = arith.constant 224 : i32
      %dma_wait3A_558 = tpu.memref_slice %arg13[%dma_wait3A_557] : memref<1536xf32, #tpu.memory_space<vmem>> -> memref<32xf32, #tpu.memory_space<vmem>>
      %dma_wait3A_559 = tpu.memref_slice %arg7[%add3A_390] : memref<49152xf32, #tpu.memory_space<hbm>> -> memref<32xf32, #tpu.memory_space<hbm>>
      %dma_wait3A_560 = tpu.memref_slice %arg7[%add3A_390] : memref<49152xf32, #tpu.memory_space<hbm>> -> memref<32xf32, #tpu.memory_space<hbm>>
      %dma_wait3A_561 = arith.constant 224 : i32
      %dma_wait3A_562 = tpu.memref_slice %arg13[%dma_wait3A_561] : memref<1536xf32, #tpu.memory_space<vmem>> -> memref<32xf32, #tpu.memory_space<vmem>>
      tpu.wait_dma2 semaphore(%run_scoped3A : memref<!tpu.dma_semaphore, #tpu.memory_space<semaphore_mem>>) src(%dma_wait3A_562 : memref<32xf32, #tpu.memory_space<vmem>>) dst(%dma_wait3A_560 : memref<32xf32, #tpu.memory_space<hbm>>)
      tpu.yield
    }) : () -> ()
    %mul3A_391 = arith.constant 32 : i32
    %mul3A_392 = arith.muli %add3A, %mul3A_391 : i32
    %add3A_393 = arith.constant 8192 : i32
    %add3A_394 = arith.addi %add3A_393, %mul3A_392 : i32
    "tpu.region"() ({
      %run_scoped3A = tpu.sem_alloc : memref<!tpu.dma_semaphore, #tpu.memory_space<semaphore_mem>>
      %dma_start3A_551 = arith.constant 256 : i32
      %dma_start3A_552 = tpu.memref_slice %arg12[%dma_start3A_551] : memref<1536xf32, #tpu.memory_space<vmem>> -> memref<32xf32, #tpu.memory_space<vmem>>
      %dma_start3A_553 = tpu.memref_slice %arg6[%add3A_394] : memref<49152xf32, #tpu.memory_space<hbm>> -> memref<32xf32, #tpu.memory_space<hbm>>
      %dma_start3A_554 = tpu.memref_slice %arg6[%add3A_394] : memref<49152xf32, #tpu.memory_space<hbm>> -> memref<32xf32, #tpu.memory_space<hbm>>
      %dma_start3A_555 = arith.constant 256 : i32
      %dma_start3A_556 = tpu.memref_slice %arg12[%dma_start3A_555] : memref<1536xf32, #tpu.memory_space<vmem>> -> memref<32xf32, #tpu.memory_space<vmem>>
      tpu.enqueue_dma source(%dma_start3A_556 : memref<32xf32, #tpu.memory_space<vmem>>) target(%dma_start3A_554 : memref<32xf32, #tpu.memory_space<hbm>>) target_semaphore(%run_scoped3A : memref<!tpu.dma_semaphore, #tpu.memory_space<semaphore_mem>>)
      %dma_wait3A_557 = arith.constant 256 : i32
      %dma_wait3A_558 = tpu.memref_slice %arg12[%dma_wait3A_557] : memref<1536xf32, #tpu.memory_space<vmem>> -> memref<32xf32, #tpu.memory_space<vmem>>
      %dma_wait3A_559 = tpu.memref_slice %arg6[%add3A_394] : memref<49152xf32, #tpu.memory_space<hbm>> -> memref<32xf32, #tpu.memory_space<hbm>>
      %dma_wait3A_560 = tpu.memref_slice %arg6[%add3A_394] : memref<49152xf32, #tpu.memory_space<hbm>> -> memref<32xf32, #tpu.memory_space<hbm>>
      %dma_wait3A_561 = arith.constant 256 : i32
      %dma_wait3A_562 = tpu.memref_slice %arg12[%dma_wait3A_561] : memref<1536xf32, #tpu.memory_space<vmem>> -> memref<32xf32, #tpu.memory_space<vmem>>
      tpu.wait_dma2 semaphore(%run_scoped3A : memref<!tpu.dma_semaphore, #tpu.memory_space<semaphore_mem>>) src(%dma_wait3A_562 : memref<32xf32, #tpu.memory_space<vmem>>) dst(%dma_wait3A_560 : memref<32xf32, #tpu.memory_space<hbm>>)
      tpu.yield
    }) : () -> ()
    "tpu.region"() ({
      %run_scoped3A = tpu.sem_alloc : memref<!tpu.dma_semaphore, #tpu.memory_space<semaphore_mem>>
      %dma_start3A_551 = arith.constant 256 : i32
      %dma_start3A_552 = tpu.memref_slice %arg13[%dma_start3A_551] : memref<1536xf32, #tpu.memory_space<vmem>> -> memref<32xf32, #tpu.memory_space<vmem>>
      %dma_start3A_553 = tpu.memref_slice %arg7[%add3A_394] : memref<49152xf32, #tpu.memory_space<hbm>> -> memref<32xf32, #tpu.memory_space<hbm>>
      %dma_start3A_554 = tpu.memref_slice %arg7[%add3A_394] : memref<49152xf32, #tpu.memory_space<hbm>> -> memref<32xf32, #tpu.memory_space<hbm>>
      %dma_start3A_555 = arith.constant 256 : i32
      %dma_start3A_556 = tpu.memref_slice %arg13[%dma_start3A_555] : memref<1536xf32, #tpu.memory_space<vmem>> -> memref<32xf32, #tpu.memory_space<vmem>>
      tpu.enqueue_dma source(%dma_start3A_556 : memref<32xf32, #tpu.memory_space<vmem>>) target(%dma_start3A_554 : memref<32xf32, #tpu.memory_space<hbm>>) target_semaphore(%run_scoped3A : memref<!tpu.dma_semaphore, #tpu.memory_space<semaphore_mem>>)
      %dma_wait3A_557 = arith.constant 256 : i32
      %dma_wait3A_558 = tpu.memref_slice %arg13[%dma_wait3A_557] : memref<1536xf32, #tpu.memory_space<vmem>> -> memref<32xf32, #tpu.memory_space<vmem>>
      %dma_wait3A_559 = tpu.memref_slice %arg7[%add3A_394] : memref<49152xf32, #tpu.memory_space<hbm>> -> memref<32xf32, #tpu.memory_space<hbm>>
      %dma_wait3A_560 = tpu.memref_slice %arg7[%add3A_394] : memref<49152xf32, #tpu.memory_space<hbm>> -> memref<32xf32, #tpu.memory_space<hbm>>
      %dma_wait3A_561 = arith.constant 256 : i32
      %dma_wait3A_562 = tpu.memref_slice %arg13[%dma_wait3A_561] : memref<1536xf32, #tpu.memory_space<vmem>> -> memref<32xf32, #tpu.memory_space<vmem>>
      tpu.wait_dma2 semaphore(%run_scoped3A : memref<!tpu.dma_semaphore, #tpu.memory_space<semaphore_mem>>) src(%dma_wait3A_562 : memref<32xf32, #tpu.memory_space<vmem>>) dst(%dma_wait3A_560 : memref<32xf32, #tpu.memory_space<hbm>>)
      tpu.yield
    }) : () -> ()
    %mul3A_395 = arith.constant 32 : i32
    %mul3A_396 = arith.muli %add3A, %mul3A_395 : i32
    %add3A_397 = arith.constant 9216 : i32
    %add3A_398 = arith.addi %add3A_397, %mul3A_396 : i32
    "tpu.region"() ({
      %run_scoped3A = tpu.sem_alloc : memref<!tpu.dma_semaphore, #tpu.memory_space<semaphore_mem>>
      %dma_start3A_551 = arith.constant 288 : i32
      %dma_start3A_552 = tpu.memref_slice %arg12[%dma_start3A_551] : memref<1536xf32, #tpu.memory_space<vmem>> -> memref<32xf32, #tpu.memory_space<vmem>>
      %dma_start3A_553 = tpu.memref_slice %arg6[%add3A_398] : memref<49152xf32, #tpu.memory_space<hbm>> -> memref<32xf32, #tpu.memory_space<hbm>>
      %dma_start3A_554 = tpu.memref_slice %arg6[%add3A_398] : memref<49152xf32, #tpu.memory_space<hbm>> -> memref<32xf32, #tpu.memory_space<hbm>>
      %dma_start3A_555 = arith.constant 288 : i32
      %dma_start3A_556 = tpu.memref_slice %arg12[%dma_start3A_555] : memref<1536xf32, #tpu.memory_space<vmem>> -> memref<32xf32, #tpu.memory_space<vmem>>
      tpu.enqueue_dma source(%dma_start3A_556 : memref<32xf32, #tpu.memory_space<vmem>>) target(%dma_start3A_554 : memref<32xf32, #tpu.memory_space<hbm>>) target_semaphore(%run_scoped3A : memref<!tpu.dma_semaphore, #tpu.memory_space<semaphore_mem>>)
      %dma_wait3A_557 = arith.constant 288 : i32
      %dma_wait3A_558 = tpu.memref_slice %arg12[%dma_wait3A_557] : memref<1536xf32, #tpu.memory_space<vmem>> -> memref<32xf32, #tpu.memory_space<vmem>>
      %dma_wait3A_559 = tpu.memref_slice %arg6[%add3A_398] : memref<49152xf32, #tpu.memory_space<hbm>> -> memref<32xf32, #tpu.memory_space<hbm>>
      %dma_wait3A_560 = tpu.memref_slice %arg6[%add3A_398] : memref<49152xf32, #tpu.memory_space<hbm>> -> memref<32xf32, #tpu.memory_space<hbm>>
      %dma_wait3A_561 = arith.constant 288 : i32
      %dma_wait3A_562 = tpu.memref_slice %arg12[%dma_wait3A_561] : memref<1536xf32, #tpu.memory_space<vmem>> -> memref<32xf32, #tpu.memory_space<vmem>>
      tpu.wait_dma2 semaphore(%run_scoped3A : memref<!tpu.dma_semaphore, #tpu.memory_space<semaphore_mem>>) src(%dma_wait3A_562 : memref<32xf32, #tpu.memory_space<vmem>>) dst(%dma_wait3A_560 : memref<32xf32, #tpu.memory_space<hbm>>)
      tpu.yield
    }) : () -> ()
    "tpu.region"() ({
      %run_scoped3A = tpu.sem_alloc : memref<!tpu.dma_semaphore, #tpu.memory_space<semaphore_mem>>
      %dma_start3A_551 = arith.constant 288 : i32
      %dma_start3A_552 = tpu.memref_slice %arg13[%dma_start3A_551] : memref<1536xf32, #tpu.memory_space<vmem>> -> memref<32xf32, #tpu.memory_space<vmem>>
      %dma_start3A_553 = tpu.memref_slice %arg7[%add3A_398] : memref<49152xf32, #tpu.memory_space<hbm>> -> memref<32xf32, #tpu.memory_space<hbm>>
      %dma_start3A_554 = tpu.memref_slice %arg7[%add3A_398] : memref<49152xf32, #tpu.memory_space<hbm>> -> memref<32xf32, #tpu.memory_space<hbm>>
      %dma_start3A_555 = arith.constant 288 : i32
      %dma_start3A_556 = tpu.memref_slice %arg13[%dma_start3A_555] : memref<1536xf32, #tpu.memory_space<vmem>> -> memref<32xf32, #tpu.memory_space<vmem>>
      tpu.enqueue_dma source(%dma_start3A_556 : memref<32xf32, #tpu.memory_space<vmem>>) target(%dma_start3A_554 : memref<32xf32, #tpu.memory_space<hbm>>) target_semaphore(%run_scoped3A : memref<!tpu.dma_semaphore, #tpu.memory_space<semaphore_mem>>)
      %dma_wait3A_557 = arith.constant 288 : i32
      %dma_wait3A_558 = tpu.memref_slice %arg13[%dma_wait3A_557] : memref<1536xf32, #tpu.memory_space<vmem>> -> memref<32xf32, #tpu.memory_space<vmem>>
      %dma_wait3A_559 = tpu.memref_slice %arg7[%add3A_398] : memref<49152xf32, #tpu.memory_space<hbm>> -> memref<32xf32, #tpu.memory_space<hbm>>
      %dma_wait3A_560 = tpu.memref_slice %arg7[%add3A_398] : memref<49152xf32, #tpu.memory_space<hbm>> -> memref<32xf32, #tpu.memory_space<hbm>>
      %dma_wait3A_561 = arith.constant 288 : i32
      %dma_wait3A_562 = tpu.memref_slice %arg13[%dma_wait3A_561] : memref<1536xf32, #tpu.memory_space<vmem>> -> memref<32xf32, #tpu.memory_space<vmem>>
      tpu.wait_dma2 semaphore(%run_scoped3A : memref<!tpu.dma_semaphore, #tpu.memory_space<semaphore_mem>>) src(%dma_wait3A_562 : memref<32xf32, #tpu.memory_space<vmem>>) dst(%dma_wait3A_560 : memref<32xf32, #tpu.memory_space<hbm>>)
      tpu.yield
    }) : () -> ()
    %mul3A_399 = arith.constant 32 : i32
    %mul3A_400 = arith.muli %add3A, %mul3A_399 : i32
    %add3A_401 = arith.constant 10240 : i32
    %add3A_402 = arith.addi %add3A_401, %mul3A_400 : i32
    "tpu.region"() ({
      %run_scoped3A = tpu.sem_alloc : memref<!tpu.dma_semaphore, #tpu.memory_space<semaphore_mem>>
      %dma_start3A_551 = arith.constant 320 : i32
      %dma_start3A_552 = tpu.memref_slice %arg12[%dma_start3A_551] : memref<1536xf32, #tpu.memory_space<vmem>> -> memref<32xf32, #tpu.memory_space<vmem>>
      %dma_start3A_553 = tpu.memref_slice %arg6[%add3A_402] : memref<49152xf32, #tpu.memory_space<hbm>> -> memref<32xf32, #tpu.memory_space<hbm>>
      %dma_start3A_554 = tpu.memref_slice %arg6[%add3A_402] : memref<49152xf32, #tpu.memory_space<hbm>> -> memref<32xf32, #tpu.memory_space<hbm>>
      %dma_start3A_555 = arith.constant 320 : i32
      %dma_start3A_556 = tpu.memref_slice %arg12[%dma_start3A_555] : memref<1536xf32, #tpu.memory_space<vmem>> -> memref<32xf32, #tpu.memory_space<vmem>>
      tpu.enqueue_dma source(%dma_start3A_556 : memref<32xf32, #tpu.memory_space<vmem>>) target(%dma_start3A_554 : memref<32xf32, #tpu.memory_space<hbm>>) target_semaphore(%run_scoped3A : memref<!tpu.dma_semaphore, #tpu.memory_space<semaphore_mem>>)
      %dma_wait3A_557 = arith.constant 320 : i32
      %dma_wait3A_558 = tpu.memref_slice %arg12[%dma_wait3A_557] : memref<1536xf32, #tpu.memory_space<vmem>> -> memref<32xf32, #tpu.memory_space<vmem>>
      %dma_wait3A_559 = tpu.memref_slice %arg6[%add3A_402] : memref<49152xf32, #tpu.memory_space<hbm>> -> memref<32xf32, #tpu.memory_space<hbm>>
      %dma_wait3A_560 = tpu.memref_slice %arg6[%add3A_402] : memref<49152xf32, #tpu.memory_space<hbm>> -> memref<32xf32, #tpu.memory_space<hbm>>
      %dma_wait3A_561 = arith.constant 320 : i32
      %dma_wait3A_562 = tpu.memref_slice %arg12[%dma_wait3A_561] : memref<1536xf32, #tpu.memory_space<vmem>> -> memref<32xf32, #tpu.memory_space<vmem>>
      tpu.wait_dma2 semaphore(%run_scoped3A : memref<!tpu.dma_semaphore, #tpu.memory_space<semaphore_mem>>) src(%dma_wait3A_562 : memref<32xf32, #tpu.memory_space<vmem>>) dst(%dma_wait3A_560 : memref<32xf32, #tpu.memory_space<hbm>>)
      tpu.yield
    }) : () -> ()
    "tpu.region"() ({
      %run_scoped3A = tpu.sem_alloc : memref<!tpu.dma_semaphore, #tpu.memory_space<semaphore_mem>>
      %dma_start3A_551 = arith.constant 320 : i32
      %dma_start3A_552 = tpu.memref_slice %arg13[%dma_start3A_551] : memref<1536xf32, #tpu.memory_space<vmem>> -> memref<32xf32, #tpu.memory_space<vmem>>
      %dma_start3A_553 = tpu.memref_slice %arg7[%add3A_402] : memref<49152xf32, #tpu.memory_space<hbm>> -> memref<32xf32, #tpu.memory_space<hbm>>
      %dma_start3A_554 = tpu.memref_slice %arg7[%add3A_402] : memref<49152xf32, #tpu.memory_space<hbm>> -> memref<32xf32, #tpu.memory_space<hbm>>
      %dma_start3A_555 = arith.constant 320 : i32
      %dma_start3A_556 = tpu.memref_slice %arg13[%dma_start3A_555] : memref<1536xf32, #tpu.memory_space<vmem>> -> memref<32xf32, #tpu.memory_space<vmem>>
      tpu.enqueue_dma source(%dma_start3A_556 : memref<32xf32, #tpu.memory_space<vmem>>) target(%dma_start3A_554 : memref<32xf32, #tpu.memory_space<hbm>>) target_semaphore(%run_scoped3A : memref<!tpu.dma_semaphore, #tpu.memory_space<semaphore_mem>>)
      %dma_wait3A_557 = arith.constant 320 : i32
      %dma_wait3A_558 = tpu.memref_slice %arg13[%dma_wait3A_557] : memref<1536xf32, #tpu.memory_space<vmem>> -> memref<32xf32, #tpu.memory_space<vmem>>
      %dma_wait3A_559 = tpu.memref_slice %arg7[%add3A_402] : memref<49152xf32, #tpu.memory_space<hbm>> -> memref<32xf32, #tpu.memory_space<hbm>>
      %dma_wait3A_560 = tpu.memref_slice %arg7[%add3A_402] : memref<49152xf32, #tpu.memory_space<hbm>> -> memref<32xf32, #tpu.memory_space<hbm>>
      %dma_wait3A_561 = arith.constant 320 : i32
      %dma_wait3A_562 = tpu.memref_slice %arg13[%dma_wait3A_561] : memref<1536xf32, #tpu.memory_space<vmem>> -> memref<32xf32, #tpu.memory_space<vmem>>
      tpu.wait_dma2 semaphore(%run_scoped3A : memref<!tpu.dma_semaphore, #tpu.memory_space<semaphore_mem>>) src(%dma_wait3A_562 : memref<32xf32, #tpu.memory_space<vmem>>) dst(%dma_wait3A_560 : memref<32xf32, #tpu.memory_space<hbm>>)
      tpu.yield
    }) : () -> ()
    %mul3A_403 = arith.constant 32 : i32
    %mul3A_404 = arith.muli %add3A, %mul3A_403 : i32
    %add3A_405 = arith.constant 11264 : i32
    %add3A_406 = arith.addi %add3A_405, %mul3A_404 : i32
    "tpu.region"() ({
      %run_scoped3A = tpu.sem_alloc : memref<!tpu.dma_semaphore, #tpu.memory_space<semaphore_mem>>
      %dma_start3A_551 = arith.constant 352 : i32
      %dma_start3A_552 = tpu.memref_slice %arg12[%dma_start3A_551] : memref<1536xf32, #tpu.memory_space<vmem>> -> memref<32xf32, #tpu.memory_space<vmem>>
      %dma_start3A_553 = tpu.memref_slice %arg6[%add3A_406] : memref<49152xf32, #tpu.memory_space<hbm>> -> memref<32xf32, #tpu.memory_space<hbm>>
      %dma_start3A_554 = tpu.memref_slice %arg6[%add3A_406] : memref<49152xf32, #tpu.memory_space<hbm>> -> memref<32xf32, #tpu.memory_space<hbm>>
      %dma_start3A_555 = arith.constant 352 : i32
      %dma_start3A_556 = tpu.memref_slice %arg12[%dma_start3A_555] : memref<1536xf32, #tpu.memory_space<vmem>> -> memref<32xf32, #tpu.memory_space<vmem>>
      tpu.enqueue_dma source(%dma_start3A_556 : memref<32xf32, #tpu.memory_space<vmem>>) target(%dma_start3A_554 : memref<32xf32, #tpu.memory_space<hbm>>) target_semaphore(%run_scoped3A : memref<!tpu.dma_semaphore, #tpu.memory_space<semaphore_mem>>)
      %dma_wait3A_557 = arith.constant 352 : i32
      %dma_wait3A_558 = tpu.memref_slice %arg12[%dma_wait3A_557] : memref<1536xf32, #tpu.memory_space<vmem>> -> memref<32xf32, #tpu.memory_space<vmem>>
      %dma_wait3A_559 = tpu.memref_slice %arg6[%add3A_406] : memref<49152xf32, #tpu.memory_space<hbm>> -> memref<32xf32, #tpu.memory_space<hbm>>
      %dma_wait3A_560 = tpu.memref_slice %arg6[%add3A_406] : memref<49152xf32, #tpu.memory_space<hbm>> -> memref<32xf32, #tpu.memory_space<hbm>>
      %dma_wait3A_561 = arith.constant 352 : i32
      %dma_wait3A_562 = tpu.memref_slice %arg12[%dma_wait3A_561] : memref<1536xf32, #tpu.memory_space<vmem>> -> memref<32xf32, #tpu.memory_space<vmem>>
      tpu.wait_dma2 semaphore(%run_scoped3A : memref<!tpu.dma_semaphore, #tpu.memory_space<semaphore_mem>>) src(%dma_wait3A_562 : memref<32xf32, #tpu.memory_space<vmem>>) dst(%dma_wait3A_560 : memref<32xf32, #tpu.memory_space<hbm>>)
      tpu.yield
    }) : () -> ()
    "tpu.region"() ({
      %run_scoped3A = tpu.sem_alloc : memref<!tpu.dma_semaphore, #tpu.memory_space<semaphore_mem>>
      %dma_start3A_551 = arith.constant 352 : i32
      %dma_start3A_552 = tpu.memref_slice %arg13[%dma_start3A_551] : memref<1536xf32, #tpu.memory_space<vmem>> -> memref<32xf32, #tpu.memory_space<vmem>>
      %dma_start3A_553 = tpu.memref_slice %arg7[%add3A_406] : memref<49152xf32, #tpu.memory_space<hbm>> -> memref<32xf32, #tpu.memory_space<hbm>>
      %dma_start3A_554 = tpu.memref_slice %arg7[%add3A_406] : memref<49152xf32, #tpu.memory_space<hbm>> -> memref<32xf32, #tpu.memory_space<hbm>>
      %dma_start3A_555 = arith.constant 352 : i32
      %dma_start3A_556 = tpu.memref_slice %arg13[%dma_start3A_555] : memref<1536xf32, #tpu.memory_space<vmem>> -> memref<32xf32, #tpu.memory_space<vmem>>
      tpu.enqueue_dma source(%dma_start3A_556 : memref<32xf32, #tpu.memory_space<vmem>>) target(%dma_start3A_554 : memref<32xf32, #tpu.memory_space<hbm>>) target_semaphore(%run_scoped3A : memref<!tpu.dma_semaphore, #tpu.memory_space<semaphore_mem>>)
      %dma_wait3A_557 = arith.constant 352 : i32
      %dma_wait3A_558 = tpu.memref_slice %arg13[%dma_wait3A_557] : memref<1536xf32, #tpu.memory_space<vmem>> -> memref<32xf32, #tpu.memory_space<vmem>>
      %dma_wait3A_559 = tpu.memref_slice %arg7[%add3A_406] : memref<49152xf32, #tpu.memory_space<hbm>> -> memref<32xf32, #tpu.memory_space<hbm>>
      %dma_wait3A_560 = tpu.memref_slice %arg7[%add3A_406] : memref<49152xf32, #tpu.memory_space<hbm>> -> memref<32xf32, #tpu.memory_space<hbm>>
      %dma_wait3A_561 = arith.constant 352 : i32
      %dma_wait3A_562 = tpu.memref_slice %arg13[%dma_wait3A_561] : memref<1536xf32, #tpu.memory_space<vmem>> -> memref<32xf32, #tpu.memory_space<vmem>>
      tpu.wait_dma2 semaphore(%run_scoped3A : memref<!tpu.dma_semaphore, #tpu.memory_space<semaphore_mem>>) src(%dma_wait3A_562 : memref<32xf32, #tpu.memory_space<vmem>>) dst(%dma_wait3A_560 : memref<32xf32, #tpu.memory_space<hbm>>)
      tpu.yield
    }) : () -> ()
    %mul3A_407 = arith.constant 32 : i32
    %mul3A_408 = arith.muli %add3A, %mul3A_407 : i32
    %add3A_409 = arith.constant 12288 : i32
    %add3A_410 = arith.addi %add3A_409, %mul3A_408 : i32
    "tpu.region"() ({
      %run_scoped3A = tpu.sem_alloc : memref<!tpu.dma_semaphore, #tpu.memory_space<semaphore_mem>>
      %dma_start3A_551 = arith.constant 384 : i32
      %dma_start3A_552 = tpu.memref_slice %arg12[%dma_start3A_551] : memref<1536xf32, #tpu.memory_space<vmem>> -> memref<32xf32, #tpu.memory_space<vmem>>
      %dma_start3A_553 = tpu.memref_slice %arg6[%add3A_410] : memref<49152xf32, #tpu.memory_space<hbm>> -> memref<32xf32, #tpu.memory_space<hbm>>
      %dma_start3A_554 = tpu.memref_slice %arg6[%add3A_410] : memref<49152xf32, #tpu.memory_space<hbm>> -> memref<32xf32, #tpu.memory_space<hbm>>
      %dma_start3A_555 = arith.constant 384 : i32
      %dma_start3A_556 = tpu.memref_slice %arg12[%dma_start3A_555] : memref<1536xf32, #tpu.memory_space<vmem>> -> memref<32xf32, #tpu.memory_space<vmem>>
      tpu.enqueue_dma source(%dma_start3A_556 : memref<32xf32, #tpu.memory_space<vmem>>) target(%dma_start3A_554 : memref<32xf32, #tpu.memory_space<hbm>>) target_semaphore(%run_scoped3A : memref<!tpu.dma_semaphore, #tpu.memory_space<semaphore_mem>>)
      %dma_wait3A_557 = arith.constant 384 : i32
      %dma_wait3A_558 = tpu.memref_slice %arg12[%dma_wait3A_557] : memref<1536xf32, #tpu.memory_space<vmem>> -> memref<32xf32, #tpu.memory_space<vmem>>
      %dma_wait3A_559 = tpu.memref_slice %arg6[%add3A_410] : memref<49152xf32, #tpu.memory_space<hbm>> -> memref<32xf32, #tpu.memory_space<hbm>>
      %dma_wait3A_560 = tpu.memref_slice %arg6[%add3A_410] : memref<49152xf32, #tpu.memory_space<hbm>> -> memref<32xf32, #tpu.memory_space<hbm>>
      %dma_wait3A_561 = arith.constant 384 : i32
      %dma_wait3A_562 = tpu.memref_slice %arg12[%dma_wait3A_561] : memref<1536xf32, #tpu.memory_space<vmem>> -> memref<32xf32, #tpu.memory_space<vmem>>
      tpu.wait_dma2 semaphore(%run_scoped3A : memref<!tpu.dma_semaphore, #tpu.memory_space<semaphore_mem>>) src(%dma_wait3A_562 : memref<32xf32, #tpu.memory_space<vmem>>) dst(%dma_wait3A_560 : memref<32xf32, #tpu.memory_space<hbm>>)
      tpu.yield
    }) : () -> ()
    "tpu.region"() ({
      %run_scoped3A = tpu.sem_alloc : memref<!tpu.dma_semaphore, #tpu.memory_space<semaphore_mem>>
      %dma_start3A_551 = arith.constant 384 : i32
      %dma_start3A_552 = tpu.memref_slice %arg13[%dma_start3A_551] : memref<1536xf32, #tpu.memory_space<vmem>> -> memref<32xf32, #tpu.memory_space<vmem>>
      %dma_start3A_553 = tpu.memref_slice %arg7[%add3A_410] : memref<49152xf32, #tpu.memory_space<hbm>> -> memref<32xf32, #tpu.memory_space<hbm>>
      %dma_start3A_554 = tpu.memref_slice %arg7[%add3A_410] : memref<49152xf32, #tpu.memory_space<hbm>> -> memref<32xf32, #tpu.memory_space<hbm>>
      %dma_start3A_555 = arith.constant 384 : i32
      %dma_start3A_556 = tpu.memref_slice %arg13[%dma_start3A_555] : memref<1536xf32, #tpu.memory_space<vmem>> -> memref<32xf32, #tpu.memory_space<vmem>>
      tpu.enqueue_dma source(%dma_start3A_556 : memref<32xf32, #tpu.memory_space<vmem>>) target(%dma_start3A_554 : memref<32xf32, #tpu.memory_space<hbm>>) target_semaphore(%run_scoped3A : memref<!tpu.dma_semaphore, #tpu.memory_space<semaphore_mem>>)
      %dma_wait3A_557 = arith.constant 384 : i32
      %dma_wait3A_558 = tpu.memref_slice %arg13[%dma_wait3A_557] : memref<1536xf32, #tpu.memory_space<vmem>> -> memref<32xf32, #tpu.memory_space<vmem>>
      %dma_wait3A_559 = tpu.memref_slice %arg7[%add3A_410] : memref<49152xf32, #tpu.memory_space<hbm>> -> memref<32xf32, #tpu.memory_space<hbm>>
      %dma_wait3A_560 = tpu.memref_slice %arg7[%add3A_410] : memref<49152xf32, #tpu.memory_space<hbm>> -> memref<32xf32, #tpu.memory_space<hbm>>
      %dma_wait3A_561 = arith.constant 384 : i32
      %dma_wait3A_562 = tpu.memref_slice %arg13[%dma_wait3A_561] : memref<1536xf32, #tpu.memory_space<vmem>> -> memref<32xf32, #tpu.memory_space<vmem>>
      tpu.wait_dma2 semaphore(%run_scoped3A : memref<!tpu.dma_semaphore, #tpu.memory_space<semaphore_mem>>) src(%dma_wait3A_562 : memref<32xf32, #tpu.memory_space<vmem>>) dst(%dma_wait3A_560 : memref<32xf32, #tpu.memory_space<hbm>>)
      tpu.yield
    }) : () -> ()
    %mul3A_411 = arith.constant 32 : i32
    %mul3A_412 = arith.muli %add3A, %mul3A_411 : i32
    %add3A_413 = arith.constant 13312 : i32
    %add3A_414 = arith.addi %add3A_413, %mul3A_412 : i32
    "tpu.region"() ({
      %run_scoped3A = tpu.sem_alloc : memref<!tpu.dma_semaphore, #tpu.memory_space<semaphore_mem>>
      %dma_start3A_551 = arith.constant 416 : i32
      %dma_start3A_552 = tpu.memref_slice %arg12[%dma_start3A_551] : memref<1536xf32, #tpu.memory_space<vmem>> -> memref<32xf32, #tpu.memory_space<vmem>>
      %dma_start3A_553 = tpu.memref_slice %arg6[%add3A_414] : memref<49152xf32, #tpu.memory_space<hbm>> -> memref<32xf32, #tpu.memory_space<hbm>>
      %dma_start3A_554 = tpu.memref_slice %arg6[%add3A_414] : memref<49152xf32, #tpu.memory_space<hbm>> -> memref<32xf32, #tpu.memory_space<hbm>>
      %dma_start3A_555 = arith.constant 416 : i32
      %dma_start3A_556 = tpu.memref_slice %arg12[%dma_start3A_555] : memref<1536xf32, #tpu.memory_space<vmem>> -> memref<32xf32, #tpu.memory_space<vmem>>
      tpu.enqueue_dma source(%dma_start3A_556 : memref<32xf32, #tpu.memory_space<vmem>>) target(%dma_start3A_554 : memref<32xf32, #tpu.memory_space<hbm>>) target_semaphore(%run_scoped3A : memref<!tpu.dma_semaphore, #tpu.memory_space<semaphore_mem>>)
      %dma_wait3A_557 = arith.constant 416 : i32
      %dma_wait3A_558 = tpu.memref_slice %arg12[%dma_wait3A_557] : memref<1536xf32, #tpu.memory_space<vmem>> -> memref<32xf32, #tpu.memory_space<vmem>>
      %dma_wait3A_559 = tpu.memref_slice %arg6[%add3A_414] : memref<49152xf32, #tpu.memory_space<hbm>> -> memref<32xf32, #tpu.memory_space<hbm>>
      %dma_wait3A_560 = tpu.memref_slice %arg6[%add3A_414] : memref<49152xf32, #tpu.memory_space<hbm>> -> memref<32xf32, #tpu.memory_space<hbm>>
      %dma_wait3A_561 = arith.constant 416 : i32
      %dma_wait3A_562 = tpu.memref_slice %arg12[%dma_wait3A_561] : memref<1536xf32, #tpu.memory_space<vmem>> -> memref<32xf32, #tpu.memory_space<vmem>>
      tpu.wait_dma2 semaphore(%run_scoped3A : memref<!tpu.dma_semaphore, #tpu.memory_space<semaphore_mem>>) src(%dma_wait3A_562 : memref<32xf32, #tpu.memory_space<vmem>>) dst(%dma_wait3A_560 : memref<32xf32, #tpu.memory_space<hbm>>)
      tpu.yield
    }) : () -> ()
    "tpu.region"() ({
      %run_scoped3A = tpu.sem_alloc : memref<!tpu.dma_semaphore, #tpu.memory_space<semaphore_mem>>
      %dma_start3A_551 = arith.constant 416 : i32
      %dma_start3A_552 = tpu.memref_slice %arg13[%dma_start3A_551] : memref<1536xf32, #tpu.memory_space<vmem>> -> memref<32xf32, #tpu.memory_space<vmem>>
      %dma_start3A_553 = tpu.memref_slice %arg7[%add3A_414] : memref<49152xf32, #tpu.memory_space<hbm>> -> memref<32xf32, #tpu.memory_space<hbm>>
      %dma_start3A_554 = tpu.memref_slice %arg7[%add3A_414] : memref<49152xf32, #tpu.memory_space<hbm>> -> memref<32xf32, #tpu.memory_space<hbm>>
      %dma_start3A_555 = arith.constant 416 : i32
      %dma_start3A_556 = tpu.memref_slice %arg13[%dma_start3A_555] : memref<1536xf32, #tpu.memory_space<vmem>> -> memref<32xf32, #tpu.memory_space<vmem>>
      tpu.enqueue_dma source(%dma_start3A_556 : memref<32xf32, #tpu.memory_space<vmem>>) target(%dma_start3A_554 : memref<32xf32, #tpu.memory_space<hbm>>) target_semaphore(%run_scoped3A : memref<!tpu.dma_semaphore, #tpu.memory_space<semaphore_mem>>)
      %dma_wait3A_557 = arith.constant 416 : i32
      %dma_wait3A_558 = tpu.memref_slice %arg13[%dma_wait3A_557] : memref<1536xf32, #tpu.memory_space<vmem>> -> memref<32xf32, #tpu.memory_space<vmem>>
      %dma_wait3A_559 = tpu.memref_slice %arg7[%add3A_414] : memref<49152xf32, #tpu.memory_space<hbm>> -> memref<32xf32, #tpu.memory_space<hbm>>
      %dma_wait3A_560 = tpu.memref_slice %arg7[%add3A_414] : memref<49152xf32, #tpu.memory_space<hbm>> -> memref<32xf32, #tpu.memory_space<hbm>>
      %dma_wait3A_561 = arith.constant 416 : i32
      %dma_wait3A_562 = tpu.memref_slice %arg13[%dma_wait3A_561] : memref<1536xf32, #tpu.memory_space<vmem>> -> memref<32xf32, #tpu.memory_space<vmem>>
      tpu.wait_dma2 semaphore(%run_scoped3A : memref<!tpu.dma_semaphore, #tpu.memory_space<semaphore_mem>>) src(%dma_wait3A_562 : memref<32xf32, #tpu.memory_space<vmem>>) dst(%dma_wait3A_560 : memref<32xf32, #tpu.memory_space<hbm>>)
      tpu.yield
    }) : () -> ()
    %mul3A_415 = arith.constant 32 : i32
    %mul3A_416 = arith.muli %add3A, %mul3A_415 : i32
    %add3A_417 = arith.constant 14336 : i32
    %add3A_418 = arith.addi %add3A_417, %mul3A_416 : i32
    "tpu.region"() ({
      %run_scoped3A = tpu.sem_alloc : memref<!tpu.dma_semaphore, #tpu.memory_space<semaphore_mem>>
      %dma_start3A_551 = arith.constant 448 : i32
      %dma_start3A_552 = tpu.memref_slice %arg12[%dma_start3A_551] : memref<1536xf32, #tpu.memory_space<vmem>> -> memref<32xf32, #tpu.memory_space<vmem>>
      %dma_start3A_553 = tpu.memref_slice %arg6[%add3A_418] : memref<49152xf32, #tpu.memory_space<hbm>> -> memref<32xf32, #tpu.memory_space<hbm>>
      %dma_start3A_554 = tpu.memref_slice %arg6[%add3A_418] : memref<49152xf32, #tpu.memory_space<hbm>> -> memref<32xf32, #tpu.memory_space<hbm>>
      %dma_start3A_555 = arith.constant 448 : i32
      %dma_start3A_556 = tpu.memref_slice %arg12[%dma_start3A_555] : memref<1536xf32, #tpu.memory_space<vmem>> -> memref<32xf32, #tpu.memory_space<vmem>>
      tpu.enqueue_dma source(%dma_start3A_556 : memref<32xf32, #tpu.memory_space<vmem>>) target(%dma_start3A_554 : memref<32xf32, #tpu.memory_space<hbm>>) target_semaphore(%run_scoped3A : memref<!tpu.dma_semaphore, #tpu.memory_space<semaphore_mem>>)
      %dma_wait3A_557 = arith.constant 448 : i32
      %dma_wait3A_558 = tpu.memref_slice %arg12[%dma_wait3A_557] : memref<1536xf32, #tpu.memory_space<vmem>> -> memref<32xf32, #tpu.memory_space<vmem>>
      %dma_wait3A_559 = tpu.memref_slice %arg6[%add3A_418] : memref<49152xf32, #tpu.memory_space<hbm>> -> memref<32xf32, #tpu.memory_space<hbm>>
      %dma_wait3A_560 = tpu.memref_slice %arg6[%add3A_418] : memref<49152xf32, #tpu.memory_space<hbm>> -> memref<32xf32, #tpu.memory_space<hbm>>
      %dma_wait3A_561 = arith.constant 448 : i32
      %dma_wait3A_562 = tpu.memref_slice %arg12[%dma_wait3A_561] : memref<1536xf32, #tpu.memory_space<vmem>> -> memref<32xf32, #tpu.memory_space<vmem>>
      tpu.wait_dma2 semaphore(%run_scoped3A : memref<!tpu.dma_semaphore, #tpu.memory_space<semaphore_mem>>) src(%dma_wait3A_562 : memref<32xf32, #tpu.memory_space<vmem>>) dst(%dma_wait3A_560 : memref<32xf32, #tpu.memory_space<hbm>>)
      tpu.yield
    }) : () -> ()
    "tpu.region"() ({
      %run_scoped3A = tpu.sem_alloc : memref<!tpu.dma_semaphore, #tpu.memory_space<semaphore_mem>>
      %dma_start3A_551 = arith.constant 448 : i32
      %dma_start3A_552 = tpu.memref_slice %arg13[%dma_start3A_551] : memref<1536xf32, #tpu.memory_space<vmem>> -> memref<32xf32, #tpu.memory_space<vmem>>
      %dma_start3A_553 = tpu.memref_slice %arg7[%add3A_418] : memref<49152xf32, #tpu.memory_space<hbm>> -> memref<32xf32, #tpu.memory_space<hbm>>
      %dma_start3A_554 = tpu.memref_slice %arg7[%add3A_418] : memref<49152xf32, #tpu.memory_space<hbm>> -> memref<32xf32, #tpu.memory_space<hbm>>
      %dma_start3A_555 = arith.constant 448 : i32
      %dma_start3A_556 = tpu.memref_slice %arg13[%dma_start3A_555] : memref<1536xf32, #tpu.memory_space<vmem>> -> memref<32xf32, #tpu.memory_space<vmem>>
      tpu.enqueue_dma source(%dma_start3A_556 : memref<32xf32, #tpu.memory_space<vmem>>) target(%dma_start3A_554 : memref<32xf32, #tpu.memory_space<hbm>>) target_semaphore(%run_scoped3A : memref<!tpu.dma_semaphore, #tpu.memory_space<semaphore_mem>>)
      %dma_wait3A_557 = arith.constant 448 : i32
      %dma_wait3A_558 = tpu.memref_slice %arg13[%dma_wait3A_557] : memref<1536xf32, #tpu.memory_space<vmem>> -> memref<32xf32, #tpu.memory_space<vmem>>
      %dma_wait3A_559 = tpu.memref_slice %arg7[%add3A_418] : memref<49152xf32, #tpu.memory_space<hbm>> -> memref<32xf32, #tpu.memory_space<hbm>>
      %dma_wait3A_560 = tpu.memref_slice %arg7[%add3A_418] : memref<49152xf32, #tpu.memory_space<hbm>> -> memref<32xf32, #tpu.memory_space<hbm>>
      %dma_wait3A_561 = arith.constant 448 : i32
      %dma_wait3A_562 = tpu.memref_slice %arg13[%dma_wait3A_561] : memref<1536xf32, #tpu.memory_space<vmem>> -> memref<32xf32, #tpu.memory_space<vmem>>
      tpu.wait_dma2 semaphore(%run_scoped3A : memref<!tpu.dma_semaphore, #tpu.memory_space<semaphore_mem>>) src(%dma_wait3A_562 : memref<32xf32, #tpu.memory_space<vmem>>) dst(%dma_wait3A_560 : memref<32xf32, #tpu.memory_space<hbm>>)
      tpu.yield
    }) : () -> ()
    %mul3A_419 = arith.constant 32 : i32
    %mul3A_420 = arith.muli %add3A, %mul3A_419 : i32
    %add3A_421 = arith.constant 15360 : i32
    %add3A_422 = arith.addi %add3A_421, %mul3A_420 : i32
    "tpu.region"() ({
      %run_scoped3A = tpu.sem_alloc : memref<!tpu.dma_semaphore, #tpu.memory_space<semaphore_mem>>
      %dma_start3A_551 = arith.constant 480 : i32
      %dma_start3A_552 = tpu.memref_slice %arg12[%dma_start3A_551] : memref<1536xf32, #tpu.memory_space<vmem>> -> memref<32xf32, #tpu.memory_space<vmem>>
      %dma_start3A_553 = tpu.memref_slice %arg6[%add3A_422] : memref<49152xf32, #tpu.memory_space<hbm>> -> memref<32xf32, #tpu.memory_space<hbm>>
      %dma_start3A_554 = tpu.memref_slice %arg6[%add3A_422] : memref<49152xf32, #tpu.memory_space<hbm>> -> memref<32xf32, #tpu.memory_space<hbm>>
      %dma_start3A_555 = arith.constant 480 : i32
      %dma_start3A_556 = tpu.memref_slice %arg12[%dma_start3A_555] : memref<1536xf32, #tpu.memory_space<vmem>> -> memref<32xf32, #tpu.memory_space<vmem>>
      tpu.enqueue_dma source(%dma_start3A_556 : memref<32xf32, #tpu.memory_space<vmem>>) target(%dma_start3A_554 : memref<32xf32, #tpu.memory_space<hbm>>) target_semaphore(%run_scoped3A : memref<!tpu.dma_semaphore, #tpu.memory_space<semaphore_mem>>)
      %dma_wait3A_557 = arith.constant 480 : i32
      %dma_wait3A_558 = tpu.memref_slice %arg12[%dma_wait3A_557] : memref<1536xf32, #tpu.memory_space<vmem>> -> memref<32xf32, #tpu.memory_space<vmem>>
      %dma_wait3A_559 = tpu.memref_slice %arg6[%add3A_422] : memref<49152xf32, #tpu.memory_space<hbm>> -> memref<32xf32, #tpu.memory_space<hbm>>
      %dma_wait3A_560 = tpu.memref_slice %arg6[%add3A_422] : memref<49152xf32, #tpu.memory_space<hbm>> -> memref<32xf32, #tpu.memory_space<hbm>>
      %dma_wait3A_561 = arith.constant 480 : i32
      %dma_wait3A_562 = tpu.memref_slice %arg12[%dma_wait3A_561] : memref<1536xf32, #tpu.memory_space<vmem>> -> memref<32xf32, #tpu.memory_space<vmem>>
      tpu.wait_dma2 semaphore(%run_scoped3A : memref<!tpu.dma_semaphore, #tpu.memory_space<semaphore_mem>>) src(%dma_wait3A_562 : memref<32xf32, #tpu.memory_space<vmem>>) dst(%dma_wait3A_560 : memref<32xf32, #tpu.memory_space<hbm>>)
      tpu.yield
    }) : () -> ()
    "tpu.region"() ({
      %run_scoped3A = tpu.sem_alloc : memref<!tpu.dma_semaphore, #tpu.memory_space<semaphore_mem>>
      %dma_start3A_551 = arith.constant 480 : i32
      %dma_start3A_552 = tpu.memref_slice %arg13[%dma_start3A_551] : memref<1536xf32, #tpu.memory_space<vmem>> -> memref<32xf32, #tpu.memory_space<vmem>>
      %dma_start3A_553 = tpu.memref_slice %arg7[%add3A_422] : memref<49152xf32, #tpu.memory_space<hbm>> -> memref<32xf32, #tpu.memory_space<hbm>>
      %dma_start3A_554 = tpu.memref_slice %arg7[%add3A_422] : memref<49152xf32, #tpu.memory_space<hbm>> -> memref<32xf32, #tpu.memory_space<hbm>>
      %dma_start3A_555 = arith.constant 480 : i32
      %dma_start3A_556 = tpu.memref_slice %arg13[%dma_start3A_555] : memref<1536xf32, #tpu.memory_space<vmem>> -> memref<32xf32, #tpu.memory_space<vmem>>
      tpu.enqueue_dma source(%dma_start3A_556 : memref<32xf32, #tpu.memory_space<vmem>>) target(%dma_start3A_554 : memref<32xf32, #tpu.memory_space<hbm>>) target_semaphore(%run_scoped3A : memref<!tpu.dma_semaphore, #tpu.memory_space<semaphore_mem>>)
      %dma_wait3A_557 = arith.constant 480 : i32
      %dma_wait3A_558 = tpu.memref_slice %arg13[%dma_wait3A_557] : memref<1536xf32, #tpu.memory_space<vmem>> -> memref<32xf32, #tpu.memory_space<vmem>>
      %dma_wait3A_559 = tpu.memref_slice %arg7[%add3A_422] : memref<49152xf32, #tpu.memory_space<hbm>> -> memref<32xf32, #tpu.memory_space<hbm>>
      %dma_wait3A_560 = tpu.memref_slice %arg7[%add3A_422] : memref<49152xf32, #tpu.memory_space<hbm>> -> memref<32xf32, #tpu.memory_space<hbm>>
      %dma_wait3A_561 = arith.constant 480 : i32
      %dma_wait3A_562 = tpu.memref_slice %arg13[%dma_wait3A_561] : memref<1536xf32, #tpu.memory_space<vmem>> -> memref<32xf32, #tpu.memory_space<vmem>>
      tpu.wait_dma2 semaphore(%run_scoped3A : memref<!tpu.dma_semaphore, #tpu.memory_space<semaphore_mem>>) src(%dma_wait3A_562 : memref<32xf32, #tpu.memory_space<vmem>>) dst(%dma_wait3A_560 : memref<32xf32, #tpu.memory_space<hbm>>)
      tpu.yield
    }) : () -> ()
    %mul3A_423 = arith.constant 32 : i32
    %mul3A_424 = arith.muli %add3A, %mul3A_423 : i32
    %add3A_425 = arith.constant 16384 : i32
    %add3A_426 = arith.addi %add3A_425, %mul3A_424 : i32
    "tpu.region"() ({
      %run_scoped3A = tpu.sem_alloc : memref<!tpu.dma_semaphore, #tpu.memory_space<semaphore_mem>>
      %dma_start3A_551 = arith.constant 512 : i32
      %dma_start3A_552 = tpu.memref_slice %arg12[%dma_start3A_551] : memref<1536xf32, #tpu.memory_space<vmem>> -> memref<32xf32, #tpu.memory_space<vmem>>
      %dma_start3A_553 = tpu.memref_slice %arg6[%add3A_426] : memref<49152xf32, #tpu.memory_space<hbm>> -> memref<32xf32, #tpu.memory_space<hbm>>
      %dma_start3A_554 = tpu.memref_slice %arg6[%add3A_426] : memref<49152xf32, #tpu.memory_space<hbm>> -> memref<32xf32, #tpu.memory_space<hbm>>
      %dma_start3A_555 = arith.constant 512 : i32
      %dma_start3A_556 = tpu.memref_slice %arg12[%dma_start3A_555] : memref<1536xf32, #tpu.memory_space<vmem>> -> memref<32xf32, #tpu.memory_space<vmem>>
      tpu.enqueue_dma source(%dma_start3A_556 : memref<32xf32, #tpu.memory_space<vmem>>) target(%dma_start3A_554 : memref<32xf32, #tpu.memory_space<hbm>>) target_semaphore(%run_scoped3A : memref<!tpu.dma_semaphore, #tpu.memory_space<semaphore_mem>>)
      %dma_wait3A_557 = arith.constant 512 : i32
      %dma_wait3A_558 = tpu.memref_slice %arg12[%dma_wait3A_557] : memref<1536xf32, #tpu.memory_space<vmem>> -> memref<32xf32, #tpu.memory_space<vmem>>
      %dma_wait3A_559 = tpu.memref_slice %arg6[%add3A_426] : memref<49152xf32, #tpu.memory_space<hbm>> -> memref<32xf32, #tpu.memory_space<hbm>>
      %dma_wait3A_560 = tpu.memref_slice %arg6[%add3A_426] : memref<49152xf32, #tpu.memory_space<hbm>> -> memref<32xf32, #tpu.memory_space<hbm>>
      %dma_wait3A_561 = arith.constant 512 : i32
      %dma_wait3A_562 = tpu.memref_slice %arg12[%dma_wait3A_561] : memref<1536xf32, #tpu.memory_space<vmem>> -> memref<32xf32, #tpu.memory_space<vmem>>
      tpu.wait_dma2 semaphore(%run_scoped3A : memref<!tpu.dma_semaphore, #tpu.memory_space<semaphore_mem>>) src(%dma_wait3A_562 : memref<32xf32, #tpu.memory_space<vmem>>) dst(%dma_wait3A_560 : memref<32xf32, #tpu.memory_space<hbm>>)
      tpu.yield
    }) : () -> ()
    "tpu.region"() ({
      %run_scoped3A = tpu.sem_alloc : memref<!tpu.dma_semaphore, #tpu.memory_space<semaphore_mem>>
      %dma_start3A_551 = arith.constant 512 : i32
      %dma_start3A_552 = tpu.memref_slice %arg13[%dma_start3A_551] : memref<1536xf32, #tpu.memory_space<vmem>> -> memref<32xf32, #tpu.memory_space<vmem>>
      %dma_start3A_553 = tpu.memref_slice %arg7[%add3A_426] : memref<49152xf32, #tpu.memory_space<hbm>> -> memref<32xf32, #tpu.memory_space<hbm>>
      %dma_start3A_554 = tpu.memref_slice %arg7[%add3A_426] : memref<49152xf32, #tpu.memory_space<hbm>> -> memref<32xf32, #tpu.memory_space<hbm>>
      %dma_start3A_555 = arith.constant 512 : i32
      %dma_start3A_556 = tpu.memref_slice %arg13[%dma_start3A_555] : memref<1536xf32, #tpu.memory_space<vmem>> -> memref<32xf32, #tpu.memory_space<vmem>>
      tpu.enqueue_dma source(%dma_start3A_556 : memref<32xf32, #tpu.memory_space<vmem>>) target(%dma_start3A_554 : memref<32xf32, #tpu.memory_space<hbm>>) target_semaphore(%run_scoped3A : memref<!tpu.dma_semaphore, #tpu.memory_space<semaphore_mem>>)
      %dma_wait3A_557 = arith.constant 512 : i32
      %dma_wait3A_558 = tpu.memref_slice %arg13[%dma_wait3A_557] : memref<1536xf32, #tpu.memory_space<vmem>> -> memref<32xf32, #tpu.memory_space<vmem>>
      %dma_wait3A_559 = tpu.memref_slice %arg7[%add3A_426] : memref<49152xf32, #tpu.memory_space<hbm>> -> memref<32xf32, #tpu.memory_space<hbm>>
      %dma_wait3A_560 = tpu.memref_slice %arg7[%add3A_426] : memref<49152xf32, #tpu.memory_space<hbm>> -> memref<32xf32, #tpu.memory_space<hbm>>
      %dma_wait3A_561 = arith.constant 512 : i32
      %dma_wait3A_562 = tpu.memref_slice %arg13[%dma_wait3A_561] : memref<1536xf32, #tpu.memory_space<vmem>> -> memref<32xf32, #tpu.memory_space<vmem>>
      tpu.wait_dma2 semaphore(%run_scoped3A : memref<!tpu.dma_semaphore, #tpu.memory_space<semaphore_mem>>) src(%dma_wait3A_562 : memref<32xf32, #tpu.memory_space<vmem>>) dst(%dma_wait3A_560 : memref<32xf32, #tpu.memory_space<hbm>>)
      tpu.yield
    }) : () -> ()
    %mul3A_427 = arith.constant 32 : i32
    %mul3A_428 = arith.muli %add3A, %mul3A_427 : i32
    %add3A_429 = arith.constant 17408 : i32
    %add3A_430 = arith.addi %add3A_429, %mul3A_428 : i32
    "tpu.region"() ({
      %run_scoped3A = tpu.sem_alloc : memref<!tpu.dma_semaphore, #tpu.memory_space<semaphore_mem>>
      %dma_start3A_551 = arith.constant 544 : i32
      %dma_start3A_552 = tpu.memref_slice %arg12[%dma_start3A_551] : memref<1536xf32, #tpu.memory_space<vmem>> -> memref<32xf32, #tpu.memory_space<vmem>>
      %dma_start3A_553 = tpu.memref_slice %arg6[%add3A_430] : memref<49152xf32, #tpu.memory_space<hbm>> -> memref<32xf32, #tpu.memory_space<hbm>>
      %dma_start3A_554 = tpu.memref_slice %arg6[%add3A_430] : memref<49152xf32, #tpu.memory_space<hbm>> -> memref<32xf32, #tpu.memory_space<hbm>>
      %dma_start3A_555 = arith.constant 544 : i32
      %dma_start3A_556 = tpu.memref_slice %arg12[%dma_start3A_555] : memref<1536xf32, #tpu.memory_space<vmem>> -> memref<32xf32, #tpu.memory_space<vmem>>
      tpu.enqueue_dma source(%dma_start3A_556 : memref<32xf32, #tpu.memory_space<vmem>>) target(%dma_start3A_554 : memref<32xf32, #tpu.memory_space<hbm>>) target_semaphore(%run_scoped3A : memref<!tpu.dma_semaphore, #tpu.memory_space<semaphore_mem>>)
      %dma_wait3A_557 = arith.constant 544 : i32
      %dma_wait3A_558 = tpu.memref_slice %arg12[%dma_wait3A_557] : memref<1536xf32, #tpu.memory_space<vmem>> -> memref<32xf32, #tpu.memory_space<vmem>>
      %dma_wait3A_559 = tpu.memref_slice %arg6[%add3A_430] : memref<49152xf32, #tpu.memory_space<hbm>> -> memref<32xf32, #tpu.memory_space<hbm>>
      %dma_wait3A_560 = tpu.memref_slice %arg6[%add3A_430] : memref<49152xf32, #tpu.memory_space<hbm>> -> memref<32xf32, #tpu.memory_space<hbm>>
      %dma_wait3A_561 = arith.constant 544 : i32
      %dma_wait3A_562 = tpu.memref_slice %arg12[%dma_wait3A_561] : memref<1536xf32, #tpu.memory_space<vmem>> -> memref<32xf32, #tpu.memory_space<vmem>>
      tpu.wait_dma2 semaphore(%run_scoped3A : memref<!tpu.dma_semaphore, #tpu.memory_space<semaphore_mem>>) src(%dma_wait3A_562 : memref<32xf32, #tpu.memory_space<vmem>>) dst(%dma_wait3A_560 : memref<32xf32, #tpu.memory_space<hbm>>)
      tpu.yield
    }) : () -> ()
    "tpu.region"() ({
      %run_scoped3A = tpu.sem_alloc : memref<!tpu.dma_semaphore, #tpu.memory_space<semaphore_mem>>
      %dma_start3A_551 = arith.constant 544 : i32
      %dma_start3A_552 = tpu.memref_slice %arg13[%dma_start3A_551] : memref<1536xf32, #tpu.memory_space<vmem>> -> memref<32xf32, #tpu.memory_space<vmem>>
      %dma_start3A_553 = tpu.memref_slice %arg7[%add3A_430] : memref<49152xf32, #tpu.memory_space<hbm>> -> memref<32xf32, #tpu.memory_space<hbm>>
      %dma_start3A_554 = tpu.memref_slice %arg7[%add3A_430] : memref<49152xf32, #tpu.memory_space<hbm>> -> memref<32xf32, #tpu.memory_space<hbm>>
      %dma_start3A_555 = arith.constant 544 : i32
      %dma_start3A_556 = tpu.memref_slice %arg13[%dma_start3A_555] : memref<1536xf32, #tpu.memory_space<vmem>> -> memref<32xf32, #tpu.memory_space<vmem>>
      tpu.enqueue_dma source(%dma_start3A_556 : memref<32xf32, #tpu.memory_space<vmem>>) target(%dma_start3A_554 : memref<32xf32, #tpu.memory_space<hbm>>) target_semaphore(%run_scoped3A : memref<!tpu.dma_semaphore, #tpu.memory_space<semaphore_mem>>)
      %dma_wait3A_557 = arith.constant 544 : i32
      %dma_wait3A_558 = tpu.memref_slice %arg13[%dma_wait3A_557] : memref<1536xf32, #tpu.memory_space<vmem>> -> memref<32xf32, #tpu.memory_space<vmem>>
      %dma_wait3A_559 = tpu.memref_slice %arg7[%add3A_430] : memref<49152xf32, #tpu.memory_space<hbm>> -> memref<32xf32, #tpu.memory_space<hbm>>
      %dma_wait3A_560 = tpu.memref_slice %arg7[%add3A_430] : memref<49152xf32, #tpu.memory_space<hbm>> -> memref<32xf32, #tpu.memory_space<hbm>>
      %dma_wait3A_561 = arith.constant 544 : i32
      %dma_wait3A_562 = tpu.memref_slice %arg13[%dma_wait3A_561] : memref<1536xf32, #tpu.memory_space<vmem>> -> memref<32xf32, #tpu.memory_space<vmem>>
      tpu.wait_dma2 semaphore(%run_scoped3A : memref<!tpu.dma_semaphore, #tpu.memory_space<semaphore_mem>>) src(%dma_wait3A_562 : memref<32xf32, #tpu.memory_space<vmem>>) dst(%dma_wait3A_560 : memref<32xf32, #tpu.memory_space<hbm>>)
      tpu.yield
    }) : () -> ()
    %mul3A_431 = arith.constant 32 : i32
    %mul3A_432 = arith.muli %add3A, %mul3A_431 : i32
    %add3A_433 = arith.constant 18432 : i32
    %add3A_434 = arith.addi %add3A_433, %mul3A_432 : i32
    "tpu.region"() ({
      %run_scoped3A = tpu.sem_alloc : memref<!tpu.dma_semaphore, #tpu.memory_space<semaphore_mem>>
      %dma_start3A_551 = arith.constant 576 : i32
      %dma_start3A_552 = tpu.memref_slice %arg12[%dma_start3A_551] : memref<1536xf32, #tpu.memory_space<vmem>> -> memref<32xf32, #tpu.memory_space<vmem>>
      %dma_start3A_553 = tpu.memref_slice %arg6[%add3A_434] : memref<49152xf32, #tpu.memory_space<hbm>> -> memref<32xf32, #tpu.memory_space<hbm>>
      %dma_start3A_554 = tpu.memref_slice %arg6[%add3A_434] : memref<49152xf32, #tpu.memory_space<hbm>> -> memref<32xf32, #tpu.memory_space<hbm>>
      %dma_start3A_555 = arith.constant 576 : i32
      %dma_start3A_556 = tpu.memref_slice %arg12[%dma_start3A_555] : memref<1536xf32, #tpu.memory_space<vmem>> -> memref<32xf32, #tpu.memory_space<vmem>>
      tpu.enqueue_dma source(%dma_start3A_556 : memref<32xf32, #tpu.memory_space<vmem>>) target(%dma_start3A_554 : memref<32xf32, #tpu.memory_space<hbm>>) target_semaphore(%run_scoped3A : memref<!tpu.dma_semaphore, #tpu.memory_space<semaphore_mem>>)
      %dma_wait3A_557 = arith.constant 576 : i32
      %dma_wait3A_558 = tpu.memref_slice %arg12[%dma_wait3A_557] : memref<1536xf32, #tpu.memory_space<vmem>> -> memref<32xf32, #tpu.memory_space<vmem>>
      %dma_wait3A_559 = tpu.memref_slice %arg6[%add3A_434] : memref<49152xf32, #tpu.memory_space<hbm>> -> memref<32xf32, #tpu.memory_space<hbm>>
      %dma_wait3A_560 = tpu.memref_slice %arg6[%add3A_434] : memref<49152xf32, #tpu.memory_space<hbm>> -> memref<32xf32, #tpu.memory_space<hbm>>
      %dma_wait3A_561 = arith.constant 576 : i32
      %dma_wait3A_562 = tpu.memref_slice %arg12[%dma_wait3A_561] : memref<1536xf32, #tpu.memory_space<vmem>> -> memref<32xf32, #tpu.memory_space<vmem>>
      tpu.wait_dma2 semaphore(%run_scoped3A : memref<!tpu.dma_semaphore, #tpu.memory_space<semaphore_mem>>) src(%dma_wait3A_562 : memref<32xf32, #tpu.memory_space<vmem>>) dst(%dma_wait3A_560 : memref<32xf32, #tpu.memory_space<hbm>>)
      tpu.yield
    }) : () -> ()
    "tpu.region"() ({
      %run_scoped3A = tpu.sem_alloc : memref<!tpu.dma_semaphore, #tpu.memory_space<semaphore_mem>>
      %dma_start3A_551 = arith.constant 576 : i32
      %dma_start3A_552 = tpu.memref_slice %arg13[%dma_start3A_551] : memref<1536xf32, #tpu.memory_space<vmem>> -> memref<32xf32, #tpu.memory_space<vmem>>
      %dma_start3A_553 = tpu.memref_slice %arg7[%add3A_434] : memref<49152xf32, #tpu.memory_space<hbm>> -> memref<32xf32, #tpu.memory_space<hbm>>
      %dma_start3A_554 = tpu.memref_slice %arg7[%add3A_434] : memref<49152xf32, #tpu.memory_space<hbm>> -> memref<32xf32, #tpu.memory_space<hbm>>
      %dma_start3A_555 = arith.constant 576 : i32
      %dma_start3A_556 = tpu.memref_slice %arg13[%dma_start3A_555] : memref<1536xf32, #tpu.memory_space<vmem>> -> memref<32xf32, #tpu.memory_space<vmem>>
      tpu.enqueue_dma source(%dma_start3A_556 : memref<32xf32, #tpu.memory_space<vmem>>) target(%dma_start3A_554 : memref<32xf32, #tpu.memory_space<hbm>>) target_semaphore(%run_scoped3A : memref<!tpu.dma_semaphore, #tpu.memory_space<semaphore_mem>>)
      %dma_wait3A_557 = arith.constant 576 : i32
      %dma_wait3A_558 = tpu.memref_slice %arg13[%dma_wait3A_557] : memref<1536xf32, #tpu.memory_space<vmem>> -> memref<32xf32, #tpu.memory_space<vmem>>
      %dma_wait3A_559 = tpu.memref_slice %arg7[%add3A_434] : memref<49152xf32, #tpu.memory_space<hbm>> -> memref<32xf32, #tpu.memory_space<hbm>>
      %dma_wait3A_560 = tpu.memref_slice %arg7[%add3A_434] : memref<49152xf32, #tpu.memory_space<hbm>> -> memref<32xf32, #tpu.memory_space<hbm>>
      %dma_wait3A_561 = arith.constant 576 : i32
      %dma_wait3A_562 = tpu.memref_slice %arg13[%dma_wait3A_561] : memref<1536xf32, #tpu.memory_space<vmem>> -> memref<32xf32, #tpu.memory_space<vmem>>
      tpu.wait_dma2 semaphore(%run_scoped3A : memref<!tpu.dma_semaphore, #tpu.memory_space<semaphore_mem>>) src(%dma_wait3A_562 : memref<32xf32, #tpu.memory_space<vmem>>) dst(%dma_wait3A_560 : memref<32xf32, #tpu.memory_space<hbm>>)
      tpu.yield
    }) : () -> ()
    %mul3A_435 = arith.constant 32 : i32
    %mul3A_436 = arith.muli %add3A, %mul3A_435 : i32
    %add3A_437 = arith.constant 19456 : i32
    %add3A_438 = arith.addi %add3A_437, %mul3A_436 : i32
    "tpu.region"() ({
      %run_scoped3A = tpu.sem_alloc : memref<!tpu.dma_semaphore, #tpu.memory_space<semaphore_mem>>
      %dma_start3A_551 = arith.constant 608 : i32
      %dma_start3A_552 = tpu.memref_slice %arg12[%dma_start3A_551] : memref<1536xf32, #tpu.memory_space<vmem>> -> memref<32xf32, #tpu.memory_space<vmem>>
      %dma_start3A_553 = tpu.memref_slice %arg6[%add3A_438] : memref<49152xf32, #tpu.memory_space<hbm>> -> memref<32xf32, #tpu.memory_space<hbm>>
      %dma_start3A_554 = tpu.memref_slice %arg6[%add3A_438] : memref<49152xf32, #tpu.memory_space<hbm>> -> memref<32xf32, #tpu.memory_space<hbm>>
      %dma_start3A_555 = arith.constant 608 : i32
      %dma_start3A_556 = tpu.memref_slice %arg12[%dma_start3A_555] : memref<1536xf32, #tpu.memory_space<vmem>> -> memref<32xf32, #tpu.memory_space<vmem>>
      tpu.enqueue_dma source(%dma_start3A_556 : memref<32xf32, #tpu.memory_space<vmem>>) target(%dma_start3A_554 : memref<32xf32, #tpu.memory_space<hbm>>) target_semaphore(%run_scoped3A : memref<!tpu.dma_semaphore, #tpu.memory_space<semaphore_mem>>)
      %dma_wait3A_557 = arith.constant 608 : i32
      %dma_wait3A_558 = tpu.memref_slice %arg12[%dma_wait3A_557] : memref<1536xf32, #tpu.memory_space<vmem>> -> memref<32xf32, #tpu.memory_space<vmem>>
      %dma_wait3A_559 = tpu.memref_slice %arg6[%add3A_438] : memref<49152xf32, #tpu.memory_space<hbm>> -> memref<32xf32, #tpu.memory_space<hbm>>
      %dma_wait3A_560 = tpu.memref_slice %arg6[%add3A_438] : memref<49152xf32, #tpu.memory_space<hbm>> -> memref<32xf32, #tpu.memory_space<hbm>>
      %dma_wait3A_561 = arith.constant 608 : i32
      %dma_wait3A_562 = tpu.memref_slice %arg12[%dma_wait3A_561] : memref<1536xf32, #tpu.memory_space<vmem>> -> memref<32xf32, #tpu.memory_space<vmem>>
      tpu.wait_dma2 semaphore(%run_scoped3A : memref<!tpu.dma_semaphore, #tpu.memory_space<semaphore_mem>>) src(%dma_wait3A_562 : memref<32xf32, #tpu.memory_space<vmem>>) dst(%dma_wait3A_560 : memref<32xf32, #tpu.memory_space<hbm>>)
      tpu.yield
    }) : () -> ()
    "tpu.region"() ({
      %run_scoped3A = tpu.sem_alloc : memref<!tpu.dma_semaphore, #tpu.memory_space<semaphore_mem>>
      %dma_start3A_551 = arith.constant 608 : i32
      %dma_start3A_552 = tpu.memref_slice %arg13[%dma_start3A_551] : memref<1536xf32, #tpu.memory_space<vmem>> -> memref<32xf32, #tpu.memory_space<vmem>>
      %dma_start3A_553 = tpu.memref_slice %arg7[%add3A_438] : memref<49152xf32, #tpu.memory_space<hbm>> -> memref<32xf32, #tpu.memory_space<hbm>>
      %dma_start3A_554 = tpu.memref_slice %arg7[%add3A_438] : memref<49152xf32, #tpu.memory_space<hbm>> -> memref<32xf32, #tpu.memory_space<hbm>>
      %dma_start3A_555 = arith.constant 608 : i32
      %dma_start3A_556 = tpu.memref_slice %arg13[%dma_start3A_555] : memref<1536xf32, #tpu.memory_space<vmem>> -> memref<32xf32, #tpu.memory_space<vmem>>
      tpu.enqueue_dma source(%dma_start3A_556 : memref<32xf32, #tpu.memory_space<vmem>>) target(%dma_start3A_554 : memref<32xf32, #tpu.memory_space<hbm>>) target_semaphore(%run_scoped3A : memref<!tpu.dma_semaphore, #tpu.memory_space<semaphore_mem>>)
      %dma_wait3A_557 = arith.constant 608 : i32
      %dma_wait3A_558 = tpu.memref_slice %arg13[%dma_wait3A_557] : memref<1536xf32, #tpu.memory_space<vmem>> -> memref<32xf32, #tpu.memory_space<vmem>>
      %dma_wait3A_559 = tpu.memref_slice %arg7[%add3A_438] : memref<49152xf32, #tpu.memory_space<hbm>> -> memref<32xf32, #tpu.memory_space<hbm>>
      %dma_wait3A_560 = tpu.memref_slice %arg7[%add3A_438] : memref<49152xf32, #tpu.memory_space<hbm>> -> memref<32xf32, #tpu.memory_space<hbm>>
      %dma_wait3A_561 = arith.constant 608 : i32
      %dma_wait3A_562 = tpu.memref_slice %arg13[%dma_wait3A_561] : memref<1536xf32, #tpu.memory_space<vmem>> -> memref<32xf32, #tpu.memory_space<vmem>>
      tpu.wait_dma2 semaphore(%run_scoped3A : memref<!tpu.dma_semaphore, #tpu.memory_space<semaphore_mem>>) src(%dma_wait3A_562 : memref<32xf32, #tpu.memory_space<vmem>>) dst(%dma_wait3A_560 : memref<32xf32, #tpu.memory_space<hbm>>)
      tpu.yield
    }) : () -> ()
    %mul3A_439 = arith.constant 32 : i32
    %mul3A_440 = arith.muli %add3A, %mul3A_439 : i32
    %add3A_441 = arith.constant 20480 : i32
    %add3A_442 = arith.addi %add3A_441, %mul3A_440 : i32
    "tpu.region"() ({
      %run_scoped3A = tpu.sem_alloc : memref<!tpu.dma_semaphore, #tpu.memory_space<semaphore_mem>>
      %dma_start3A_551 = arith.constant 640 : i32
      %dma_start3A_552 = tpu.memref_slice %arg12[%dma_start3A_551] : memref<1536xf32, #tpu.memory_space<vmem>> -> memref<32xf32, #tpu.memory_space<vmem>>
      %dma_start3A_553 = tpu.memref_slice %arg6[%add3A_442] : memref<49152xf32, #tpu.memory_space<hbm>> -> memref<32xf32, #tpu.memory_space<hbm>>
      %dma_start3A_554 = tpu.memref_slice %arg6[%add3A_442] : memref<49152xf32, #tpu.memory_space<hbm>> -> memref<32xf32, #tpu.memory_space<hbm>>
      %dma_start3A_555 = arith.constant 640 : i32
      %dma_start3A_556 = tpu.memref_slice %arg12[%dma_start3A_555] : memref<1536xf32, #tpu.memory_space<vmem>> -> memref<32xf32, #tpu.memory_space<vmem>>
      tpu.enqueue_dma source(%dma_start3A_556 : memref<32xf32, #tpu.memory_space<vmem>>) target(%dma_start3A_554 : memref<32xf32, #tpu.memory_space<hbm>>) target_semaphore(%run_scoped3A : memref<!tpu.dma_semaphore, #tpu.memory_space<semaphore_mem>>)
      %dma_wait3A_557 = arith.constant 640 : i32
      %dma_wait3A_558 = tpu.memref_slice %arg12[%dma_wait3A_557] : memref<1536xf32, #tpu.memory_space<vmem>> -> memref<32xf32, #tpu.memory_space<vmem>>
      %dma_wait3A_559 = tpu.memref_slice %arg6[%add3A_442] : memref<49152xf32, #tpu.memory_space<hbm>> -> memref<32xf32, #tpu.memory_space<hbm>>
      %dma_wait3A_560 = tpu.memref_slice %arg6[%add3A_442] : memref<49152xf32, #tpu.memory_space<hbm>> -> memref<32xf32, #tpu.memory_space<hbm>>
      %dma_wait3A_561 = arith.constant 640 : i32
      %dma_wait3A_562 = tpu.memref_slice %arg12[%dma_wait3A_561] : memref<1536xf32, #tpu.memory_space<vmem>> -> memref<32xf32, #tpu.memory_space<vmem>>
      tpu.wait_dma2 semaphore(%run_scoped3A : memref<!tpu.dma_semaphore, #tpu.memory_space<semaphore_mem>>) src(%dma_wait3A_562 : memref<32xf32, #tpu.memory_space<vmem>>) dst(%dma_wait3A_560 : memref<32xf32, #tpu.memory_space<hbm>>)
      tpu.yield
    }) : () -> ()
    "tpu.region"() ({
      %run_scoped3A = tpu.sem_alloc : memref<!tpu.dma_semaphore, #tpu.memory_space<semaphore_mem>>
      %dma_start3A_551 = arith.constant 640 : i32
      %dma_start3A_552 = tpu.memref_slice %arg13[%dma_start3A_551] : memref<1536xf32, #tpu.memory_space<vmem>> -> memref<32xf32, #tpu.memory_space<vmem>>
      %dma_start3A_553 = tpu.memref_slice %arg7[%add3A_442] : memref<49152xf32, #tpu.memory_space<hbm>> -> memref<32xf32, #tpu.memory_space<hbm>>
      %dma_start3A_554 = tpu.memref_slice %arg7[%add3A_442] : memref<49152xf32, #tpu.memory_space<hbm>> -> memref<32xf32, #tpu.memory_space<hbm>>
      %dma_start3A_555 = arith.constant 640 : i32
      %dma_start3A_556 = tpu.memref_slice %arg13[%dma_start3A_555] : memref<1536xf32, #tpu.memory_space<vmem>> -> memref<32xf32, #tpu.memory_space<vmem>>
      tpu.enqueue_dma source(%dma_start3A_556 : memref<32xf32, #tpu.memory_space<vmem>>) target(%dma_start3A_554 : memref<32xf32, #tpu.memory_space<hbm>>) target_semaphore(%run_scoped3A : memref<!tpu.dma_semaphore, #tpu.memory_space<semaphore_mem>>)
      %dma_wait3A_557 = arith.constant 640 : i32
      %dma_wait3A_558 = tpu.memref_slice %arg13[%dma_wait3A_557] : memref<1536xf32, #tpu.memory_space<vmem>> -> memref<32xf32, #tpu.memory_space<vmem>>
      %dma_wait3A_559 = tpu.memref_slice %arg7[%add3A_442] : memref<49152xf32, #tpu.memory_space<hbm>> -> memref<32xf32, #tpu.memory_space<hbm>>
      %dma_wait3A_560 = tpu.memref_slice %arg7[%add3A_442] : memref<49152xf32, #tpu.memory_space<hbm>> -> memref<32xf32, #tpu.memory_space<hbm>>
      %dma_wait3A_561 = arith.constant 640 : i32
      %dma_wait3A_562 = tpu.memref_slice %arg13[%dma_wait3A_561] : memref<1536xf32, #tpu.memory_space<vmem>> -> memref<32xf32, #tpu.memory_space<vmem>>
      tpu.wait_dma2 semaphore(%run_scoped3A : memref<!tpu.dma_semaphore, #tpu.memory_space<semaphore_mem>>) src(%dma_wait3A_562 : memref<32xf32, #tpu.memory_space<vmem>>) dst(%dma_wait3A_560 : memref<32xf32, #tpu.memory_space<hbm>>)
      tpu.yield
    }) : () -> ()
    %mul3A_443 = arith.constant 32 : i32
    %mul3A_444 = arith.muli %add3A, %mul3A_443 : i32
    %add3A_445 = arith.constant 21504 : i32
    %add3A_446 = arith.addi %add3A_445, %mul3A_444 : i32
    "tpu.region"() ({
      %run_scoped3A = tpu.sem_alloc : memref<!tpu.dma_semaphore, #tpu.memory_space<semaphore_mem>>
      %dma_start3A_551 = arith.constant 672 : i32
      %dma_start3A_552 = tpu.memref_slice %arg12[%dma_start3A_551] : memref<1536xf32, #tpu.memory_space<vmem>> -> memref<32xf32, #tpu.memory_space<vmem>>
      %dma_start3A_553 = tpu.memref_slice %arg6[%add3A_446] : memref<49152xf32, #tpu.memory_space<hbm>> -> memref<32xf32, #tpu.memory_space<hbm>>
      %dma_start3A_554 = tpu.memref_slice %arg6[%add3A_446] : memref<49152xf32, #tpu.memory_space<hbm>> -> memref<32xf32, #tpu.memory_space<hbm>>
      %dma_start3A_555 = arith.constant 672 : i32
      %dma_start3A_556 = tpu.memref_slice %arg12[%dma_start3A_555] : memref<1536xf32, #tpu.memory_space<vmem>> -> memref<32xf32, #tpu.memory_space<vmem>>
      tpu.enqueue_dma source(%dma_start3A_556 : memref<32xf32, #tpu.memory_space<vmem>>) target(%dma_start3A_554 : memref<32xf32, #tpu.memory_space<hbm>>) target_semaphore(%run_scoped3A : memref<!tpu.dma_semaphore, #tpu.memory_space<semaphore_mem>>)
      %dma_wait3A_557 = arith.constant 672 : i32
      %dma_wait3A_558 = tpu.memref_slice %arg12[%dma_wait3A_557] : memref<1536xf32, #tpu.memory_space<vmem>> -> memref<32xf32, #tpu.memory_space<vmem>>
      %dma_wait3A_559 = tpu.memref_slice %arg6[%add3A_446] : memref<49152xf32, #tpu.memory_space<hbm>> -> memref<32xf32, #tpu.memory_space<hbm>>
      %dma_wait3A_560 = tpu.memref_slice %arg6[%add3A_446] : memref<49152xf32, #tpu.memory_space<hbm>> -> memref<32xf32, #tpu.memory_space<hbm>>
      %dma_wait3A_561 = arith.constant 672 : i32
      %dma_wait3A_562 = tpu.memref_slice %arg12[%dma_wait3A_561] : memref<1536xf32, #tpu.memory_space<vmem>> -> memref<32xf32, #tpu.memory_space<vmem>>
      tpu.wait_dma2 semaphore(%run_scoped3A : memref<!tpu.dma_semaphore, #tpu.memory_space<semaphore_mem>>) src(%dma_wait3A_562 : memref<32xf32, #tpu.memory_space<vmem>>) dst(%dma_wait3A_560 : memref<32xf32, #tpu.memory_space<hbm>>)
      tpu.yield
    }) : () -> ()
    "tpu.region"() ({
      %run_scoped3A = tpu.sem_alloc : memref<!tpu.dma_semaphore, #tpu.memory_space<semaphore_mem>>
      %dma_start3A_551 = arith.constant 672 : i32
      %dma_start3A_552 = tpu.memref_slice %arg13[%dma_start3A_551] : memref<1536xf32, #tpu.memory_space<vmem>> -> memref<32xf32, #tpu.memory_space<vmem>>
      %dma_start3A_553 = tpu.memref_slice %arg7[%add3A_446] : memref<49152xf32, #tpu.memory_space<hbm>> -> memref<32xf32, #tpu.memory_space<hbm>>
      %dma_start3A_554 = tpu.memref_slice %arg7[%add3A_446] : memref<49152xf32, #tpu.memory_space<hbm>> -> memref<32xf32, #tpu.memory_space<hbm>>
      %dma_start3A_555 = arith.constant 672 : i32
      %dma_start3A_556 = tpu.memref_slice %arg13[%dma_start3A_555] : memref<1536xf32, #tpu.memory_space<vmem>> -> memref<32xf32, #tpu.memory_space<vmem>>
      tpu.enqueue_dma source(%dma_start3A_556 : memref<32xf32, #tpu.memory_space<vmem>>) target(%dma_start3A_554 : memref<32xf32, #tpu.memory_space<hbm>>) target_semaphore(%run_scoped3A : memref<!tpu.dma_semaphore, #tpu.memory_space<semaphore_mem>>)
      %dma_wait3A_557 = arith.constant 672 : i32
      %dma_wait3A_558 = tpu.memref_slice %arg13[%dma_wait3A_557] : memref<1536xf32, #tpu.memory_space<vmem>> -> memref<32xf32, #tpu.memory_space<vmem>>
      %dma_wait3A_559 = tpu.memref_slice %arg7[%add3A_446] : memref<49152xf32, #tpu.memory_space<hbm>> -> memref<32xf32, #tpu.memory_space<hbm>>
      %dma_wait3A_560 = tpu.memref_slice %arg7[%add3A_446] : memref<49152xf32, #tpu.memory_space<hbm>> -> memref<32xf32, #tpu.memory_space<hbm>>
      %dma_wait3A_561 = arith.constant 672 : i32
      %dma_wait3A_562 = tpu.memref_slice %arg13[%dma_wait3A_561] : memref<1536xf32, #tpu.memory_space<vmem>> -> memref<32xf32, #tpu.memory_space<vmem>>
      tpu.wait_dma2 semaphore(%run_scoped3A : memref<!tpu.dma_semaphore, #tpu.memory_space<semaphore_mem>>) src(%dma_wait3A_562 : memref<32xf32, #tpu.memory_space<vmem>>) dst(%dma_wait3A_560 : memref<32xf32, #tpu.memory_space<hbm>>)
      tpu.yield
    }) : () -> ()
    %mul3A_447 = arith.constant 32 : i32
    %mul3A_448 = arith.muli %add3A, %mul3A_447 : i32
    %add3A_449 = arith.constant 22528 : i32
    %add3A_450 = arith.addi %add3A_449, %mul3A_448 : i32
    "tpu.region"() ({
      %run_scoped3A = tpu.sem_alloc : memref<!tpu.dma_semaphore, #tpu.memory_space<semaphore_mem>>
      %dma_start3A_551 = arith.constant 704 : i32
      %dma_start3A_552 = tpu.memref_slice %arg12[%dma_start3A_551] : memref<1536xf32, #tpu.memory_space<vmem>> -> memref<32xf32, #tpu.memory_space<vmem>>
      %dma_start3A_553 = tpu.memref_slice %arg6[%add3A_450] : memref<49152xf32, #tpu.memory_space<hbm>> -> memref<32xf32, #tpu.memory_space<hbm>>
      %dma_start3A_554 = tpu.memref_slice %arg6[%add3A_450] : memref<49152xf32, #tpu.memory_space<hbm>> -> memref<32xf32, #tpu.memory_space<hbm>>
      %dma_start3A_555 = arith.constant 704 : i32
      %dma_start3A_556 = tpu.memref_slice %arg12[%dma_start3A_555] : memref<1536xf32, #tpu.memory_space<vmem>> -> memref<32xf32, #tpu.memory_space<vmem>>
      tpu.enqueue_dma source(%dma_start3A_556 : memref<32xf32, #tpu.memory_space<vmem>>) target(%dma_start3A_554 : memref<32xf32, #tpu.memory_space<hbm>>) target_semaphore(%run_scoped3A : memref<!tpu.dma_semaphore, #tpu.memory_space<semaphore_mem>>)
      %dma_wait3A_557 = arith.constant 704 : i32
      %dma_wait3A_558 = tpu.memref_slice %arg12[%dma_wait3A_557] : memref<1536xf32, #tpu.memory_space<vmem>> -> memref<32xf32, #tpu.memory_space<vmem>>
      %dma_wait3A_559 = tpu.memref_slice %arg6[%add3A_450] : memref<49152xf32, #tpu.memory_space<hbm>> -> memref<32xf32, #tpu.memory_space<hbm>>
      %dma_wait3A_560 = tpu.memref_slice %arg6[%add3A_450] : memref<49152xf32, #tpu.memory_space<hbm>> -> memref<32xf32, #tpu.memory_space<hbm>>
      %dma_wait3A_561 = arith.constant 704 : i32
      %dma_wait3A_562 = tpu.memref_slice %arg12[%dma_wait3A_561] : memref<1536xf32, #tpu.memory_space<vmem>> -> memref<32xf32, #tpu.memory_space<vmem>>
      tpu.wait_dma2 semaphore(%run_scoped3A : memref<!tpu.dma_semaphore, #tpu.memory_space<semaphore_mem>>) src(%dma_wait3A_562 : memref<32xf32, #tpu.memory_space<vmem>>) dst(%dma_wait3A_560 : memref<32xf32, #tpu.memory_space<hbm>>)
      tpu.yield
    }) : () -> ()
    "tpu.region"() ({
      %run_scoped3A = tpu.sem_alloc : memref<!tpu.dma_semaphore, #tpu.memory_space<semaphore_mem>>
      %dma_start3A_551 = arith.constant 704 : i32
      %dma_start3A_552 = tpu.memref_slice %arg13[%dma_start3A_551] : memref<1536xf32, #tpu.memory_space<vmem>> -> memref<32xf32, #tpu.memory_space<vmem>>
      %dma_start3A_553 = tpu.memref_slice %arg7[%add3A_450] : memref<49152xf32, #tpu.memory_space<hbm>> -> memref<32xf32, #tpu.memory_space<hbm>>
      %dma_start3A_554 = tpu.memref_slice %arg7[%add3A_450] : memref<49152xf32, #tpu.memory_space<hbm>> -> memref<32xf32, #tpu.memory_space<hbm>>
      %dma_start3A_555 = arith.constant 704 : i32
      %dma_start3A_556 = tpu.memref_slice %arg13[%dma_start3A_555] : memref<1536xf32, #tpu.memory_space<vmem>> -> memref<32xf32, #tpu.memory_space<vmem>>
      tpu.enqueue_dma source(%dma_start3A_556 : memref<32xf32, #tpu.memory_space<vmem>>) target(%dma_start3A_554 : memref<32xf32, #tpu.memory_space<hbm>>) target_semaphore(%run_scoped3A : memref<!tpu.dma_semaphore, #tpu.memory_space<semaphore_mem>>)
      %dma_wait3A_557 = arith.constant 704 : i32
      %dma_wait3A_558 = tpu.memref_slice %arg13[%dma_wait3A_557] : memref<1536xf32, #tpu.memory_space<vmem>> -> memref<32xf32, #tpu.memory_space<vmem>>
      %dma_wait3A_559 = tpu.memref_slice %arg7[%add3A_450] : memref<49152xf32, #tpu.memory_space<hbm>> -> memref<32xf32, #tpu.memory_space<hbm>>
      %dma_wait3A_560 = tpu.memref_slice %arg7[%add3A_450] : memref<49152xf32, #tpu.memory_space<hbm>> -> memref<32xf32, #tpu.memory_space<hbm>>
      %dma_wait3A_561 = arith.constant 704 : i32
      %dma_wait3A_562 = tpu.memref_slice %arg13[%dma_wait3A_561] : memref<1536xf32, #tpu.memory_space<vmem>> -> memref<32xf32, #tpu.memory_space<vmem>>
      tpu.wait_dma2 semaphore(%run_scoped3A : memref<!tpu.dma_semaphore, #tpu.memory_space<semaphore_mem>>) src(%dma_wait3A_562 : memref<32xf32, #tpu.memory_space<vmem>>) dst(%dma_wait3A_560 : memref<32xf32, #tpu.memory_space<hbm>>)
      tpu.yield
    }) : () -> ()
    %mul3A_451 = arith.constant 32 : i32
    %mul3A_452 = arith.muli %add3A, %mul3A_451 : i32
    %add3A_453 = arith.constant 23552 : i32
    %add3A_454 = arith.addi %add3A_453, %mul3A_452 : i32
    "tpu.region"() ({
      %run_scoped3A = tpu.sem_alloc : memref<!tpu.dma_semaphore, #tpu.memory_space<semaphore_mem>>
      %dma_start3A_551 = arith.constant 736 : i32
      %dma_start3A_552 = tpu.memref_slice %arg12[%dma_start3A_551] : memref<1536xf32, #tpu.memory_space<vmem>> -> memref<32xf32, #tpu.memory_space<vmem>>
      %dma_start3A_553 = tpu.memref_slice %arg6[%add3A_454] : memref<49152xf32, #tpu.memory_space<hbm>> -> memref<32xf32, #tpu.memory_space<hbm>>
      %dma_start3A_554 = tpu.memref_slice %arg6[%add3A_454] : memref<49152xf32, #tpu.memory_space<hbm>> -> memref<32xf32, #tpu.memory_space<hbm>>
      %dma_start3A_555 = arith.constant 736 : i32
      %dma_start3A_556 = tpu.memref_slice %arg12[%dma_start3A_555] : memref<1536xf32, #tpu.memory_space<vmem>> -> memref<32xf32, #tpu.memory_space<vmem>>
      tpu.enqueue_dma source(%dma_start3A_556 : memref<32xf32, #tpu.memory_space<vmem>>) target(%dma_start3A_554 : memref<32xf32, #tpu.memory_space<hbm>>) target_semaphore(%run_scoped3A : memref<!tpu.dma_semaphore, #tpu.memory_space<semaphore_mem>>)
      %dma_wait3A_557 = arith.constant 736 : i32
      %dma_wait3A_558 = tpu.memref_slice %arg12[%dma_wait3A_557] : memref<1536xf32, #tpu.memory_space<vmem>> -> memref<32xf32, #tpu.memory_space<vmem>>
      %dma_wait3A_559 = tpu.memref_slice %arg6[%add3A_454] : memref<49152xf32, #tpu.memory_space<hbm>> -> memref<32xf32, #tpu.memory_space<hbm>>
      %dma_wait3A_560 = tpu.memref_slice %arg6[%add3A_454] : memref<49152xf32, #tpu.memory_space<hbm>> -> memref<32xf32, #tpu.memory_space<hbm>>
      %dma_wait3A_561 = arith.constant 736 : i32
      %dma_wait3A_562 = tpu.memref_slice %arg12[%dma_wait3A_561] : memref<1536xf32, #tpu.memory_space<vmem>> -> memref<32xf32, #tpu.memory_space<vmem>>
      tpu.wait_dma2 semaphore(%run_scoped3A : memref<!tpu.dma_semaphore, #tpu.memory_space<semaphore_mem>>) src(%dma_wait3A_562 : memref<32xf32, #tpu.memory_space<vmem>>) dst(%dma_wait3A_560 : memref<32xf32, #tpu.memory_space<hbm>>)
      tpu.yield
    }) : () -> ()
    "tpu.region"() ({
      %run_scoped3A = tpu.sem_alloc : memref<!tpu.dma_semaphore, #tpu.memory_space<semaphore_mem>>
      %dma_start3A_551 = arith.constant 736 : i32
      %dma_start3A_552 = tpu.memref_slice %arg13[%dma_start3A_551] : memref<1536xf32, #tpu.memory_space<vmem>> -> memref<32xf32, #tpu.memory_space<vmem>>
      %dma_start3A_553 = tpu.memref_slice %arg7[%add3A_454] : memref<49152xf32, #tpu.memory_space<hbm>> -> memref<32xf32, #tpu.memory_space<hbm>>
      %dma_start3A_554 = tpu.memref_slice %arg7[%add3A_454] : memref<49152xf32, #tpu.memory_space<hbm>> -> memref<32xf32, #tpu.memory_space<hbm>>
      %dma_start3A_555 = arith.constant 736 : i32
      %dma_start3A_556 = tpu.memref_slice %arg13[%dma_start3A_555] : memref<1536xf32, #tpu.memory_space<vmem>> -> memref<32xf32, #tpu.memory_space<vmem>>
      tpu.enqueue_dma source(%dma_start3A_556 : memref<32xf32, #tpu.memory_space<vmem>>) target(%dma_start3A_554 : memref<32xf32, #tpu.memory_space<hbm>>) target_semaphore(%run_scoped3A : memref<!tpu.dma_semaphore, #tpu.memory_space<semaphore_mem>>)
      %dma_wait3A_557 = arith.constant 736 : i32
      %dma_wait3A_558 = tpu.memref_slice %arg13[%dma_wait3A_557] : memref<1536xf32, #tpu.memory_space<vmem>> -> memref<32xf32, #tpu.memory_space<vmem>>
      %dma_wait3A_559 = tpu.memref_slice %arg7[%add3A_454] : memref<49152xf32, #tpu.memory_space<hbm>> -> memref<32xf32, #tpu.memory_space<hbm>>
      %dma_wait3A_560 = tpu.memref_slice %arg7[%add3A_454] : memref<49152xf32, #tpu.memory_space<hbm>> -> memref<32xf32, #tpu.memory_space<hbm>>
      %dma_wait3A_561 = arith.constant 736 : i32
      %dma_wait3A_562 = tpu.memref_slice %arg13[%dma_wait3A_561] : memref<1536xf32, #tpu.memory_space<vmem>> -> memref<32xf32, #tpu.memory_space<vmem>>
      tpu.wait_dma2 semaphore(%run_scoped3A : memref<!tpu.dma_semaphore, #tpu.memory_space<semaphore_mem>>) src(%dma_wait3A_562 : memref<32xf32, #tpu.memory_space<vmem>>) dst(%dma_wait3A_560 : memref<32xf32, #tpu.memory_space<hbm>>)
      tpu.yield
    }) : () -> ()
    %mul3A_455 = arith.constant 32 : i32
    %mul3A_456 = arith.muli %add3A, %mul3A_455 : i32
    %add3A_457 = arith.constant 24576 : i32
    %add3A_458 = arith.addi %add3A_457, %mul3A_456 : i32
    "tpu.region"() ({
      %run_scoped3A = tpu.sem_alloc : memref<!tpu.dma_semaphore, #tpu.memory_space<semaphore_mem>>
      %dma_start3A_551 = arith.constant 768 : i32
      %dma_start3A_552 = tpu.memref_slice %arg12[%dma_start3A_551] : memref<1536xf32, #tpu.memory_space<vmem>> -> memref<32xf32, #tpu.memory_space<vmem>>
      %dma_start3A_553 = tpu.memref_slice %arg6[%add3A_458] : memref<49152xf32, #tpu.memory_space<hbm>> -> memref<32xf32, #tpu.memory_space<hbm>>
      %dma_start3A_554 = tpu.memref_slice %arg6[%add3A_458] : memref<49152xf32, #tpu.memory_space<hbm>> -> memref<32xf32, #tpu.memory_space<hbm>>
      %dma_start3A_555 = arith.constant 768 : i32
      %dma_start3A_556 = tpu.memref_slice %arg12[%dma_start3A_555] : memref<1536xf32, #tpu.memory_space<vmem>> -> memref<32xf32, #tpu.memory_space<vmem>>
      tpu.enqueue_dma source(%dma_start3A_556 : memref<32xf32, #tpu.memory_space<vmem>>) target(%dma_start3A_554 : memref<32xf32, #tpu.memory_space<hbm>>) target_semaphore(%run_scoped3A : memref<!tpu.dma_semaphore, #tpu.memory_space<semaphore_mem>>)
      %dma_wait3A_557 = arith.constant 768 : i32
      %dma_wait3A_558 = tpu.memref_slice %arg12[%dma_wait3A_557] : memref<1536xf32, #tpu.memory_space<vmem>> -> memref<32xf32, #tpu.memory_space<vmem>>
      %dma_wait3A_559 = tpu.memref_slice %arg6[%add3A_458] : memref<49152xf32, #tpu.memory_space<hbm>> -> memref<32xf32, #tpu.memory_space<hbm>>
      %dma_wait3A_560 = tpu.memref_slice %arg6[%add3A_458] : memref<49152xf32, #tpu.memory_space<hbm>> -> memref<32xf32, #tpu.memory_space<hbm>>
      %dma_wait3A_561 = arith.constant 768 : i32
      %dma_wait3A_562 = tpu.memref_slice %arg12[%dma_wait3A_561] : memref<1536xf32, #tpu.memory_space<vmem>> -> memref<32xf32, #tpu.memory_space<vmem>>
      tpu.wait_dma2 semaphore(%run_scoped3A : memref<!tpu.dma_semaphore, #tpu.memory_space<semaphore_mem>>) src(%dma_wait3A_562 : memref<32xf32, #tpu.memory_space<vmem>>) dst(%dma_wait3A_560 : memref<32xf32, #tpu.memory_space<hbm>>)
      tpu.yield
    }) : () -> ()
    "tpu.region"() ({
      %run_scoped3A = tpu.sem_alloc : memref<!tpu.dma_semaphore, #tpu.memory_space<semaphore_mem>>
      %dma_start3A_551 = arith.constant 768 : i32
      %dma_start3A_552 = tpu.memref_slice %arg13[%dma_start3A_551] : memref<1536xf32, #tpu.memory_space<vmem>> -> memref<32xf32, #tpu.memory_space<vmem>>
      %dma_start3A_553 = tpu.memref_slice %arg7[%add3A_458] : memref<49152xf32, #tpu.memory_space<hbm>> -> memref<32xf32, #tpu.memory_space<hbm>>
      %dma_start3A_554 = tpu.memref_slice %arg7[%add3A_458] : memref<49152xf32, #tpu.memory_space<hbm>> -> memref<32xf32, #tpu.memory_space<hbm>>
      %dma_start3A_555 = arith.constant 768 : i32
      %dma_start3A_556 = tpu.memref_slice %arg13[%dma_start3A_555] : memref<1536xf32, #tpu.memory_space<vmem>> -> memref<32xf32, #tpu.memory_space<vmem>>
      tpu.enqueue_dma source(%dma_start3A_556 : memref<32xf32, #tpu.memory_space<vmem>>) target(%dma_start3A_554 : memref<32xf32, #tpu.memory_space<hbm>>) target_semaphore(%run_scoped3A : memref<!tpu.dma_semaphore, #tpu.memory_space<semaphore_mem>>)
      %dma_wait3A_557 = arith.constant 768 : i32
      %dma_wait3A_558 = tpu.memref_slice %arg13[%dma_wait3A_557] : memref<1536xf32, #tpu.memory_space<vmem>> -> memref<32xf32, #tpu.memory_space<vmem>>
      %dma_wait3A_559 = tpu.memref_slice %arg7[%add3A_458] : memref<49152xf32, #tpu.memory_space<hbm>> -> memref<32xf32, #tpu.memory_space<hbm>>
      %dma_wait3A_560 = tpu.memref_slice %arg7[%add3A_458] : memref<49152xf32, #tpu.memory_space<hbm>> -> memref<32xf32, #tpu.memory_space<hbm>>
      %dma_wait3A_561 = arith.constant 768 : i32
      %dma_wait3A_562 = tpu.memref_slice %arg13[%dma_wait3A_561] : memref<1536xf32, #tpu.memory_space<vmem>> -> memref<32xf32, #tpu.memory_space<vmem>>
      tpu.wait_dma2 semaphore(%run_scoped3A : memref<!tpu.dma_semaphore, #tpu.memory_space<semaphore_mem>>) src(%dma_wait3A_562 : memref<32xf32, #tpu.memory_space<vmem>>) dst(%dma_wait3A_560 : memref<32xf32, #tpu.memory_space<hbm>>)
      tpu.yield
    }) : () -> ()
    %mul3A_459 = arith.constant 32 : i32
    %mul3A_460 = arith.muli %add3A, %mul3A_459 : i32
    %add3A_461 = arith.constant 25600 : i32
    %add3A_462 = arith.addi %add3A_461, %mul3A_460 : i32
    "tpu.region"() ({
      %run_scoped3A = tpu.sem_alloc : memref<!tpu.dma_semaphore, #tpu.memory_space<semaphore_mem>>
      %dma_start3A_551 = arith.constant 800 : i32
      %dma_start3A_552 = tpu.memref_slice %arg12[%dma_start3A_551] : memref<1536xf32, #tpu.memory_space<vmem>> -> memref<32xf32, #tpu.memory_space<vmem>>
      %dma_start3A_553 = tpu.memref_slice %arg6[%add3A_462] : memref<49152xf32, #tpu.memory_space<hbm>> -> memref<32xf32, #tpu.memory_space<hbm>>
      %dma_start3A_554 = tpu.memref_slice %arg6[%add3A_462] : memref<49152xf32, #tpu.memory_space<hbm>> -> memref<32xf32, #tpu.memory_space<hbm>>
      %dma_start3A_555 = arith.constant 800 : i32
      %dma_start3A_556 = tpu.memref_slice %arg12[%dma_start3A_555] : memref<1536xf32, #tpu.memory_space<vmem>> -> memref<32xf32, #tpu.memory_space<vmem>>
      tpu.enqueue_dma source(%dma_start3A_556 : memref<32xf32, #tpu.memory_space<vmem>>) target(%dma_start3A_554 : memref<32xf32, #tpu.memory_space<hbm>>) target_semaphore(%run_scoped3A : memref<!tpu.dma_semaphore, #tpu.memory_space<semaphore_mem>>)
      %dma_wait3A_557 = arith.constant 800 : i32
      %dma_wait3A_558 = tpu.memref_slice %arg12[%dma_wait3A_557] : memref<1536xf32, #tpu.memory_space<vmem>> -> memref<32xf32, #tpu.memory_space<vmem>>
      %dma_wait3A_559 = tpu.memref_slice %arg6[%add3A_462] : memref<49152xf32, #tpu.memory_space<hbm>> -> memref<32xf32, #tpu.memory_space<hbm>>
      %dma_wait3A_560 = tpu.memref_slice %arg6[%add3A_462] : memref<49152xf32, #tpu.memory_space<hbm>> -> memref<32xf32, #tpu.memory_space<hbm>>
      %dma_wait3A_561 = arith.constant 800 : i32
      %dma_wait3A_562 = tpu.memref_slice %arg12[%dma_wait3A_561] : memref<1536xf32, #tpu.memory_space<vmem>> -> memref<32xf32, #tpu.memory_space<vmem>>
      tpu.wait_dma2 semaphore(%run_scoped3A : memref<!tpu.dma_semaphore, #tpu.memory_space<semaphore_mem>>) src(%dma_wait3A_562 : memref<32xf32, #tpu.memory_space<vmem>>) dst(%dma_wait3A_560 : memref<32xf32, #tpu.memory_space<hbm>>)
      tpu.yield
    }) : () -> ()
    "tpu.region"() ({
      %run_scoped3A = tpu.sem_alloc : memref<!tpu.dma_semaphore, #tpu.memory_space<semaphore_mem>>
      %dma_start3A_551 = arith.constant 800 : i32
      %dma_start3A_552 = tpu.memref_slice %arg13[%dma_start3A_551] : memref<1536xf32, #tpu.memory_space<vmem>> -> memref<32xf32, #tpu.memory_space<vmem>>
      %dma_start3A_553 = tpu.memref_slice %arg7[%add3A_462] : memref<49152xf32, #tpu.memory_space<hbm>> -> memref<32xf32, #tpu.memory_space<hbm>>
      %dma_start3A_554 = tpu.memref_slice %arg7[%add3A_462] : memref<49152xf32, #tpu.memory_space<hbm>> -> memref<32xf32, #tpu.memory_space<hbm>>
      %dma_start3A_555 = arith.constant 800 : i32
      %dma_start3A_556 = tpu.memref_slice %arg13[%dma_start3A_555] : memref<1536xf32, #tpu.memory_space<vmem>> -> memref<32xf32, #tpu.memory_space<vmem>>
      tpu.enqueue_dma source(%dma_start3A_556 : memref<32xf32, #tpu.memory_space<vmem>>) target(%dma_start3A_554 : memref<32xf32, #tpu.memory_space<hbm>>) target_semaphore(%run_scoped3A : memref<!tpu.dma_semaphore, #tpu.memory_space<semaphore_mem>>)
      %dma_wait3A_557 = arith.constant 800 : i32
      %dma_wait3A_558 = tpu.memref_slice %arg13[%dma_wait3A_557] : memref<1536xf32, #tpu.memory_space<vmem>> -> memref<32xf32, #tpu.memory_space<vmem>>
      %dma_wait3A_559 = tpu.memref_slice %arg7[%add3A_462] : memref<49152xf32, #tpu.memory_space<hbm>> -> memref<32xf32, #tpu.memory_space<hbm>>
      %dma_wait3A_560 = tpu.memref_slice %arg7[%add3A_462] : memref<49152xf32, #tpu.memory_space<hbm>> -> memref<32xf32, #tpu.memory_space<hbm>>
      %dma_wait3A_561 = arith.constant 800 : i32
      %dma_wait3A_562 = tpu.memref_slice %arg13[%dma_wait3A_561] : memref<1536xf32, #tpu.memory_space<vmem>> -> memref<32xf32, #tpu.memory_space<vmem>>
      tpu.wait_dma2 semaphore(%run_scoped3A : memref<!tpu.dma_semaphore, #tpu.memory_space<semaphore_mem>>) src(%dma_wait3A_562 : memref<32xf32, #tpu.memory_space<vmem>>) dst(%dma_wait3A_560 : memref<32xf32, #tpu.memory_space<hbm>>)
      tpu.yield
    }) : () -> ()
    %mul3A_463 = arith.constant 32 : i32
    %mul3A_464 = arith.muli %add3A, %mul3A_463 : i32
    %add3A_465 = arith.constant 26624 : i32
    %add3A_466 = arith.addi %add3A_465, %mul3A_464 : i32
    "tpu.region"() ({
      %run_scoped3A = tpu.sem_alloc : memref<!tpu.dma_semaphore, #tpu.memory_space<semaphore_mem>>
      %dma_start3A_551 = arith.constant 832 : i32
      %dma_start3A_552 = tpu.memref_slice %arg12[%dma_start3A_551] : memref<1536xf32, #tpu.memory_space<vmem>> -> memref<32xf32, #tpu.memory_space<vmem>>
      %dma_start3A_553 = tpu.memref_slice %arg6[%add3A_466] : memref<49152xf32, #tpu.memory_space<hbm>> -> memref<32xf32, #tpu.memory_space<hbm>>
      %dma_start3A_554 = tpu.memref_slice %arg6[%add3A_466] : memref<49152xf32, #tpu.memory_space<hbm>> -> memref<32xf32, #tpu.memory_space<hbm>>
      %dma_start3A_555 = arith.constant 832 : i32
      %dma_start3A_556 = tpu.memref_slice %arg12[%dma_start3A_555] : memref<1536xf32, #tpu.memory_space<vmem>> -> memref<32xf32, #tpu.memory_space<vmem>>
      tpu.enqueue_dma source(%dma_start3A_556 : memref<32xf32, #tpu.memory_space<vmem>>) target(%dma_start3A_554 : memref<32xf32, #tpu.memory_space<hbm>>) target_semaphore(%run_scoped3A : memref<!tpu.dma_semaphore, #tpu.memory_space<semaphore_mem>>)
      %dma_wait3A_557 = arith.constant 832 : i32
      %dma_wait3A_558 = tpu.memref_slice %arg12[%dma_wait3A_557] : memref<1536xf32, #tpu.memory_space<vmem>> -> memref<32xf32, #tpu.memory_space<vmem>>
      %dma_wait3A_559 = tpu.memref_slice %arg6[%add3A_466] : memref<49152xf32, #tpu.memory_space<hbm>> -> memref<32xf32, #tpu.memory_space<hbm>>
      %dma_wait3A_560 = tpu.memref_slice %arg6[%add3A_466] : memref<49152xf32, #tpu.memory_space<hbm>> -> memref<32xf32, #tpu.memory_space<hbm>>
      %dma_wait3A_561 = arith.constant 832 : i32
      %dma_wait3A_562 = tpu.memref_slice %arg12[%dma_wait3A_561] : memref<1536xf32, #tpu.memory_space<vmem>> -> memref<32xf32, #tpu.memory_space<vmem>>
      tpu.wait_dma2 semaphore(%run_scoped3A : memref<!tpu.dma_semaphore, #tpu.memory_space<semaphore_mem>>) src(%dma_wait3A_562 : memref<32xf32, #tpu.memory_space<vmem>>) dst(%dma_wait3A_560 : memref<32xf32, #tpu.memory_space<hbm>>)
      tpu.yield
    }) : () -> ()
    "tpu.region"() ({
      %run_scoped3A = tpu.sem_alloc : memref<!tpu.dma_semaphore, #tpu.memory_space<semaphore_mem>>
      %dma_start3A_551 = arith.constant 832 : i32
      %dma_start3A_552 = tpu.memref_slice %arg13[%dma_start3A_551] : memref<1536xf32, #tpu.memory_space<vmem>> -> memref<32xf32, #tpu.memory_space<vmem>>
      %dma_start3A_553 = tpu.memref_slice %arg7[%add3A_466] : memref<49152xf32, #tpu.memory_space<hbm>> -> memref<32xf32, #tpu.memory_space<hbm>>
      %dma_start3A_554 = tpu.memref_slice %arg7[%add3A_466] : memref<49152xf32, #tpu.memory_space<hbm>> -> memref<32xf32, #tpu.memory_space<hbm>>
      %dma_start3A_555 = arith.constant 832 : i32
      %dma_start3A_556 = tpu.memref_slice %arg13[%dma_start3A_555] : memref<1536xf32, #tpu.memory_space<vmem>> -> memref<32xf32, #tpu.memory_space<vmem>>
      tpu.enqueue_dma source(%dma_start3A_556 : memref<32xf32, #tpu.memory_space<vmem>>) target(%dma_start3A_554 : memref<32xf32, #tpu.memory_space<hbm>>) target_semaphore(%run_scoped3A : memref<!tpu.dma_semaphore, #tpu.memory_space<semaphore_mem>>)
      %dma_wait3A_557 = arith.constant 832 : i32
      %dma_wait3A_558 = tpu.memref_slice %arg13[%dma_wait3A_557] : memref<1536xf32, #tpu.memory_space<vmem>> -> memref<32xf32, #tpu.memory_space<vmem>>
      %dma_wait3A_559 = tpu.memref_slice %arg7[%add3A_466] : memref<49152xf32, #tpu.memory_space<hbm>> -> memref<32xf32, #tpu.memory_space<hbm>>
      %dma_wait3A_560 = tpu.memref_slice %arg7[%add3A_466] : memref<49152xf32, #tpu.memory_space<hbm>> -> memref<32xf32, #tpu.memory_space<hbm>>
      %dma_wait3A_561 = arith.constant 832 : i32
      %dma_wait3A_562 = tpu.memref_slice %arg13[%dma_wait3A_561] : memref<1536xf32, #tpu.memory_space<vmem>> -> memref<32xf32, #tpu.memory_space<vmem>>
      tpu.wait_dma2 semaphore(%run_scoped3A : memref<!tpu.dma_semaphore, #tpu.memory_space<semaphore_mem>>) src(%dma_wait3A_562 : memref<32xf32, #tpu.memory_space<vmem>>) dst(%dma_wait3A_560 : memref<32xf32, #tpu.memory_space<hbm>>)
      tpu.yield
    }) : () -> ()
    %mul3A_467 = arith.constant 32 : i32
    %mul3A_468 = arith.muli %add3A, %mul3A_467 : i32
    %add3A_469 = arith.constant 27648 : i32
    %add3A_470 = arith.addi %add3A_469, %mul3A_468 : i32
    "tpu.region"() ({
      %run_scoped3A = tpu.sem_alloc : memref<!tpu.dma_semaphore, #tpu.memory_space<semaphore_mem>>
      %dma_start3A_551 = arith.constant 864 : i32
      %dma_start3A_552 = tpu.memref_slice %arg12[%dma_start3A_551] : memref<1536xf32, #tpu.memory_space<vmem>> -> memref<32xf32, #tpu.memory_space<vmem>>
      %dma_start3A_553 = tpu.memref_slice %arg6[%add3A_470] : memref<49152xf32, #tpu.memory_space<hbm>> -> memref<32xf32, #tpu.memory_space<hbm>>
      %dma_start3A_554 = tpu.memref_slice %arg6[%add3A_470] : memref<49152xf32, #tpu.memory_space<hbm>> -> memref<32xf32, #tpu.memory_space<hbm>>
      %dma_start3A_555 = arith.constant 864 : i32
      %dma_start3A_556 = tpu.memref_slice %arg12[%dma_start3A_555] : memref<1536xf32, #tpu.memory_space<vmem>> -> memref<32xf32, #tpu.memory_space<vmem>>
      tpu.enqueue_dma source(%dma_start3A_556 : memref<32xf32, #tpu.memory_space<vmem>>) target(%dma_start3A_554 : memref<32xf32, #tpu.memory_space<hbm>>) target_semaphore(%run_scoped3A : memref<!tpu.dma_semaphore, #tpu.memory_space<semaphore_mem>>)
      %dma_wait3A_557 = arith.constant 864 : i32
      %dma_wait3A_558 = tpu.memref_slice %arg12[%dma_wait3A_557] : memref<1536xf32, #tpu.memory_space<vmem>> -> memref<32xf32, #tpu.memory_space<vmem>>
      %dma_wait3A_559 = tpu.memref_slice %arg6[%add3A_470] : memref<49152xf32, #tpu.memory_space<hbm>> -> memref<32xf32, #tpu.memory_space<hbm>>
      %dma_wait3A_560 = tpu.memref_slice %arg6[%add3A_470] : memref<49152xf32, #tpu.memory_space<hbm>> -> memref<32xf32, #tpu.memory_space<hbm>>
      %dma_wait3A_561 = arith.constant 864 : i32
      %dma_wait3A_562 = tpu.memref_slice %arg12[%dma_wait3A_561] : memref<1536xf32, #tpu.memory_space<vmem>> -> memref<32xf32, #tpu.memory_space<vmem>>
      tpu.wait_dma2 semaphore(%run_scoped3A : memref<!tpu.dma_semaphore, #tpu.memory_space<semaphore_mem>>) src(%dma_wait3A_562 : memref<32xf32, #tpu.memory_space<vmem>>) dst(%dma_wait3A_560 : memref<32xf32, #tpu.memory_space<hbm>>)
      tpu.yield
    }) : () -> ()
    "tpu.region"() ({
      %run_scoped3A = tpu.sem_alloc : memref<!tpu.dma_semaphore, #tpu.memory_space<semaphore_mem>>
      %dma_start3A_551 = arith.constant 864 : i32
      %dma_start3A_552 = tpu.memref_slice %arg13[%dma_start3A_551] : memref<1536xf32, #tpu.memory_space<vmem>> -> memref<32xf32, #tpu.memory_space<vmem>>
      %dma_start3A_553 = tpu.memref_slice %arg7[%add3A_470] : memref<49152xf32, #tpu.memory_space<hbm>> -> memref<32xf32, #tpu.memory_space<hbm>>
      %dma_start3A_554 = tpu.memref_slice %arg7[%add3A_470] : memref<49152xf32, #tpu.memory_space<hbm>> -> memref<32xf32, #tpu.memory_space<hbm>>
      %dma_start3A_555 = arith.constant 864 : i32
      %dma_start3A_556 = tpu.memref_slice %arg13[%dma_start3A_555] : memref<1536xf32, #tpu.memory_space<vmem>> -> memref<32xf32, #tpu.memory_space<vmem>>
      tpu.enqueue_dma source(%dma_start3A_556 : memref<32xf32, #tpu.memory_space<vmem>>) target(%dma_start3A_554 : memref<32xf32, #tpu.memory_space<hbm>>) target_semaphore(%run_scoped3A : memref<!tpu.dma_semaphore, #tpu.memory_space<semaphore_mem>>)
      %dma_wait3A_557 = arith.constant 864 : i32
      %dma_wait3A_558 = tpu.memref_slice %arg13[%dma_wait3A_557] : memref<1536xf32, #tpu.memory_space<vmem>> -> memref<32xf32, #tpu.memory_space<vmem>>
      %dma_wait3A_559 = tpu.memref_slice %arg7[%add3A_470] : memref<49152xf32, #tpu.memory_space<hbm>> -> memref<32xf32, #tpu.memory_space<hbm>>
      %dma_wait3A_560 = tpu.memref_slice %arg7[%add3A_470] : memref<49152xf32, #tpu.memory_space<hbm>> -> memref<32xf32, #tpu.memory_space<hbm>>
      %dma_wait3A_561 = arith.constant 864 : i32
      %dma_wait3A_562 = tpu.memref_slice %arg13[%dma_wait3A_561] : memref<1536xf32, #tpu.memory_space<vmem>> -> memref<32xf32, #tpu.memory_space<vmem>>
      tpu.wait_dma2 semaphore(%run_scoped3A : memref<!tpu.dma_semaphore, #tpu.memory_space<semaphore_mem>>) src(%dma_wait3A_562 : memref<32xf32, #tpu.memory_space<vmem>>) dst(%dma_wait3A_560 : memref<32xf32, #tpu.memory_space<hbm>>)
      tpu.yield
    }) : () -> ()
    %mul3A_471 = arith.constant 32 : i32
    %mul3A_472 = arith.muli %add3A, %mul3A_471 : i32
    %add3A_473 = arith.constant 28672 : i32
    %add3A_474 = arith.addi %add3A_473, %mul3A_472 : i32
    "tpu.region"() ({
      %run_scoped3A = tpu.sem_alloc : memref<!tpu.dma_semaphore, #tpu.memory_space<semaphore_mem>>
      %dma_start3A_551 = arith.constant 896 : i32
      %dma_start3A_552 = tpu.memref_slice %arg12[%dma_start3A_551] : memref<1536xf32, #tpu.memory_space<vmem>> -> memref<32xf32, #tpu.memory_space<vmem>>
      %dma_start3A_553 = tpu.memref_slice %arg6[%add3A_474] : memref<49152xf32, #tpu.memory_space<hbm>> -> memref<32xf32, #tpu.memory_space<hbm>>
      %dma_start3A_554 = tpu.memref_slice %arg6[%add3A_474] : memref<49152xf32, #tpu.memory_space<hbm>> -> memref<32xf32, #tpu.memory_space<hbm>>
      %dma_start3A_555 = arith.constant 896 : i32
      %dma_start3A_556 = tpu.memref_slice %arg12[%dma_start3A_555] : memref<1536xf32, #tpu.memory_space<vmem>> -> memref<32xf32, #tpu.memory_space<vmem>>
      tpu.enqueue_dma source(%dma_start3A_556 : memref<32xf32, #tpu.memory_space<vmem>>) target(%dma_start3A_554 : memref<32xf32, #tpu.memory_space<hbm>>) target_semaphore(%run_scoped3A : memref<!tpu.dma_semaphore, #tpu.memory_space<semaphore_mem>>)
      %dma_wait3A_557 = arith.constant 896 : i32
      %dma_wait3A_558 = tpu.memref_slice %arg12[%dma_wait3A_557] : memref<1536xf32, #tpu.memory_space<vmem>> -> memref<32xf32, #tpu.memory_space<vmem>>
      %dma_wait3A_559 = tpu.memref_slice %arg6[%add3A_474] : memref<49152xf32, #tpu.memory_space<hbm>> -> memref<32xf32, #tpu.memory_space<hbm>>
      %dma_wait3A_560 = tpu.memref_slice %arg6[%add3A_474] : memref<49152xf32, #tpu.memory_space<hbm>> -> memref<32xf32, #tpu.memory_space<hbm>>
      %dma_wait3A_561 = arith.constant 896 : i32
      %dma_wait3A_562 = tpu.memref_slice %arg12[%dma_wait3A_561] : memref<1536xf32, #tpu.memory_space<vmem>> -> memref<32xf32, #tpu.memory_space<vmem>>
      tpu.wait_dma2 semaphore(%run_scoped3A : memref<!tpu.dma_semaphore, #tpu.memory_space<semaphore_mem>>) src(%dma_wait3A_562 : memref<32xf32, #tpu.memory_space<vmem>>) dst(%dma_wait3A_560 : memref<32xf32, #tpu.memory_space<hbm>>)
      tpu.yield
    }) : () -> ()
    "tpu.region"() ({
      %run_scoped3A = tpu.sem_alloc : memref<!tpu.dma_semaphore, #tpu.memory_space<semaphore_mem>>
      %dma_start3A_551 = arith.constant 896 : i32
      %dma_start3A_552 = tpu.memref_slice %arg13[%dma_start3A_551] : memref<1536xf32, #tpu.memory_space<vmem>> -> memref<32xf32, #tpu.memory_space<vmem>>
      %dma_start3A_553 = tpu.memref_slice %arg7[%add3A_474] : memref<49152xf32, #tpu.memory_space<hbm>> -> memref<32xf32, #tpu.memory_space<hbm>>
      %dma_start3A_554 = tpu.memref_slice %arg7[%add3A_474] : memref<49152xf32, #tpu.memory_space<hbm>> -> memref<32xf32, #tpu.memory_space<hbm>>
      %dma_start3A_555 = arith.constant 896 : i32
      %dma_start3A_556 = tpu.memref_slice %arg13[%dma_start3A_555] : memref<1536xf32, #tpu.memory_space<vmem>> -> memref<32xf32, #tpu.memory_space<vmem>>
      tpu.enqueue_dma source(%dma_start3A_556 : memref<32xf32, #tpu.memory_space<vmem>>) target(%dma_start3A_554 : memref<32xf32, #tpu.memory_space<hbm>>) target_semaphore(%run_scoped3A : memref<!tpu.dma_semaphore, #tpu.memory_space<semaphore_mem>>)
      %dma_wait3A_557 = arith.constant 896 : i32
      %dma_wait3A_558 = tpu.memref_slice %arg13[%dma_wait3A_557] : memref<1536xf32, #tpu.memory_space<vmem>> -> memref<32xf32, #tpu.memory_space<vmem>>
      %dma_wait3A_559 = tpu.memref_slice %arg7[%add3A_474] : memref<49152xf32, #tpu.memory_space<hbm>> -> memref<32xf32, #tpu.memory_space<hbm>>
      %dma_wait3A_560 = tpu.memref_slice %arg7[%add3A_474] : memref<49152xf32, #tpu.memory_space<hbm>> -> memref<32xf32, #tpu.memory_space<hbm>>
      %dma_wait3A_561 = arith.constant 896 : i32
      %dma_wait3A_562 = tpu.memref_slice %arg13[%dma_wait3A_561] : memref<1536xf32, #tpu.memory_space<vmem>> -> memref<32xf32, #tpu.memory_space<vmem>>
      tpu.wait_dma2 semaphore(%run_scoped3A : memref<!tpu.dma_semaphore, #tpu.memory_space<semaphore_mem>>) src(%dma_wait3A_562 : memref<32xf32, #tpu.memory_space<vmem>>) dst(%dma_wait3A_560 : memref<32xf32, #tpu.memory_space<hbm>>)
      tpu.yield
    }) : () -> ()
    %mul3A_475 = arith.constant 32 : i32
    %mul3A_476 = arith.muli %add3A, %mul3A_475 : i32
    %add3A_477 = arith.constant 29696 : i32
    %add3A_478 = arith.addi %add3A_477, %mul3A_476 : i32
    "tpu.region"() ({
      %run_scoped3A = tpu.sem_alloc : memref<!tpu.dma_semaphore, #tpu.memory_space<semaphore_mem>>
      %dma_start3A_551 = arith.constant 928 : i32
      %dma_start3A_552 = tpu.memref_slice %arg12[%dma_start3A_551] : memref<1536xf32, #tpu.memory_space<vmem>> -> memref<32xf32, #tpu.memory_space<vmem>>
      %dma_start3A_553 = tpu.memref_slice %arg6[%add3A_478] : memref<49152xf32, #tpu.memory_space<hbm>> -> memref<32xf32, #tpu.memory_space<hbm>>
      %dma_start3A_554 = tpu.memref_slice %arg6[%add3A_478] : memref<49152xf32, #tpu.memory_space<hbm>> -> memref<32xf32, #tpu.memory_space<hbm>>
      %dma_start3A_555 = arith.constant 928 : i32
      %dma_start3A_556 = tpu.memref_slice %arg12[%dma_start3A_555] : memref<1536xf32, #tpu.memory_space<vmem>> -> memref<32xf32, #tpu.memory_space<vmem>>
      tpu.enqueue_dma source(%dma_start3A_556 : memref<32xf32, #tpu.memory_space<vmem>>) target(%dma_start3A_554 : memref<32xf32, #tpu.memory_space<hbm>>) target_semaphore(%run_scoped3A : memref<!tpu.dma_semaphore, #tpu.memory_space<semaphore_mem>>)
      %dma_wait3A_557 = arith.constant 928 : i32
      %dma_wait3A_558 = tpu.memref_slice %arg12[%dma_wait3A_557] : memref<1536xf32, #tpu.memory_space<vmem>> -> memref<32xf32, #tpu.memory_space<vmem>>
      %dma_wait3A_559 = tpu.memref_slice %arg6[%add3A_478] : memref<49152xf32, #tpu.memory_space<hbm>> -> memref<32xf32, #tpu.memory_space<hbm>>
      %dma_wait3A_560 = tpu.memref_slice %arg6[%add3A_478] : memref<49152xf32, #tpu.memory_space<hbm>> -> memref<32xf32, #tpu.memory_space<hbm>>
      %dma_wait3A_561 = arith.constant 928 : i32
      %dma_wait3A_562 = tpu.memref_slice %arg12[%dma_wait3A_561] : memref<1536xf32, #tpu.memory_space<vmem>> -> memref<32xf32, #tpu.memory_space<vmem>>
      tpu.wait_dma2 semaphore(%run_scoped3A : memref<!tpu.dma_semaphore, #tpu.memory_space<semaphore_mem>>) src(%dma_wait3A_562 : memref<32xf32, #tpu.memory_space<vmem>>) dst(%dma_wait3A_560 : memref<32xf32, #tpu.memory_space<hbm>>)
      tpu.yield
    }) : () -> ()
    "tpu.region"() ({
      %run_scoped3A = tpu.sem_alloc : memref<!tpu.dma_semaphore, #tpu.memory_space<semaphore_mem>>
      %dma_start3A_551 = arith.constant 928 : i32
      %dma_start3A_552 = tpu.memref_slice %arg13[%dma_start3A_551] : memref<1536xf32, #tpu.memory_space<vmem>> -> memref<32xf32, #tpu.memory_space<vmem>>
      %dma_start3A_553 = tpu.memref_slice %arg7[%add3A_478] : memref<49152xf32, #tpu.memory_space<hbm>> -> memref<32xf32, #tpu.memory_space<hbm>>
      %dma_start3A_554 = tpu.memref_slice %arg7[%add3A_478] : memref<49152xf32, #tpu.memory_space<hbm>> -> memref<32xf32, #tpu.memory_space<hbm>>
      %dma_start3A_555 = arith.constant 928 : i32
      %dma_start3A_556 = tpu.memref_slice %arg13[%dma_start3A_555] : memref<1536xf32, #tpu.memory_space<vmem>> -> memref<32xf32, #tpu.memory_space<vmem>>
      tpu.enqueue_dma source(%dma_start3A_556 : memref<32xf32, #tpu.memory_space<vmem>>) target(%dma_start3A_554 : memref<32xf32, #tpu.memory_space<hbm>>) target_semaphore(%run_scoped3A : memref<!tpu.dma_semaphore, #tpu.memory_space<semaphore_mem>>)
      %dma_wait3A_557 = arith.constant 928 : i32
      %dma_wait3A_558 = tpu.memref_slice %arg13[%dma_wait3A_557] : memref<1536xf32, #tpu.memory_space<vmem>> -> memref<32xf32, #tpu.memory_space<vmem>>
      %dma_wait3A_559 = tpu.memref_slice %arg7[%add3A_478] : memref<49152xf32, #tpu.memory_space<hbm>> -> memref<32xf32, #tpu.memory_space<hbm>>
      %dma_wait3A_560 = tpu.memref_slice %arg7[%add3A_478] : memref<49152xf32, #tpu.memory_space<hbm>> -> memref<32xf32, #tpu.memory_space<hbm>>
      %dma_wait3A_561 = arith.constant 928 : i32
      %dma_wait3A_562 = tpu.memref_slice %arg13[%dma_wait3A_561] : memref<1536xf32, #tpu.memory_space<vmem>> -> memref<32xf32, #tpu.memory_space<vmem>>
      tpu.wait_dma2 semaphore(%run_scoped3A : memref<!tpu.dma_semaphore, #tpu.memory_space<semaphore_mem>>) src(%dma_wait3A_562 : memref<32xf32, #tpu.memory_space<vmem>>) dst(%dma_wait3A_560 : memref<32xf32, #tpu.memory_space<hbm>>)
      tpu.yield
    }) : () -> ()
    %mul3A_479 = arith.constant 32 : i32
    %mul3A_480 = arith.muli %add3A, %mul3A_479 : i32
    %add3A_481 = arith.constant 30720 : i32
    %add3A_482 = arith.addi %add3A_481, %mul3A_480 : i32
    "tpu.region"() ({
      %run_scoped3A = tpu.sem_alloc : memref<!tpu.dma_semaphore, #tpu.memory_space<semaphore_mem>>
      %dma_start3A_551 = arith.constant 960 : i32
      %dma_start3A_552 = tpu.memref_slice %arg12[%dma_start3A_551] : memref<1536xf32, #tpu.memory_space<vmem>> -> memref<32xf32, #tpu.memory_space<vmem>>
      %dma_start3A_553 = tpu.memref_slice %arg6[%add3A_482] : memref<49152xf32, #tpu.memory_space<hbm>> -> memref<32xf32, #tpu.memory_space<hbm>>
      %dma_start3A_554 = tpu.memref_slice %arg6[%add3A_482] : memref<49152xf32, #tpu.memory_space<hbm>> -> memref<32xf32, #tpu.memory_space<hbm>>
      %dma_start3A_555 = arith.constant 960 : i32
      %dma_start3A_556 = tpu.memref_slice %arg12[%dma_start3A_555] : memref<1536xf32, #tpu.memory_space<vmem>> -> memref<32xf32, #tpu.memory_space<vmem>>
      tpu.enqueue_dma source(%dma_start3A_556 : memref<32xf32, #tpu.memory_space<vmem>>) target(%dma_start3A_554 : memref<32xf32, #tpu.memory_space<hbm>>) target_semaphore(%run_scoped3A : memref<!tpu.dma_semaphore, #tpu.memory_space<semaphore_mem>>)
      %dma_wait3A_557 = arith.constant 960 : i32
      %dma_wait3A_558 = tpu.memref_slice %arg12[%dma_wait3A_557] : memref<1536xf32, #tpu.memory_space<vmem>> -> memref<32xf32, #tpu.memory_space<vmem>>
      %dma_wait3A_559 = tpu.memref_slice %arg6[%add3A_482] : memref<49152xf32, #tpu.memory_space<hbm>> -> memref<32xf32, #tpu.memory_space<hbm>>
      %dma_wait3A_560 = tpu.memref_slice %arg6[%add3A_482] : memref<49152xf32, #tpu.memory_space<hbm>> -> memref<32xf32, #tpu.memory_space<hbm>>
      %dma_wait3A_561 = arith.constant 960 : i32
      %dma_wait3A_562 = tpu.memref_slice %arg12[%dma_wait3A_561] : memref<1536xf32, #tpu.memory_space<vmem>> -> memref<32xf32, #tpu.memory_space<vmem>>
      tpu.wait_dma2 semaphore(%run_scoped3A : memref<!tpu.dma_semaphore, #tpu.memory_space<semaphore_mem>>) src(%dma_wait3A_562 : memref<32xf32, #tpu.memory_space<vmem>>) dst(%dma_wait3A_560 : memref<32xf32, #tpu.memory_space<hbm>>)
      tpu.yield
    }) : () -> ()
    "tpu.region"() ({
      %run_scoped3A = tpu.sem_alloc : memref<!tpu.dma_semaphore, #tpu.memory_space<semaphore_mem>>
      %dma_start3A_551 = arith.constant 960 : i32
      %dma_start3A_552 = tpu.memref_slice %arg13[%dma_start3A_551] : memref<1536xf32, #tpu.memory_space<vmem>> -> memref<32xf32, #tpu.memory_space<vmem>>
      %dma_start3A_553 = tpu.memref_slice %arg7[%add3A_482] : memref<49152xf32, #tpu.memory_space<hbm>> -> memref<32xf32, #tpu.memory_space<hbm>>
      %dma_start3A_554 = tpu.memref_slice %arg7[%add3A_482] : memref<49152xf32, #tpu.memory_space<hbm>> -> memref<32xf32, #tpu.memory_space<hbm>>
      %dma_start3A_555 = arith.constant 960 : i32
      %dma_start3A_556 = tpu.memref_slice %arg13[%dma_start3A_555] : memref<1536xf32, #tpu.memory_space<vmem>> -> memref<32xf32, #tpu.memory_space<vmem>>
      tpu.enqueue_dma source(%dma_start3A_556 : memref<32xf32, #tpu.memory_space<vmem>>) target(%dma_start3A_554 : memref<32xf32, #tpu.memory_space<hbm>>) target_semaphore(%run_scoped3A : memref<!tpu.dma_semaphore, #tpu.memory_space<semaphore_mem>>)
      %dma_wait3A_557 = arith.constant 960 : i32
      %dma_wait3A_558 = tpu.memref_slice %arg13[%dma_wait3A_557] : memref<1536xf32, #tpu.memory_space<vmem>> -> memref<32xf32, #tpu.memory_space<vmem>>
      %dma_wait3A_559 = tpu.memref_slice %arg7[%add3A_482] : memref<49152xf32, #tpu.memory_space<hbm>> -> memref<32xf32, #tpu.memory_space<hbm>>
      %dma_wait3A_560 = tpu.memref_slice %arg7[%add3A_482] : memref<49152xf32, #tpu.memory_space<hbm>> -> memref<32xf32, #tpu.memory_space<hbm>>
      %dma_wait3A_561 = arith.constant 960 : i32
      %dma_wait3A_562 = tpu.memref_slice %arg13[%dma_wait3A_561] : memref<1536xf32, #tpu.memory_space<vmem>> -> memref<32xf32, #tpu.memory_space<vmem>>
      tpu.wait_dma2 semaphore(%run_scoped3A : memref<!tpu.dma_semaphore, #tpu.memory_space<semaphore_mem>>) src(%dma_wait3A_562 : memref<32xf32, #tpu.memory_space<vmem>>) dst(%dma_wait3A_560 : memref<32xf32, #tpu.memory_space<hbm>>)
      tpu.yield
    }) : () -> ()
    %mul3A_483 = arith.constant 32 : i32
    %mul3A_484 = arith.muli %add3A, %mul3A_483 : i32
    %add3A_485 = arith.constant 31744 : i32
    %add3A_486 = arith.addi %add3A_485, %mul3A_484 : i32
    "tpu.region"() ({
      %run_scoped3A = tpu.sem_alloc : memref<!tpu.dma_semaphore, #tpu.memory_space<semaphore_mem>>
      %dma_start3A_551 = arith.constant 992 : i32
      %dma_start3A_552 = tpu.memref_slice %arg12[%dma_start3A_551] : memref<1536xf32, #tpu.memory_space<vmem>> -> memref<32xf32, #tpu.memory_space<vmem>>
      %dma_start3A_553 = tpu.memref_slice %arg6[%add3A_486] : memref<49152xf32, #tpu.memory_space<hbm>> -> memref<32xf32, #tpu.memory_space<hbm>>
      %dma_start3A_554 = tpu.memref_slice %arg6[%add3A_486] : memref<49152xf32, #tpu.memory_space<hbm>> -> memref<32xf32, #tpu.memory_space<hbm>>
      %dma_start3A_555 = arith.constant 992 : i32
      %dma_start3A_556 = tpu.memref_slice %arg12[%dma_start3A_555] : memref<1536xf32, #tpu.memory_space<vmem>> -> memref<32xf32, #tpu.memory_space<vmem>>
      tpu.enqueue_dma source(%dma_start3A_556 : memref<32xf32, #tpu.memory_space<vmem>>) target(%dma_start3A_554 : memref<32xf32, #tpu.memory_space<hbm>>) target_semaphore(%run_scoped3A : memref<!tpu.dma_semaphore, #tpu.memory_space<semaphore_mem>>)
      %dma_wait3A_557 = arith.constant 992 : i32
      %dma_wait3A_558 = tpu.memref_slice %arg12[%dma_wait3A_557] : memref<1536xf32, #tpu.memory_space<vmem>> -> memref<32xf32, #tpu.memory_space<vmem>>
      %dma_wait3A_559 = tpu.memref_slice %arg6[%add3A_486] : memref<49152xf32, #tpu.memory_space<hbm>> -> memref<32xf32, #tpu.memory_space<hbm>>
      %dma_wait3A_560 = tpu.memref_slice %arg6[%add3A_486] : memref<49152xf32, #tpu.memory_space<hbm>> -> memref<32xf32, #tpu.memory_space<hbm>>
      %dma_wait3A_561 = arith.constant 992 : i32
      %dma_wait3A_562 = tpu.memref_slice %arg12[%dma_wait3A_561] : memref<1536xf32, #tpu.memory_space<vmem>> -> memref<32xf32, #tpu.memory_space<vmem>>
      tpu.wait_dma2 semaphore(%run_scoped3A : memref<!tpu.dma_semaphore, #tpu.memory_space<semaphore_mem>>) src(%dma_wait3A_562 : memref<32xf32, #tpu.memory_space<vmem>>) dst(%dma_wait3A_560 : memref<32xf32, #tpu.memory_space<hbm>>)
      tpu.yield
    }) : () -> ()
    "tpu.region"() ({
      %run_scoped3A = tpu.sem_alloc : memref<!tpu.dma_semaphore, #tpu.memory_space<semaphore_mem>>
      %dma_start3A_551 = arith.constant 992 : i32
      %dma_start3A_552 = tpu.memref_slice %arg13[%dma_start3A_551] : memref<1536xf32, #tpu.memory_space<vmem>> -> memref<32xf32, #tpu.memory_space<vmem>>
      %dma_start3A_553 = tpu.memref_slice %arg7[%add3A_486] : memref<49152xf32, #tpu.memory_space<hbm>> -> memref<32xf32, #tpu.memory_space<hbm>>
      %dma_start3A_554 = tpu.memref_slice %arg7[%add3A_486] : memref<49152xf32, #tpu.memory_space<hbm>> -> memref<32xf32, #tpu.memory_space<hbm>>
      %dma_start3A_555 = arith.constant 992 : i32
      %dma_start3A_556 = tpu.memref_slice %arg13[%dma_start3A_555] : memref<1536xf32, #tpu.memory_space<vmem>> -> memref<32xf32, #tpu.memory_space<vmem>>
      tpu.enqueue_dma source(%dma_start3A_556 : memref<32xf32, #tpu.memory_space<vmem>>) target(%dma_start3A_554 : memref<32xf32, #tpu.memory_space<hbm>>) target_semaphore(%run_scoped3A : memref<!tpu.dma_semaphore, #tpu.memory_space<semaphore_mem>>)
      %dma_wait3A_557 = arith.constant 992 : i32
      %dma_wait3A_558 = tpu.memref_slice %arg13[%dma_wait3A_557] : memref<1536xf32, #tpu.memory_space<vmem>> -> memref<32xf32, #tpu.memory_space<vmem>>
      %dma_wait3A_559 = tpu.memref_slice %arg7[%add3A_486] : memref<49152xf32, #tpu.memory_space<hbm>> -> memref<32xf32, #tpu.memory_space<hbm>>
      %dma_wait3A_560 = tpu.memref_slice %arg7[%add3A_486] : memref<49152xf32, #tpu.memory_space<hbm>> -> memref<32xf32, #tpu.memory_space<hbm>>
      %dma_wait3A_561 = arith.constant 992 : i32
      %dma_wait3A_562 = tpu.memref_slice %arg13[%dma_wait3A_561] : memref<1536xf32, #tpu.memory_space<vmem>> -> memref<32xf32, #tpu.memory_space<vmem>>
      tpu.wait_dma2 semaphore(%run_scoped3A : memref<!tpu.dma_semaphore, #tpu.memory_space<semaphore_mem>>) src(%dma_wait3A_562 : memref<32xf32, #tpu.memory_space<vmem>>) dst(%dma_wait3A_560 : memref<32xf32, #tpu.memory_space<hbm>>)
      tpu.yield
    }) : () -> ()
    %mul3A_487 = arith.constant 32 : i32
    %mul3A_488 = arith.muli %add3A, %mul3A_487 : i32
    %add3A_489 = arith.constant 32768 : i32
    %add3A_490 = arith.addi %add3A_489, %mul3A_488 : i32
    "tpu.region"() ({
      %run_scoped3A = tpu.sem_alloc : memref<!tpu.dma_semaphore, #tpu.memory_space<semaphore_mem>>
      %dma_start3A_551 = arith.constant 1024 : i32
      %dma_start3A_552 = tpu.memref_slice %arg12[%dma_start3A_551] : memref<1536xf32, #tpu.memory_space<vmem>> -> memref<32xf32, #tpu.memory_space<vmem>>
      %dma_start3A_553 = tpu.memref_slice %arg6[%add3A_490] : memref<49152xf32, #tpu.memory_space<hbm>> -> memref<32xf32, #tpu.memory_space<hbm>>
      %dma_start3A_554 = tpu.memref_slice %arg6[%add3A_490] : memref<49152xf32, #tpu.memory_space<hbm>> -> memref<32xf32, #tpu.memory_space<hbm>>
      %dma_start3A_555 = arith.constant 1024 : i32
      %dma_start3A_556 = tpu.memref_slice %arg12[%dma_start3A_555] : memref<1536xf32, #tpu.memory_space<vmem>> -> memref<32xf32, #tpu.memory_space<vmem>>
      tpu.enqueue_dma source(%dma_start3A_556 : memref<32xf32, #tpu.memory_space<vmem>>) target(%dma_start3A_554 : memref<32xf32, #tpu.memory_space<hbm>>) target_semaphore(%run_scoped3A : memref<!tpu.dma_semaphore, #tpu.memory_space<semaphore_mem>>)
      %dma_wait3A_557 = arith.constant 1024 : i32
      %dma_wait3A_558 = tpu.memref_slice %arg12[%dma_wait3A_557] : memref<1536xf32, #tpu.memory_space<vmem>> -> memref<32xf32, #tpu.memory_space<vmem>>
      %dma_wait3A_559 = tpu.memref_slice %arg6[%add3A_490] : memref<49152xf32, #tpu.memory_space<hbm>> -> memref<32xf32, #tpu.memory_space<hbm>>
      %dma_wait3A_560 = tpu.memref_slice %arg6[%add3A_490] : memref<49152xf32, #tpu.memory_space<hbm>> -> memref<32xf32, #tpu.memory_space<hbm>>
      %dma_wait3A_561 = arith.constant 1024 : i32
      %dma_wait3A_562 = tpu.memref_slice %arg12[%dma_wait3A_561] : memref<1536xf32, #tpu.memory_space<vmem>> -> memref<32xf32, #tpu.memory_space<vmem>>
      tpu.wait_dma2 semaphore(%run_scoped3A : memref<!tpu.dma_semaphore, #tpu.memory_space<semaphore_mem>>) src(%dma_wait3A_562 : memref<32xf32, #tpu.memory_space<vmem>>) dst(%dma_wait3A_560 : memref<32xf32, #tpu.memory_space<hbm>>)
      tpu.yield
    }) : () -> ()
    "tpu.region"() ({
      %run_scoped3A = tpu.sem_alloc : memref<!tpu.dma_semaphore, #tpu.memory_space<semaphore_mem>>
      %dma_start3A_551 = arith.constant 1024 : i32
      %dma_start3A_552 = tpu.memref_slice %arg13[%dma_start3A_551] : memref<1536xf32, #tpu.memory_space<vmem>> -> memref<32xf32, #tpu.memory_space<vmem>>
      %dma_start3A_553 = tpu.memref_slice %arg7[%add3A_490] : memref<49152xf32, #tpu.memory_space<hbm>> -> memref<32xf32, #tpu.memory_space<hbm>>
      %dma_start3A_554 = tpu.memref_slice %arg7[%add3A_490] : memref<49152xf32, #tpu.memory_space<hbm>> -> memref<32xf32, #tpu.memory_space<hbm>>
      %dma_start3A_555 = arith.constant 1024 : i32
      %dma_start3A_556 = tpu.memref_slice %arg13[%dma_start3A_555] : memref<1536xf32, #tpu.memory_space<vmem>> -> memref<32xf32, #tpu.memory_space<vmem>>
      tpu.enqueue_dma source(%dma_start3A_556 : memref<32xf32, #tpu.memory_space<vmem>>) target(%dma_start3A_554 : memref<32xf32, #tpu.memory_space<hbm>>) target_semaphore(%run_scoped3A : memref<!tpu.dma_semaphore, #tpu.memory_space<semaphore_mem>>)
      %dma_wait3A_557 = arith.constant 1024 : i32
      %dma_wait3A_558 = tpu.memref_slice %arg13[%dma_wait3A_557] : memref<1536xf32, #tpu.memory_space<vmem>> -> memref<32xf32, #tpu.memory_space<vmem>>
      %dma_wait3A_559 = tpu.memref_slice %arg7[%add3A_490] : memref<49152xf32, #tpu.memory_space<hbm>> -> memref<32xf32, #tpu.memory_space<hbm>>
      %dma_wait3A_560 = tpu.memref_slice %arg7[%add3A_490] : memref<49152xf32, #tpu.memory_space<hbm>> -> memref<32xf32, #tpu.memory_space<hbm>>
      %dma_wait3A_561 = arith.constant 1024 : i32
      %dma_wait3A_562 = tpu.memref_slice %arg13[%dma_wait3A_561] : memref<1536xf32, #tpu.memory_space<vmem>> -> memref<32xf32, #tpu.memory_space<vmem>>
      tpu.wait_dma2 semaphore(%run_scoped3A : memref<!tpu.dma_semaphore, #tpu.memory_space<semaphore_mem>>) src(%dma_wait3A_562 : memref<32xf32, #tpu.memory_space<vmem>>) dst(%dma_wait3A_560 : memref<32xf32, #tpu.memory_space<hbm>>)
      tpu.yield
    }) : () -> ()
    %mul3A_491 = arith.constant 32 : i32
    %mul3A_492 = arith.muli %add3A, %mul3A_491 : i32
    %add3A_493 = arith.constant 33792 : i32
    %add3A_494 = arith.addi %add3A_493, %mul3A_492 : i32
    "tpu.region"() ({
      %run_scoped3A = tpu.sem_alloc : memref<!tpu.dma_semaphore, #tpu.memory_space<semaphore_mem>>
      %dma_start3A_551 = arith.constant 1056 : i32
      %dma_start3A_552 = tpu.memref_slice %arg12[%dma_start3A_551] : memref<1536xf32, #tpu.memory_space<vmem>> -> memref<32xf32, #tpu.memory_space<vmem>>
      %dma_start3A_553 = tpu.memref_slice %arg6[%add3A_494] : memref<49152xf32, #tpu.memory_space<hbm>> -> memref<32xf32, #tpu.memory_space<hbm>>
      %dma_start3A_554 = tpu.memref_slice %arg6[%add3A_494] : memref<49152xf32, #tpu.memory_space<hbm>> -> memref<32xf32, #tpu.memory_space<hbm>>
      %dma_start3A_555 = arith.constant 1056 : i32
      %dma_start3A_556 = tpu.memref_slice %arg12[%dma_start3A_555] : memref<1536xf32, #tpu.memory_space<vmem>> -> memref<32xf32, #tpu.memory_space<vmem>>
      tpu.enqueue_dma source(%dma_start3A_556 : memref<32xf32, #tpu.memory_space<vmem>>) target(%dma_start3A_554 : memref<32xf32, #tpu.memory_space<hbm>>) target_semaphore(%run_scoped3A : memref<!tpu.dma_semaphore, #tpu.memory_space<semaphore_mem>>)
      %dma_wait3A_557 = arith.constant 1056 : i32
      %dma_wait3A_558 = tpu.memref_slice %arg12[%dma_wait3A_557] : memref<1536xf32, #tpu.memory_space<vmem>> -> memref<32xf32, #tpu.memory_space<vmem>>
      %dma_wait3A_559 = tpu.memref_slice %arg6[%add3A_494] : memref<49152xf32, #tpu.memory_space<hbm>> -> memref<32xf32, #tpu.memory_space<hbm>>
      %dma_wait3A_560 = tpu.memref_slice %arg6[%add3A_494] : memref<49152xf32, #tpu.memory_space<hbm>> -> memref<32xf32, #tpu.memory_space<hbm>>
      %dma_wait3A_561 = arith.constant 1056 : i32
      %dma_wait3A_562 = tpu.memref_slice %arg12[%dma_wait3A_561] : memref<1536xf32, #tpu.memory_space<vmem>> -> memref<32xf32, #tpu.memory_space<vmem>>
      tpu.wait_dma2 semaphore(%run_scoped3A : memref<!tpu.dma_semaphore, #tpu.memory_space<semaphore_mem>>) src(%dma_wait3A_562 : memref<32xf32, #tpu.memory_space<vmem>>) dst(%dma_wait3A_560 : memref<32xf32, #tpu.memory_space<hbm>>)
      tpu.yield
    }) : () -> ()
    "tpu.region"() ({
      %run_scoped3A = tpu.sem_alloc : memref<!tpu.dma_semaphore, #tpu.memory_space<semaphore_mem>>
      %dma_start3A_551 = arith.constant 1056 : i32
      %dma_start3A_552 = tpu.memref_slice %arg13[%dma_start3A_551] : memref<1536xf32, #tpu.memory_space<vmem>> -> memref<32xf32, #tpu.memory_space<vmem>>
      %dma_start3A_553 = tpu.memref_slice %arg7[%add3A_494] : memref<49152xf32, #tpu.memory_space<hbm>> -> memref<32xf32, #tpu.memory_space<hbm>>
      %dma_start3A_554 = tpu.memref_slice %arg7[%add3A_494] : memref<49152xf32, #tpu.memory_space<hbm>> -> memref<32xf32, #tpu.memory_space<hbm>>
      %dma_start3A_555 = arith.constant 1056 : i32
      %dma_start3A_556 = tpu.memref_slice %arg13[%dma_start3A_555] : memref<1536xf32, #tpu.memory_space<vmem>> -> memref<32xf32, #tpu.memory_space<vmem>>
      tpu.enqueue_dma source(%dma_start3A_556 : memref<32xf32, #tpu.memory_space<vmem>>) target(%dma_start3A_554 : memref<32xf32, #tpu.memory_space<hbm>>) target_semaphore(%run_scoped3A : memref<!tpu.dma_semaphore, #tpu.memory_space<semaphore_mem>>)
      %dma_wait3A_557 = arith.constant 1056 : i32
      %dma_wait3A_558 = tpu.memref_slice %arg13[%dma_wait3A_557] : memref<1536xf32, #tpu.memory_space<vmem>> -> memref<32xf32, #tpu.memory_space<vmem>>
      %dma_wait3A_559 = tpu.memref_slice %arg7[%add3A_494] : memref<49152xf32, #tpu.memory_space<hbm>> -> memref<32xf32, #tpu.memory_space<hbm>>
      %dma_wait3A_560 = tpu.memref_slice %arg7[%add3A_494] : memref<49152xf32, #tpu.memory_space<hbm>> -> memref<32xf32, #tpu.memory_space<hbm>>
      %dma_wait3A_561 = arith.constant 1056 : i32
      %dma_wait3A_562 = tpu.memref_slice %arg13[%dma_wait3A_561] : memref<1536xf32, #tpu.memory_space<vmem>> -> memref<32xf32, #tpu.memory_space<vmem>>
      tpu.wait_dma2 semaphore(%run_scoped3A : memref<!tpu.dma_semaphore, #tpu.memory_space<semaphore_mem>>) src(%dma_wait3A_562 : memref<32xf32, #tpu.memory_space<vmem>>) dst(%dma_wait3A_560 : memref<32xf32, #tpu.memory_space<hbm>>)
      tpu.yield
    }) : () -> ()
    %mul3A_495 = arith.constant 32 : i32
    %mul3A_496 = arith.muli %add3A, %mul3A_495 : i32
    %add3A_497 = arith.constant 34816 : i32
    %add3A_498 = arith.addi %add3A_497, %mul3A_496 : i32
    "tpu.region"() ({
      %run_scoped3A = tpu.sem_alloc : memref<!tpu.dma_semaphore, #tpu.memory_space<semaphore_mem>>
      %dma_start3A_551 = arith.constant 1088 : i32
      %dma_start3A_552 = tpu.memref_slice %arg12[%dma_start3A_551] : memref<1536xf32, #tpu.memory_space<vmem>> -> memref<32xf32, #tpu.memory_space<vmem>>
      %dma_start3A_553 = tpu.memref_slice %arg6[%add3A_498] : memref<49152xf32, #tpu.memory_space<hbm>> -> memref<32xf32, #tpu.memory_space<hbm>>
      %dma_start3A_554 = tpu.memref_slice %arg6[%add3A_498] : memref<49152xf32, #tpu.memory_space<hbm>> -> memref<32xf32, #tpu.memory_space<hbm>>
      %dma_start3A_555 = arith.constant 1088 : i32
      %dma_start3A_556 = tpu.memref_slice %arg12[%dma_start3A_555] : memref<1536xf32, #tpu.memory_space<vmem>> -> memref<32xf32, #tpu.memory_space<vmem>>
      tpu.enqueue_dma source(%dma_start3A_556 : memref<32xf32, #tpu.memory_space<vmem>>) target(%dma_start3A_554 : memref<32xf32, #tpu.memory_space<hbm>>) target_semaphore(%run_scoped3A : memref<!tpu.dma_semaphore, #tpu.memory_space<semaphore_mem>>)
      %dma_wait3A_557 = arith.constant 1088 : i32
      %dma_wait3A_558 = tpu.memref_slice %arg12[%dma_wait3A_557] : memref<1536xf32, #tpu.memory_space<vmem>> -> memref<32xf32, #tpu.memory_space<vmem>>
      %dma_wait3A_559 = tpu.memref_slice %arg6[%add3A_498] : memref<49152xf32, #tpu.memory_space<hbm>> -> memref<32xf32, #tpu.memory_space<hbm>>
      %dma_wait3A_560 = tpu.memref_slice %arg6[%add3A_498] : memref<49152xf32, #tpu.memory_space<hbm>> -> memref<32xf32, #tpu.memory_space<hbm>>
      %dma_wait3A_561 = arith.constant 1088 : i32
      %dma_wait3A_562 = tpu.memref_slice %arg12[%dma_wait3A_561] : memref<1536xf32, #tpu.memory_space<vmem>> -> memref<32xf32, #tpu.memory_space<vmem>>
      tpu.wait_dma2 semaphore(%run_scoped3A : memref<!tpu.dma_semaphore, #tpu.memory_space<semaphore_mem>>) src(%dma_wait3A_562 : memref<32xf32, #tpu.memory_space<vmem>>) dst(%dma_wait3A_560 : memref<32xf32, #tpu.memory_space<hbm>>)
      tpu.yield
    }) : () -> ()
    "tpu.region"() ({
      %run_scoped3A = tpu.sem_alloc : memref<!tpu.dma_semaphore, #tpu.memory_space<semaphore_mem>>
      %dma_start3A_551 = arith.constant 1088 : i32
      %dma_start3A_552 = tpu.memref_slice %arg13[%dma_start3A_551] : memref<1536xf32, #tpu.memory_space<vmem>> -> memref<32xf32, #tpu.memory_space<vmem>>
      %dma_start3A_553 = tpu.memref_slice %arg7[%add3A_498] : memref<49152xf32, #tpu.memory_space<hbm>> -> memref<32xf32, #tpu.memory_space<hbm>>
      %dma_start3A_554 = tpu.memref_slice %arg7[%add3A_498] : memref<49152xf32, #tpu.memory_space<hbm>> -> memref<32xf32, #tpu.memory_space<hbm>>
      %dma_start3A_555 = arith.constant 1088 : i32
      %dma_start3A_556 = tpu.memref_slice %arg13[%dma_start3A_555] : memref<1536xf32, #tpu.memory_space<vmem>> -> memref<32xf32, #tpu.memory_space<vmem>>
      tpu.enqueue_dma source(%dma_start3A_556 : memref<32xf32, #tpu.memory_space<vmem>>) target(%dma_start3A_554 : memref<32xf32, #tpu.memory_space<hbm>>) target_semaphore(%run_scoped3A : memref<!tpu.dma_semaphore, #tpu.memory_space<semaphore_mem>>)
      %dma_wait3A_557 = arith.constant 1088 : i32
      %dma_wait3A_558 = tpu.memref_slice %arg13[%dma_wait3A_557] : memref<1536xf32, #tpu.memory_space<vmem>> -> memref<32xf32, #tpu.memory_space<vmem>>
      %dma_wait3A_559 = tpu.memref_slice %arg7[%add3A_498] : memref<49152xf32, #tpu.memory_space<hbm>> -> memref<32xf32, #tpu.memory_space<hbm>>
      %dma_wait3A_560 = tpu.memref_slice %arg7[%add3A_498] : memref<49152xf32, #tpu.memory_space<hbm>> -> memref<32xf32, #tpu.memory_space<hbm>>
      %dma_wait3A_561 = arith.constant 1088 : i32
      %dma_wait3A_562 = tpu.memref_slice %arg13[%dma_wait3A_561] : memref<1536xf32, #tpu.memory_space<vmem>> -> memref<32xf32, #tpu.memory_space<vmem>>
      tpu.wait_dma2 semaphore(%run_scoped3A : memref<!tpu.dma_semaphore, #tpu.memory_space<semaphore_mem>>) src(%dma_wait3A_562 : memref<32xf32, #tpu.memory_space<vmem>>) dst(%dma_wait3A_560 : memref<32xf32, #tpu.memory_space<hbm>>)
      tpu.yield
    }) : () -> ()
    %mul3A_499 = arith.constant 32 : i32
    %mul3A_500 = arith.muli %add3A, %mul3A_499 : i32
    %add3A_501 = arith.constant 35840 : i32
    %add3A_502 = arith.addi %add3A_501, %mul3A_500 : i32
    "tpu.region"() ({
      %run_scoped3A = tpu.sem_alloc : memref<!tpu.dma_semaphore, #tpu.memory_space<semaphore_mem>>
      %dma_start3A_551 = arith.constant 1120 : i32
      %dma_start3A_552 = tpu.memref_slice %arg12[%dma_start3A_551] : memref<1536xf32, #tpu.memory_space<vmem>> -> memref<32xf32, #tpu.memory_space<vmem>>
      %dma_start3A_553 = tpu.memref_slice %arg6[%add3A_502] : memref<49152xf32, #tpu.memory_space<hbm>> -> memref<32xf32, #tpu.memory_space<hbm>>
      %dma_start3A_554 = tpu.memref_slice %arg6[%add3A_502] : memref<49152xf32, #tpu.memory_space<hbm>> -> memref<32xf32, #tpu.memory_space<hbm>>
      %dma_start3A_555 = arith.constant 1120 : i32
      %dma_start3A_556 = tpu.memref_slice %arg12[%dma_start3A_555] : memref<1536xf32, #tpu.memory_space<vmem>> -> memref<32xf32, #tpu.memory_space<vmem>>
      tpu.enqueue_dma source(%dma_start3A_556 : memref<32xf32, #tpu.memory_space<vmem>>) target(%dma_start3A_554 : memref<32xf32, #tpu.memory_space<hbm>>) target_semaphore(%run_scoped3A : memref<!tpu.dma_semaphore, #tpu.memory_space<semaphore_mem>>)
      %dma_wait3A_557 = arith.constant 1120 : i32
      %dma_wait3A_558 = tpu.memref_slice %arg12[%dma_wait3A_557] : memref<1536xf32, #tpu.memory_space<vmem>> -> memref<32xf32, #tpu.memory_space<vmem>>
      %dma_wait3A_559 = tpu.memref_slice %arg6[%add3A_502] : memref<49152xf32, #tpu.memory_space<hbm>> -> memref<32xf32, #tpu.memory_space<hbm>>
      %dma_wait3A_560 = tpu.memref_slice %arg6[%add3A_502] : memref<49152xf32, #tpu.memory_space<hbm>> -> memref<32xf32, #tpu.memory_space<hbm>>
      %dma_wait3A_561 = arith.constant 1120 : i32
      %dma_wait3A_562 = tpu.memref_slice %arg12[%dma_wait3A_561] : memref<1536xf32, #tpu.memory_space<vmem>> -> memref<32xf32, #tpu.memory_space<vmem>>
      tpu.wait_dma2 semaphore(%run_scoped3A : memref<!tpu.dma_semaphore, #tpu.memory_space<semaphore_mem>>) src(%dma_wait3A_562 : memref<32xf32, #tpu.memory_space<vmem>>) dst(%dma_wait3A_560 : memref<32xf32, #tpu.memory_space<hbm>>)
      tpu.yield
    }) : () -> ()
    "tpu.region"() ({
      %run_scoped3A = tpu.sem_alloc : memref<!tpu.dma_semaphore, #tpu.memory_space<semaphore_mem>>
      %dma_start3A_551 = arith.constant 1120 : i32
      %dma_start3A_552 = tpu.memref_slice %arg13[%dma_start3A_551] : memref<1536xf32, #tpu.memory_space<vmem>> -> memref<32xf32, #tpu.memory_space<vmem>>
      %dma_start3A_553 = tpu.memref_slice %arg7[%add3A_502] : memref<49152xf32, #tpu.memory_space<hbm>> -> memref<32xf32, #tpu.memory_space<hbm>>
      %dma_start3A_554 = tpu.memref_slice %arg7[%add3A_502] : memref<49152xf32, #tpu.memory_space<hbm>> -> memref<32xf32, #tpu.memory_space<hbm>>
      %dma_start3A_555 = arith.constant 1120 : i32
      %dma_start3A_556 = tpu.memref_slice %arg13[%dma_start3A_555] : memref<1536xf32, #tpu.memory_space<vmem>> -> memref<32xf32, #tpu.memory_space<vmem>>
      tpu.enqueue_dma source(%dma_start3A_556 : memref<32xf32, #tpu.memory_space<vmem>>) target(%dma_start3A_554 : memref<32xf32, #tpu.memory_space<hbm>>) target_semaphore(%run_scoped3A : memref<!tpu.dma_semaphore, #tpu.memory_space<semaphore_mem>>)
      %dma_wait3A_557 = arith.constant 1120 : i32
      %dma_wait3A_558 = tpu.memref_slice %arg13[%dma_wait3A_557] : memref<1536xf32, #tpu.memory_space<vmem>> -> memref<32xf32, #tpu.memory_space<vmem>>
      %dma_wait3A_559 = tpu.memref_slice %arg7[%add3A_502] : memref<49152xf32, #tpu.memory_space<hbm>> -> memref<32xf32, #tpu.memory_space<hbm>>
      %dma_wait3A_560 = tpu.memref_slice %arg7[%add3A_502] : memref<49152xf32, #tpu.memory_space<hbm>> -> memref<32xf32, #tpu.memory_space<hbm>>
      %dma_wait3A_561 = arith.constant 1120 : i32
      %dma_wait3A_562 = tpu.memref_slice %arg13[%dma_wait3A_561] : memref<1536xf32, #tpu.memory_space<vmem>> -> memref<32xf32, #tpu.memory_space<vmem>>
      tpu.wait_dma2 semaphore(%run_scoped3A : memref<!tpu.dma_semaphore, #tpu.memory_space<semaphore_mem>>) src(%dma_wait3A_562 : memref<32xf32, #tpu.memory_space<vmem>>) dst(%dma_wait3A_560 : memref<32xf32, #tpu.memory_space<hbm>>)
      tpu.yield
    }) : () -> ()
    %mul3A_503 = arith.constant 32 : i32
    %mul3A_504 = arith.muli %add3A, %mul3A_503 : i32
    %add3A_505 = arith.constant 36864 : i32
    %add3A_506 = arith.addi %add3A_505, %mul3A_504 : i32
    "tpu.region"() ({
      %run_scoped3A = tpu.sem_alloc : memref<!tpu.dma_semaphore, #tpu.memory_space<semaphore_mem>>
      %dma_start3A_551 = arith.constant 1152 : i32
      %dma_start3A_552 = tpu.memref_slice %arg12[%dma_start3A_551] : memref<1536xf32, #tpu.memory_space<vmem>> -> memref<32xf32, #tpu.memory_space<vmem>>
      %dma_start3A_553 = tpu.memref_slice %arg6[%add3A_506] : memref<49152xf32, #tpu.memory_space<hbm>> -> memref<32xf32, #tpu.memory_space<hbm>>
      %dma_start3A_554 = tpu.memref_slice %arg6[%add3A_506] : memref<49152xf32, #tpu.memory_space<hbm>> -> memref<32xf32, #tpu.memory_space<hbm>>
      %dma_start3A_555 = arith.constant 1152 : i32
      %dma_start3A_556 = tpu.memref_slice %arg12[%dma_start3A_555] : memref<1536xf32, #tpu.memory_space<vmem>> -> memref<32xf32, #tpu.memory_space<vmem>>
      tpu.enqueue_dma source(%dma_start3A_556 : memref<32xf32, #tpu.memory_space<vmem>>) target(%dma_start3A_554 : memref<32xf32, #tpu.memory_space<hbm>>) target_semaphore(%run_scoped3A : memref<!tpu.dma_semaphore, #tpu.memory_space<semaphore_mem>>)
      %dma_wait3A_557 = arith.constant 1152 : i32
      %dma_wait3A_558 = tpu.memref_slice %arg12[%dma_wait3A_557] : memref<1536xf32, #tpu.memory_space<vmem>> -> memref<32xf32, #tpu.memory_space<vmem>>
      %dma_wait3A_559 = tpu.memref_slice %arg6[%add3A_506] : memref<49152xf32, #tpu.memory_space<hbm>> -> memref<32xf32, #tpu.memory_space<hbm>>
      %dma_wait3A_560 = tpu.memref_slice %arg6[%add3A_506] : memref<49152xf32, #tpu.memory_space<hbm>> -> memref<32xf32, #tpu.memory_space<hbm>>
      %dma_wait3A_561 = arith.constant 1152 : i32
      %dma_wait3A_562 = tpu.memref_slice %arg12[%dma_wait3A_561] : memref<1536xf32, #tpu.memory_space<vmem>> -> memref<32xf32, #tpu.memory_space<vmem>>
      tpu.wait_dma2 semaphore(%run_scoped3A : memref<!tpu.dma_semaphore, #tpu.memory_space<semaphore_mem>>) src(%dma_wait3A_562 : memref<32xf32, #tpu.memory_space<vmem>>) dst(%dma_wait3A_560 : memref<32xf32, #tpu.memory_space<hbm>>)
      tpu.yield
    }) : () -> ()
    "tpu.region"() ({
      %run_scoped3A = tpu.sem_alloc : memref<!tpu.dma_semaphore, #tpu.memory_space<semaphore_mem>>
      %dma_start3A_551 = arith.constant 1152 : i32
      %dma_start3A_552 = tpu.memref_slice %arg13[%dma_start3A_551] : memref<1536xf32, #tpu.memory_space<vmem>> -> memref<32xf32, #tpu.memory_space<vmem>>
      %dma_start3A_553 = tpu.memref_slice %arg7[%add3A_506] : memref<49152xf32, #tpu.memory_space<hbm>> -> memref<32xf32, #tpu.memory_space<hbm>>
      %dma_start3A_554 = tpu.memref_slice %arg7[%add3A_506] : memref<49152xf32, #tpu.memory_space<hbm>> -> memref<32xf32, #tpu.memory_space<hbm>>
      %dma_start3A_555 = arith.constant 1152 : i32
      %dma_start3A_556 = tpu.memref_slice %arg13[%dma_start3A_555] : memref<1536xf32, #tpu.memory_space<vmem>> -> memref<32xf32, #tpu.memory_space<vmem>>
      tpu.enqueue_dma source(%dma_start3A_556 : memref<32xf32, #tpu.memory_space<vmem>>) target(%dma_start3A_554 : memref<32xf32, #tpu.memory_space<hbm>>) target_semaphore(%run_scoped3A : memref<!tpu.dma_semaphore, #tpu.memory_space<semaphore_mem>>)
      %dma_wait3A_557 = arith.constant 1152 : i32
      %dma_wait3A_558 = tpu.memref_slice %arg13[%dma_wait3A_557] : memref<1536xf32, #tpu.memory_space<vmem>> -> memref<32xf32, #tpu.memory_space<vmem>>
      %dma_wait3A_559 = tpu.memref_slice %arg7[%add3A_506] : memref<49152xf32, #tpu.memory_space<hbm>> -> memref<32xf32, #tpu.memory_space<hbm>>
      %dma_wait3A_560 = tpu.memref_slice %arg7[%add3A_506] : memref<49152xf32, #tpu.memory_space<hbm>> -> memref<32xf32, #tpu.memory_space<hbm>>
      %dma_wait3A_561 = arith.constant 1152 : i32
      %dma_wait3A_562 = tpu.memref_slice %arg13[%dma_wait3A_561] : memref<1536xf32, #tpu.memory_space<vmem>> -> memref<32xf32, #tpu.memory_space<vmem>>
      tpu.wait_dma2 semaphore(%run_scoped3A : memref<!tpu.dma_semaphore, #tpu.memory_space<semaphore_mem>>) src(%dma_wait3A_562 : memref<32xf32, #tpu.memory_space<vmem>>) dst(%dma_wait3A_560 : memref<32xf32, #tpu.memory_space<hbm>>)
      tpu.yield
    }) : () -> ()
    %mul3A_507 = arith.constant 32 : i32
    %mul3A_508 = arith.muli %add3A, %mul3A_507 : i32
    %add3A_509 = arith.constant 37888 : i32
    %add3A_510 = arith.addi %add3A_509, %mul3A_508 : i32
    "tpu.region"() ({
      %run_scoped3A = tpu.sem_alloc : memref<!tpu.dma_semaphore, #tpu.memory_space<semaphore_mem>>
      %dma_start3A_551 = arith.constant 1184 : i32
      %dma_start3A_552 = tpu.memref_slice %arg12[%dma_start3A_551] : memref<1536xf32, #tpu.memory_space<vmem>> -> memref<32xf32, #tpu.memory_space<vmem>>
      %dma_start3A_553 = tpu.memref_slice %arg6[%add3A_510] : memref<49152xf32, #tpu.memory_space<hbm>> -> memref<32xf32, #tpu.memory_space<hbm>>
      %dma_start3A_554 = tpu.memref_slice %arg6[%add3A_510] : memref<49152xf32, #tpu.memory_space<hbm>> -> memref<32xf32, #tpu.memory_space<hbm>>
      %dma_start3A_555 = arith.constant 1184 : i32
      %dma_start3A_556 = tpu.memref_slice %arg12[%dma_start3A_555] : memref<1536xf32, #tpu.memory_space<vmem>> -> memref<32xf32, #tpu.memory_space<vmem>>
      tpu.enqueue_dma source(%dma_start3A_556 : memref<32xf32, #tpu.memory_space<vmem>>) target(%dma_start3A_554 : memref<32xf32, #tpu.memory_space<hbm>>) target_semaphore(%run_scoped3A : memref<!tpu.dma_semaphore, #tpu.memory_space<semaphore_mem>>)
      %dma_wait3A_557 = arith.constant 1184 : i32
      %dma_wait3A_558 = tpu.memref_slice %arg12[%dma_wait3A_557] : memref<1536xf32, #tpu.memory_space<vmem>> -> memref<32xf32, #tpu.memory_space<vmem>>
      %dma_wait3A_559 = tpu.memref_slice %arg6[%add3A_510] : memref<49152xf32, #tpu.memory_space<hbm>> -> memref<32xf32, #tpu.memory_space<hbm>>
      %dma_wait3A_560 = tpu.memref_slice %arg6[%add3A_510] : memref<49152xf32, #tpu.memory_space<hbm>> -> memref<32xf32, #tpu.memory_space<hbm>>
      %dma_wait3A_561 = arith.constant 1184 : i32
      %dma_wait3A_562 = tpu.memref_slice %arg12[%dma_wait3A_561] : memref<1536xf32, #tpu.memory_space<vmem>> -> memref<32xf32, #tpu.memory_space<vmem>>
      tpu.wait_dma2 semaphore(%run_scoped3A : memref<!tpu.dma_semaphore, #tpu.memory_space<semaphore_mem>>) src(%dma_wait3A_562 : memref<32xf32, #tpu.memory_space<vmem>>) dst(%dma_wait3A_560 : memref<32xf32, #tpu.memory_space<hbm>>)
      tpu.yield
    }) : () -> ()
    "tpu.region"() ({
      %run_scoped3A = tpu.sem_alloc : memref<!tpu.dma_semaphore, #tpu.memory_space<semaphore_mem>>
      %dma_start3A_551 = arith.constant 1184 : i32
      %dma_start3A_552 = tpu.memref_slice %arg13[%dma_start3A_551] : memref<1536xf32, #tpu.memory_space<vmem>> -> memref<32xf32, #tpu.memory_space<vmem>>
      %dma_start3A_553 = tpu.memref_slice %arg7[%add3A_510] : memref<49152xf32, #tpu.memory_space<hbm>> -> memref<32xf32, #tpu.memory_space<hbm>>
      %dma_start3A_554 = tpu.memref_slice %arg7[%add3A_510] : memref<49152xf32, #tpu.memory_space<hbm>> -> memref<32xf32, #tpu.memory_space<hbm>>
      %dma_start3A_555 = arith.constant 1184 : i32
      %dma_start3A_556 = tpu.memref_slice %arg13[%dma_start3A_555] : memref<1536xf32, #tpu.memory_space<vmem>> -> memref<32xf32, #tpu.memory_space<vmem>>
      tpu.enqueue_dma source(%dma_start3A_556 : memref<32xf32, #tpu.memory_space<vmem>>) target(%dma_start3A_554 : memref<32xf32, #tpu.memory_space<hbm>>) target_semaphore(%run_scoped3A : memref<!tpu.dma_semaphore, #tpu.memory_space<semaphore_mem>>)
      %dma_wait3A_557 = arith.constant 1184 : i32
      %dma_wait3A_558 = tpu.memref_slice %arg13[%dma_wait3A_557] : memref<1536xf32, #tpu.memory_space<vmem>> -> memref<32xf32, #tpu.memory_space<vmem>>
      %dma_wait3A_559 = tpu.memref_slice %arg7[%add3A_510] : memref<49152xf32, #tpu.memory_space<hbm>> -> memref<32xf32, #tpu.memory_space<hbm>>
      %dma_wait3A_560 = tpu.memref_slice %arg7[%add3A_510] : memref<49152xf32, #tpu.memory_space<hbm>> -> memref<32xf32, #tpu.memory_space<hbm>>
      %dma_wait3A_561 = arith.constant 1184 : i32
      %dma_wait3A_562 = tpu.memref_slice %arg13[%dma_wait3A_561] : memref<1536xf32, #tpu.memory_space<vmem>> -> memref<32xf32, #tpu.memory_space<vmem>>
      tpu.wait_dma2 semaphore(%run_scoped3A : memref<!tpu.dma_semaphore, #tpu.memory_space<semaphore_mem>>) src(%dma_wait3A_562 : memref<32xf32, #tpu.memory_space<vmem>>) dst(%dma_wait3A_560 : memref<32xf32, #tpu.memory_space<hbm>>)
      tpu.yield
    }) : () -> ()
    %mul3A_511 = arith.constant 32 : i32
    %mul3A_512 = arith.muli %add3A, %mul3A_511 : i32
    %add3A_513 = arith.constant 38912 : i32
    %add3A_514 = arith.addi %add3A_513, %mul3A_512 : i32
    "tpu.region"() ({
      %run_scoped3A = tpu.sem_alloc : memref<!tpu.dma_semaphore, #tpu.memory_space<semaphore_mem>>
      %dma_start3A_551 = arith.constant 1216 : i32
      %dma_start3A_552 = tpu.memref_slice %arg12[%dma_start3A_551] : memref<1536xf32, #tpu.memory_space<vmem>> -> memref<32xf32, #tpu.memory_space<vmem>>
      %dma_start3A_553 = tpu.memref_slice %arg6[%add3A_514] : memref<49152xf32, #tpu.memory_space<hbm>> -> memref<32xf32, #tpu.memory_space<hbm>>
      %dma_start3A_554 = tpu.memref_slice %arg6[%add3A_514] : memref<49152xf32, #tpu.memory_space<hbm>> -> memref<32xf32, #tpu.memory_space<hbm>>
      %dma_start3A_555 = arith.constant 1216 : i32
      %dma_start3A_556 = tpu.memref_slice %arg12[%dma_start3A_555] : memref<1536xf32, #tpu.memory_space<vmem>> -> memref<32xf32, #tpu.memory_space<vmem>>
      tpu.enqueue_dma source(%dma_start3A_556 : memref<32xf32, #tpu.memory_space<vmem>>) target(%dma_start3A_554 : memref<32xf32, #tpu.memory_space<hbm>>) target_semaphore(%run_scoped3A : memref<!tpu.dma_semaphore, #tpu.memory_space<semaphore_mem>>)
      %dma_wait3A_557 = arith.constant 1216 : i32
      %dma_wait3A_558 = tpu.memref_slice %arg12[%dma_wait3A_557] : memref<1536xf32, #tpu.memory_space<vmem>> -> memref<32xf32, #tpu.memory_space<vmem>>
      %dma_wait3A_559 = tpu.memref_slice %arg6[%add3A_514] : memref<49152xf32, #tpu.memory_space<hbm>> -> memref<32xf32, #tpu.memory_space<hbm>>
      %dma_wait3A_560 = tpu.memref_slice %arg6[%add3A_514] : memref<49152xf32, #tpu.memory_space<hbm>> -> memref<32xf32, #tpu.memory_space<hbm>>
      %dma_wait3A_561 = arith.constant 1216 : i32
      %dma_wait3A_562 = tpu.memref_slice %arg12[%dma_wait3A_561] : memref<1536xf32, #tpu.memory_space<vmem>> -> memref<32xf32, #tpu.memory_space<vmem>>
      tpu.wait_dma2 semaphore(%run_scoped3A : memref<!tpu.dma_semaphore, #tpu.memory_space<semaphore_mem>>) src(%dma_wait3A_562 : memref<32xf32, #tpu.memory_space<vmem>>) dst(%dma_wait3A_560 : memref<32xf32, #tpu.memory_space<hbm>>)
      tpu.yield
    }) : () -> ()
    "tpu.region"() ({
      %run_scoped3A = tpu.sem_alloc : memref<!tpu.dma_semaphore, #tpu.memory_space<semaphore_mem>>
      %dma_start3A_551 = arith.constant 1216 : i32
      %dma_start3A_552 = tpu.memref_slice %arg13[%dma_start3A_551] : memref<1536xf32, #tpu.memory_space<vmem>> -> memref<32xf32, #tpu.memory_space<vmem>>
      %dma_start3A_553 = tpu.memref_slice %arg7[%add3A_514] : memref<49152xf32, #tpu.memory_space<hbm>> -> memref<32xf32, #tpu.memory_space<hbm>>
      %dma_start3A_554 = tpu.memref_slice %arg7[%add3A_514] : memref<49152xf32, #tpu.memory_space<hbm>> -> memref<32xf32, #tpu.memory_space<hbm>>
      %dma_start3A_555 = arith.constant 1216 : i32
      %dma_start3A_556 = tpu.memref_slice %arg13[%dma_start3A_555] : memref<1536xf32, #tpu.memory_space<vmem>> -> memref<32xf32, #tpu.memory_space<vmem>>
      tpu.enqueue_dma source(%dma_start3A_556 : memref<32xf32, #tpu.memory_space<vmem>>) target(%dma_start3A_554 : memref<32xf32, #tpu.memory_space<hbm>>) target_semaphore(%run_scoped3A : memref<!tpu.dma_semaphore, #tpu.memory_space<semaphore_mem>>)
      %dma_wait3A_557 = arith.constant 1216 : i32
      %dma_wait3A_558 = tpu.memref_slice %arg13[%dma_wait3A_557] : memref<1536xf32, #tpu.memory_space<vmem>> -> memref<32xf32, #tpu.memory_space<vmem>>
      %dma_wait3A_559 = tpu.memref_slice %arg7[%add3A_514] : memref<49152xf32, #tpu.memory_space<hbm>> -> memref<32xf32, #tpu.memory_space<hbm>>
      %dma_wait3A_560 = tpu.memref_slice %arg7[%add3A_514] : memref<49152xf32, #tpu.memory_space<hbm>> -> memref<32xf32, #tpu.memory_space<hbm>>
      %dma_wait3A_561 = arith.constant 1216 : i32
      %dma_wait3A_562 = tpu.memref_slice %arg13[%dma_wait3A_561] : memref<1536xf32, #tpu.memory_space<vmem>> -> memref<32xf32, #tpu.memory_space<vmem>>
      tpu.wait_dma2 semaphore(%run_scoped3A : memref<!tpu.dma_semaphore, #tpu.memory_space<semaphore_mem>>) src(%dma_wait3A_562 : memref<32xf32, #tpu.memory_space<vmem>>) dst(%dma_wait3A_560 : memref<32xf32, #tpu.memory_space<hbm>>)
      tpu.yield
    }) : () -> ()
    %mul3A_515 = arith.constant 32 : i32
    %mul3A_516 = arith.muli %add3A, %mul3A_515 : i32
    %add3A_517 = arith.constant 39936 : i32
    %add3A_518 = arith.addi %add3A_517, %mul3A_516 : i32
    "tpu.region"() ({
      %run_scoped3A = tpu.sem_alloc : memref<!tpu.dma_semaphore, #tpu.memory_space<semaphore_mem>>
      %dma_start3A_551 = arith.constant 1248 : i32
      %dma_start3A_552 = tpu.memref_slice %arg12[%dma_start3A_551] : memref<1536xf32, #tpu.memory_space<vmem>> -> memref<32xf32, #tpu.memory_space<vmem>>
      %dma_start3A_553 = tpu.memref_slice %arg6[%add3A_518] : memref<49152xf32, #tpu.memory_space<hbm>> -> memref<32xf32, #tpu.memory_space<hbm>>
      %dma_start3A_554 = tpu.memref_slice %arg6[%add3A_518] : memref<49152xf32, #tpu.memory_space<hbm>> -> memref<32xf32, #tpu.memory_space<hbm>>
      %dma_start3A_555 = arith.constant 1248 : i32
      %dma_start3A_556 = tpu.memref_slice %arg12[%dma_start3A_555] : memref<1536xf32, #tpu.memory_space<vmem>> -> memref<32xf32, #tpu.memory_space<vmem>>
      tpu.enqueue_dma source(%dma_start3A_556 : memref<32xf32, #tpu.memory_space<vmem>>) target(%dma_start3A_554 : memref<32xf32, #tpu.memory_space<hbm>>) target_semaphore(%run_scoped3A : memref<!tpu.dma_semaphore, #tpu.memory_space<semaphore_mem>>)
      %dma_wait3A_557 = arith.constant 1248 : i32
      %dma_wait3A_558 = tpu.memref_slice %arg12[%dma_wait3A_557] : memref<1536xf32, #tpu.memory_space<vmem>> -> memref<32xf32, #tpu.memory_space<vmem>>
      %dma_wait3A_559 = tpu.memref_slice %arg6[%add3A_518] : memref<49152xf32, #tpu.memory_space<hbm>> -> memref<32xf32, #tpu.memory_space<hbm>>
      %dma_wait3A_560 = tpu.memref_slice %arg6[%add3A_518] : memref<49152xf32, #tpu.memory_space<hbm>> -> memref<32xf32, #tpu.memory_space<hbm>>
      %dma_wait3A_561 = arith.constant 1248 : i32
      %dma_wait3A_562 = tpu.memref_slice %arg12[%dma_wait3A_561] : memref<1536xf32, #tpu.memory_space<vmem>> -> memref<32xf32, #tpu.memory_space<vmem>>
      tpu.wait_dma2 semaphore(%run_scoped3A : memref<!tpu.dma_semaphore, #tpu.memory_space<semaphore_mem>>) src(%dma_wait3A_562 : memref<32xf32, #tpu.memory_space<vmem>>) dst(%dma_wait3A_560 : memref<32xf32, #tpu.memory_space<hbm>>)
      tpu.yield
    }) : () -> ()
    "tpu.region"() ({
      %run_scoped3A = tpu.sem_alloc : memref<!tpu.dma_semaphore, #tpu.memory_space<semaphore_mem>>
      %dma_start3A_551 = arith.constant 1248 : i32
      %dma_start3A_552 = tpu.memref_slice %arg13[%dma_start3A_551] : memref<1536xf32, #tpu.memory_space<vmem>> -> memref<32xf32, #tpu.memory_space<vmem>>
      %dma_start3A_553 = tpu.memref_slice %arg7[%add3A_518] : memref<49152xf32, #tpu.memory_space<hbm>> -> memref<32xf32, #tpu.memory_space<hbm>>
      %dma_start3A_554 = tpu.memref_slice %arg7[%add3A_518] : memref<49152xf32, #tpu.memory_space<hbm>> -> memref<32xf32, #tpu.memory_space<hbm>>
      %dma_start3A_555 = arith.constant 1248 : i32
      %dma_start3A_556 = tpu.memref_slice %arg13[%dma_start3A_555] : memref<1536xf32, #tpu.memory_space<vmem>> -> memref<32xf32, #tpu.memory_space<vmem>>
      tpu.enqueue_dma source(%dma_start3A_556 : memref<32xf32, #tpu.memory_space<vmem>>) target(%dma_start3A_554 : memref<32xf32, #tpu.memory_space<hbm>>) target_semaphore(%run_scoped3A : memref<!tpu.dma_semaphore, #tpu.memory_space<semaphore_mem>>)
      %dma_wait3A_557 = arith.constant 1248 : i32
      %dma_wait3A_558 = tpu.memref_slice %arg13[%dma_wait3A_557] : memref<1536xf32, #tpu.memory_space<vmem>> -> memref<32xf32, #tpu.memory_space<vmem>>
      %dma_wait3A_559 = tpu.memref_slice %arg7[%add3A_518] : memref<49152xf32, #tpu.memory_space<hbm>> -> memref<32xf32, #tpu.memory_space<hbm>>
      %dma_wait3A_560 = tpu.memref_slice %arg7[%add3A_518] : memref<49152xf32, #tpu.memory_space<hbm>> -> memref<32xf32, #tpu.memory_space<hbm>>
      %dma_wait3A_561 = arith.constant 1248 : i32
      %dma_wait3A_562 = tpu.memref_slice %arg13[%dma_wait3A_561] : memref<1536xf32, #tpu.memory_space<vmem>> -> memref<32xf32, #tpu.memory_space<vmem>>
      tpu.wait_dma2 semaphore(%run_scoped3A : memref<!tpu.dma_semaphore, #tpu.memory_space<semaphore_mem>>) src(%dma_wait3A_562 : memref<32xf32, #tpu.memory_space<vmem>>) dst(%dma_wait3A_560 : memref<32xf32, #tpu.memory_space<hbm>>)
      tpu.yield
    }) : () -> ()
    %mul3A_519 = arith.constant 32 : i32
    %mul3A_520 = arith.muli %add3A, %mul3A_519 : i32
    %add3A_521 = arith.constant 40960 : i32
    %add3A_522 = arith.addi %add3A_521, %mul3A_520 : i32
    "tpu.region"() ({
      %run_scoped3A = tpu.sem_alloc : memref<!tpu.dma_semaphore, #tpu.memory_space<semaphore_mem>>
      %dma_start3A_551 = arith.constant 1280 : i32
      %dma_start3A_552 = tpu.memref_slice %arg12[%dma_start3A_551] : memref<1536xf32, #tpu.memory_space<vmem>> -> memref<32xf32, #tpu.memory_space<vmem>>
      %dma_start3A_553 = tpu.memref_slice %arg6[%add3A_522] : memref<49152xf32, #tpu.memory_space<hbm>> -> memref<32xf32, #tpu.memory_space<hbm>>
      %dma_start3A_554 = tpu.memref_slice %arg6[%add3A_522] : memref<49152xf32, #tpu.memory_space<hbm>> -> memref<32xf32, #tpu.memory_space<hbm>>
      %dma_start3A_555 = arith.constant 1280 : i32
      %dma_start3A_556 = tpu.memref_slice %arg12[%dma_start3A_555] : memref<1536xf32, #tpu.memory_space<vmem>> -> memref<32xf32, #tpu.memory_space<vmem>>
      tpu.enqueue_dma source(%dma_start3A_556 : memref<32xf32, #tpu.memory_space<vmem>>) target(%dma_start3A_554 : memref<32xf32, #tpu.memory_space<hbm>>) target_semaphore(%run_scoped3A : memref<!tpu.dma_semaphore, #tpu.memory_space<semaphore_mem>>)
      %dma_wait3A_557 = arith.constant 1280 : i32
      %dma_wait3A_558 = tpu.memref_slice %arg12[%dma_wait3A_557] : memref<1536xf32, #tpu.memory_space<vmem>> -> memref<32xf32, #tpu.memory_space<vmem>>
      %dma_wait3A_559 = tpu.memref_slice %arg6[%add3A_522] : memref<49152xf32, #tpu.memory_space<hbm>> -> memref<32xf32, #tpu.memory_space<hbm>>
      %dma_wait3A_560 = tpu.memref_slice %arg6[%add3A_522] : memref<49152xf32, #tpu.memory_space<hbm>> -> memref<32xf32, #tpu.memory_space<hbm>>
      %dma_wait3A_561 = arith.constant 1280 : i32
      %dma_wait3A_562 = tpu.memref_slice %arg12[%dma_wait3A_561] : memref<1536xf32, #tpu.memory_space<vmem>> -> memref<32xf32, #tpu.memory_space<vmem>>
      tpu.wait_dma2 semaphore(%run_scoped3A : memref<!tpu.dma_semaphore, #tpu.memory_space<semaphore_mem>>) src(%dma_wait3A_562 : memref<32xf32, #tpu.memory_space<vmem>>) dst(%dma_wait3A_560 : memref<32xf32, #tpu.memory_space<hbm>>)
      tpu.yield
    }) : () -> ()
    "tpu.region"() ({
      %run_scoped3A = tpu.sem_alloc : memref<!tpu.dma_semaphore, #tpu.memory_space<semaphore_mem>>
      %dma_start3A_551 = arith.constant 1280 : i32
      %dma_start3A_552 = tpu.memref_slice %arg13[%dma_start3A_551] : memref<1536xf32, #tpu.memory_space<vmem>> -> memref<32xf32, #tpu.memory_space<vmem>>
      %dma_start3A_553 = tpu.memref_slice %arg7[%add3A_522] : memref<49152xf32, #tpu.memory_space<hbm>> -> memref<32xf32, #tpu.memory_space<hbm>>
      %dma_start3A_554 = tpu.memref_slice %arg7[%add3A_522] : memref<49152xf32, #tpu.memory_space<hbm>> -> memref<32xf32, #tpu.memory_space<hbm>>
      %dma_start3A_555 = arith.constant 1280 : i32
      %dma_start3A_556 = tpu.memref_slice %arg13[%dma_start3A_555] : memref<1536xf32, #tpu.memory_space<vmem>> -> memref<32xf32, #tpu.memory_space<vmem>>
      tpu.enqueue_dma source(%dma_start3A_556 : memref<32xf32, #tpu.memory_space<vmem>>) target(%dma_start3A_554 : memref<32xf32, #tpu.memory_space<hbm>>) target_semaphore(%run_scoped3A : memref<!tpu.dma_semaphore, #tpu.memory_space<semaphore_mem>>)
      %dma_wait3A_557 = arith.constant 1280 : i32
      %dma_wait3A_558 = tpu.memref_slice %arg13[%dma_wait3A_557] : memref<1536xf32, #tpu.memory_space<vmem>> -> memref<32xf32, #tpu.memory_space<vmem>>
      %dma_wait3A_559 = tpu.memref_slice %arg7[%add3A_522] : memref<49152xf32, #tpu.memory_space<hbm>> -> memref<32xf32, #tpu.memory_space<hbm>>
      %dma_wait3A_560 = tpu.memref_slice %arg7[%add3A_522] : memref<49152xf32, #tpu.memory_space<hbm>> -> memref<32xf32, #tpu.memory_space<hbm>>
      %dma_wait3A_561 = arith.constant 1280 : i32
      %dma_wait3A_562 = tpu.memref_slice %arg13[%dma_wait3A_561] : memref<1536xf32, #tpu.memory_space<vmem>> -> memref<32xf32, #tpu.memory_space<vmem>>
      tpu.wait_dma2 semaphore(%run_scoped3A : memref<!tpu.dma_semaphore, #tpu.memory_space<semaphore_mem>>) src(%dma_wait3A_562 : memref<32xf32, #tpu.memory_space<vmem>>) dst(%dma_wait3A_560 : memref<32xf32, #tpu.memory_space<hbm>>)
      tpu.yield
    }) : () -> ()
    %mul3A_523 = arith.constant 32 : i32
    %mul3A_524 = arith.muli %add3A, %mul3A_523 : i32
    %add3A_525 = arith.constant 41984 : i32
    %add3A_526 = arith.addi %add3A_525, %mul3A_524 : i32
    "tpu.region"() ({
      %run_scoped3A = tpu.sem_alloc : memref<!tpu.dma_semaphore, #tpu.memory_space<semaphore_mem>>
      %dma_start3A_551 = arith.constant 1312 : i32
      %dma_start3A_552 = tpu.memref_slice %arg12[%dma_start3A_551] : memref<1536xf32, #tpu.memory_space<vmem>> -> memref<32xf32, #tpu.memory_space<vmem>>
      %dma_start3A_553 = tpu.memref_slice %arg6[%add3A_526] : memref<49152xf32, #tpu.memory_space<hbm>> -> memref<32xf32, #tpu.memory_space<hbm>>
      %dma_start3A_554 = tpu.memref_slice %arg6[%add3A_526] : memref<49152xf32, #tpu.memory_space<hbm>> -> memref<32xf32, #tpu.memory_space<hbm>>
      %dma_start3A_555 = arith.constant 1312 : i32
      %dma_start3A_556 = tpu.memref_slice %arg12[%dma_start3A_555] : memref<1536xf32, #tpu.memory_space<vmem>> -> memref<32xf32, #tpu.memory_space<vmem>>
      tpu.enqueue_dma source(%dma_start3A_556 : memref<32xf32, #tpu.memory_space<vmem>>) target(%dma_start3A_554 : memref<32xf32, #tpu.memory_space<hbm>>) target_semaphore(%run_scoped3A : memref<!tpu.dma_semaphore, #tpu.memory_space<semaphore_mem>>)
      %dma_wait3A_557 = arith.constant 1312 : i32
      %dma_wait3A_558 = tpu.memref_slice %arg12[%dma_wait3A_557] : memref<1536xf32, #tpu.memory_space<vmem>> -> memref<32xf32, #tpu.memory_space<vmem>>
      %dma_wait3A_559 = tpu.memref_slice %arg6[%add3A_526] : memref<49152xf32, #tpu.memory_space<hbm>> -> memref<32xf32, #tpu.memory_space<hbm>>
      %dma_wait3A_560 = tpu.memref_slice %arg6[%add3A_526] : memref<49152xf32, #tpu.memory_space<hbm>> -> memref<32xf32, #tpu.memory_space<hbm>>
      %dma_wait3A_561 = arith.constant 1312 : i32
      %dma_wait3A_562 = tpu.memref_slice %arg12[%dma_wait3A_561] : memref<1536xf32, #tpu.memory_space<vmem>> -> memref<32xf32, #tpu.memory_space<vmem>>
      tpu.wait_dma2 semaphore(%run_scoped3A : memref<!tpu.dma_semaphore, #tpu.memory_space<semaphore_mem>>) src(%dma_wait3A_562 : memref<32xf32, #tpu.memory_space<vmem>>) dst(%dma_wait3A_560 : memref<32xf32, #tpu.memory_space<hbm>>)
      tpu.yield
    }) : () -> ()
    "tpu.region"() ({
      %run_scoped3A = tpu.sem_alloc : memref<!tpu.dma_semaphore, #tpu.memory_space<semaphore_mem>>
      %dma_start3A_551 = arith.constant 1312 : i32
      %dma_start3A_552 = tpu.memref_slice %arg13[%dma_start3A_551] : memref<1536xf32, #tpu.memory_space<vmem>> -> memref<32xf32, #tpu.memory_space<vmem>>
      %dma_start3A_553 = tpu.memref_slice %arg7[%add3A_526] : memref<49152xf32, #tpu.memory_space<hbm>> -> memref<32xf32, #tpu.memory_space<hbm>>
      %dma_start3A_554 = tpu.memref_slice %arg7[%add3A_526] : memref<49152xf32, #tpu.memory_space<hbm>> -> memref<32xf32, #tpu.memory_space<hbm>>
      %dma_start3A_555 = arith.constant 1312 : i32
      %dma_start3A_556 = tpu.memref_slice %arg13[%dma_start3A_555] : memref<1536xf32, #tpu.memory_space<vmem>> -> memref<32xf32, #tpu.memory_space<vmem>>
      tpu.enqueue_dma source(%dma_start3A_556 : memref<32xf32, #tpu.memory_space<vmem>>) target(%dma_start3A_554 : memref<32xf32, #tpu.memory_space<hbm>>) target_semaphore(%run_scoped3A : memref<!tpu.dma_semaphore, #tpu.memory_space<semaphore_mem>>)
      %dma_wait3A_557 = arith.constant 1312 : i32
      %dma_wait3A_558 = tpu.memref_slice %arg13[%dma_wait3A_557] : memref<1536xf32, #tpu.memory_space<vmem>> -> memref<32xf32, #tpu.memory_space<vmem>>
      %dma_wait3A_559 = tpu.memref_slice %arg7[%add3A_526] : memref<49152xf32, #tpu.memory_space<hbm>> -> memref<32xf32, #tpu.memory_space<hbm>>
      %dma_wait3A_560 = tpu.memref_slice %arg7[%add3A_526] : memref<49152xf32, #tpu.memory_space<hbm>> -> memref<32xf32, #tpu.memory_space<hbm>>
      %dma_wait3A_561 = arith.constant 1312 : i32
      %dma_wait3A_562 = tpu.memref_slice %arg13[%dma_wait3A_561] : memref<1536xf32, #tpu.memory_space<vmem>> -> memref<32xf32, #tpu.memory_space<vmem>>
      tpu.wait_dma2 semaphore(%run_scoped3A : memref<!tpu.dma_semaphore, #tpu.memory_space<semaphore_mem>>) src(%dma_wait3A_562 : memref<32xf32, #tpu.memory_space<vmem>>) dst(%dma_wait3A_560 : memref<32xf32, #tpu.memory_space<hbm>>)
      tpu.yield
    }) : () -> ()
    %mul3A_527 = arith.constant 32 : i32
    %mul3A_528 = arith.muli %add3A, %mul3A_527 : i32
    %add3A_529 = arith.constant 43008 : i32
    %add3A_530 = arith.addi %add3A_529, %mul3A_528 : i32
    "tpu.region"() ({
      %run_scoped3A = tpu.sem_alloc : memref<!tpu.dma_semaphore, #tpu.memory_space<semaphore_mem>>
      %dma_start3A_551 = arith.constant 1344 : i32
      %dma_start3A_552 = tpu.memref_slice %arg12[%dma_start3A_551] : memref<1536xf32, #tpu.memory_space<vmem>> -> memref<32xf32, #tpu.memory_space<vmem>>
      %dma_start3A_553 = tpu.memref_slice %arg6[%add3A_530] : memref<49152xf32, #tpu.memory_space<hbm>> -> memref<32xf32, #tpu.memory_space<hbm>>
      %dma_start3A_554 = tpu.memref_slice %arg6[%add3A_530] : memref<49152xf32, #tpu.memory_space<hbm>> -> memref<32xf32, #tpu.memory_space<hbm>>
      %dma_start3A_555 = arith.constant 1344 : i32
      %dma_start3A_556 = tpu.memref_slice %arg12[%dma_start3A_555] : memref<1536xf32, #tpu.memory_space<vmem>> -> memref<32xf32, #tpu.memory_space<vmem>>
      tpu.enqueue_dma source(%dma_start3A_556 : memref<32xf32, #tpu.memory_space<vmem>>) target(%dma_start3A_554 : memref<32xf32, #tpu.memory_space<hbm>>) target_semaphore(%run_scoped3A : memref<!tpu.dma_semaphore, #tpu.memory_space<semaphore_mem>>)
      %dma_wait3A_557 = arith.constant 1344 : i32
      %dma_wait3A_558 = tpu.memref_slice %arg12[%dma_wait3A_557] : memref<1536xf32, #tpu.memory_space<vmem>> -> memref<32xf32, #tpu.memory_space<vmem>>
      %dma_wait3A_559 = tpu.memref_slice %arg6[%add3A_530] : memref<49152xf32, #tpu.memory_space<hbm>> -> memref<32xf32, #tpu.memory_space<hbm>>
      %dma_wait3A_560 = tpu.memref_slice %arg6[%add3A_530] : memref<49152xf32, #tpu.memory_space<hbm>> -> memref<32xf32, #tpu.memory_space<hbm>>
      %dma_wait3A_561 = arith.constant 1344 : i32
      %dma_wait3A_562 = tpu.memref_slice %arg12[%dma_wait3A_561] : memref<1536xf32, #tpu.memory_space<vmem>> -> memref<32xf32, #tpu.memory_space<vmem>>
      tpu.wait_dma2 semaphore(%run_scoped3A : memref<!tpu.dma_semaphore, #tpu.memory_space<semaphore_mem>>) src(%dma_wait3A_562 : memref<32xf32, #tpu.memory_space<vmem>>) dst(%dma_wait3A_560 : memref<32xf32, #tpu.memory_space<hbm>>)
      tpu.yield
    }) : () -> ()
    "tpu.region"() ({
      %run_scoped3A = tpu.sem_alloc : memref<!tpu.dma_semaphore, #tpu.memory_space<semaphore_mem>>
      %dma_start3A_551 = arith.constant 1344 : i32
      %dma_start3A_552 = tpu.memref_slice %arg13[%dma_start3A_551] : memref<1536xf32, #tpu.memory_space<vmem>> -> memref<32xf32, #tpu.memory_space<vmem>>
      %dma_start3A_553 = tpu.memref_slice %arg7[%add3A_530] : memref<49152xf32, #tpu.memory_space<hbm>> -> memref<32xf32, #tpu.memory_space<hbm>>
      %dma_start3A_554 = tpu.memref_slice %arg7[%add3A_530] : memref<49152xf32, #tpu.memory_space<hbm>> -> memref<32xf32, #tpu.memory_space<hbm>>
      %dma_start3A_555 = arith.constant 1344 : i32
      %dma_start3A_556 = tpu.memref_slice %arg13[%dma_start3A_555] : memref<1536xf32, #tpu.memory_space<vmem>> -> memref<32xf32, #tpu.memory_space<vmem>>
      tpu.enqueue_dma source(%dma_start3A_556 : memref<32xf32, #tpu.memory_space<vmem>>) target(%dma_start3A_554 : memref<32xf32, #tpu.memory_space<hbm>>) target_semaphore(%run_scoped3A : memref<!tpu.dma_semaphore, #tpu.memory_space<semaphore_mem>>)
      %dma_wait3A_557 = arith.constant 1344 : i32
      %dma_wait3A_558 = tpu.memref_slice %arg13[%dma_wait3A_557] : memref<1536xf32, #tpu.memory_space<vmem>> -> memref<32xf32, #tpu.memory_space<vmem>>
      %dma_wait3A_559 = tpu.memref_slice %arg7[%add3A_530] : memref<49152xf32, #tpu.memory_space<hbm>> -> memref<32xf32, #tpu.memory_space<hbm>>
      %dma_wait3A_560 = tpu.memref_slice %arg7[%add3A_530] : memref<49152xf32, #tpu.memory_space<hbm>> -> memref<32xf32, #tpu.memory_space<hbm>>
      %dma_wait3A_561 = arith.constant 1344 : i32
      %dma_wait3A_562 = tpu.memref_slice %arg13[%dma_wait3A_561] : memref<1536xf32, #tpu.memory_space<vmem>> -> memref<32xf32, #tpu.memory_space<vmem>>
      tpu.wait_dma2 semaphore(%run_scoped3A : memref<!tpu.dma_semaphore, #tpu.memory_space<semaphore_mem>>) src(%dma_wait3A_562 : memref<32xf32, #tpu.memory_space<vmem>>) dst(%dma_wait3A_560 : memref<32xf32, #tpu.memory_space<hbm>>)
      tpu.yield
    }) : () -> ()
    %mul3A_531 = arith.constant 32 : i32
    %mul3A_532 = arith.muli %add3A, %mul3A_531 : i32
    %add3A_533 = arith.constant 44032 : i32
    %add3A_534 = arith.addi %add3A_533, %mul3A_532 : i32
    "tpu.region"() ({
      %run_scoped3A = tpu.sem_alloc : memref<!tpu.dma_semaphore, #tpu.memory_space<semaphore_mem>>
      %dma_start3A_551 = arith.constant 1376 : i32
      %dma_start3A_552 = tpu.memref_slice %arg12[%dma_start3A_551] : memref<1536xf32, #tpu.memory_space<vmem>> -> memref<32xf32, #tpu.memory_space<vmem>>
      %dma_start3A_553 = tpu.memref_slice %arg6[%add3A_534] : memref<49152xf32, #tpu.memory_space<hbm>> -> memref<32xf32, #tpu.memory_space<hbm>>
      %dma_start3A_554 = tpu.memref_slice %arg6[%add3A_534] : memref<49152xf32, #tpu.memory_space<hbm>> -> memref<32xf32, #tpu.memory_space<hbm>>
      %dma_start3A_555 = arith.constant 1376 : i32
      %dma_start3A_556 = tpu.memref_slice %arg12[%dma_start3A_555] : memref<1536xf32, #tpu.memory_space<vmem>> -> memref<32xf32, #tpu.memory_space<vmem>>
      tpu.enqueue_dma source(%dma_start3A_556 : memref<32xf32, #tpu.memory_space<vmem>>) target(%dma_start3A_554 : memref<32xf32, #tpu.memory_space<hbm>>) target_semaphore(%run_scoped3A : memref<!tpu.dma_semaphore, #tpu.memory_space<semaphore_mem>>)
      %dma_wait3A_557 = arith.constant 1376 : i32
      %dma_wait3A_558 = tpu.memref_slice %arg12[%dma_wait3A_557] : memref<1536xf32, #tpu.memory_space<vmem>> -> memref<32xf32, #tpu.memory_space<vmem>>
      %dma_wait3A_559 = tpu.memref_slice %arg6[%add3A_534] : memref<49152xf32, #tpu.memory_space<hbm>> -> memref<32xf32, #tpu.memory_space<hbm>>
      %dma_wait3A_560 = tpu.memref_slice %arg6[%add3A_534] : memref<49152xf32, #tpu.memory_space<hbm>> -> memref<32xf32, #tpu.memory_space<hbm>>
      %dma_wait3A_561 = arith.constant 1376 : i32
      %dma_wait3A_562 = tpu.memref_slice %arg12[%dma_wait3A_561] : memref<1536xf32, #tpu.memory_space<vmem>> -> memref<32xf32, #tpu.memory_space<vmem>>
      tpu.wait_dma2 semaphore(%run_scoped3A : memref<!tpu.dma_semaphore, #tpu.memory_space<semaphore_mem>>) src(%dma_wait3A_562 : memref<32xf32, #tpu.memory_space<vmem>>) dst(%dma_wait3A_560 : memref<32xf32, #tpu.memory_space<hbm>>)
      tpu.yield
    }) : () -> ()
    "tpu.region"() ({
      %run_scoped3A = tpu.sem_alloc : memref<!tpu.dma_semaphore, #tpu.memory_space<semaphore_mem>>
      %dma_start3A_551 = arith.constant 1376 : i32
      %dma_start3A_552 = tpu.memref_slice %arg13[%dma_start3A_551] : memref<1536xf32, #tpu.memory_space<vmem>> -> memref<32xf32, #tpu.memory_space<vmem>>
      %dma_start3A_553 = tpu.memref_slice %arg7[%add3A_534] : memref<49152xf32, #tpu.memory_space<hbm>> -> memref<32xf32, #tpu.memory_space<hbm>>
      %dma_start3A_554 = tpu.memref_slice %arg7[%add3A_534] : memref<49152xf32, #tpu.memory_space<hbm>> -> memref<32xf32, #tpu.memory_space<hbm>>
      %dma_start3A_555 = arith.constant 1376 : i32
      %dma_start3A_556 = tpu.memref_slice %arg13[%dma_start3A_555] : memref<1536xf32, #tpu.memory_space<vmem>> -> memref<32xf32, #tpu.memory_space<vmem>>
      tpu.enqueue_dma source(%dma_start3A_556 : memref<32xf32, #tpu.memory_space<vmem>>) target(%dma_start3A_554 : memref<32xf32, #tpu.memory_space<hbm>>) target_semaphore(%run_scoped3A : memref<!tpu.dma_semaphore, #tpu.memory_space<semaphore_mem>>)
      %dma_wait3A_557 = arith.constant 1376 : i32
      %dma_wait3A_558 = tpu.memref_slice %arg13[%dma_wait3A_557] : memref<1536xf32, #tpu.memory_space<vmem>> -> memref<32xf32, #tpu.memory_space<vmem>>
      %dma_wait3A_559 = tpu.memref_slice %arg7[%add3A_534] : memref<49152xf32, #tpu.memory_space<hbm>> -> memref<32xf32, #tpu.memory_space<hbm>>
      %dma_wait3A_560 = tpu.memref_slice %arg7[%add3A_534] : memref<49152xf32, #tpu.memory_space<hbm>> -> memref<32xf32, #tpu.memory_space<hbm>>
      %dma_wait3A_561 = arith.constant 1376 : i32
      %dma_wait3A_562 = tpu.memref_slice %arg13[%dma_wait3A_561] : memref<1536xf32, #tpu.memory_space<vmem>> -> memref<32xf32, #tpu.memory_space<vmem>>
      tpu.wait_dma2 semaphore(%run_scoped3A : memref<!tpu.dma_semaphore, #tpu.memory_space<semaphore_mem>>) src(%dma_wait3A_562 : memref<32xf32, #tpu.memory_space<vmem>>) dst(%dma_wait3A_560 : memref<32xf32, #tpu.memory_space<hbm>>)
      tpu.yield
    }) : () -> ()
    %mul3A_535 = arith.constant 32 : i32
    %mul3A_536 = arith.muli %add3A, %mul3A_535 : i32
    %add3A_537 = arith.constant 45056 : i32
    %add3A_538 = arith.addi %add3A_537, %mul3A_536 : i32
    "tpu.region"() ({
      %run_scoped3A = tpu.sem_alloc : memref<!tpu.dma_semaphore, #tpu.memory_space<semaphore_mem>>
      %dma_start3A_551 = arith.constant 1408 : i32
      %dma_start3A_552 = tpu.memref_slice %arg12[%dma_start3A_551] : memref<1536xf32, #tpu.memory_space<vmem>> -> memref<32xf32, #tpu.memory_space<vmem>>
      %dma_start3A_553 = tpu.memref_slice %arg6[%add3A_538] : memref<49152xf32, #tpu.memory_space<hbm>> -> memref<32xf32, #tpu.memory_space<hbm>>
      %dma_start3A_554 = tpu.memref_slice %arg6[%add3A_538] : memref<49152xf32, #tpu.memory_space<hbm>> -> memref<32xf32, #tpu.memory_space<hbm>>
      %dma_start3A_555 = arith.constant 1408 : i32
      %dma_start3A_556 = tpu.memref_slice %arg12[%dma_start3A_555] : memref<1536xf32, #tpu.memory_space<vmem>> -> memref<32xf32, #tpu.memory_space<vmem>>
      tpu.enqueue_dma source(%dma_start3A_556 : memref<32xf32, #tpu.memory_space<vmem>>) target(%dma_start3A_554 : memref<32xf32, #tpu.memory_space<hbm>>) target_semaphore(%run_scoped3A : memref<!tpu.dma_semaphore, #tpu.memory_space<semaphore_mem>>)
      %dma_wait3A_557 = arith.constant 1408 : i32
      %dma_wait3A_558 = tpu.memref_slice %arg12[%dma_wait3A_557] : memref<1536xf32, #tpu.memory_space<vmem>> -> memref<32xf32, #tpu.memory_space<vmem>>
      %dma_wait3A_559 = tpu.memref_slice %arg6[%add3A_538] : memref<49152xf32, #tpu.memory_space<hbm>> -> memref<32xf32, #tpu.memory_space<hbm>>
      %dma_wait3A_560 = tpu.memref_slice %arg6[%add3A_538] : memref<49152xf32, #tpu.memory_space<hbm>> -> memref<32xf32, #tpu.memory_space<hbm>>
      %dma_wait3A_561 = arith.constant 1408 : i32
      %dma_wait3A_562 = tpu.memref_slice %arg12[%dma_wait3A_561] : memref<1536xf32, #tpu.memory_space<vmem>> -> memref<32xf32, #tpu.memory_space<vmem>>
      tpu.wait_dma2 semaphore(%run_scoped3A : memref<!tpu.dma_semaphore, #tpu.memory_space<semaphore_mem>>) src(%dma_wait3A_562 : memref<32xf32, #tpu.memory_space<vmem>>) dst(%dma_wait3A_560 : memref<32xf32, #tpu.memory_space<hbm>>)
      tpu.yield
    }) : () -> ()
    "tpu.region"() ({
      %run_scoped3A = tpu.sem_alloc : memref<!tpu.dma_semaphore, #tpu.memory_space<semaphore_mem>>
      %dma_start3A_551 = arith.constant 1408 : i32
      %dma_start3A_552 = tpu.memref_slice %arg13[%dma_start3A_551] : memref<1536xf32, #tpu.memory_space<vmem>> -> memref<32xf32, #tpu.memory_space<vmem>>
      %dma_start3A_553 = tpu.memref_slice %arg7[%add3A_538] : memref<49152xf32, #tpu.memory_space<hbm>> -> memref<32xf32, #tpu.memory_space<hbm>>
      %dma_start3A_554 = tpu.memref_slice %arg7[%add3A_538] : memref<49152xf32, #tpu.memory_space<hbm>> -> memref<32xf32, #tpu.memory_space<hbm>>
      %dma_start3A_555 = arith.constant 1408 : i32
      %dma_start3A_556 = tpu.memref_slice %arg13[%dma_start3A_555] : memref<1536xf32, #tpu.memory_space<vmem>> -> memref<32xf32, #tpu.memory_space<vmem>>
      tpu.enqueue_dma source(%dma_start3A_556 : memref<32xf32, #tpu.memory_space<vmem>>) target(%dma_start3A_554 : memref<32xf32, #tpu.memory_space<hbm>>) target_semaphore(%run_scoped3A : memref<!tpu.dma_semaphore, #tpu.memory_space<semaphore_mem>>)
      %dma_wait3A_557 = arith.constant 1408 : i32
      %dma_wait3A_558 = tpu.memref_slice %arg13[%dma_wait3A_557] : memref<1536xf32, #tpu.memory_space<vmem>> -> memref<32xf32, #tpu.memory_space<vmem>>
      %dma_wait3A_559 = tpu.memref_slice %arg7[%add3A_538] : memref<49152xf32, #tpu.memory_space<hbm>> -> memref<32xf32, #tpu.memory_space<hbm>>
      %dma_wait3A_560 = tpu.memref_slice %arg7[%add3A_538] : memref<49152xf32, #tpu.memory_space<hbm>> -> memref<32xf32, #tpu.memory_space<hbm>>
      %dma_wait3A_561 = arith.constant 1408 : i32
      %dma_wait3A_562 = tpu.memref_slice %arg13[%dma_wait3A_561] : memref<1536xf32, #tpu.memory_space<vmem>> -> memref<32xf32, #tpu.memory_space<vmem>>
      tpu.wait_dma2 semaphore(%run_scoped3A : memref<!tpu.dma_semaphore, #tpu.memory_space<semaphore_mem>>) src(%dma_wait3A_562 : memref<32xf32, #tpu.memory_space<vmem>>) dst(%dma_wait3A_560 : memref<32xf32, #tpu.memory_space<hbm>>)
      tpu.yield
    }) : () -> ()
    %mul3A_539 = arith.constant 32 : i32
    %mul3A_540 = arith.muli %add3A, %mul3A_539 : i32
    %add3A_541 = arith.constant 46080 : i32
    %add3A_542 = arith.addi %add3A_541, %mul3A_540 : i32
    "tpu.region"() ({
      %run_scoped3A = tpu.sem_alloc : memref<!tpu.dma_semaphore, #tpu.memory_space<semaphore_mem>>
      %dma_start3A_551 = arith.constant 1440 : i32
      %dma_start3A_552 = tpu.memref_slice %arg12[%dma_start3A_551] : memref<1536xf32, #tpu.memory_space<vmem>> -> memref<32xf32, #tpu.memory_space<vmem>>
      %dma_start3A_553 = tpu.memref_slice %arg6[%add3A_542] : memref<49152xf32, #tpu.memory_space<hbm>> -> memref<32xf32, #tpu.memory_space<hbm>>
      %dma_start3A_554 = tpu.memref_slice %arg6[%add3A_542] : memref<49152xf32, #tpu.memory_space<hbm>> -> memref<32xf32, #tpu.memory_space<hbm>>
      %dma_start3A_555 = arith.constant 1440 : i32
      %dma_start3A_556 = tpu.memref_slice %arg12[%dma_start3A_555] : memref<1536xf32, #tpu.memory_space<vmem>> -> memref<32xf32, #tpu.memory_space<vmem>>
      tpu.enqueue_dma source(%dma_start3A_556 : memref<32xf32, #tpu.memory_space<vmem>>) target(%dma_start3A_554 : memref<32xf32, #tpu.memory_space<hbm>>) target_semaphore(%run_scoped3A : memref<!tpu.dma_semaphore, #tpu.memory_space<semaphore_mem>>)
      %dma_wait3A_557 = arith.constant 1440 : i32
      %dma_wait3A_558 = tpu.memref_slice %arg12[%dma_wait3A_557] : memref<1536xf32, #tpu.memory_space<vmem>> -> memref<32xf32, #tpu.memory_space<vmem>>
      %dma_wait3A_559 = tpu.memref_slice %arg6[%add3A_542] : memref<49152xf32, #tpu.memory_space<hbm>> -> memref<32xf32, #tpu.memory_space<hbm>>
      %dma_wait3A_560 = tpu.memref_slice %arg6[%add3A_542] : memref<49152xf32, #tpu.memory_space<hbm>> -> memref<32xf32, #tpu.memory_space<hbm>>
      %dma_wait3A_561 = arith.constant 1440 : i32
      %dma_wait3A_562 = tpu.memref_slice %arg12[%dma_wait3A_561] : memref<1536xf32, #tpu.memory_space<vmem>> -> memref<32xf32, #tpu.memory_space<vmem>>
      tpu.wait_dma2 semaphore(%run_scoped3A : memref<!tpu.dma_semaphore, #tpu.memory_space<semaphore_mem>>) src(%dma_wait3A_562 : memref<32xf32, #tpu.memory_space<vmem>>) dst(%dma_wait3A_560 : memref<32xf32, #tpu.memory_space<hbm>>)
      tpu.yield
    }) : () -> ()
    "tpu.region"() ({
      %run_scoped3A = tpu.sem_alloc : memref<!tpu.dma_semaphore, #tpu.memory_space<semaphore_mem>>
      %dma_start3A_551 = arith.constant 1440 : i32
      %dma_start3A_552 = tpu.memref_slice %arg13[%dma_start3A_551] : memref<1536xf32, #tpu.memory_space<vmem>> -> memref<32xf32, #tpu.memory_space<vmem>>
      %dma_start3A_553 = tpu.memref_slice %arg7[%add3A_542] : memref<49152xf32, #tpu.memory_space<hbm>> -> memref<32xf32, #tpu.memory_space<hbm>>
      %dma_start3A_554 = tpu.memref_slice %arg7[%add3A_542] : memref<49152xf32, #tpu.memory_space<hbm>> -> memref<32xf32, #tpu.memory_space<hbm>>
      %dma_start3A_555 = arith.constant 1440 : i32
      %dma_start3A_556 = tpu.memref_slice %arg13[%dma_start3A_555] : memref<1536xf32, #tpu.memory_space<vmem>> -> memref<32xf32, #tpu.memory_space<vmem>>
      tpu.enqueue_dma source(%dma_start3A_556 : memref<32xf32, #tpu.memory_space<vmem>>) target(%dma_start3A_554 : memref<32xf32, #tpu.memory_space<hbm>>) target_semaphore(%run_scoped3A : memref<!tpu.dma_semaphore, #tpu.memory_space<semaphore_mem>>)
      %dma_wait3A_557 = arith.constant 1440 : i32
      %dma_wait3A_558 = tpu.memref_slice %arg13[%dma_wait3A_557] : memref<1536xf32, #tpu.memory_space<vmem>> -> memref<32xf32, #tpu.memory_space<vmem>>
      %dma_wait3A_559 = tpu.memref_slice %arg7[%add3A_542] : memref<49152xf32, #tpu.memory_space<hbm>> -> memref<32xf32, #tpu.memory_space<hbm>>
      %dma_wait3A_560 = tpu.memref_slice %arg7[%add3A_542] : memref<49152xf32, #tpu.memory_space<hbm>> -> memref<32xf32, #tpu.memory_space<hbm>>
      %dma_wait3A_561 = arith.constant 1440 : i32
      %dma_wait3A_562 = tpu.memref_slice %arg13[%dma_wait3A_561] : memref<1536xf32, #tpu.memory_space<vmem>> -> memref<32xf32, #tpu.memory_space<vmem>>
      tpu.wait_dma2 semaphore(%run_scoped3A : memref<!tpu.dma_semaphore, #tpu.memory_space<semaphore_mem>>) src(%dma_wait3A_562 : memref<32xf32, #tpu.memory_space<vmem>>) dst(%dma_wait3A_560 : memref<32xf32, #tpu.memory_space<hbm>>)
      tpu.yield
    }) : () -> ()
    %mul3A_543 = arith.constant 32 : i32
    %mul3A_544 = arith.muli %add3A, %mul3A_543 : i32
    %add3A_545 = arith.constant 47104 : i32
    %add3A_546 = arith.addi %add3A_545, %mul3A_544 : i32
    "tpu.region"() ({
      %run_scoped3A = tpu.sem_alloc : memref<!tpu.dma_semaphore, #tpu.memory_space<semaphore_mem>>
      %dma_start3A_551 = arith.constant 1472 : i32
      %dma_start3A_552 = tpu.memref_slice %arg12[%dma_start3A_551] : memref<1536xf32, #tpu.memory_space<vmem>> -> memref<32xf32, #tpu.memory_space<vmem>>
      %dma_start3A_553 = tpu.memref_slice %arg6[%add3A_546] : memref<49152xf32, #tpu.memory_space<hbm>> -> memref<32xf32, #tpu.memory_space<hbm>>
      %dma_start3A_554 = tpu.memref_slice %arg6[%add3A_546] : memref<49152xf32, #tpu.memory_space<hbm>> -> memref<32xf32, #tpu.memory_space<hbm>>
      %dma_start3A_555 = arith.constant 1472 : i32
      %dma_start3A_556 = tpu.memref_slice %arg12[%dma_start3A_555] : memref<1536xf32, #tpu.memory_space<vmem>> -> memref<32xf32, #tpu.memory_space<vmem>>
      tpu.enqueue_dma source(%dma_start3A_556 : memref<32xf32, #tpu.memory_space<vmem>>) target(%dma_start3A_554 : memref<32xf32, #tpu.memory_space<hbm>>) target_semaphore(%run_scoped3A : memref<!tpu.dma_semaphore, #tpu.memory_space<semaphore_mem>>)
      %dma_wait3A_557 = arith.constant 1472 : i32
      %dma_wait3A_558 = tpu.memref_slice %arg12[%dma_wait3A_557] : memref<1536xf32, #tpu.memory_space<vmem>> -> memref<32xf32, #tpu.memory_space<vmem>>
      %dma_wait3A_559 = tpu.memref_slice %arg6[%add3A_546] : memref<49152xf32, #tpu.memory_space<hbm>> -> memref<32xf32, #tpu.memory_space<hbm>>
      %dma_wait3A_560 = tpu.memref_slice %arg6[%add3A_546] : memref<49152xf32, #tpu.memory_space<hbm>> -> memref<32xf32, #tpu.memory_space<hbm>>
      %dma_wait3A_561 = arith.constant 1472 : i32
      %dma_wait3A_562 = tpu.memref_slice %arg12[%dma_wait3A_561] : memref<1536xf32, #tpu.memory_space<vmem>> -> memref<32xf32, #tpu.memory_space<vmem>>
      tpu.wait_dma2 semaphore(%run_scoped3A : memref<!tpu.dma_semaphore, #tpu.memory_space<semaphore_mem>>) src(%dma_wait3A_562 : memref<32xf32, #tpu.memory_space<vmem>>) dst(%dma_wait3A_560 : memref<32xf32, #tpu.memory_space<hbm>>)
      tpu.yield
    }) : () -> ()
    "tpu.region"() ({
      %run_scoped3A = tpu.sem_alloc : memref<!tpu.dma_semaphore, #tpu.memory_space<semaphore_mem>>
      %dma_start3A_551 = arith.constant 1472 : i32
      %dma_start3A_552 = tpu.memref_slice %arg13[%dma_start3A_551] : memref<1536xf32, #tpu.memory_space<vmem>> -> memref<32xf32, #tpu.memory_space<vmem>>
      %dma_start3A_553 = tpu.memref_slice %arg7[%add3A_546] : memref<49152xf32, #tpu.memory_space<hbm>> -> memref<32xf32, #tpu.memory_space<hbm>>
      %dma_start3A_554 = tpu.memref_slice %arg7[%add3A_546] : memref<49152xf32, #tpu.memory_space<hbm>> -> memref<32xf32, #tpu.memory_space<hbm>>
      %dma_start3A_555 = arith.constant 1472 : i32
      %dma_start3A_556 = tpu.memref_slice %arg13[%dma_start3A_555] : memref<1536xf32, #tpu.memory_space<vmem>> -> memref<32xf32, #tpu.memory_space<vmem>>
      tpu.enqueue_dma source(%dma_start3A_556 : memref<32xf32, #tpu.memory_space<vmem>>) target(%dma_start3A_554 : memref<32xf32, #tpu.memory_space<hbm>>) target_semaphore(%run_scoped3A : memref<!tpu.dma_semaphore, #tpu.memory_space<semaphore_mem>>)
      %dma_wait3A_557 = arith.constant 1472 : i32
      %dma_wait3A_558 = tpu.memref_slice %arg13[%dma_wait3A_557] : memref<1536xf32, #tpu.memory_space<vmem>> -> memref<32xf32, #tpu.memory_space<vmem>>
      %dma_wait3A_559 = tpu.memref_slice %arg7[%add3A_546] : memref<49152xf32, #tpu.memory_space<hbm>> -> memref<32xf32, #tpu.memory_space<hbm>>
      %dma_wait3A_560 = tpu.memref_slice %arg7[%add3A_546] : memref<49152xf32, #tpu.memory_space<hbm>> -> memref<32xf32, #tpu.memory_space<hbm>>
      %dma_wait3A_561 = arith.constant 1472 : i32
      %dma_wait3A_562 = tpu.memref_slice %arg13[%dma_wait3A_561] : memref<1536xf32, #tpu.memory_space<vmem>> -> memref<32xf32, #tpu.memory_space<vmem>>
      tpu.wait_dma2 semaphore(%run_scoped3A : memref<!tpu.dma_semaphore, #tpu.memory_space<semaphore_mem>>) src(%dma_wait3A_562 : memref<32xf32, #tpu.memory_space<vmem>>) dst(%dma_wait3A_560 : memref<32xf32, #tpu.memory_space<hbm>>)
      tpu.yield
    }) : () -> ()
    %mul3A_547 = arith.constant 32 : i32
    %mul3A_548 = arith.muli %add3A, %mul3A_547 : i32
    %add3A_549 = arith.constant 48128 : i32
    %add3A_550 = arith.addi %add3A_549, %mul3A_548 : i32
    "tpu.region"() ({
      %run_scoped3A = tpu.sem_alloc : memref<!tpu.dma_semaphore, #tpu.memory_space<semaphore_mem>>
      %dma_start3A_551 = arith.constant 1504 : i32
      %dma_start3A_552 = tpu.memref_slice %arg12[%dma_start3A_551] : memref<1536xf32, #tpu.memory_space<vmem>> -> memref<32xf32, #tpu.memory_space<vmem>>
      %dma_start3A_553 = tpu.memref_slice %arg6[%add3A_550] : memref<49152xf32, #tpu.memory_space<hbm>> -> memref<32xf32, #tpu.memory_space<hbm>>
      %dma_start3A_554 = tpu.memref_slice %arg6[%add3A_550] : memref<49152xf32, #tpu.memory_space<hbm>> -> memref<32xf32, #tpu.memory_space<hbm>>
      %dma_start3A_555 = arith.constant 1504 : i32
      %dma_start3A_556 = tpu.memref_slice %arg12[%dma_start3A_555] : memref<1536xf32, #tpu.memory_space<vmem>> -> memref<32xf32, #tpu.memory_space<vmem>>
      tpu.enqueue_dma source(%dma_start3A_556 : memref<32xf32, #tpu.memory_space<vmem>>) target(%dma_start3A_554 : memref<32xf32, #tpu.memory_space<hbm>>) target_semaphore(%run_scoped3A : memref<!tpu.dma_semaphore, #tpu.memory_space<semaphore_mem>>)
      %dma_wait3A_557 = arith.constant 1504 : i32
      %dma_wait3A_558 = tpu.memref_slice %arg12[%dma_wait3A_557] : memref<1536xf32, #tpu.memory_space<vmem>> -> memref<32xf32, #tpu.memory_space<vmem>>
      %dma_wait3A_559 = tpu.memref_slice %arg6[%add3A_550] : memref<49152xf32, #tpu.memory_space<hbm>> -> memref<32xf32, #tpu.memory_space<hbm>>
      %dma_wait3A_560 = tpu.memref_slice %arg6[%add3A_550] : memref<49152xf32, #tpu.memory_space<hbm>> -> memref<32xf32, #tpu.memory_space<hbm>>
      %dma_wait3A_561 = arith.constant 1504 : i32
      %dma_wait3A_562 = tpu.memref_slice %arg12[%dma_wait3A_561] : memref<1536xf32, #tpu.memory_space<vmem>> -> memref<32xf32, #tpu.memory_space<vmem>>
      tpu.wait_dma2 semaphore(%run_scoped3A : memref<!tpu.dma_semaphore, #tpu.memory_space<semaphore_mem>>) src(%dma_wait3A_562 : memref<32xf32, #tpu.memory_space<vmem>>) dst(%dma_wait3A_560 : memref<32xf32, #tpu.memory_space<hbm>>)
      tpu.yield
    }) : () -> ()
    "tpu.region"() ({
      %run_scoped3A = tpu.sem_alloc : memref<!tpu.dma_semaphore, #tpu.memory_space<semaphore_mem>>
      %dma_start3A_551 = arith.constant 1504 : i32
      %dma_start3A_552 = tpu.memref_slice %arg13[%dma_start3A_551] : memref<1536xf32, #tpu.memory_space<vmem>> -> memref<32xf32, #tpu.memory_space<vmem>>
      %dma_start3A_553 = tpu.memref_slice %arg7[%add3A_550] : memref<49152xf32, #tpu.memory_space<hbm>> -> memref<32xf32, #tpu.memory_space<hbm>>
      %dma_start3A_554 = tpu.memref_slice %arg7[%add3A_550] : memref<49152xf32, #tpu.memory_space<hbm>> -> memref<32xf32, #tpu.memory_space<hbm>>
      %dma_start3A_555 = arith.constant 1504 : i32
      %dma_start3A_556 = tpu.memref_slice %arg13[%dma_start3A_555] : memref<1536xf32, #tpu.memory_space<vmem>> -> memref<32xf32, #tpu.memory_space<vmem>>
      tpu.enqueue_dma source(%dma_start3A_556 : memref<32xf32, #tpu.memory_space<vmem>>) target(%dma_start3A_554 : memref<32xf32, #tpu.memory_space<hbm>>) target_semaphore(%run_scoped3A : memref<!tpu.dma_semaphore, #tpu.memory_space<semaphore_mem>>)
      %dma_wait3A_557 = arith.constant 1504 : i32
      %dma_wait3A_558 = tpu.memref_slice %arg13[%dma_wait3A_557] : memref<1536xf32, #tpu.memory_space<vmem>> -> memref<32xf32, #tpu.memory_space<vmem>>
      %dma_wait3A_559 = tpu.memref_slice %arg7[%add3A_550] : memref<49152xf32, #tpu.memory_space<hbm>> -> memref<32xf32, #tpu.memory_space<hbm>>
      %dma_wait3A_560 = tpu.memref_slice %arg7[%add3A_550] : memref<49152xf32, #tpu.memory_space<hbm>> -> memref<32xf32, #tpu.memory_space<hbm>>
      %dma_wait3A_561 = arith.constant 1504 : i32
      %dma_wait3A_562 = tpu.memref_slice %arg13[%dma_wait3A_561] : memref<1536xf32, #tpu.memory_space<vmem>> -> memref<32xf32, #tpu.memory_space<vmem>>
      tpu.wait_dma2 semaphore(%run_scoped3A : memref<!tpu.dma_semaphore, #tpu.memory_space<semaphore_mem>>) src(%dma_wait3A_562 : memref<32xf32, #tpu.memory_space<vmem>>) dst(%dma_wait3A_560 : memref<32xf32, #tpu.memory_space<hbm>>)
      tpu.yield
    }) : () -> ()
    return
  }
}

#map = affine_map<(d0, d1) -> (0)>
#map1 = affine_map<(d0, d1) -> (0, 0, 0)>
#map2 = affine_map<(d0, d1) -> (0, 0)>
module attributes {stable_mosaic.version = 14 : i64} {
  func.func @_combine(%arg0: i32, %arg1: i32, %arg2: memref<3000000xf32, #tpu.memory_space<hbm>>, %arg3: memref<32x12x128xi32, #tpu.memory_space<hbm>>, %arg4: memref<32x1536xf32, #tpu.memory_space<hbm>>, %arg5: memref<49152xf32, #tpu.memory_space<hbm>>, %arg6: memref<49152xf32, #tpu.memory_space<hbm>>, %arg7: memref<16xf32, #tpu.memory_space<hbm>>, %arg8: memref<16384xf32, #tpu.memory_space<hbm>>, %arg9: memref<12x128xi32, #tpu.memory_space<vmem>>, %arg10: memref<1536xf32, #tpu.memory_space<vmem>>, %arg11: memref<1536xf32, #tpu.memory_space<vmem>>, %arg12: memref<1536xf32, #tpu.memory_space<vmem>>, %arg13: memref<1536xf32, #tpu.memory_space<vmem>>, %arg14: memref<16xf32, #tpu.memory_space<vmem>>, %arg15: memref<512xf32, #tpu.memory_space<vmem>>, %arg16: memref<!tpu.dma_semaphore, #tpu.memory_space<semaphore_mem>>) attributes {dimension_semantics = [#tpu.dimension_semantics<core_parallel>, #tpu.dimension_semantics<subcore_parallel>], iteration_bounds = array<i64: 2, 16>, scalar_prefetch = 0 : i64, scratch_operands = 8 : i64, tpu.core_type = #tpu.core_type<sc_vector_subcore>, window_params = [{transform_indices = #map}, {transform_indices = #map1}, {transform_indices = #map2}, {transform_indices = #map}, {transform_indices = #map}, {transform_indices = #map}, {transform_indices = #map}]} {
    %mul3A = arith.constant 2 : i32
    %mul3A_0 = arith.muli %arg1, %mul3A : i32
    %add3A = arith.addi %mul3A_0, %arg0 : i32
    "tpu.region"() ({
      %run_scoped3A = tpu.sem_alloc : memref<!tpu.dma_semaphore, #tpu.memory_space<semaphore_mem>>
      %dma_start3A_205 = arith.constant 0 : i32
      %dma_start3A_206 = arith.constant 0 : i32
      %dma_start3A_207 = tpu.memref_slice %arg3[%add3A, %dma_start3A_205, %dma_start3A_206] : memref<32x12x128xi32, #tpu.memory_space<hbm>> -> memref<1x12x128xi32, #tpu.memory_space<hbm>>
      %dma_start3A_208 = tpu.memref_squeeze %dma_start3A_207 : memref<1x12x128xi32, #tpu.memory_space<hbm>> -> memref<12x128xi32, #tpu.memory_space<hbm>>
      %dma_start3A_209 = arith.constant 0 : i32
      %dma_start3A_210 = arith.constant 0 : i32
      %dma_start3A_211 = tpu.memref_slice %arg3[%add3A, %dma_start3A_209, %dma_start3A_210] : memref<32x12x128xi32, #tpu.memory_space<hbm>> -> memref<1x12x128xi32, #tpu.memory_space<hbm>>
      %dma_start3A_212 = tpu.memref_squeeze %dma_start3A_211 : memref<1x12x128xi32, #tpu.memory_space<hbm>> -> memref<12x128xi32, #tpu.memory_space<hbm>>
      tpu.enqueue_dma source(%dma_start3A_212 : memref<12x128xi32, #tpu.memory_space<hbm>>) target(%arg9 : memref<12x128xi32, #tpu.memory_space<vmem>>) target_semaphore(%run_scoped3A : memref<!tpu.dma_semaphore, #tpu.memory_space<semaphore_mem>>)
      %dma_wait3A_213 = arith.constant 0 : i32
      %dma_wait3A_214 = arith.constant 0 : i32
      %dma_wait3A_215 = tpu.memref_slice %arg3[%add3A, %dma_wait3A_213, %dma_wait3A_214] : memref<32x12x128xi32, #tpu.memory_space<hbm>> -> memref<1x12x128xi32, #tpu.memory_space<hbm>>
      %dma_wait3A_216 = tpu.memref_squeeze %dma_wait3A_215 : memref<1x12x128xi32, #tpu.memory_space<hbm>> -> memref<12x128xi32, #tpu.memory_space<hbm>>
      %dma_wait3A_217 = arith.constant 0 : i32
      %dma_wait3A_218 = arith.constant 0 : i32
      %dma_wait3A_219 = tpu.memref_slice %arg3[%add3A, %dma_wait3A_217, %dma_wait3A_218] : memref<32x12x128xi32, #tpu.memory_space<hbm>> -> memref<1x12x128xi32, #tpu.memory_space<hbm>>
      %dma_wait3A_220 = tpu.memref_squeeze %dma_wait3A_219 : memref<1x12x128xi32, #tpu.memory_space<hbm>> -> memref<12x128xi32, #tpu.memory_space<hbm>>
      tpu.wait_dma2 semaphore(%run_scoped3A : memref<!tpu.dma_semaphore, #tpu.memory_space<semaphore_mem>>) src(%dma_wait3A_220 : memref<12x128xi32, #tpu.memory_space<hbm>>) dst(%arg9 : memref<12x128xi32, #tpu.memory_space<vmem>>)
      tpu.yield
    }) : () -> ()
    %dma_start3A = arith.constant 0 : i32
    %dma_start3A_1 = arith.constant 0 : i32
    %dma_start3A_2 = tpu.memref_slice %arg10[%dma_start3A_1] : memref<1536xf32, #tpu.memory_space<vmem>> -> memref<128xf32, #tpu.memory_space<vmem>>
    %dma_start3A_3 = arith.constant 0 : i32
    %dma_start3A_4 = tpu.memref_slice %arg9[%dma_start3A, %dma_start3A_3] : memref<12x128xi32, #tpu.memory_space<vmem>> -> memref<1x128xi32, #tpu.memory_space<vmem>>
    %dma_start3A_5 = tpu.memref_squeeze %dma_start3A_4 : memref<1x128xi32, #tpu.memory_space<vmem>> -> memref<128xi32, #tpu.memory_space<vmem>>
    %dma_start3A_6 = arith.constant 0 : i32
    %dma_start3A_7 = tpu.memref_slice %arg2[%dma_start3A_6] : memref<3000000xf32, #tpu.memory_space<hbm>> -> memref<3000000xf32, #tpu.memory_space<hbm>>
    tpu.enqueue_indirect_dma source(%dma_start3A_7 : memref<3000000xf32, #tpu.memory_space<hbm>>) target(%dma_start3A_2 : memref<128xf32, #tpu.memory_space<vmem>>) offsets(%dma_start3A_5 : memref<128xi32, #tpu.memory_space<vmem>>) semaphore(%arg16 : memref<!tpu.dma_semaphore, #tpu.memory_space<semaphore_mem>>)
    %dma_start3A_8 = arith.constant 1 : i32
    %dma_start3A_9 = arith.constant 128 : i32
    %dma_start3A_10 = tpu.memref_slice %arg10[%dma_start3A_9] : memref<1536xf32, #tpu.memory_space<vmem>> -> memref<128xf32, #tpu.memory_space<vmem>>
    %dma_start3A_11 = arith.constant 0 : i32
    %dma_start3A_12 = tpu.memref_slice %arg9[%dma_start3A_8, %dma_start3A_11] : memref<12x128xi32, #tpu.memory_space<vmem>> -> memref<1x128xi32, #tpu.memory_space<vmem>>
    %dma_start3A_13 = tpu.memref_squeeze %dma_start3A_12 : memref<1x128xi32, #tpu.memory_space<vmem>> -> memref<128xi32, #tpu.memory_space<vmem>>
    %dma_start3A_14 = arith.constant 0 : i32
    %dma_start3A_15 = tpu.memref_slice %arg2[%dma_start3A_14] : memref<3000000xf32, #tpu.memory_space<hbm>> -> memref<3000000xf32, #tpu.memory_space<hbm>>
    tpu.enqueue_indirect_dma source(%dma_start3A_15 : memref<3000000xf32, #tpu.memory_space<hbm>>) target(%dma_start3A_10 : memref<128xf32, #tpu.memory_space<vmem>>) offsets(%dma_start3A_13 : memref<128xi32, #tpu.memory_space<vmem>>) semaphore(%arg16 : memref<!tpu.dma_semaphore, #tpu.memory_space<semaphore_mem>>)
    %dma_start3A_16 = arith.constant 2 : i32
    %dma_start3A_17 = arith.constant 256 : i32
    %dma_start3A_18 = tpu.memref_slice %arg10[%dma_start3A_17] : memref<1536xf32, #tpu.memory_space<vmem>> -> memref<128xf32, #tpu.memory_space<vmem>>
    %dma_start3A_19 = arith.constant 0 : i32
    %dma_start3A_20 = tpu.memref_slice %arg9[%dma_start3A_16, %dma_start3A_19] : memref<12x128xi32, #tpu.memory_space<vmem>> -> memref<1x128xi32, #tpu.memory_space<vmem>>
    %dma_start3A_21 = tpu.memref_squeeze %dma_start3A_20 : memref<1x128xi32, #tpu.memory_space<vmem>> -> memref<128xi32, #tpu.memory_space<vmem>>
    %dma_start3A_22 = arith.constant 0 : i32
    %dma_start3A_23 = tpu.memref_slice %arg2[%dma_start3A_22] : memref<3000000xf32, #tpu.memory_space<hbm>> -> memref<3000000xf32, #tpu.memory_space<hbm>>
    tpu.enqueue_indirect_dma source(%dma_start3A_23 : memref<3000000xf32, #tpu.memory_space<hbm>>) target(%dma_start3A_18 : memref<128xf32, #tpu.memory_space<vmem>>) offsets(%dma_start3A_21 : memref<128xi32, #tpu.memory_space<vmem>>) semaphore(%arg16 : memref<!tpu.dma_semaphore, #tpu.memory_space<semaphore_mem>>)
    %dma_start3A_24 = arith.constant 3 : i32
    %dma_start3A_25 = arith.constant 384 : i32
    %dma_start3A_26 = tpu.memref_slice %arg10[%dma_start3A_25] : memref<1536xf32, #tpu.memory_space<vmem>> -> memref<128xf32, #tpu.memory_space<vmem>>
    %dma_start3A_27 = arith.constant 0 : i32
    %dma_start3A_28 = tpu.memref_slice %arg9[%dma_start3A_24, %dma_start3A_27] : memref<12x128xi32, #tpu.memory_space<vmem>> -> memref<1x128xi32, #tpu.memory_space<vmem>>
    %dma_start3A_29 = tpu.memref_squeeze %dma_start3A_28 : memref<1x128xi32, #tpu.memory_space<vmem>> -> memref<128xi32, #tpu.memory_space<vmem>>
    %dma_start3A_30 = arith.constant 0 : i32
    %dma_start3A_31 = tpu.memref_slice %arg2[%dma_start3A_30] : memref<3000000xf32, #tpu.memory_space<hbm>> -> memref<3000000xf32, #tpu.memory_space<hbm>>
    tpu.enqueue_indirect_dma source(%dma_start3A_31 : memref<3000000xf32, #tpu.memory_space<hbm>>) target(%dma_start3A_26 : memref<128xf32, #tpu.memory_space<vmem>>) offsets(%dma_start3A_29 : memref<128xi32, #tpu.memory_space<vmem>>) semaphore(%arg16 : memref<!tpu.dma_semaphore, #tpu.memory_space<semaphore_mem>>)
    %dma_start3A_32 = arith.constant 4 : i32
    %dma_start3A_33 = arith.constant 512 : i32
    %dma_start3A_34 = tpu.memref_slice %arg10[%dma_start3A_33] : memref<1536xf32, #tpu.memory_space<vmem>> -> memref<128xf32, #tpu.memory_space<vmem>>
    %dma_start3A_35 = arith.constant 0 : i32
    %dma_start3A_36 = tpu.memref_slice %arg9[%dma_start3A_32, %dma_start3A_35] : memref<12x128xi32, #tpu.memory_space<vmem>> -> memref<1x128xi32, #tpu.memory_space<vmem>>
    %dma_start3A_37 = tpu.memref_squeeze %dma_start3A_36 : memref<1x128xi32, #tpu.memory_space<vmem>> -> memref<128xi32, #tpu.memory_space<vmem>>
    %dma_start3A_38 = arith.constant 0 : i32
    %dma_start3A_39 = tpu.memref_slice %arg2[%dma_start3A_38] : memref<3000000xf32, #tpu.memory_space<hbm>> -> memref<3000000xf32, #tpu.memory_space<hbm>>
    tpu.enqueue_indirect_dma source(%dma_start3A_39 : memref<3000000xf32, #tpu.memory_space<hbm>>) target(%dma_start3A_34 : memref<128xf32, #tpu.memory_space<vmem>>) offsets(%dma_start3A_37 : memref<128xi32, #tpu.memory_space<vmem>>) semaphore(%arg16 : memref<!tpu.dma_semaphore, #tpu.memory_space<semaphore_mem>>)
    %dma_start3A_40 = arith.constant 5 : i32
    %dma_start3A_41 = arith.constant 640 : i32
    %dma_start3A_42 = tpu.memref_slice %arg10[%dma_start3A_41] : memref<1536xf32, #tpu.memory_space<vmem>> -> memref<128xf32, #tpu.memory_space<vmem>>
    %dma_start3A_43 = arith.constant 0 : i32
    %dma_start3A_44 = tpu.memref_slice %arg9[%dma_start3A_40, %dma_start3A_43] : memref<12x128xi32, #tpu.memory_space<vmem>> -> memref<1x128xi32, #tpu.memory_space<vmem>>
    %dma_start3A_45 = tpu.memref_squeeze %dma_start3A_44 : memref<1x128xi32, #tpu.memory_space<vmem>> -> memref<128xi32, #tpu.memory_space<vmem>>
    %dma_start3A_46 = arith.constant 0 : i32
    %dma_start3A_47 = tpu.memref_slice %arg2[%dma_start3A_46] : memref<3000000xf32, #tpu.memory_space<hbm>> -> memref<3000000xf32, #tpu.memory_space<hbm>>
    tpu.enqueue_indirect_dma source(%dma_start3A_47 : memref<3000000xf32, #tpu.memory_space<hbm>>) target(%dma_start3A_42 : memref<128xf32, #tpu.memory_space<vmem>>) offsets(%dma_start3A_45 : memref<128xi32, #tpu.memory_space<vmem>>) semaphore(%arg16 : memref<!tpu.dma_semaphore, #tpu.memory_space<semaphore_mem>>)
    %dma_start3A_48 = arith.constant 6 : i32
    %dma_start3A_49 = arith.constant 768 : i32
    %dma_start3A_50 = tpu.memref_slice %arg10[%dma_start3A_49] : memref<1536xf32, #tpu.memory_space<vmem>> -> memref<128xf32, #tpu.memory_space<vmem>>
    %dma_start3A_51 = arith.constant 0 : i32
    %dma_start3A_52 = tpu.memref_slice %arg9[%dma_start3A_48, %dma_start3A_51] : memref<12x128xi32, #tpu.memory_space<vmem>> -> memref<1x128xi32, #tpu.memory_space<vmem>>
    %dma_start3A_53 = tpu.memref_squeeze %dma_start3A_52 : memref<1x128xi32, #tpu.memory_space<vmem>> -> memref<128xi32, #tpu.memory_space<vmem>>
    %dma_start3A_54 = arith.constant 0 : i32
    %dma_start3A_55 = tpu.memref_slice %arg2[%dma_start3A_54] : memref<3000000xf32, #tpu.memory_space<hbm>> -> memref<3000000xf32, #tpu.memory_space<hbm>>
    tpu.enqueue_indirect_dma source(%dma_start3A_55 : memref<3000000xf32, #tpu.memory_space<hbm>>) target(%dma_start3A_50 : memref<128xf32, #tpu.memory_space<vmem>>) offsets(%dma_start3A_53 : memref<128xi32, #tpu.memory_space<vmem>>) semaphore(%arg16 : memref<!tpu.dma_semaphore, #tpu.memory_space<semaphore_mem>>)
    %dma_start3A_56 = arith.constant 7 : i32
    %dma_start3A_57 = arith.constant 896 : i32
    %dma_start3A_58 = tpu.memref_slice %arg10[%dma_start3A_57] : memref<1536xf32, #tpu.memory_space<vmem>> -> memref<128xf32, #tpu.memory_space<vmem>>
    %dma_start3A_59 = arith.constant 0 : i32
    %dma_start3A_60 = tpu.memref_slice %arg9[%dma_start3A_56, %dma_start3A_59] : memref<12x128xi32, #tpu.memory_space<vmem>> -> memref<1x128xi32, #tpu.memory_space<vmem>>
    %dma_start3A_61 = tpu.memref_squeeze %dma_start3A_60 : memref<1x128xi32, #tpu.memory_space<vmem>> -> memref<128xi32, #tpu.memory_space<vmem>>
    %dma_start3A_62 = arith.constant 0 : i32
    %dma_start3A_63 = tpu.memref_slice %arg2[%dma_start3A_62] : memref<3000000xf32, #tpu.memory_space<hbm>> -> memref<3000000xf32, #tpu.memory_space<hbm>>
    tpu.enqueue_indirect_dma source(%dma_start3A_63 : memref<3000000xf32, #tpu.memory_space<hbm>>) target(%dma_start3A_58 : memref<128xf32, #tpu.memory_space<vmem>>) offsets(%dma_start3A_61 : memref<128xi32, #tpu.memory_space<vmem>>) semaphore(%arg16 : memref<!tpu.dma_semaphore, #tpu.memory_space<semaphore_mem>>)
    %dma_start3A_64 = arith.constant 8 : i32
    %dma_start3A_65 = arith.constant 1024 : i32
    %dma_start3A_66 = tpu.memref_slice %arg10[%dma_start3A_65] : memref<1536xf32, #tpu.memory_space<vmem>> -> memref<128xf32, #tpu.memory_space<vmem>>
    %dma_start3A_67 = arith.constant 0 : i32
    %dma_start3A_68 = tpu.memref_slice %arg9[%dma_start3A_64, %dma_start3A_67] : memref<12x128xi32, #tpu.memory_space<vmem>> -> memref<1x128xi32, #tpu.memory_space<vmem>>
    %dma_start3A_69 = tpu.memref_squeeze %dma_start3A_68 : memref<1x128xi32, #tpu.memory_space<vmem>> -> memref<128xi32, #tpu.memory_space<vmem>>
    %dma_start3A_70 = arith.constant 0 : i32
    %dma_start3A_71 = tpu.memref_slice %arg2[%dma_start3A_70] : memref<3000000xf32, #tpu.memory_space<hbm>> -> memref<3000000xf32, #tpu.memory_space<hbm>>
    tpu.enqueue_indirect_dma source(%dma_start3A_71 : memref<3000000xf32, #tpu.memory_space<hbm>>) target(%dma_start3A_66 : memref<128xf32, #tpu.memory_space<vmem>>) offsets(%dma_start3A_69 : memref<128xi32, #tpu.memory_space<vmem>>) semaphore(%arg16 : memref<!tpu.dma_semaphore, #tpu.memory_space<semaphore_mem>>)
    %dma_start3A_72 = arith.constant 9 : i32
    %dma_start3A_73 = arith.constant 1152 : i32
    %dma_start3A_74 = tpu.memref_slice %arg10[%dma_start3A_73] : memref<1536xf32, #tpu.memory_space<vmem>> -> memref<128xf32, #tpu.memory_space<vmem>>
    %dma_start3A_75 = arith.constant 0 : i32
    %dma_start3A_76 = tpu.memref_slice %arg9[%dma_start3A_72, %dma_start3A_75] : memref<12x128xi32, #tpu.memory_space<vmem>> -> memref<1x128xi32, #tpu.memory_space<vmem>>
    %dma_start3A_77 = tpu.memref_squeeze %dma_start3A_76 : memref<1x128xi32, #tpu.memory_space<vmem>> -> memref<128xi32, #tpu.memory_space<vmem>>
    %dma_start3A_78 = arith.constant 0 : i32
    %dma_start3A_79 = tpu.memref_slice %arg2[%dma_start3A_78] : memref<3000000xf32, #tpu.memory_space<hbm>> -> memref<3000000xf32, #tpu.memory_space<hbm>>
    tpu.enqueue_indirect_dma source(%dma_start3A_79 : memref<3000000xf32, #tpu.memory_space<hbm>>) target(%dma_start3A_74 : memref<128xf32, #tpu.memory_space<vmem>>) offsets(%dma_start3A_77 : memref<128xi32, #tpu.memory_space<vmem>>) semaphore(%arg16 : memref<!tpu.dma_semaphore, #tpu.memory_space<semaphore_mem>>)
    %dma_start3A_80 = arith.constant 10 : i32
    %dma_start3A_81 = arith.constant 1280 : i32
    %dma_start3A_82 = tpu.memref_slice %arg10[%dma_start3A_81] : memref<1536xf32, #tpu.memory_space<vmem>> -> memref<128xf32, #tpu.memory_space<vmem>>
    %dma_start3A_83 = arith.constant 0 : i32
    %dma_start3A_84 = tpu.memref_slice %arg9[%dma_start3A_80, %dma_start3A_83] : memref<12x128xi32, #tpu.memory_space<vmem>> -> memref<1x128xi32, #tpu.memory_space<vmem>>
    %dma_start3A_85 = tpu.memref_squeeze %dma_start3A_84 : memref<1x128xi32, #tpu.memory_space<vmem>> -> memref<128xi32, #tpu.memory_space<vmem>>
    %dma_start3A_86 = arith.constant 0 : i32
    %dma_start3A_87 = tpu.memref_slice %arg2[%dma_start3A_86] : memref<3000000xf32, #tpu.memory_space<hbm>> -> memref<3000000xf32, #tpu.memory_space<hbm>>
    tpu.enqueue_indirect_dma source(%dma_start3A_87 : memref<3000000xf32, #tpu.memory_space<hbm>>) target(%dma_start3A_82 : memref<128xf32, #tpu.memory_space<vmem>>) offsets(%dma_start3A_85 : memref<128xi32, #tpu.memory_space<vmem>>) semaphore(%arg16 : memref<!tpu.dma_semaphore, #tpu.memory_space<semaphore_mem>>)
    %dma_start3A_88 = arith.constant 11 : i32
    %dma_start3A_89 = arith.constant 1408 : i32
    %dma_start3A_90 = tpu.memref_slice %arg10[%dma_start3A_89] : memref<1536xf32, #tpu.memory_space<vmem>> -> memref<128xf32, #tpu.memory_space<vmem>>
    %dma_start3A_91 = arith.constant 0 : i32
    %dma_start3A_92 = tpu.memref_slice %arg9[%dma_start3A_88, %dma_start3A_91] : memref<12x128xi32, #tpu.memory_space<vmem>> -> memref<1x128xi32, #tpu.memory_space<vmem>>
    %dma_start3A_93 = tpu.memref_squeeze %dma_start3A_92 : memref<1x128xi32, #tpu.memory_space<vmem>> -> memref<128xi32, #tpu.memory_space<vmem>>
    %dma_start3A_94 = arith.constant 0 : i32
    %dma_start3A_95 = tpu.memref_slice %arg2[%dma_start3A_94] : memref<3000000xf32, #tpu.memory_space<hbm>> -> memref<3000000xf32, #tpu.memory_space<hbm>>
    tpu.enqueue_indirect_dma source(%dma_start3A_95 : memref<3000000xf32, #tpu.memory_space<hbm>>) target(%dma_start3A_90 : memref<128xf32, #tpu.memory_space<vmem>>) offsets(%dma_start3A_93 : memref<128xi32, #tpu.memory_space<vmem>>) semaphore(%arg16 : memref<!tpu.dma_semaphore, #tpu.memory_space<semaphore_mem>>)
    %mul3A_96 = arith.constant 1536 : i32
    %mul3A_97 = arith.muli %add3A, %mul3A_96 : i32
    "tpu.region"() ({
      %run_scoped3A = tpu.sem_alloc : memref<!tpu.dma_semaphore, #tpu.memory_space<semaphore_mem>>
      %dma_start3A_205 = tpu.memref_slice %arg5[%mul3A_97] : memref<49152xf32, #tpu.memory_space<hbm>> -> memref<1536xf32, #tpu.memory_space<hbm>>
      %dma_start3A_206 = tpu.memref_slice %arg5[%mul3A_97] : memref<49152xf32, #tpu.memory_space<hbm>> -> memref<1536xf32, #tpu.memory_space<hbm>>
      tpu.enqueue_dma source(%dma_start3A_206 : memref<1536xf32, #tpu.memory_space<hbm>>) target(%arg11 : memref<1536xf32, #tpu.memory_space<vmem>>) target_semaphore(%run_scoped3A : memref<!tpu.dma_semaphore, #tpu.memory_space<semaphore_mem>>)
      %dma_wait3A_207 = tpu.memref_slice %arg5[%mul3A_97] : memref<49152xf32, #tpu.memory_space<hbm>> -> memref<1536xf32, #tpu.memory_space<hbm>>
      %dma_wait3A_208 = tpu.memref_slice %arg5[%mul3A_97] : memref<49152xf32, #tpu.memory_space<hbm>> -> memref<1536xf32, #tpu.memory_space<hbm>>
      tpu.wait_dma2 semaphore(%run_scoped3A : memref<!tpu.dma_semaphore, #tpu.memory_space<semaphore_mem>>) src(%dma_wait3A_208 : memref<1536xf32, #tpu.memory_space<hbm>>) dst(%arg11 : memref<1536xf32, #tpu.memory_space<vmem>>)
      tpu.yield
    }) : () -> ()
    %mul3A_98 = arith.constant 1536 : i32
    %mul3A_99 = arith.muli %add3A, %mul3A_98 : i32
    "tpu.region"() ({
      %run_scoped3A = tpu.sem_alloc : memref<!tpu.dma_semaphore, #tpu.memory_space<semaphore_mem>>
      %dma_start3A_205 = tpu.memref_slice %arg6[%mul3A_99] : memref<49152xf32, #tpu.memory_space<hbm>> -> memref<1536xf32, #tpu.memory_space<hbm>>
      %dma_start3A_206 = tpu.memref_slice %arg6[%mul3A_99] : memref<49152xf32, #tpu.memory_space<hbm>> -> memref<1536xf32, #tpu.memory_space<hbm>>
      tpu.enqueue_dma source(%dma_start3A_206 : memref<1536xf32, #tpu.memory_space<hbm>>) target(%arg12 : memref<1536xf32, #tpu.memory_space<vmem>>) target_semaphore(%run_scoped3A : memref<!tpu.dma_semaphore, #tpu.memory_space<semaphore_mem>>)
      %dma_wait3A_207 = tpu.memref_slice %arg6[%mul3A_99] : memref<49152xf32, #tpu.memory_space<hbm>> -> memref<1536xf32, #tpu.memory_space<hbm>>
      %dma_wait3A_208 = tpu.memref_slice %arg6[%mul3A_99] : memref<49152xf32, #tpu.memory_space<hbm>> -> memref<1536xf32, #tpu.memory_space<hbm>>
      tpu.wait_dma2 semaphore(%run_scoped3A : memref<!tpu.dma_semaphore, #tpu.memory_space<semaphore_mem>>) src(%dma_wait3A_208 : memref<1536xf32, #tpu.memory_space<hbm>>) dst(%arg12 : memref<1536xf32, #tpu.memory_space<vmem>>)
      tpu.yield
    }) : () -> ()
    "tpu.region"() ({
      %run_scoped3A = tpu.sem_alloc : memref<!tpu.dma_semaphore, #tpu.memory_space<semaphore_mem>>
      %dma_start3A_205 = arith.constant 0 : i32
      %dma_start3A_206 = tpu.memref_slice %arg4[%add3A, %dma_start3A_205] : memref<32x1536xf32, #tpu.memory_space<hbm>> -> memref<1x1536xf32, #tpu.memory_space<hbm>>
      %dma_start3A_207 = tpu.memref_squeeze %dma_start3A_206 : memref<1x1536xf32, #tpu.memory_space<hbm>> -> memref<1536xf32, #tpu.memory_space<hbm>>
      %dma_start3A_208 = arith.constant 0 : i32
      %dma_start3A_209 = tpu.memref_slice %arg4[%add3A, %dma_start3A_208] : memref<32x1536xf32, #tpu.memory_space<hbm>> -> memref<1x1536xf32, #tpu.memory_space<hbm>>
      %dma_start3A_210 = tpu.memref_squeeze %dma_start3A_209 : memref<1x1536xf32, #tpu.memory_space<hbm>> -> memref<1536xf32, #tpu.memory_space<hbm>>
      tpu.enqueue_dma source(%dma_start3A_210 : memref<1536xf32, #tpu.memory_space<hbm>>) target(%arg13 : memref<1536xf32, #tpu.memory_space<vmem>>) target_semaphore(%run_scoped3A : memref<!tpu.dma_semaphore, #tpu.memory_space<semaphore_mem>>)
      %dma_wait3A_211 = arith.constant 0 : i32
      %dma_wait3A_212 = tpu.memref_slice %arg4[%add3A, %dma_wait3A_211] : memref<32x1536xf32, #tpu.memory_space<hbm>> -> memref<1x1536xf32, #tpu.memory_space<hbm>>
      %dma_wait3A_213 = tpu.memref_squeeze %dma_wait3A_212 : memref<1x1536xf32, #tpu.memory_space<hbm>> -> memref<1536xf32, #tpu.memory_space<hbm>>
      %dma_wait3A_214 = arith.constant 0 : i32
      %dma_wait3A_215 = tpu.memref_slice %arg4[%add3A, %dma_wait3A_214] : memref<32x1536xf32, #tpu.memory_space<hbm>> -> memref<1x1536xf32, #tpu.memory_space<hbm>>
      %dma_wait3A_216 = tpu.memref_squeeze %dma_wait3A_215 : memref<1x1536xf32, #tpu.memory_space<hbm>> -> memref<1536xf32, #tpu.memory_space<hbm>>
      tpu.wait_dma2 semaphore(%run_scoped3A : memref<!tpu.dma_semaphore, #tpu.memory_space<semaphore_mem>>) src(%dma_wait3A_216 : memref<1536xf32, #tpu.memory_space<hbm>>) dst(%arg13 : memref<1536xf32, #tpu.memory_space<vmem>>)
      tpu.yield
    }) : () -> ()
    "tpu.region"() ({
      %run_scoped3A = tpu.sem_alloc : memref<!tpu.dma_semaphore, #tpu.memory_space<semaphore_mem>>
      tpu.enqueue_dma source(%arg7 : memref<16xf32, #tpu.memory_space<hbm>>) target(%arg14 : memref<16xf32, #tpu.memory_space<vmem>>) target_semaphore(%run_scoped3A : memref<!tpu.dma_semaphore, #tpu.memory_space<semaphore_mem>>)
      tpu.wait_dma2 semaphore(%run_scoped3A : memref<!tpu.dma_semaphore, #tpu.memory_space<semaphore_mem>>) src(%arg7 : memref<16xf32, #tpu.memory_space<hbm>>) dst(%arg14 : memref<16xf32, #tpu.memory_space<vmem>>)
      tpu.yield
    }) : () -> ()
    %get3A = arith.constant 0 : index
    %get3A_100 = tpu.vector_load %arg14[%get3A] {strides = array<i32>} : memref<16xf32, #tpu.memory_space<vmem>>, vector<16xf32>,
    %iota3A = tpu.iota {dimensions = array<i32: 0>} : vector<16xi32>
    %mul3A_101 = arith.constant 3 : i32
    %mul3A_102 = vector.broadcast %mul3A_101 : i32 to vector<16xi32>
    %mul3A_103 = arith.muli %iota3A, %mul3A_102 : vector<16xi32>
    %dma_wait3A = arith.constant 0 : i32
    %dma_wait3A_104 = arith.constant 0 : i32
    %dma_wait3A_105 = tpu.memref_slice %arg10[%dma_wait3A_104] : memref<1536xf32, #tpu.memory_space<vmem>> -> memref<128xf32, #tpu.memory_space<vmem>>
    %dma_wait3A_106 = arith.constant 0 : i32
    %dma_wait3A_107 = tpu.memref_slice %arg9[%dma_wait3A, %dma_wait3A_106] : memref<12x128xi32, #tpu.memory_space<vmem>> -> memref<1x128xi32, #tpu.memory_space<vmem>>
    %dma_wait3A_108 = tpu.memref_squeeze %dma_wait3A_107 : memref<1x128xi32, #tpu.memory_space<vmem>> -> memref<128xi32, #tpu.memory_space<vmem>>
    %dma_wait3A_109 = arith.constant 0 : i32
    %dma_wait3A_110 = tpu.memref_slice %arg2[%dma_wait3A_109] : memref<3000000xf32, #tpu.memory_space<hbm>> -> memref<3000000xf32, #tpu.memory_space<hbm>>
    tpu.wait_indirect_dma semaphore(%arg16 : memref<!tpu.dma_semaphore, #tpu.memory_space<semaphore_mem>>) src(%dma_wait3A_110 : memref<3000000xf32, #tpu.memory_space<hbm>>) dst(%dma_wait3A_105 : memref<128xf32, #tpu.memory_space<vmem>>)
    %dma_wait3A_111 = arith.constant 1 : i32
    %dma_wait3A_112 = arith.constant 128 : i32
    %dma_wait3A_113 = tpu.memref_slice %arg10[%dma_wait3A_112] : memref<1536xf32, #tpu.memory_space<vmem>> -> memref<128xf32, #tpu.memory_space<vmem>>
    %dma_wait3A_114 = arith.constant 0 : i32
    %dma_wait3A_115 = tpu.memref_slice %arg9[%dma_wait3A_111, %dma_wait3A_114] : memref<12x128xi32, #tpu.memory_space<vmem>> -> memref<1x128xi32, #tpu.memory_space<vmem>>
    %dma_wait3A_116 = tpu.memref_squeeze %dma_wait3A_115 : memref<1x128xi32, #tpu.memory_space<vmem>> -> memref<128xi32, #tpu.memory_space<vmem>>
    %dma_wait3A_117 = arith.constant 0 : i32
    %dma_wait3A_118 = tpu.memref_slice %arg2[%dma_wait3A_117] : memref<3000000xf32, #tpu.memory_space<hbm>> -> memref<3000000xf32, #tpu.memory_space<hbm>>
    tpu.wait_indirect_dma semaphore(%arg16 : memref<!tpu.dma_semaphore, #tpu.memory_space<semaphore_mem>>) src(%dma_wait3A_118 : memref<3000000xf32, #tpu.memory_space<hbm>>) dst(%dma_wait3A_113 : memref<128xf32, #tpu.memory_space<vmem>>)
    %dma_wait3A_119 = arith.constant 2 : i32
    %dma_wait3A_120 = arith.constant 256 : i32
    %dma_wait3A_121 = tpu.memref_slice %arg10[%dma_wait3A_120] : memref<1536xf32, #tpu.memory_space<vmem>> -> memref<128xf32, #tpu.memory_space<vmem>>
    %dma_wait3A_122 = arith.constant 0 : i32
    %dma_wait3A_123 = tpu.memref_slice %arg9[%dma_wait3A_119, %dma_wait3A_122] : memref<12x128xi32, #tpu.memory_space<vmem>> -> memref<1x128xi32, #tpu.memory_space<vmem>>
    %dma_wait3A_124 = tpu.memref_squeeze %dma_wait3A_123 : memref<1x128xi32, #tpu.memory_space<vmem>> -> memref<128xi32, #tpu.memory_space<vmem>>
    %dma_wait3A_125 = arith.constant 0 : i32
    %dma_wait3A_126 = tpu.memref_slice %arg2[%dma_wait3A_125] : memref<3000000xf32, #tpu.memory_space<hbm>> -> memref<3000000xf32, #tpu.memory_space<hbm>>
    tpu.wait_indirect_dma semaphore(%arg16 : memref<!tpu.dma_semaphore, #tpu.memory_space<semaphore_mem>>) src(%dma_wait3A_126 : memref<3000000xf32, #tpu.memory_space<hbm>>) dst(%dma_wait3A_121 : memref<128xf32, #tpu.memory_space<vmem>>)
    %dma_wait3A_127 = arith.constant 3 : i32
    %dma_wait3A_128 = arith.constant 384 : i32
    %dma_wait3A_129 = tpu.memref_slice %arg10[%dma_wait3A_128] : memref<1536xf32, #tpu.memory_space<vmem>> -> memref<128xf32, #tpu.memory_space<vmem>>
    %dma_wait3A_130 = arith.constant 0 : i32
    %dma_wait3A_131 = tpu.memref_slice %arg9[%dma_wait3A_127, %dma_wait3A_130] : memref<12x128xi32, #tpu.memory_space<vmem>> -> memref<1x128xi32, #tpu.memory_space<vmem>>
    %dma_wait3A_132 = tpu.memref_squeeze %dma_wait3A_131 : memref<1x128xi32, #tpu.memory_space<vmem>> -> memref<128xi32, #tpu.memory_space<vmem>>
    %dma_wait3A_133 = arith.constant 0 : i32
    %dma_wait3A_134 = tpu.memref_slice %arg2[%dma_wait3A_133] : memref<3000000xf32, #tpu.memory_space<hbm>> -> memref<3000000xf32, #tpu.memory_space<hbm>>
    tpu.wait_indirect_dma semaphore(%arg16 : memref<!tpu.dma_semaphore, #tpu.memory_space<semaphore_mem>>) src(%dma_wait3A_134 : memref<3000000xf32, #tpu.memory_space<hbm>>) dst(%dma_wait3A_129 : memref<128xf32, #tpu.memory_space<vmem>>)
    %dma_wait3A_135 = arith.constant 4 : i32
    %dma_wait3A_136 = arith.constant 512 : i32
    %dma_wait3A_137 = tpu.memref_slice %arg10[%dma_wait3A_136] : memref<1536xf32, #tpu.memory_space<vmem>> -> memref<128xf32, #tpu.memory_space<vmem>>
    %dma_wait3A_138 = arith.constant 0 : i32
    %dma_wait3A_139 = tpu.memref_slice %arg9[%dma_wait3A_135, %dma_wait3A_138] : memref<12x128xi32, #tpu.memory_space<vmem>> -> memref<1x128xi32, #tpu.memory_space<vmem>>
    %dma_wait3A_140 = tpu.memref_squeeze %dma_wait3A_139 : memref<1x128xi32, #tpu.memory_space<vmem>> -> memref<128xi32, #tpu.memory_space<vmem>>
    %dma_wait3A_141 = arith.constant 0 : i32
    %dma_wait3A_142 = tpu.memref_slice %arg2[%dma_wait3A_141] : memref<3000000xf32, #tpu.memory_space<hbm>> -> memref<3000000xf32, #tpu.memory_space<hbm>>
    tpu.wait_indirect_dma semaphore(%arg16 : memref<!tpu.dma_semaphore, #tpu.memory_space<semaphore_mem>>) src(%dma_wait3A_142 : memref<3000000xf32, #tpu.memory_space<hbm>>) dst(%dma_wait3A_137 : memref<128xf32, #tpu.memory_space<vmem>>)
    %dma_wait3A_143 = arith.constant 5 : i32
    %dma_wait3A_144 = arith.constant 640 : i32
    %dma_wait3A_145 = tpu.memref_slice %arg10[%dma_wait3A_144] : memref<1536xf32, #tpu.memory_space<vmem>> -> memref<128xf32, #tpu.memory_space<vmem>>
    %dma_wait3A_146 = arith.constant 0 : i32
    %dma_wait3A_147 = tpu.memref_slice %arg9[%dma_wait3A_143, %dma_wait3A_146] : memref<12x128xi32, #tpu.memory_space<vmem>> -> memref<1x128xi32, #tpu.memory_space<vmem>>
    %dma_wait3A_148 = tpu.memref_squeeze %dma_wait3A_147 : memref<1x128xi32, #tpu.memory_space<vmem>> -> memref<128xi32, #tpu.memory_space<vmem>>
    %dma_wait3A_149 = arith.constant 0 : i32
    %dma_wait3A_150 = tpu.memref_slice %arg2[%dma_wait3A_149] : memref<3000000xf32, #tpu.memory_space<hbm>> -> memref<3000000xf32, #tpu.memory_space<hbm>>
    tpu.wait_indirect_dma semaphore(%arg16 : memref<!tpu.dma_semaphore, #tpu.memory_space<semaphore_mem>>) src(%dma_wait3A_150 : memref<3000000xf32, #tpu.memory_space<hbm>>) dst(%dma_wait3A_145 : memref<128xf32, #tpu.memory_space<vmem>>)
    %dma_wait3A_151 = arith.constant 6 : i32
    %dma_wait3A_152 = arith.constant 768 : i32
    %dma_wait3A_153 = tpu.memref_slice %arg10[%dma_wait3A_152] : memref<1536xf32, #tpu.memory_space<vmem>> -> memref<128xf32, #tpu.memory_space<vmem>>
    %dma_wait3A_154 = arith.constant 0 : i32
    %dma_wait3A_155 = tpu.memref_slice %arg9[%dma_wait3A_151, %dma_wait3A_154] : memref<12x128xi32, #tpu.memory_space<vmem>> -> memref<1x128xi32, #tpu.memory_space<vmem>>
    %dma_wait3A_156 = tpu.memref_squeeze %dma_wait3A_155 : memref<1x128xi32, #tpu.memory_space<vmem>> -> memref<128xi32, #tpu.memory_space<vmem>>
    %dma_wait3A_157 = arith.constant 0 : i32
    %dma_wait3A_158 = tpu.memref_slice %arg2[%dma_wait3A_157] : memref<3000000xf32, #tpu.memory_space<hbm>> -> memref<3000000xf32, #tpu.memory_space<hbm>>
    tpu.wait_indirect_dma semaphore(%arg16 : memref<!tpu.dma_semaphore, #tpu.memory_space<semaphore_mem>>) src(%dma_wait3A_158 : memref<3000000xf32, #tpu.memory_space<hbm>>) dst(%dma_wait3A_153 : memref<128xf32, #tpu.memory_space<vmem>>)
    %dma_wait3A_159 = arith.constant 7 : i32
    %dma_wait3A_160 = arith.constant 896 : i32
    %dma_wait3A_161 = tpu.memref_slice %arg10[%dma_wait3A_160] : memref<1536xf32, #tpu.memory_space<vmem>> -> memref<128xf32, #tpu.memory_space<vmem>>
    %dma_wait3A_162 = arith.constant 0 : i32
    %dma_wait3A_163 = tpu.memref_slice %arg9[%dma_wait3A_159, %dma_wait3A_162] : memref<12x128xi32, #tpu.memory_space<vmem>> -> memref<1x128xi32, #tpu.memory_space<vmem>>
    %dma_wait3A_164 = tpu.memref_squeeze %dma_wait3A_163 : memref<1x128xi32, #tpu.memory_space<vmem>> -> memref<128xi32, #tpu.memory_space<vmem>>
    %dma_wait3A_165 = arith.constant 0 : i32
    %dma_wait3A_166 = tpu.memref_slice %arg2[%dma_wait3A_165] : memref<3000000xf32, #tpu.memory_space<hbm>> -> memref<3000000xf32, #tpu.memory_space<hbm>>
    tpu.wait_indirect_dma semaphore(%arg16 : memref<!tpu.dma_semaphore, #tpu.memory_space<semaphore_mem>>) src(%dma_wait3A_166 : memref<3000000xf32, #tpu.memory_space<hbm>>) dst(%dma_wait3A_161 : memref<128xf32, #tpu.memory_space<vmem>>)
    %dma_wait3A_167 = arith.constant 8 : i32
    %dma_wait3A_168 = arith.constant 1024 : i32
    %dma_wait3A_169 = tpu.memref_slice %arg10[%dma_wait3A_168] : memref<1536xf32, #tpu.memory_space<vmem>> -> memref<128xf32, #tpu.memory_space<vmem>>
    %dma_wait3A_170 = arith.constant 0 : i32
    %dma_wait3A_171 = tpu.memref_slice %arg9[%dma_wait3A_167, %dma_wait3A_170] : memref<12x128xi32, #tpu.memory_space<vmem>> -> memref<1x128xi32, #tpu.memory_space<vmem>>
    %dma_wait3A_172 = tpu.memref_squeeze %dma_wait3A_171 : memref<1x128xi32, #tpu.memory_space<vmem>> -> memref<128xi32, #tpu.memory_space<vmem>>
    %dma_wait3A_173 = arith.constant 0 : i32
    %dma_wait3A_174 = tpu.memref_slice %arg2[%dma_wait3A_173] : memref<3000000xf32, #tpu.memory_space<hbm>> -> memref<3000000xf32, #tpu.memory_space<hbm>>
    tpu.wait_indirect_dma semaphore(%arg16 : memref<!tpu.dma_semaphore, #tpu.memory_space<semaphore_mem>>) src(%dma_wait3A_174 : memref<3000000xf32, #tpu.memory_space<hbm>>) dst(%dma_wait3A_169 : memref<128xf32, #tpu.memory_space<vmem>>)
    %dma_wait3A_175 = arith.constant 9 : i32
    %dma_wait3A_176 = arith.constant 1152 : i32
    %dma_wait3A_177 = tpu.memref_slice %arg10[%dma_wait3A_176] : memref<1536xf32, #tpu.memory_space<vmem>> -> memref<128xf32, #tpu.memory_space<vmem>>
    %dma_wait3A_178 = arith.constant 0 : i32
    %dma_wait3A_179 = tpu.memref_slice %arg9[%dma_wait3A_175, %dma_wait3A_178] : memref<12x128xi32, #tpu.memory_space<vmem>> -> memref<1x128xi32, #tpu.memory_space<vmem>>
    %dma_wait3A_180 = tpu.memref_squeeze %dma_wait3A_179 : memref<1x128xi32, #tpu.memory_space<vmem>> -> memref<128xi32, #tpu.memory_space<vmem>>
    %dma_wait3A_181 = arith.constant 0 : i32
    %dma_wait3A_182 = tpu.memref_slice %arg2[%dma_wait3A_181] : memref<3000000xf32, #tpu.memory_space<hbm>> -> memref<3000000xf32, #tpu.memory_space<hbm>>
    tpu.wait_indirect_dma semaphore(%arg16 : memref<!tpu.dma_semaphore, #tpu.memory_space<semaphore_mem>>) src(%dma_wait3A_182 : memref<3000000xf32, #tpu.memory_space<hbm>>) dst(%dma_wait3A_177 : memref<128xf32, #tpu.memory_space<vmem>>)
    %dma_wait3A_183 = arith.constant 10 : i32
    %dma_wait3A_184 = arith.constant 1280 : i32
    %dma_wait3A_185 = tpu.memref_slice %arg10[%dma_wait3A_184] : memref<1536xf32, #tpu.memory_space<vmem>> -> memref<128xf32, #tpu.memory_space<vmem>>
    %dma_wait3A_186 = arith.constant 0 : i32
    %dma_wait3A_187 = tpu.memref_slice %arg9[%dma_wait3A_183, %dma_wait3A_186] : memref<12x128xi32, #tpu.memory_space<vmem>> -> memref<1x128xi32, #tpu.memory_space<vmem>>
    %dma_wait3A_188 = tpu.memref_squeeze %dma_wait3A_187 : memref<1x128xi32, #tpu.memory_space<vmem>> -> memref<128xi32, #tpu.memory_space<vmem>>
    %dma_wait3A_189 = arith.constant 0 : i32
    %dma_wait3A_190 = tpu.memref_slice %arg2[%dma_wait3A_189] : memref<3000000xf32, #tpu.memory_space<hbm>> -> memref<3000000xf32, #tpu.memory_space<hbm>>
    tpu.wait_indirect_dma semaphore(%arg16 : memref<!tpu.dma_semaphore, #tpu.memory_space<semaphore_mem>>) src(%dma_wait3A_190 : memref<3000000xf32, #tpu.memory_space<hbm>>) dst(%dma_wait3A_185 : memref<128xf32, #tpu.memory_space<vmem>>)
    %dma_wait3A_191 = arith.constant 11 : i32
    %dma_wait3A_192 = arith.constant 1408 : i32
    %dma_wait3A_193 = tpu.memref_slice %arg10[%dma_wait3A_192] : memref<1536xf32, #tpu.memory_space<vmem>> -> memref<128xf32, #tpu.memory_space<vmem>>
    %dma_wait3A_194 = arith.constant 0 : i32
    %dma_wait3A_195 = tpu.memref_slice %arg9[%dma_wait3A_191, %dma_wait3A_194] : memref<12x128xi32, #tpu.memory_space<vmem>> -> memref<1x128xi32, #tpu.memory_space<vmem>>
    %dma_wait3A_196 = tpu.memref_squeeze %dma_wait3A_195 : memref<1x128xi32, #tpu.memory_space<vmem>> -> memref<128xi32, #tpu.memory_space<vmem>>
    %dma_wait3A_197 = arith.constant 0 : i32
    %dma_wait3A_198 = tpu.memref_slice %arg2[%dma_wait3A_197] : memref<3000000xf32, #tpu.memory_space<hbm>> -> memref<3000000xf32, #tpu.memory_space<hbm>>
    tpu.wait_indirect_dma semaphore(%arg16 : memref<!tpu.dma_semaphore, #tpu.memory_space<semaphore_mem>>) src(%dma_wait3A_198 : memref<3000000xf32, #tpu.memory_space<hbm>>) dst(%dma_wait3A_193 : memref<128xf32, #tpu.memory_space<vmem>>)
    %scan3A = arith.constant 0 : i32
    %scan3A_199 = arith.constant 32 : i32
    %scan3A_200 = arith.addi %scan3A, %scan3A_199 : i32
    %scan3A_201 = arith.constant 1 : i32
    scf.for %scan3A_205 = %scan3A to %scan3A_200 step %scan3A_201  : i32 {
      %mul3A_206 = arith.constant 16 : i32
      %mul3A_207 = arith.muli %scan3A_205, %mul3A_206 : i32
      %add3A_208 = arith.constant 0 : i32
      %add3A_209 = arith.addi %add3A_208, %mul3A_207 : i32
      %get3A_210 = arith.index_cast %add3A_209 : i32 to index
      %get3A_211 = tpu.vector_load %arg10[%get3A_210] {strides = array<i32>} : memref<1536xf32, #tpu.memory_space<vmem>>, vector<16xf32>,
      %add3A_212 = arith.constant 0 : i32
      %add3A_213 = arith.addi %add3A_212, %mul3A_207 : i32
      %get3A_214 = arith.index_cast %add3A_213 : i32 to index
      %get3A_215 = tpu.vector_load %arg13[%get3A_214] {strides = array<i32>} : memref<1536xf32, #tpu.memory_space<vmem>>, vector<16xf32>,
      %mul3A_216 = arith.mulf %get3A_211, %get3A_215 : vector<16xf32>
      %add3A_217 = arith.addf %get3A_100, %mul3A_216 : vector<16xf32>
      %add3A_218 = arith.constant 512 : i32
      %add3A_219 = arith.addi %add3A_218, %mul3A_207 : i32
      %get3A_220 = arith.index_cast %add3A_219 : i32 to index
      %get3A_221 = tpu.vector_load %arg10[%get3A_220] {strides = array<i32>} : memref<1536xf32, #tpu.memory_space<vmem>>, vector<16xf32>,
      %add3A_222 = arith.constant 512 : i32
      %add3A_223 = arith.addi %add3A_222, %mul3A_207 : i32
      %get3A_224 = arith.index_cast %add3A_223 : i32 to index
      %get3A_225 = tpu.vector_load %arg13[%get3A_224] {strides = array<i32>} : memref<1536xf32, #tpu.memory_space<vmem>>, vector<16xf32>,
      %mul3A_226 = arith.mulf %get3A_221, %get3A_225 : vector<16xf32>
      %add3A_227 = arith.addf %add3A_217, %mul3A_226 : vector<16xf32>
      %add3A_228 = arith.constant 1024 : i32
      %add3A_229 = arith.addi %add3A_228, %mul3A_207 : i32
      %get3A_230 = arith.index_cast %add3A_229 : i32 to index
      %get3A_231 = tpu.vector_load %arg10[%get3A_230] {strides = array<i32>} : memref<1536xf32, #tpu.memory_space<vmem>>, vector<16xf32>,
      %add3A_232 = arith.constant 1024 : i32
      %add3A_233 = arith.addi %add3A_232, %mul3A_207 : i32
      %get3A_234 = arith.index_cast %add3A_233 : i32 to index
      %get3A_235 = tpu.vector_load %arg13[%get3A_234] {strides = array<i32>} : memref<1536xf32, #tpu.memory_space<vmem>>, vector<16xf32>,
      %mul3A_236 = arith.mulf %get3A_231, %get3A_235 : vector<16xf32>
      %add3A_237 = arith.addf %add3A_227, %mul3A_236 : vector<16xf32>
      %mul3A_238 = arith.constant 3 : i32
      %mul3A_239 = arith.muli %mul3A_207, %mul3A_238 : i32
      %broadcast_in_dim3A = vector.broadcast %mul3A_239 : i32 to vector<16xi32>
      %add3A_240 = arith.addi %broadcast_in_dim3A, %mul3A_103 : vector<16xi32>
      %gather3A = tpu.vector_load_idx %arg11[%add3A_240] : memref<1536xf32, #tpu.memory_space<vmem>>[vector<16xi32>], vector<16xf32>,
      %add3A_241 = arith.constant 1 : i32
      %add3A_242 = vector.broadcast %add3A_241 : i32 to vector<16xi32>
      %add3A_243 = arith.addi %add3A_240, %add3A_242 : vector<16xi32>
      %gather3A_244 = tpu.vector_load_idx %arg11[%add3A_243] : memref<1536xf32, #tpu.memory_space<vmem>>[vector<16xi32>], vector<16xf32>,
      %add3A_245 = arith.constant 2 : i32
      %add3A_246 = vector.broadcast %add3A_245 : i32 to vector<16xi32>
      %add3A_247 = arith.addi %add3A_240, %add3A_246 : vector<16xi32>
      %gather3A_248 = tpu.vector_load_idx %arg11[%add3A_247] : memref<1536xf32, #tpu.memory_space<vmem>>[vector<16xi32>], vector<16xf32>,
      %gather3A_249 = tpu.vector_load_idx %arg12[%add3A_240] : memref<1536xf32, #tpu.memory_space<vmem>>[vector<16xi32>], vector<16xf32>,
      %add3A_250 = arith.constant 1 : i32
      %add3A_251 = vector.broadcast %add3A_250 : i32 to vector<16xi32>
      %add3A_252 = arith.addi %add3A_240, %add3A_251 : vector<16xi32>
      %gather3A_253 = tpu.vector_load_idx %arg12[%add3A_252] : memref<1536xf32, #tpu.memory_space<vmem>>[vector<16xi32>], vector<16xf32>,
      %add3A_254 = arith.constant 2 : i32
      %add3A_255 = vector.broadcast %add3A_254 : i32 to vector<16xi32>
      %add3A_256 = arith.addi %add3A_240, %add3A_255 : vector<16xi32>
      %gather3A_257 = tpu.vector_load_idx %arg12[%add3A_256] : memref<1536xf32, #tpu.memory_space<vmem>>[vector<16xi32>], vector<16xf32>,
      %max3A = arith.maximumf %gather3A_244, %gather3A_248 : vector<16xf32>
      %max3A_258 = arith.maximumf %gather3A, %max3A : vector<16xf32>
      %sub3A = arith.subf %gather3A, %max3A_258 : vector<16xf32>
      %exp3A = math.exp %sub3A : vector<16xf32>
      %sub3A_259 = arith.subf %gather3A_244, %max3A_258 : vector<16xf32>
      %exp3A_260 = math.exp %sub3A_259 : vector<16xf32>
      %sub3A_261 = arith.subf %gather3A_248, %max3A_258 : vector<16xf32>
      %exp3A_262 = math.exp %sub3A_261 : vector<16xf32>
      %mul3A_263 = arith.mulf %exp3A, %gather3A_249 : vector<16xf32>
      %mul3A_264 = arith.mulf %exp3A_260, %gather3A_253 : vector<16xf32>
      %add3A_265 = arith.addf %mul3A_263, %mul3A_264 : vector<16xf32>
      %mul3A_266 = arith.mulf %exp3A_262, %gather3A_257 : vector<16xf32>
      %add3A_267 = arith.addf %add3A_265, %mul3A_266 : vector<16xf32>
      %add3A_268 = arith.addf %exp3A, %exp3A_260 : vector<16xf32>
      %add3A_269 = arith.addf %add3A_268, %exp3A_262 : vector<16xf32>
      %div3A = arith.divf %add3A_267, %add3A_269 : vector<16xf32>
      %add3A_270 = arith.addf %add3A_237, %div3A : vector<16xf32>
      %swap3A = arith.index_cast %mul3A_207 : i32 to index
      %swap3A_271 = tpu.vector_load %arg15[%swap3A] {strides = array<i32>} : memref<512xf32, #tpu.memory_space<vmem>>, vector<16xf32>,
      tpu.vector_store %arg15[%swap3A], %add3A_270 {strides = array<i32>} : memref<512xf32, #tpu.memory_space<vmem>>, vector<16xf32>,
    }
    %scan3A_202 = arith.constant 32 : i32
    %mul3A_203 = arith.constant 512 : i32
    %mul3A_204 = arith.muli %add3A, %mul3A_203 : i32
    "tpu.region"() ({
      %run_scoped3A = tpu.sem_alloc : memref<!tpu.dma_semaphore, #tpu.memory_space<semaphore_mem>>
      %dma_start3A_205 = tpu.memref_slice %arg8[%mul3A_204] : memref<16384xf32, #tpu.memory_space<hbm>> -> memref<512xf32, #tpu.memory_space<hbm>>
      %dma_start3A_206 = tpu.memref_slice %arg8[%mul3A_204] : memref<16384xf32, #tpu.memory_space<hbm>> -> memref<512xf32, #tpu.memory_space<hbm>>
      tpu.enqueue_dma source(%arg15 : memref<512xf32, #tpu.memory_space<vmem>>) target(%dma_start3A_206 : memref<512xf32, #tpu.memory_space<hbm>>) target_semaphore(%run_scoped3A : memref<!tpu.dma_semaphore, #tpu.memory_space<semaphore_mem>>)
      %dma_wait3A_207 = tpu.memref_slice %arg8[%mul3A_204] : memref<16384xf32, #tpu.memory_space<hbm>> -> memref<512xf32, #tpu.memory_space<hbm>>
      %dma_wait3A_208 = tpu.memref_slice %arg8[%mul3A_204] : memref<16384xf32, #tpu.memory_space<hbm>> -> memref<512xf32, #tpu.memory_space<hbm>>
      tpu.wait_dma2 semaphore(%run_scoped3A : memref<!tpu.dma_semaphore, #tpu.memory_space<semaphore_mem>>) src(%arg15 : memref<512xf32, #tpu.memory_space<vmem>>) dst(%dma_wait3A_208 : memref<512xf32, #tpu.memory_space<hbm>>)
      tpu.yield
    }) : () -> ()
    return
  }
}

</mosaic_0001>

<sc_bundles>
// kernel: kernel.4.cloned.1.call-start
scs
__scs_entry_jumppad:
0x0: {  	(pc) =	sbr.rel $0x88, $3  }
0x1: {  	(tag) =	ssettag $0x0;
	lr =	simm.s32 $0x1  }
0x2: {  	[smem:$0x3F99] =	sst lr;
	_ =	strace $0xD0000000  }
0x3: {  	_ = 	snop  }
0x4: {  	_ = 	snop  }
0x5: {  	_ = 	snop  }
0x6: {  	_ = 	snop  }
0x7: {  	_ = 	snop  }
__scs_overlays_trampoline_lowered:
0x8: {  	[smem:$0x3FA8] =	sst s0  }
0x9: {  	[smem:$0x3FA9] =	sst s1  }
0xa: {  	[smem:$0x3FAA] =	sst s2  }
0xb: {  	[smem:$0x3FAB] =	sst s3  }
0xc: {  	[smem:$0x3FAC] =	sst s4  }
0xd: {  	[smem:$0x3FAD] =	sst s5  }
0xe: {  	[smem:$0x3FAE] =	sst s6  }
0xf: {  	[smem:$0x3FAF] =	sst s7  }
0x10: {  	[smem:$0x3FB0] =	sst s8  }
0x11: {  	[smem:$0x3FB1] =	sst s9;
	s0 =	simm.s32 @!p0 $0x0  }
0x12: {  	s1 =	sld [smem:$0x3F97];
	s0 =	simm.s32 @p0 $0x1  }
0x13: {  	[smem:$0x3FB2] =	sst s0;
	s0 =	simm.s32 @!p1 $0x0  }
0x14: {  	s2 =	sld [smem:$0x3F96];
	s0 =	simm.s32 @p1 $0x1  }
0x15: {  	[smem:$0x3FB3] =	sst s0;
	s0 =	simm.s32 @!p2 $0x0  }
0x16: {  	s3 =	sld [smem:$0x3FDB];
	s0 =	simm.s32 @p2 $0x1  }
0x17: {  	s4 =	simm.s32 $0x1BF5;
	[smem:$0x3FB5] =	sst s0  }
0x18: {  	s0 =	sld [smem:$0x3F98];
	_ =	swait.ge [sflag:s4], $0x0  }
0x19: {  	s7 =	sld [smem:$0x3F99]  }
0x1a: {  	s8 =	sadd.s32 $0xFFFFE003, lr  }
0x1b: {  	s9 =	sadd.s32 $0xFFFFFEF7, lr;
	s5 =	simm.s32 $0xFFFFFFFF;
	p2 =	slt.u32 s8, $0xFFFFF086  }
0x1c: {  	p1 =	slt.u32 s9, $0xF7A;
	s5 =	simm.s32 @!p2 $0x0  }
0x1d: {  	s5 =	simm.s32 @p1 $0x1;
	p0 =	seq.s32 s7, s2  }
0x1e: {  	s7 =	smul.u32 @!p0 $0xF7A, s2;
	p2 =	seq.s32 @!p0 s5, $0x0  }
0x1f: {  	s9 =	smul.u32 $0xF7A, s1;
	s8 =	simm.s32 @!p0 $0x1BF5;
	p2 =	por !p2, p0  }
0x20: {  	[sflag:s8] =	ssyncset.s32 @!p0 $0xFFFFF086;
	s6 =	sadd.s32 @!p0 s3, s7;
	s7 =	simm.s32 @!p0 $0x108  }
0x21: {  	s3 =	sadd.s32 s3, s9;
	s6 =	sadd.s32 @!p0 $0x88, s6;
	s7 =	simm.s32 @p2 $0x1082  }
0x22: {  	[simem:s7], [sflag:s8] =	dma.local @!p0 [hbm:s6], $0xF7A  }
0x23: {  	s9 =	sor.u32 $0xD0000000, s2;
	s6 =	simm.s32 $0x108;
	_ =	swait.ge @!p0 [sflag:s8], $0x0  }
0x24: {  	s3 =	sadd.s32 $0x88, s3;
	s6 =	simm.s32 @!p1 $0x1082;
	[sflag:s4] =	ssyncset.s32 $0xFFFFF086  }
0x25: {  	[simem:s6], [sflag:s4] =	dma.local [hbm:s3], $0xF7A  }
0x26: {  	[smem:$0x3F99] =	sst s1;
	(tag) =	ssettag s2;
	_ =	strace s9  }
0x27: {  	s1 =	sld [smem:$0x3FA9]  }
0x28: {  	s2 =	sld [smem:$0x3FAA]  }
0x29: {  	s4 =	sld [smem:$0x3FAC]  }
0x2a: {  	p0 =	seq.s32 s5, $0x0;
	s5 =	sld [smem:$0x3FAD]  }
0x2b: {  	s6 =	sld [smem:$0x3FAE]  }
0x2c: {  	s7 =	sld [smem:$0x3FAF]  }
0x2d: {  	s3 =	simm.s32 $0x108;
	s8 =	sld [smem:$0x3FB0]  }
0x2e: {  	s3 =	simm.s32 @!p0 $0x1082;
	s9 =	sld [smem:$0x3FB1]  }
0x2f: {  	lr =	sadd.s32 s0, s3;
	s0 =	sld [smem:$0x3FA8]  }
0x30: {  	s3 =	sld [smem:$0x3FAB]  }
0x31: {  	[smem:$0x3FB4] =	sst s10  }
0x32: {  	s10 =	sld [smem:$0x3FB2];
	_ =	sdelay $0x3  }
0x33: {  	p0 =	seq.s32 s10, $0x1;
	s10 =	sld [smem:$0x3FB4];
	_ =	sdelay $0x3  }
0x34: {  	[smem:$0x3FB4] =	sst s10  }
0x35: {  	s10 =	sld [smem:$0x3FB3];
	_ =	sdelay $0x3  }
0x36: {  	p1 =	seq.s32 s10, $0x1;
	s10 =	sld [smem:$0x3FB4];
	_ =	sdelay $0x3  }
0x37: {  	[smem:$0x3FB4] =	sst s10  }
0x38: {  	s10 =	sld [smem:$0x3FB5]  }
0x39: {  	_ = 	snop;
	(pc) =	sbr.ind lr, $3  }
0x3a: {  	_ = 	snop  }
0x3b: {  	_ = 	snop  }
0x3c: {  	p2 =	seq.s32 s10, $0x1;
	s10 =	sld [smem:$0x3FB4]  }
0x3d: {  	_ =	shalt  }
0x3e: {  	_ =	shalt  }
0x3f: {  	_ =	shalt  }
0x40: {  	_ =	shalt  }
0x41: {  	_ =	shalt  }
0x42: {  	_ =	shalt  }
0x43: {  	_ =	shalt  }
0x44: {  	_ =	shalt  }
0x45: {  	_ =	shalt  }
0x46: {  	_ =	shalt  }
0x47: {  	_ =	shalt  }
0x48: {  	_ =	shalt  }
0x49: {  	_ =	shalt  }
0x4a: {  	_ =	shalt  }
0x4b: {  	_ =	shalt  }
0x4c: {  	_ =	shalt  }
0x4d: {  	_ =	shalt  }
0x4e: {  	_ =	shalt  }
0x4f: {  	_ =	shalt  }
0x50: {  	_ =	shalt  }
0x51: {  	_ =	shalt  }
0x52: {  	_ =	shalt  }
0x53: {  	_ =	shalt  }
0x54: {  	_ =	shalt  }
0x55: {  	_ =	shalt  }
0x56: {  	_ =	shalt  }
0x57: {  	_ =	shalt  }
0x58: {  	_ =	shalt  }
0x59: {  	_ =	shalt  }
0x5a: {  	_ =	shalt  }
0x5b: {  	_ =	shalt  }
0x5c: {  	_ =	shalt  }
0x5d: {  	_ =	shalt  }
0x5e: {  	_ =	shalt  }
0x5f: {  	_ =	shalt  }
0x60: {  	_ =	shalt  }
0x61: {  	_ =	shalt  }
0x62: {  	_ =	shalt  }
0x63: {  	_ =	shalt  }
0x64: {  	_ =	shalt  }
0x65: {  	_ =	shalt  }
0x66: {  	_ =	shalt  }
0x67: {  	_ =	shalt  }
0x68: {  	_ =	shalt  }
0x69: {  	_ =	shalt  }
0x6a: {  	_ =	shalt  }
0x6b: {  	_ =	shalt  }
0x6c: {  	_ =	shalt  }
0x6d: {  	_ =	shalt  }
0x6e: {  	_ =	shalt  }
0x6f: {  	_ =	shalt  }
0x70: {  	_ =	shalt  }
0x71: {  	_ =	shalt  }
0x72: {  	_ =	shalt  }
0x73: {  	_ =	shalt  }
0x74: {  	_ =	shalt  }
0x75: {  	_ =	shalt  }
0x76: {  	_ =	shalt  }
0x77: {  	_ =	shalt  }
0x78: {  	_ =	shalt  }
0x79: {  	_ =	shalt  }
0x7a: {  	_ =	shalt  }
0x7b: {  	_ =	shalt  }
0x7c: {  	_ =	shalt  }
0x7d: {  	_ =	shalt  }
0x7e: {  	_ =	shalt  }
0x7f: {  	_ =	shalt  }
0x80: {  	_ =	shalt  }
0x81: {  	_ =	shalt  }
0x82: {  	_ =	shalt  }
0x83: {  	_ =	shalt  }
0x84: {  	_ =	shalt  }
0x85: {  	_ =	shalt  }
0x86: {  	_ =	shalt  }
0x87: {  	_ =	shalt  }
.Lfunc_end0:
.L_simem_size_0:
called_computation_lowered:
.L_overlay_start_0:
0x88: {  	s2 =	sld [smem:$0x3FD9]  }
0x89: {  	s3 =	sld [smem:$0x3FFE];
	_ =	sdelay $0x1  }
0x8a: {  	s1 =	srdreg.scid  }
0x8b: {  	s0 =	sand.u32 $0x1, s1  }
0x8c: {  	s17 =	sshll.u32 s0, $0xA;
	s2 =	sadd.s32 s3, s2  }
0x8d: {  	s2 =	sadd.s32 s2, s17  }
0x8e: {  	[smem:$0x3FC0] =	sst s2  }
0x8f: {  	_ = 	snop  }
0x90: {  	s2 =	sld [smem:$0x3FD0];
	(tm) =	ssettm $0x1  }
0x91: {  	s18 =	sld [smem:$0x3FFB];
	_ =	sdelay $0x3  }
0x92: {  	_ =	strace s18  }
0x93: {  	s3 =	sld [smem:$0x3FFC];
	_ =	sdelay $0x3  }
0x94: {  	_ =	strace s3  }
0x95: {  	s3 =	sld [smem:$0x3FFD];
	_ =	sdelay $0x3  }
0x96: {  	_ =	strace s3  }
0x97: {  	_ =	strace $0x8FFFFFFF  }
0x98: {  	s19 =	sld [smem:$0x3FDB];
	_ =	sdelay $0x1  }
0x99: {  	s4 =	simm.s32 $_scs_section_size  }
0x9a: {  	s5 =	simm.s32 $_size__tile_overlayer_lowered;
	s6 =	simm.s32 $_tile_overlayer_lowered  }
0x9b: {  	s22 =	simm.s32 $0x1BFF;
	s21 =	sshll.u32 s6, $0x1;
	s3 =	sadd.s32 s4, s19  }
0x9c: {  	s7 =	simm.s32 $0x0;
	s20 =	sshll.u32 s5, $0x1;
	s5 =	sadd.s32 s21, s3  }
0x9d: {  	[timem:s7], [sflag:s22] =	dma.local [hbm:s5], s20  }
0x9e: {  	_ =	swait.ge [sflag:s22], s20  }
0x9f: {  	s4 =	ssub.s32 $0x0, s20;
	[sflag:s22] =	ssyncset.done $0x0  }
0xa0: {  	[sflag:s22] =	ssyncadd.s32 s4;
	_ =	sdelay $0x1  }
0xa1: {  	s23 =	simm.s32 $0x1B8B  }
0xa2: {  	_ =	swait.ge [sflag:s23], $0x1  }
0xa3: {  	[sflag:s23] =	ssyncset.done $0x0  }
0xa4: {  	s25 =	simm.s32 $0x1B8E;
	s24 =	sld [smem:$0x3FFE];
	[sflag:s23] =	ssyncadd.s32 $0xFFFFFFFF  }
0xa5: {  	s26 =	simm.s32 $execute0_lowered;
	[smem:$0x3FD2] =	sst s25  }
0xa6: {  	s5 =	sshll.u32 s26, $0x1;
	_ =	strace $0x80000046;
	[dreg:$0x1] =	wrdreg $0xFFFFFFFF  }
0xa7: {  	s28 =	simm.s32 $_size_execute0_lowered;
	s3 =	sadd.s32 s3, s5;
	[dreg:$0x0] =	wrdreg $0x0  }
0xa8: {  	s5 =	sshll.u32 s28, $0x1;
	[dreg:$0x2] =	wrdreg s3  }
0xa9: {  	[dreg:$0x3] =	wrdreg s5  }
0xaa: {  	[dreg:$0x4] =	wrdreg $0xC0  }
0xab: {  	_ =	task [dreg:s7], $0x5FFFF  }
0xac: {  	[dreg:$0x1] =	wrdreg $0xFFFFFFFF  }
0xad: {  	[dreg:$0x0] =	wrdreg $0x60  }
0xae: {  	[dreg:$0x2] =	wrdreg s24  }
0xaf: {  	[dreg:$0x3] =	wrdreg s2  }
0xb0: {  	[dreg:$0x4] =	wrdreg $0x9  }
0xb1: {  	_ =	task.clear_ibuf [dreg:s7], $0x5FFFF;
	_ =	strace $0x90000046  }
0xb2: {  	s29 =	simm.s32 $0x9;
	_ =	strace $0x80000048  }
0xb3: {  	_ =	swait.ge [sflag:s29], $0x1  }
0xb4: {  	[sflag:s29] =	ssyncadd.s32 $0xFFFFFFFF  }
0xb5: {  	_ =	strace $0x90000048  }
0xb6: {  	_ =	sfence  }
0xb7: {  	s30 =	sld [smem:$0x0];
	_ =	sdelay $0x2  }
0xb8: {  	s31 =	sshll.u32 s1, $0xD;
	s1 =	sshrl.u32 s1, $0x2  }
0xb9: {  	s3 =	sand.u32 $0x4000, s31;
	s1 =	sadd.s32 s1, s30  }
0xba: {  	s0 =	sor.u32 s3, s0;
	s1 =	sshll.u32 s1, $0x11  }
0xbb: {  	s0 =	sor.u32 s1, s0  }
0xbc: {  	s0 =	sadd.s32 $0x8F2B, s0  }
0xbd: {  	[sflag:s0] =	ssyncadd.remote.s32 $0x1  }
0xbe: {  	_ =	sfence.sel $0xFFFF  }
0xbf: {  	[dreg:$0x0] =	wrdreg $0xFFFFFFFF;
	(pc) =	sbr.abs _section_cstart, $3  }
0xc0: {  	[dreg:$0x1] =	wrdreg $0xFFFFFFFF  }
0xc1: {  	_ =	task.clear_ibuf [dreg:s7], $0x2FFFF;
	_ =	strace $0x9FFFFFFF  }
0xc2: {  	(tm) =	ssettm $0x7FFFFFFF  }
0xc3: {  	_ =	shalt  }
tec
execute0_lowered:
.L_overlay_start_1:
0x0: {  	(tag) =	ssettag $0x1  }
0x1: {  	s0 =	srdreg.scid;
	s1 =	stileid.u32  }
0x2: {  	s0 =	sand.u32 $0x1, s0;
	s2 =	sshll.u32 s1, $0x1  }
0x3: {  	s8 =	rddreg [dreg:$0x0];
	s1 =	simm.s32 $0x0;
	s2 =	sor.u32 s0, s2  }
0x4: {  	s6 =	sadd.s32 $0x4400, s8;
	s0 =	ssub.s32 $0x2, s0;
	s10 =	sshll.u32 s2, $0x2  }
0x5: {  	s7 =	sadd.s32 $0x5C00, s8;
	s3 =	sshrl.u32 s0, $0x1;
	s26 =	sor.u32 $0x80, s10  }
0x6: {  	[smem:$0x7FF] =	sst s1;
	s11 =	ssub.s32 s0, s3;
	s3 =	sadd.s32 s6, s26  }
0x7: {  	s4 =	sor.u32 $0x100, s10;
	s0 =	sadd.s32 s7, s26;
	[dreg:$0x3] =	wrdreg s3  }
0x8: {  	s12 =	sor.u32 $0x180, s10;
	s5 =	sadd.s32 s6, s4;
	[dreg:$0x4] =	wrdreg s0  }
0x9: {  	s14 =	sor.u32 $0x200, s10;
	s13 =	sadd.s32 s6, s12;
	[dreg:$0x5] =	wrdreg s5  }
0xa: {  	s16 =	sor.u32 $0x280, s10;
	s15 =	sadd.s32 s6, s14;
	[dreg:$0x7] =	wrdreg s13  }
0xb: {  	s18 =	sor.u32 $0x300, s10;
	s17 =	sadd.s32 s6, s16;
	[dreg:$0x9] =	wrdreg s15  }
0xc: {  	s20 =	sor.u32 $0x380, s10;
	s19 =	sadd.s32 s6, s18;
	[dreg:$0xb] =	wrdreg s17  }
0xd: {  	s22 =	sor.u32 $0x400, s10;
	s21 =	sadd.s32 s6, s20;
	[dreg:$0xd] =	wrdreg s19  }
0xe: {  	s24 =	sor.u32 $0x480, s10;
	s23 =	sadd.s32 s6, s22;
	[dreg:$0xf] =	wrdreg s21  }
0xf: {  	s25 =	sadd.s32 s6, s24;
	[dreg:$0x11] =	wrdreg s23  }
0x10: {  	s26 =	sor.u32 $0x500, s10;
	s0 =	sadd.s32 s7, s4;
	[dreg:$0x13] =	wrdreg s25  }
0x11: {  	s3 =	sadd.s32 s6, s26;
	[dreg:$0x6] =	wrdreg s0  }
0x12: {  	s4 =	sor.u32 $0x580, s10;
	s0 =	sadd.s32 s7, s12;
	[dreg:$0x15] =	wrdreg s3  }
0x13: {  	s5 =	sadd.s32 s6, s4;
	[dreg:$0x8] =	wrdreg s0  }
0x14: {  	s12 =	sor.u32 $0x600, s10;
	s0 =	sadd.s32 s7, s14;
	[dreg:$0x17] =	wrdreg s5  }
0x15: {  	s13 =	sadd.s32 s6, s12;
	[dreg:$0xa] =	wrdreg s0  }
0x16: {  	s14 =	sor.u32 $0x680, s10;
	s0 =	sadd.s32 s7, s16;
	[dreg:$0x19] =	wrdreg s13  }
0x17: {  	s15 =	sadd.s32 s6, s14;
	[dreg:$0xc] =	wrdreg s0  }
0x18: {  	s16 =	sor.u32 $0x700, s10;
	s0 =	sadd.s32 s7, s18;
	[dreg:$0x1b] =	wrdreg s15  }
0x19: {  	s17 =	sadd.s32 s6, s16;
	[dreg:$0xe] =	wrdreg s0  }
0x1a: {  	s18 =	sor.u32 $0x780, s10;
	s0 =	sadd.s32 s7, s20;
	[dreg:$0x1d] =	wrdreg s17  }
0x1b: {  	s19 =	sadd.s32 s6, s18;
	[dreg:$0x10] =	wrdreg s0  }
0x1c: {  	s20 =	sor.u32 $0x800, s10;
	s0 =	sadd.s32 s7, s22;
	[dreg:$0x1f] =	wrdreg s19  }
0x1d: {  	s21 =	sadd.s32 s6, s20;
	[dreg:$0x12] =	wrdreg s0  }
0x1e: {  	s22 =	sor.u32 $0x880, s10;
	s0 =	sadd.s32 s7, s24;
	[smem:$0x7C9] =	sst s21  }
0x1f: {  	s23 =	sadd.s32 s6, s22;
	[dreg:$0x14] =	wrdreg s0  }
0x20: {  	s24 =	sor.u32 $0x900, s10;
	s0 =	sadd.s32 s7, s26;
	[smem:$0x7CB] =	sst s23  }
0x21: {  	s25 =	sadd.s32 s6, s24;
	[dreg:$0x16] =	wrdreg s0  }
0x22: {  	s26 =	sor.u32 $0x980, s10;
	s0 =	sadd.s32 s7, s4;
	[smem:$0x7CD] =	sst s25  }
0x23: {  	s3 =	sadd.s32 s6, s26;
	[dreg:$0x18] =	wrdreg s0  }
0x24: {  	s4 =	sor.u32 $0xA00, s10;
	s0 =	sadd.s32 s7, s12;
	[smem:$0x7CF] =	sst s3  }
0x25: {  	s5 =	sadd.s32 s6, s4;
	[dreg:$0x1a] =	wrdreg s0  }
0x26: {  	s12 =	sor.u32 $0xA80, s10;
	s0 =	sadd.s32 s7, s14;
	[smem:$0x7D1] =	sst s5  }
0x27: {  	s13 =	sadd.s32 s6, s12;
	[dreg:$0x1c] =	wrdreg s0  }
0x28: {  	s14 =	sor.u32 $0xB00, s10;
	s0 =	sadd.s32 s7, s16;
	[smem:$0x7D3] =	sst s13  }
0x29: {  	s15 =	sadd.s32 s6, s14;
	[dreg:$0x1e] =	wrdreg s0  }
0x2a: {  	s16 =	sor.u32 $0xB80, s10;
	s0 =	sadd.s32 s7, s18;
	[smem:$0x7D5] =	sst s15  }
0x2b: {  	s17 =	sadd.s32 s6, s16;
	[smem:$0x7C8] =	sst s0  }
0x2c: {  	s18 =	sor.u32 $0xC00, s10;
	s0 =	sadd.s32 s7, s20;
	[smem:$0x7D7] =	sst s17  }
0x2d: {  	s19 =	sadd.s32 s6, s18;
	[smem:$0x7CA] =	sst s0  }
0x2e: {  	s20 =	sor.u32 $0xC80, s10;
	s0 =	sadd.s32 s7, s22;
	[smem:$0x7D9] =	sst s19  }
0x2f: {  	s21 =	sadd.s32 s6, s20;
	[smem:$0x7CC] =	sst s0  }
0x30: {  	s22 =	sor.u32 $0xD00, s10;
	s0 =	sadd.s32 s7, s24;
	[smem:$0x7DB] =	sst s21  }
0x31: {  	s23 =	sadd.s32 s6, s22;
	[smem:$0x7CE] =	sst s0  }
0x32: {  	s24 =	sor.u32 $0xD80, s10;
	s0 =	sadd.s32 s7, s26;
	[smem:$0x7DD] =	sst s23  }
0x33: {  	s25 =	sadd.s32 s6, s24;
	[smem:$0x7D0] =	sst s0  }
0x34: {  	s26 =	sor.u32 $0xE00, s10;
	s0 =	sadd.s32 s7, s4;
	[smem:$0x7DF] =	sst s25  }
0x35: {  	s3 =	sadd.s32 s6, s26;
	[smem:$0x7D2] =	sst s0  }
0x36: {  	s4 =	sor.u32 $0xE80, s10;
	s0 =	sadd.s32 s7, s12;
	[smem:$0x7E1] =	sst s3  }
0x37: {  	s5 =	sadd.s32 s6, s4;
	[smem:$0x7D4] =	sst s0  }
0x38: {  	s12 =	sor.u32 $0xF00, s10;
	s0 =	sadd.s32 s7, s14;
	[smem:$0x7E3] =	sst s5  }
0x39: {  	s13 =	sadd.s32 s6, s12;
	[smem:$0x7D6] =	sst s0  }
0x3a: {  	s14 =	sor.u32 $0xF80, s10;
	s0 =	sadd.s32 s7, s16;
	[smem:$0x7E5] =	sst s13  }
0x3b: {  	s15 =	sadd.s32 s6, s14;
	[smem:$0x7D8] =	sst s0  }
0x3c: {  	s16 =	sor.u32 $0x1000, s10;
	s0 =	sadd.s32 s7, s18;
	[smem:$0x7E7] =	sst s15  }
0x3d: {  	s9 =	smul.u32 $0xC0, s2;
	s17 =	sadd.s32 s6, s16;
	[smem:$0x7DA] =	sst s0  }
0x3e: {  	s18 =	sor.u32 $0x1080, s10;
	s0 =	sadd.s32 s7, s20;
	[smem:$0x7E9] =	sst s17  }
0x3f: {  	s11 =	smax.u32 s11, $0x1;
	s19 =	sadd.s32 s6, s18;
	[smem:$0x7DC] =	sst s0  }
0x40: {  	s20 =	sor.u32 $0x1100, s10;
	s0 =	sadd.s32 s7, s22;
	[smem:$0x7EB] =	sst s19  }
0x41: {  	s21 =	sadd.s32 s6, s20;
	s22 =	sor.u32 $0x1180, s10;
	[smem:$0x7DE] =	sst s0  }
0x42: {  	s0 =	sadd.s32 s7, s24;
	[smem:$0x7ED] =	sst s21;
	s23 =	sadd.s32 s6, s22  }
0x43: {  	s24 =	sor.u32 $0x1200, s10;
	s21 =	sor.u32 $0x1600, s10;
	[smem:$0x7E0] =	sst s0  }
0x44: {  	s0 =	sadd.s32 s7, s26;
	[smem:$0x7EF] =	sst s23;
	s25 =	sadd.s32 s6, s24  }
0x45: {  	s26 =	sor.u32 $0x1280, s10;
	s29 =	sadd.s32 s6, s21;
	s30 =	sadd.s32 s7, s21  }
0x46: {  	s23 =	sor.u32 $0x1700, s10;
	[smem:$0x7E2] =	sst s0;
	s0 =	sadd.s32 s7, s4  }
0x47: {  	[smem:$0x7F1] =	sst s25;
	s3 =	sadd.s32 s6, s26;
	s4 =	sor.u32 $0x1300, s10  }
0x48: {  	s2 =	sadd.s32 s6, s23;
	[smem:$0x7E4] =	sst s0;
	s0 =	sadd.s32 s7, s12  }
0x49: {  	[smem:$0x7F3] =	sst s3;
	s5 =	sadd.s32 s6, s4;
	s12 =	sor.u32 $0x1380, s10  }
0x4a: {  	s3 =	sadd.s32 s7, s23;
	[smem:$0x7E6] =	sst s0;
	s0 =	sadd.s32 s7, s14  }
0x4b: {  	[smem:$0x7F5] =	sst s5;
	s13 =	sadd.s32 s6, s12;
	s14 =	sor.u32 $0x1400, s10  }
0x4c: {  	s5 =	sadd.s32 s7, s10;
	[smem:$0x7E8] =	sst s0;
	s0 =	sadd.s32 s7, s16  }
0x4d: {  	[smem:$0x7F7] =	sst s13;
	s15 =	sadd.s32 s6, s14;
	s16 =	sor.u32 $0x1480, s10  }
0x4e: {  	s13 =	simm.s32 $0x80;
	[smem:$0x7EA] =	sst s0;
	s0 =	sadd.s32 s7, s18  }
0x4f: {  	[smem:$0x7F9] =	sst s15;
	s17 =	sadd.s32 s6, s16;
	s18 =	sor.u32 $0x1500, s10  }
0x50: {  	s15 =	simm.s32 $0x1;
	[smem:$0x7EC] =	sst s0;
	s0 =	sadd.s32 s7, s20  }
0x51: {  	[smem:$0x7FB] =	sst s17;
	s19 =	sadd.s32 s6, s18;
	s25 =	sadd.s32 s7, s18  }
0x52: {  	s20 =	sor.u32 $0x1580, s10;
	s17 =	simm.s32 $0x7320;
	[smem:$0x7EE] =	sst s0  }
0x53: {  	v2 =	vimm.s32 $0x102;
	v3 =	vimm.s32 $0x103;
	s18 =	simm.s32 $0x0;
	s0 =	sadd.s32 s7, s22;
	[smem:$0x7FD] =	sst s19  }
0x54: {  	v4 =	vimm.s32 $0x104;
	v5 =	vimm.s32 $0x105;
	v6 =	vimm.s32 $0x106;
	s28 =	sadd.s32 s7, s20;
	s22 =	sor.u32 $0x1680, s10;
	[smem:$0x7F0] =	sst s0  }
0x55: {  	v7 =	vimm.s32 $0x107;
	v8 =	vimm.s32 $0x108;
	v9 =	vimm.s32 $0x109;
	s0 =	sadd.s32 s7, s24;
	s31 =	sadd.s32 s6, s22;
	s24 =	sadd.s32 s9, s8  }
0x56: {  	v10 =	vimm.s32 $0x10A;
	v11 =	vimm.s32 $0x10B;
	v12 =	vimm.s32 $0x10C;
	s8 =	sadd.s32 $0x2DCB000, s8;
	[smem:$0x7F2] =	sst s0;
	s0 =	sadd.s32 s7, s26  }
0x57: {  	v13 =	vimm.s32 $0x10D;
	v14 =	vimm.s32 $0x10E;
	v15 =	vimm.s32 $0x10F;
	s26 =	sadd.s32 s6, s20;
	s9 =	sadd.s32 $0x1400, s24;
	[smem:$0x7F4] =	sst s0  }
0x58: {  	v16 =	vimm.s32 $0x0;
	v17 =	vimm.s32 $0x1;
	v18 =	vimm.s32 $0x2;
	s0 =	sadd.s32 s7, s4;
	s4 =	sadd.s32 s6, s10;
	s10 =	sor.u32 $0x1780, s10  }
0x59: {  	v19 =	vimm.s32 $0x3;
	v20 =	vimm.s32 $0x4;
	v21 =	vimm.s32 $0x5;
	[smem:$0x7F6] =	sst s0;
	s0 =	sadd.s32 s7, s12;
	s6 =	sadd.s32 s6, s10  }
0x5a: {  	v22 =	vimm.s32 $0x6;
	v23 =	vimm.s32 $0x7;
	v24 =	vimm.s32 $0x8;
	s12 =	simm.s32 $0x2;
	[smem:$0x7F8] =	sst s0;
	s0 =	sadd.s32 s7, s14  }
0x5b: {  	v25 =	vimm.s32 $0x9;
	v26 =	vimm.s32 $0xA;
	v27 =	vimm.s32 $0xB;
	s14 =	simm.s32 $0x6C00;
	[smem:$0x7FA] =	sst s0;
	s0 =	sadd.s32 s7, s16  }
0x5c: {  	v28 =	vimm.s32 $0xC;
	v29 =	vimm.s32 $0xD;
	v32 =	vlaneseq.u32;
	s16 =	simm.s32 $0x6D20;
	[smem:$0x7FC] =	sst s0;
	s0 =	sadd.s32 s7, s22  }
0x5d: {  	v30 =	vimm.s32 $0xE;
	v31 =	vimm.s32 $0xF;
	v32 =	vmul.u32 $0x60, v32;
	s7 =	sadd.s32 s7, s10;
	s10 =	sadd.s32 $0x2C00, s24;
	_ =	strace $0x80000047  }
.LBB2_1:
0x5e: {  	[tilespmem:s1], [sflag:$0x2] =	stream.linear.gather [hbm4b:s9+s1], $0x600, $0x38;
	[tilespmem:$0x7920] =	vst v63  }
0x5f: {  	_ =	swait.ge [sflag:s12], $0x600  }
0x60: {  	[sflag:s12] =	ssyncset.done $0x0  }
0x61: {  	s19 =	simm.s32 $0x600;
	[sflag:s12] =	ssyncadd.s32 $0xFFFFFA00  }
0x62: {  	[tilespmem:s19], [sflag:$0x1] =	stream.indirect.gather [hbm4b:s8+s13], $0x10, s1, s13, $0xb8;
	[tilespmem:$0x7920] =	vst v63  }
0x63: {  	s21 =	simm.s32 $0xE00  }
0x64: {  	[tilespmem:s21], [sflag:$0x1] =	stream.indirect.gather [hbm4b:s8+s13], $0x10, s13, s13, $0xb8;
	[tilespmem:$0x7920] =	vst v63  }
0x65: {  	s22 =	simm.s32 $0x100;
	s20 =	simm.s32 $0x1600  }
0x66: {  	[tilespmem:s20], [sflag:$0x1] =	stream.indirect.gather [hbm4b:s8+s13], $0x10, s22, s13, $0xb8;
	[tilespmem:$0x7920] =	vst v63  }
0x67: {  	s23 =	simm.s32 $0x180;
	s24 =	simm.s32 $0x1E00  }
0x68: {  	[tilespmem:s24], [sflag:$0x1] =	stream.indirect.gather [hbm4b:s8+s13], $0x10, s23, s13, $0xb8;
	[tilespmem:$0x7920] =	vst v63  }
0x69: {  	s21 =	simm.s32 $0x200;
	s22 =	simm.s32 $0x2600  }
0x6a: {  	[tilespmem:s22], [sflag:$0x1] =	stream.indirect.gather [hbm4b:s8+s13], $0x10, s21, s13, $0xb8;
	[tilespmem:$0x7920] =	vst v63  }
0x6b: {  	s23 =	simm.s32 $0x280;
	s24 =	simm.s32 $0x2E00  }
0x6c: {  	[tilespmem:s24], [sflag:$0x1] =	stream.indirect.gather [hbm4b:s8+s13], $0x10, s23, s13, $0xb8;
	[tilespmem:$0x7920] =	vst v63  }
0x6d: {  	s21 =	simm.s32 $0x300;
	s22 =	simm.s32 $0x3600  }
0x6e: {  	[tilespmem:s22], [sflag:$0x1] =	stream.indirect.gather [hbm4b:s8+s13], $0x10, s21, s13, $0xb8;
	[tilespmem:$0x7920] =	vst v63  }
0x6f: {  	s23 =	simm.s32 $0x380;
	s24 =	simm.s32 $0x3E00  }
0x70: {  	[tilespmem:s24], [sflag:$0x1] =	stream.indirect.gather [hbm4b:s8+s13], $0x10, s23, s13, $0xb8;
	[tilespmem:$0x7920] =	vst v63  }
0x71: {  	s21 =	simm.s32 $0x400;
	s22 =	simm.s32 $0x4600  }
0x72: {  	[tilespmem:s22], [sflag:$0x1] =	stream.indirect.gather [hbm4b:s8+s13], $0x10, s21, s13, $0xb8;
	[tilespmem:$0x7920] =	vst v63  }
0x73: {  	s23 =	simm.s32 $0x480;
	s24 =	simm.s32 $0x4E00  }
0x74: {  	[tilespmem:s24], [sflag:$0x1] =	stream.indirect.gather [hbm4b:s8+s13], $0x10, s23, s13, $0xb8;
	[tilespmem:$0x7920] =	vst v63  }
0x75: {  	s20 =	simm.s32 $0x500;
	s21 =	simm.s32 $0x5600  }
0x76: {  	[tilespmem:s21], [sflag:$0x1] =	stream.indirect.gather [hbm4b:s8+s13], $0x10, s20, s13, $0xb8;
	[tilespmem:$0x7920] =	vst v63  }
0x77: {  	s22 =	simm.s32 $0x580;
	s23 =	simm.s32 $0x5E00  }
0x78: {  	[tilespmem:s23], [sflag:$0x1] =	stream.indirect.gather [hbm4b:s8+s13], $0x10, s22, s13, $0xb8;
	[tilespmem:$0x7920] =	vst v63  }
0x79: {  	s19 =	simm.s32 $0x6600  }
0x7a: {  	[tilespmem:s19], [sflag:$0x2] =	stream.linear.gather [hbm4b:s10+s1], $0x600, $0x38;
	[tilespmem:$0x7920] =	vst v63  }
0x7b: {  	_ =	swait.ge [sflag:s12], $0x600  }
0x7c: {  	[sflag:s12] =	ssyncset.done $0x0  }
0x7d: {  	[sflag:s12] =	ssyncadd.s32 $0xFFFFFA00  }
0x7e: {  	v0 =	vimm.s32 $0x100;
	s24 =	rddreg [dreg:$0x1]  }
0x7f: {  	[tilespmem:s14], [sflag:$0x2] =	stream.linear.gather [hbm4b:s24+s1], $0x120, $0x38;
	[tilespmem:$0x7920] =	vst v63  }
0x80: {  	_ =	swait.ge [sflag:s12], $0x120  }
0x81: {  	[sflag:s12] =	ssyncset.done $0x0  }
0x82: {  	[sflag:s12] =	ssyncadd.s32 $0xFFFFFEE0  }
0x83: {  	v34 =	vld.idx.msk [tilespmem:v0+s14+$0x0], $0xffff  }
0x84: {  	v35 =	vld [tilespmem:$0x6C00]  }
0x85: {  	v37 =	vld [tilespmem:$0x6C10]  }
0x86: {  	v38 =	vld.idx.msk [tilespmem:v2+s14+$0x0], $0xffff  }
0x87: {  	v39 =	vld [tilespmem:$0x6C20]  }
0x88: {  	v40 =	vld.idx.msk [tilespmem:v3+s14+$0x0], $0xffff  }
0x89: {  	v41 =	vld [tilespmem:$0x6C30]  }
0x8a: {  	v42 =	vld.idx.msk [tilespmem:v4+s14+$0x0], $0xffff  }
0x8b: {  	v43 =	vld [tilespmem:$0x6C40]  }
0x8c: {  	v44 =	vld.idx.msk [tilespmem:v5+s14+$0x0], $0xffff  }
0x8d: {  	v45 =	vld [tilespmem:$0x6C50]  }
0x8e: {  	v46 =	vld.idx.msk [tilespmem:v6+s14+$0x0], $0xffff  }
0x8f: {  	v47 =	vld [tilespmem:$0x6C60]  }
0x90: {  	v48 =	vld.idx.msk [tilespmem:v7+s14+$0x0], $0xffff  }
0x91: {  	v49 =	vld [tilespmem:$0x6C70]  }
0x92: {  	v50 =	vld.idx.msk [tilespmem:v8+s14+$0x0], $0xffff  }
0x93: {  	v51 =	vld [tilespmem:$0x6C80]  }
0x94: {  	v52 =	vld.idx.msk [tilespmem:v9+s14+$0x0], $0xffff  }
0x95: {  	v53 =	vld [tilespmem:$0x6C90]  }
0x96: {  	v54 =	vld.idx.msk [tilespmem:v10+s14+$0x0], $0xffff  }
0x97: {  	v55 =	vld [tilespmem:$0x6CA0]  }
0x98: {  	v56 =	vld.idx.msk [tilespmem:v11+s14+$0x0], $0xffff  }
0x99: {  	v57 =	vld [tilespmem:$0x6CB0]  }
0x9a: {  	v58 =	vld.idx.msk [tilespmem:v12+s14+$0x0], $0xffff  }
0x9b: {  	v59 =	vld [tilespmem:$0x6CC0]  }
0x9c: {  	v60 =	vld.idx.msk [tilespmem:v13+s14+$0x0], $0xffff  }
0x9d: {  	v0 =	vimm.s32 $0x101;
	v61 =	vld [tilespmem:$0x6CD0]  }
0x9e: {  	v62 =	vld.idx.msk [tilespmem:v14+s14+$0x0], $0xffff  }
0x9f: {  	v63 =	vld [tilespmem:$0x6CE0]  }
0xa0: {  	v1 =	vld [tilespmem:$0x6CF0]  }
0xa1: {  	v33 =	vld [tilespmem:$0x6D10]  }
0xa2: {  	v36 =	vld.idx.msk [tilespmem:v0+s14+$0x0], $0xffff  }
0xa3: {  	v0 =	vld.idx.msk [tilespmem:v15+s14+$0x0], $0xffff;
	_ =	swait.ge [sflag:s15], $0x800  }
0xa4: {  	[sflag:s15] =	ssyncset.done $0x0  }
0xa5: {  	[sflag:s15] =	ssyncadd.s32 $0xFFFFF800  }
0xa6: {  	_ =	swait.ge [sflag:s15], $0x800  }
0xa7: {  	[sflag:s15] =	ssyncset.done $0x0  }
0xa8: {  	[sflag:s15] =	ssyncadd.s32 $0xFFFFF800  }
0xa9: {  	_ =	swait.ge [sflag:s15], $0x800  }
0xaa: {  	[sflag:s15] =	ssyncset.done $0x0  }
0xab: {  	[sflag:s15] =	ssyncadd.s32 $0xFFFFF800  }
0xac: {  	_ =	swait.ge [sflag:s15], $0x800  }
0xad: {  	v34 =	vmul.f32 v35, v34;
	[sflag:s15] =	ssyncset.done $0x0  }
0xae: {  	[sflag:s15] =	ssyncadd.s32 $0xFFFFF800  }
0xaf: {  	v34 =	vadd.f32 $0.0e+00, v34;
	v37 =	vmul.f32 v37, v36;
	_ =	swait.ge [sflag:s15], $0x800  }
0xb0: {  	[sflag:s15] =	ssyncset.done $0x0  }
0xb1: {  	v39 =	vmul.f32 v39, v38;
	v34 =	vadd.f32 v37, v34;
	[sflag:s15] =	ssyncadd.s32 $0xFFFFF800  }
0xb2: {  	_ =	swait.ge [sflag:s15], $0x800  }
0xb3: {  	v41 =	vmul.f32 v41, v40;
	v34 =	vadd.f32 v39, v34;
	[sflag:s15] =	ssyncset.done $0x0  }
0xb4: {  	[sflag:s15] =	ssyncadd.s32 $0xFFFFF800  }
0xb5: {  	v43 =	vmul.f32 v43, v42;
	v34 =	vadd.f32 v41, v34;
	_ =	swait.ge [sflag:s15], $0x800  }
0xb6: {  	[sflag:s15] =	ssyncset.done $0x0  }
0xb7: {  	v45 =	vmul.f32 v45, v44;
	v34 =	vadd.f32 v43, v34;
	[sflag:s15] =	ssyncadd.s32 $0xFFFFF800  }
0xb8: {  	_ =	swait.ge [sflag:s15], $0x800  }
0xb9: {  	v47 =	vmul.f32 v47, v46;
	v34 =	vadd.f32 v45, v34;
	[sflag:s15] =	ssyncset.done $0x0  }
0xba: {  	[sflag:s15] =	ssyncadd.s32 $0xFFFFF800  }
0xbb: {  	v49 =	vmul.f32 v49, v48;
	v34 =	vadd.f32 v47, v34;
	_ =	swait.ge [sflag:s15], $0x800  }
0xbc: {  	[sflag:s15] =	ssyncset.done $0x0  }
0xbd: {  	v51 =	vmul.f32 v51, v50;
	v34 =	vadd.f32 v49, v34;
	[sflag:s15] =	ssyncadd.s32 $0xFFFFF800  }
0xbe: {  	_ =	swait.ge [sflag:s15], $0x800  }
0xbf: {  	v53 =	vmul.f32 v53, v52;
	v34 =	vadd.f32 v51, v34;
	[sflag:s15] =	ssyncset.done $0x0  }
0xc0: {  	[sflag:s15] =	ssyncadd.s32 $0xFFFFF800  }
0xc1: {  	v55 =	vmul.f32 v55, v54;
	v34 =	vadd.f32 v53, v34;
	_ =	swait.ge [sflag:s15], $0x800  }
0xc2: {  	[sflag:s15] =	ssyncset.done $0x0  }
0xc3: {  	v57 =	vmul.f32 v57, v56;
	v34 =	vadd.f32 v55, v34;
	[sflag:s15] =	ssyncadd.s32 $0xFFFFF800  }
0xc4: {  	_ =	swait.ge [sflag:s15], $0x800  }
0xc5: {  	v59 =	vmul.f32 v59, v58;
	v34 =	vadd.f32 v57, v34;
	[sflag:s15] =	ssyncset.done $0x0  }
0xc6: {  	s22 =	simm.s32 $0x680;
	[sflag:s15] =	ssyncadd.s32 $0xFFFFF800  }
0xc7: {  	v60 =	vmul.f32 v61, v60;
	v34 =	vadd.f32 v59, v34;
	v35 =	vld [tilespmem:s22+$0xFFFFFFA0]  }
0xc8: {  	v61 =	vld [tilespmem:s22+$0xFFFFFFC0]  }
0xc9: {  	v63 =	vmul.f32 v63, v62;
	v34 =	vadd.f32 v60, v34;
	v41 =	vld [tilespmem:s19+$0x0]  }
0xca: {  	v37 =	vld [tilespmem:s22+$0xFFFFFFF0]  }
0xcb: {  	v0 =	vmul.f32 v1, v0;
	v34 =	vadd.f32 v63, v34;
	v40 =	vld [tilespmem:s22+$0xFFFFFFD0]  }
0xcc: {  	v36 =	vld [tilespmem:s22+$0xFFFFFF90]  }
0xcd: {  	s20 =	simm.s32 $0x680;
	s21 =	simm.s32 $0x0;
	s23 =	simm.s32 $0x1;
	v34 =	vadd.f32 v0, v34;
	v39 =	vld [tilespmem:s22+$0xFFFFFF80];
	v38 =	vmul.f32 v61, v61  }
.LBB2_2:
0xce: {  	p0 =	sne.s32 s23, $0x5F;
	v0 =	vmul.f32 v41, v41;
	v1 =	vmul.f32 v35, v35;
	s19 =	sadd.s32 $0x10, s19;
	s22 =	sadd.s32 $0x100, s22  }
0xcf: {  	s24 =	smov.u32 s23;
	s23 =	sadd.s32 $0x1, s23;
	v41 =	vmul.f32 v37, v37  }
0xd0: {  	v37 =	vmul.f32 v0, v34;
	v40 =	vmul.f32 v40, v40  }
0xd1: {  	v35 =	vmul.f32 v0, v33;
	v0 =	vld [tilespmem:s20+$0xFFFFFFB0]  }
0xd2: {  	v42 =	vperm.xlane v37, v18;
	v43 =	vperm.xlane v37, v19;
	v44 =	vld [tilespmem:s20+$0xFFFFFFE0]  }
0xd3: {  	v36 =	vmul.f32 v36, v36;
	v39 =	vmul.f32 v39, v39  }
0xd4: {  	v45 =	vperm.xlane v37, v16;
	v46 =	vperm.xlane v35, v16  }
0xd5: {  	v47 =	vperm.xlane v35, v17;
	v48 =	vperm.xlane v35, v18  }
0xd6: {  	v49 =	vperm.xlane v37, v17;
	v42 =	vmul.f32 v1, v42;
	v50 =	vld [tilespmem:s20+$0x0]  }
0xd7: {  	v47 =	vmul.f32 v47, v36;
	v44 =	vmul.f32 v44, v44  }
0xd8: {  	v49 =	vmul.f32 v36, v49;
	v1 =	vmul.f32 v48, v1;
	v48 =	vld [tilespmem:s20+$0x10]  }
0xd9: {  	v45 =	vmul.f32 v39, v45;
	v0 =	vmul.f32 v0, v0  }
0xda: {  	v39 =	vmul.f32 v46, v39;
	v46 =	vperm.xlane v35, v19;
	v36 =	vadd.s32 s21, v32;
	s21 =	smov.u32 s24;
	v51 =	vld [tilespmem:s20+$0x20]  }
0xdb: {  	v45 =	vadd.f32 $0.0e+00, v45;
	v43 =	vmul.f32 v0, v43;
	v50 =	vmul.f32 v50, v50  }
0xdc: {  	v39 =	vadd.f32 $0.0e+00, v39;
	v0 =	vmul.f32 v46, v0;
	v46 =	vperm.xlane v37, v20  }
0xdd: {  	v45 =	vadd.f32 v49, v45;
	v49 =	vperm.xlane v35, v20;
	v48 =	vmul.f32 v48, v48  }
0xde: {  	v39 =	vadd.f32 v47, v39;
	v47 =	vperm.xlane v37, v21;
	v46 =	vmul.f32 v38, v46  }
0xdf: {  	v42 =	vadd.f32 v42, v45;
	v38 =	vmul.f32 v49, v38;
	v45 =	vperm.xlane v35, v21  }
0xe0: {  	v1 =	vadd.f32 v1, v39;
	v39 =	vmul.f32 v40, v47;
	v47 =	vmul.f32 v51, v51  }
0xe1: {  	v42 =	vadd.f32 v43, v42;
	v40 =	vmul.f32 v45, v40;
	v43 =	vperm.xlane v37, v23  }
0xe2: {  	v0 =	vadd.f32 v0, v1;
	v1 =	vperm.xlane v35, v23;
	v45 =	vperm.xlane v37, v27  }
0xe3: {  	v42 =	vadd.f32 v46, v42;
	v46 =	vperm.xlane v37, v22;
	v43 =	vmul.f32 v41, v43  }
0xe4: {  	v0 =	vadd.f32 v38, v0;
	v38 =	vperm.xlane v35, v22;
	v1 =	vmul.f32 v1, v41  }
0xe5: {  	v39 =	vadd.f32 v39, v42;
	v41 =	vmul.f32 v44, v46;
	v42 =	vperm.xlane v35, v27  }
0xe6: {  	v0 =	vadd.f32 v40, v0;
	v38 =	vmul.f32 v38, v44;
	v40 =	vperm.xlane v37, v28  }
0xe7: {  	v44 =	vperm.xlane v35, v28;
	v39 =	vadd.f32 v41, v39;
	v41 =	vperm.xlane v37, v24  }
0xe8: {  	v49 =	vperm.xlane v37, v29;
	v0 =	vadd.f32 v38, v0;
	v38 =	vperm.xlane v35, v24;
	v46 =	vld [tilespmem:s20+$0x30]  }
0xe9: {  	v39 =	vadd.f32 v43, v39;
	v41 =	vmul.f32 v50, v41;
	v43 =	vperm.xlane v37, v25  }
0xea: {  	v0 =	vadd.f32 v1, v0;
	v1 =	vmul.f32 v38, v50;
	v38 =	vperm.xlane v35, v25;
	v50 =	vld [tilespmem:s20+$0x40]  }
0xeb: {  	v39 =	vadd.f32 v41, v39;
	v41 =	vmul.f32 v48, v43;
	v43 =	vperm.xlane v37, v26  }
0xec: {  	v0 =	vadd.f32 v1, v0;
	v1 =	vmul.f32 v38, v48;
	v38 =	vperm.xlane v35, v26;
	v48 =	vld [tilespmem:s20+$0x50]  }
0xed: {  	v39 =	vadd.f32 v41, v39;
	v41 =	vmul.f32 v47, v43;
	v43 =	vmul.f32 v46, v46  }
0xee: {  	v0 =	vadd.f32 v1, v0;
	v1 =	vmul.f32 v38, v47;
	v46 =	vperm.xlane v37, v30;
	v38 =	vld [tilespmem:s20+$0x60]  }
0xef: {  	v39 =	vadd.f32 v41, v39;
	v41 =	vmul.f32 v43, v45;
	v45 =	vmul.f32 v50, v50  }
0xf0: {  	v0 =	vadd.f32 v1, v0;
	v37 =	vperm.xlane v37, v31;
	v1 =	vmul.f32 v42, v43;
	v42 =	vld [tilespmem:s20+$0x70];
	s20 =	smov.u32 s22  }
0xf1: {  	v39 =	vadd.f32 v41, v39;
	v40 =	vmul.f32 v45, v40;
	v41 =	vmul.f32 v48, v48  }
0xf2: {  	v43 =	vperm.xlane v35, v29;
	v0 =	vadd.f32 v1, v0;
	v1 =	vmul.f32 v44, v45  }
0xf3: {  	v39 =	vadd.f32 v40, v39;
	v40 =	vmul.f32 v41, v49;
	v38 =	vmul.f32 v38, v38  }
0xf4: {  	v0 =	vadd.f32 v1, v0;
	v1 =	vmul.f32 v43, v41;
	v41 =	vperm.xlane v35, v30  }
0xf5: {  	v39 =	vadd.f32 v40, v39;
	v40 =	vmul.f32 v38, v46;
	v42 =	vmul.f32 v42, v42  }
0xf6: {  	v35 =	vperm.xlane v35, v31;
	v0 =	vadd.f32 v1, v0;
	v1 =	vmul.f32 v41, v38  }
0xf7: {  	v38 =	vadd.f32 v40, v39;
	v37 =	vmul.f32 v42, v37  }
0xf8: {  	v0 =	vadd.f32 v1, v0;
	v1 =	vmul.f32 v35, v42  }
0xf9: {  	v35 =	vadd.f32 v37, v38  }
0xfa: {  	v0 =	vadd.f32 v1, v0  }
0xfb: {  	[tilespmem:v36+s16+$0x0] =	vst.idx.msk $0xffff, v35  }
0xfc: {  	[tilespmem:v36+s17+$0x0] =	vst.idx.msk $0xffff, v0  }
0xfd: {  	v35 =	vld [tilespmem:s22+$0xFFFFFFA0]  }
0xfe: {  	v0 =	vld [tilespmem:s22+$0xFFFFFFC0]  }
.Ltmp0:
0xff: {  	v41 =	vld [tilespmem:s19+$0x0];
	(pc) =	sbr.rel @p0 .LBB2_2-.Ltmp0, $4  }
0x100: {  	v37 =	vld [tilespmem:s22+$0xFFFFFFF0]  }
0x101: {  	v40 =	vld [tilespmem:s22+$0xFFFFFFD0]  }
0x102: {  	v36 =	vld [tilespmem:s22+$0xFFFFFF90]  }
0x103: {  	v39 =	vld [tilespmem:s22+$0xFFFFFF80];
	v38 =	vmul.f32 v0, v0  }
0x104: {  	v0 =	vmul.f32 v41, v41  }
0x105: {  	v1 =	vmul.f32 v35, v35;
	v35 =	vmul.f32 v37, v37  }
0x106: {  	v34 =	vmul.f32 v0, v34;
	v57 =	vmul.f32 v40, v40  }
0x107: {  	v0 =	vmul.f32 v0, v33;
	v36 =	vmul.f32 v36, v36  }
0x108: {  	v58 =	vperm.xlane v34, v18;
	v59 =	vperm.xlane v34, v19  }
0x109: {  	v39 =	vmul.f32 v39, v39;
	v43 =	vperm.xlane v34, v16  }
0x10a: {  	v44 =	vperm.xlane v0, v16;
	v45 =	vperm.xlane v0, v17  }
0x10b: {  	v60 =	vld [tilespmem:s20+$0xFFFFFFE0];
	v46 =	vperm.xlane v0, v18;
	v47 =	vperm.xlane v34, v17  }
0x10c: {  	v42 =	vld [tilespmem:s20+$0xFFFFFFB0];
	v62 =	vperm.xlane v0, v19;
	v63 =	vperm.xlane v34, v20  }
0x10d: {  	v48 =	vld [tilespmem:s20+$0x0];
	v50 =	vperm.xlane v0, v20;
	v51 =	vperm.xlane v34, v21  }
0x10e: {  	v53 =	vperm.xlane v0, v21;
	v55 =	vperm.xlane v34, v23  }
0x10f: {  	v56 =	vperm.xlane v0, v23;
	v43 =	vmul.f32 v39, v43  }
0x110: {  	v61 =	vld [tilespmem:s20+$0x10];
	v41 =	vmul.f32 v60, v60;
	v39 =	vmul.f32 v44, v39  }
0x111: {  	v45 =	vmul.f32 v45, v36;
	v36 =	vmul.f32 v36, v47;
	v43 =	vadd.f32 $0.0e+00, v43  }
0x112: {  	v42 =	vmul.f32 v42, v42;
	v48 =	vmul.f32 v48, v48;
	v39 =	vadd.f32 $0.0e+00, v39  }
0x113: {  	v60 =	vperm.xlane v34, v24;
	v33 =	vmul.f32 v1, v58;
	v36 =	vadd.f32 v36, v43  }
0x114: {  	v1 =	vmul.f32 v46, v1;
	v47 =	vadd.s32 s21, v32;
	v39 =	vadd.f32 v45, v39  }
0x115: {  	v46 =	vmul.f32 v61, v61;
	v40 =	vmul.f32 v42, v59;
	v33 =	vadd.f32 v33, v36  }
0x116: {  	v44 =	vmul.f32 v38, v63;
	v42 =	vmul.f32 v62, v42;
	v1 =	vadd.f32 v1, v39  }
0x117: {  	v52 =	vmul.f32 v50, v38;
	v54 =	vmul.f32 v57, v51;
	v33 =	vadd.f32 v40, v33  }
0x118: {  	v37 =	vmul.f32 v53, v57;
	v57 =	vperm.xlane v34, v22;
	v1 =	vadd.f32 v42, v1  }
0x119: {  	v49 =	vld [tilespmem:s20+$0x20];
	v38 =	vmul.f32 v35, v55;
	v58 =	vperm.xlane v0, v22;
	v33 =	vadd.f32 v44, v33  }
0x11a: {  	v35 =	vmul.f32 v56, v35;
	v61 =	vperm.xlane v0, v24;
	v1 =	vadd.f32 v52, v1  }
0x11b: {  	v50 =	vperm.xlane v34, v30;
	v62 =	vld [tilespmem:s20+$0x30];
	v59 =	vmul.f32 v41, v57;
	v33 =	vadd.f32 v54, v33  }
0x11c: {  	v63 =	vmul.f32 v48, v60;
	v36 =	vmul.f32 v58, v41;
	v1 =	vadd.f32 v37, v1  }
0x11d: {  	v53 =	vmul.f32 v61, v48;
	v57 =	vperm.xlane v34, v26;
	v33 =	vadd.f32 v59, v33  }
0x11e: {  	v43 =	vmul.f32 v49, v49;
	v45 =	vperm.xlane v34, v29;
	v1 =	vadd.f32 v36, v1  }
0x11f: {  	v41 =	vperm.xlane v0, v28;
	v52 =	vperm.xlane v34, v25;
	v33 =	vadd.f32 v38, v33  }
0x120: {  	v55 =	vld [tilespmem:s20+$0x40];
	v62 =	vmul.f32 v62, v62;
	v54 =	vperm.xlane v0, v25;
	v1 =	vadd.f32 v35, v1  }
0x121: {  	v42 =	vperm.xlane v34, v27;
	v56 =	vmul.f32 v46, v52;
	v33 =	vadd.f32 v63, v33  }
0x122: {  	v60 =	vld [tilespmem:s20+$0x50];
	v58 =	vmul.f32 v54, v46;
	v59 =	vperm.xlane v0, v26;
	v1 =	vadd.f32 v53, v1  }
0x123: {  	v61 =	vmul.f32 v43, v57;
	v40 =	vperm.xlane v0, v27;
	v33 =	vadd.f32 v56, v33  }
0x124: {  	v49 =	vld [tilespmem:s20+$0x60];
	v51 =	vmul.f32 v62, v42;
	v63 =	vmul.f32 v59, v43;
	v1 =	vadd.f32 v58, v1  }
0x125: {  	v37 =	vperm.xlane v34, v28;
	v52 =	vmul.f32 v55, v55;
	v33 =	vadd.f32 v61, v33  }
0x126: {  	v57 =	vperm.xlane v0, v29;
	v54 =	vmul.f32 v40, v62;
	v53 =	vld [tilespmem:s20+$0x70];
	v1 =	vadd.f32 v63, v1  }
0x127: {  	v55 =	vmul.f32 v60, v60;
	v37 =	vmul.f32 v52, v37;
	v33 =	vadd.f32 v51, v33  }
0x128: {  	v34 =	vperm.xlane v34, v31;
	v56 =	vmul.f32 v41, v52;
	v1 =	vadd.f32 v54, v1  }
0x129: {  	v36 =	vmul.f32 v49, v49;
	v58 =	vmul.f32 v55, v45;
	v33 =	vadd.f32 v37, v33  }
0x12a: {  	v60 =	vperm.xlane v0, v30;
	v59 =	vmul.f32 v57, v55;
	v1 =	vadd.f32 v56, v1  }
0x12b: {  	v61 =	vmul.f32 v36, v50;
	v62 =	vmul.f32 v53, v53;
	v33 =	vadd.f32 v58, v33  }
0x12c: {  	v0 =	vperm.xlane v0, v31;
	v63 =	vmul.f32 v60, v36;
	v1 =	vadd.f32 v59, v1  }
0x12d: {  	v34 =	vmul.f32 v62, v34;
	v33 =	vadd.f32 v61, v33  }
0x12e: {  	v0 =	vmul.f32 v0, v62;
	v1 =	vadd.f32 v63, v1  }
0x12f: {  	v33 =	vadd.f32 v34, v33  }
0x130: {  	v0 =	vadd.f32 v0, v1  }
0x131: {  	[tilespmem:v47+s16+$0x0] =	vst.idx.msk $0xffff, v33  }
0x132: {  	[tilespmem:v47+s17+$0x0] =	vst.idx.msk $0xffff, v0  }
0x133: {  	[hbm4b:s4+s1] =	stream.linear.scatter [tilespmem:s16], [sflag:$0x2], $0x20, $0x38;
	[tilespmem:$0x7920] =	vst v63  }
0x134: {  	_ =	swait.ge [sflag:s12], $0x20  }
0x135: {  	[sflag:s12] =	ssyncset.done $0x0  }
0x136: {  	[sflag:s12] =	ssyncadd.s32 $0xFFFFFFE0  }
0x137: {  	[hbm4b:s5+s1] =	stream.linear.scatter [tilespmem:s17], [sflag:$0x2], $0x20, $0x38;
	[tilespmem:$0x7920] =	vst v63  }
0x138: {  	_ =	swait.ge [sflag:s12], $0x20  }
0x139: {  	[sflag:s12] =	ssyncset.done $0x0  }
0x13a: {  	s24 =	simm.s32 $0x6D40;
	s19 =	rddreg [dreg:$0x3];
	[sflag:s12] =	ssyncadd.s32 $0xFFFFFFE0  }
0x13b: {  	[hbm4b:s19+s1] =	stream.linear.scatter [tilespmem:s24], [sflag:$0x2], $0x20, $0x38;
	[tilespmem:$0x7920] =	vst v63  }
0x13c: {  	_ =	swait.ge [sflag:s12], $0x20  }
0x13d: {  	[sflag:s12] =	ssyncset.done $0x0  }
0x13e: {  	s22 =	simm.s32 $0x7340;
	s21 =	rddreg [dreg:$0x4];
	[sflag:s12] =	ssyncadd.s32 $0xFFFFFFE0  }
0x13f: {  	[hbm4b:s21+s1] =	stream.linear.scatter [tilespmem:s22], [sflag:$0x2], $0x20, $0x38;
	[tilespmem:$0x7920] =	vst v63  }
0x140: {  	_ =	swait.ge [sflag:s12], $0x20  }
0x141: {  	[sflag:s12] =	ssyncset.done $0x0  }
0x142: {  	s24 =	simm.s32 $0x6D60;
	s23 =	rddreg [dreg:$0x5];
	[sflag:s12] =	ssyncadd.s32 $0xFFFFFFE0  }
0x143: {  	[hbm4b:s23+s1] =	stream.linear.scatter [tilespmem:s24], [sflag:$0x2], $0x20, $0x38;
	[tilespmem:$0x7920] =	vst v63  }
0x144: {  	_ =	swait.ge [sflag:s12], $0x20  }
0x145: {  	[sflag:s12] =	ssyncset.done $0x0  }
0x146: {  	s22 =	simm.s32 $0x7360;
	s21 =	rddreg [dreg:$0x6];
	[sflag:s12] =	ssyncadd.s32 $0xFFFFFFE0  }
0x147: {  	[hbm4b:s21+s1] =	stream.linear.scatter [tilespmem:s22], [sflag:$0x2], $0x20, $0x38;
	[tilespmem:$0x7920] =	vst v63  }
0x148: {  	_ =	swait.ge [sflag:s12], $0x20  }
0x149: {  	[sflag:s12] =	ssyncset.done $0x0  }
0x14a: {  	s24 =	simm.s32 $0x6D80;
	s23 =	rddreg [dreg:$0x7];
	[sflag:s12] =	ssyncadd.s32 $0xFFFFFFE0  }
0x14b: {  	[hbm4b:s23+s1] =	stream.linear.scatter [tilespmem:s24], [sflag:$0x2], $0x20, $0x38;
	[tilespmem:$0x7920] =	vst v63  }
0x14c: {  	_ =	swait.ge [sflag:s12], $0x20  }
0x14d: {  	[sflag:s12] =	ssyncset.done $0x0  }
0x14e: {  	s22 =	simm.s32 $0x7380;
	s21 =	rddreg [dreg:$0x8];
	[sflag:s12] =	ssyncadd.s32 $0xFFFFFFE0  }
0x14f: {  	[hbm4b:s21+s1] =	stream.linear.scatter [tilespmem:s22], [sflag:$0x2], $0x20, $0x38;
	[tilespmem:$0x7920] =	vst v63  }
0x150: {  	_ =	swait.ge [sflag:s12], $0x20  }
0x151: {  	[sflag:s12] =	ssyncset.done $0x0  }
0x152: {  	s24 =	simm.s32 $0x6DA0;
	s23 =	rddreg [dreg:$0x9];
	[sflag:s12] =	ssyncadd.s32 $0xFFFFFFE0  }
0x153: {  	[hbm4b:s23+s1] =	stream.linear.scatter [tilespmem:s24], [sflag:$0x2], $0x20, $0x38;
	[tilespmem:$0x7920] =	vst v63  }
0x154: {  	_ =	swait.ge [sflag:s12], $0x20  }
0x155: {  	[sflag:s12] =	ssyncset.done $0x0  }
0x156: {  	s22 =	simm.s32 $0x73A0;
	s21 =	rddreg [dreg:$0xa];
	[sflag:s12] =	ssyncadd.s32 $0xFFFFFFE0  }
0x157: {  	[hbm4b:s21+s1] =	stream.linear.scatter [tilespmem:s22], [sflag:$0x2], $0x20, $0x38;
	[tilespmem:$0x7920] =	vst v63  }
0x158: {  	_ =	swait.ge [sflag:s12], $0x20  }
0x159: {  	[sflag:s12] =	ssyncset.done $0x0  }
0x15a: {  	s24 =	simm.s32 $0x6DC0;
	s23 =	rddreg [dreg:$0xb];
	[sflag:s12] =	ssyncadd.s32 $0xFFFFFFE0  }
0x15b: {  	[hbm4b:s23+s1] =	stream.linear.scatter [tilespmem:s24], [sflag:$0x2], $0x20, $0x38;
	[tilespmem:$0x7920] =	vst v63  }
0x15c: {  	_ =	swait.ge [sflag:s12], $0x20  }
0x15d: {  	[sflag:s12] =	ssyncset.done $0x0  }
0x15e: {  	s22 =	simm.s32 $0x73C0;
	s21 =	rddreg [dreg:$0xc];
	[sflag:s12] =	ssyncadd.s32 $0xFFFFFFE0  }
0x15f: {  	[hbm4b:s21+s1] =	stream.linear.scatter [tilespmem:s22], [sflag:$0x2], $0x20, $0x38;
	[tilespmem:$0x7920] =	vst v63  }
0x160: {  	_ =	swait.ge [sflag:s12], $0x20  }
0x161: {  	[sflag:s12] =	ssyncset.done $0x0  }
0x162: {  	s24 =	simm.s32 $0x6DE0;
	s23 =	rddreg [dreg:$0xd];
	[sflag:s12] =	ssyncadd.s32 $0xFFFFFFE0  }
0x163: {  	[hbm4b:s23+s1] =	stream.linear.scatter [tilespmem:s24], [sflag:$0x2], $0x20, $0x38;
	[tilespmem:$0x7920] =	vst v63  }
0x164: {  	_ =	swait.ge [sflag:s12], $0x20  }
0x165: {  	[sflag:s12] =	ssyncset.done $0x0  }
0x166: {  	s22 =	simm.s32 $0x73E0;
	s21 =	rddreg [dreg:$0xe];
	[sflag:s12] =	ssyncadd.s32 $0xFFFFFFE0  }
0x167: {  	[hbm4b:s21+s1] =	stream.linear.scatter [tilespmem:s22], [sflag:$0x2], $0x20, $0x38;
	[tilespmem:$0x7920] =	vst v63  }
0x168: {  	_ =	swait.ge [sflag:s12], $0x20  }
0x169: {  	[sflag:s12] =	ssyncset.done $0x0  }
0x16a: {  	s24 =	simm.s32 $0x6E00;
	s23 =	rddreg [dreg:$0xf];
	[sflag:s12] =	ssyncadd.s32 $0xFFFFFFE0  }
0x16b: {  	[hbm4b:s23+s1] =	stream.linear.scatter [tilespmem:s24], [sflag:$0x2], $0x20, $0x38;
	[tilespmem:$0x7920] =	vst v63  }
0x16c: {  	_ =	swait.ge [sflag:s12], $0x20  }
0x16d: {  	[sflag:s12] =	ssyncset.done $0x0  }
0x16e: {  	s22 =	simm.s32 $0x7400;
	s21 =	rddreg [dreg:$0x10];
	[sflag:s12] =	ssyncadd.s32 $0xFFFFFFE0  }
0x16f: {  	[hbm4b:s21+s1] =	stream.linear.scatter [tilespmem:s22], [sflag:$0x2], $0x20, $0x38;
	[tilespmem:$0x7920] =	vst v63  }
0x170: {  	_ =	swait.ge [sflag:s12], $0x20  }
0x171: {  	[sflag:s12] =	ssyncset.done $0x0  }
0x172: {  	s24 =	simm.s32 $0x6E20;
	s23 =	rddreg [dreg:$0x11];
	[sflag:s12] =	ssyncadd.s32 $0xFFFFFFE0  }
0x173: {  	[hbm4b:s23+s1] =	stream.linear.scatter [tilespmem:s24], [sflag:$0x2], $0x20, $0x38;
	[tilespmem:$0x7920] =	vst v63  }
0x174: {  	_ =	swait.ge [sflag:s12], $0x20  }
0x175: {  	[sflag:s12] =	ssyncset.done $0x0  }
0x176: {  	s22 =	simm.s32 $0x7420;
	s21 =	rddreg [dreg:$0x12];
	[sflag:s12] =	ssyncadd.s32 $0xFFFFFFE0  }
0x177: {  	[hbm4b:s21+s1] =	stream.linear.scatter [tilespmem:s22], [sflag:$0x2], $0x20, $0x38;
	[tilespmem:$0x7920] =	vst v63  }
0x178: {  	_ =	swait.ge [sflag:s12], $0x20  }
0x179: {  	[sflag:s12] =	ssyncset.done $0x0  }
0x17a: {  	s24 =	simm.s32 $0x6E40;
	s23 =	rddreg [dreg:$0x13];
	[sflag:s12] =	ssyncadd.s32 $0xFFFFFFE0  }
0x17b: {  	[hbm4b:s23+s1] =	stream.linear.scatter [tilespmem:s24], [sflag:$0x2], $0x20, $0x38;
	[tilespmem:$0x7920] =	vst v63  }
0x17c: {  	_ =	swait.ge [sflag:s12], $0x20  }
0x17d: {  	[sflag:s12] =	ssyncset.done $0x0  }
0x17e: {  	s22 =	simm.s32 $0x7440;
	s21 =	rddreg [dreg:$0x14];
	[sflag:s12] =	ssyncadd.s32 $0xFFFFFFE0  }
0x17f: {  	[hbm4b:s21+s1] =	stream.linear.scatter [tilespmem:s22], [sflag:$0x2], $0x20, $0x38;
	[tilespmem:$0x7920] =	vst v63  }
0x180: {  	_ =	swait.ge [sflag:s12], $0x20  }
0x181: {  	[sflag:s12] =	ssyncset.done $0x0  }
0x182: {  	s24 =	simm.s32 $0x6E60;
	s23 =	rddreg [dreg:$0x15];
	[sflag:s12] =	ssyncadd.s32 $0xFFFFFFE0  }
0x183: {  	[hbm4b:s23+s1] =	stream.linear.scatter [tilespmem:s24], [sflag:$0x2], $0x20, $0x38;
	[tilespmem:$0x7920] =	vst v63  }
0x184: {  	_ =	swait.ge [sflag:s12], $0x20  }
0x185: {  	[sflag:s12] =	ssyncset.done $0x0  }
0x186: {  	s22 =	simm.s32 $0x7460;
	s21 =	rddreg [dreg:$0x16];
	[sflag:s12] =	ssyncadd.s32 $0xFFFFFFE0  }
0x187: {  	[hbm4b:s21+s1] =	stream.linear.scatter [tilespmem:s22], [sflag:$0x2], $0x20, $0x38;
	[tilespmem:$0x7920] =	vst v63  }
0x188: {  	_ =	swait.ge [sflag:s12], $0x20  }
0x189: {  	[sflag:s12] =	ssyncset.done $0x0  }
0x18a: {  	s24 =	simm.s32 $0x6E80;
	s23 =	rddreg [dreg:$0x17];
	[sflag:s12] =	ssyncadd.s32 $0xFFFFFFE0  }
0x18b: {  	[hbm4b:s23+s1] =	stream.linear.scatter [tilespmem:s24], [sflag:$0x2], $0x20, $0x38;
	[tilespmem:$0x7920] =	vst v63  }
0x18c: {  	_ =	swait.ge [sflag:s12], $0x20  }
0x18d: {  	[sflag:s12] =	ssyncset.done $0x0  }
0x18e: {  	s22 =	simm.s32 $0x7480;
	s21 =	rddreg [dreg:$0x18];
	[sflag:s12] =	ssyncadd.s32 $0xFFFFFFE0  }
0x18f: {  	[hbm4b:s21+s1] =	stream.linear.scatter [tilespmem:s22], [sflag:$0x2], $0x20, $0x38;
	[tilespmem:$0x7920] =	vst v63  }
0x190: {  	_ =	swait.ge [sflag:s12], $0x20  }
0x191: {  	[sflag:s12] =	ssyncset.done $0x0  }
0x192: {  	s24 =	simm.s32 $0x6EA0;
	s23 =	rddreg [dreg:$0x19];
	[sflag:s12] =	ssyncadd.s32 $0xFFFFFFE0  }
0x193: {  	[hbm4b:s23+s1] =	stream.linear.scatter [tilespmem:s24], [sflag:$0x2], $0x20, $0x38;
	[tilespmem:$0x7920] =	vst v63  }
0x194: {  	_ =	swait.ge [sflag:s12], $0x20  }
0x195: {  	[sflag:s12] =	ssyncset.done $0x0  }
0x196: {  	s22 =	simm.s32 $0x74A0;
	s21 =	rddreg [dreg:$0x1a];
	[sflag:s12] =	ssyncadd.s32 $0xFFFFFFE0  }
0x197: {  	[hbm4b:s21+s1] =	stream.linear.scatter [tilespmem:s22], [sflag:$0x2], $0x20, $0x38;
	[tilespmem:$0x7920] =	vst v63  }
0x198: {  	_ =	swait.ge [sflag:s12], $0x20  }
0x199: {  	[sflag:s12] =	ssyncset.done $0x0  }
0x19a: {  	s24 =	simm.s32 $0x6EC0;
	s23 =	rddreg [dreg:$0x1b];
	[sflag:s12] =	ssyncadd.s32 $0xFFFFFFE0  }
0x19b: {  	[hbm4b:s23+s1] =	stream.linear.scatter [tilespmem:s24], [sflag:$0x2], $0x20, $0x38;
	[tilespmem:$0x7920] =	vst v63  }
0x19c: {  	_ =	swait.ge [sflag:s12], $0x20  }
0x19d: {  	[sflag:s12] =	ssyncset.done $0x0  }
0x19e: {  	s22 =	simm.s32 $0x74C0;
	s21 =	rddreg [dreg:$0x1c];
	[sflag:s12] =	ssyncadd.s32 $0xFFFFFFE0  }
0x19f: {  	[hbm4b:s21+s1] =	stream.linear.scatter [tilespmem:s22], [sflag:$0x2], $0x20, $0x38;
	[tilespmem:$0x7920] =	vst v63  }
0x1a0: {  	_ =	swait.ge [sflag:s12], $0x20  }
0x1a1: {  	[sflag:s12] =	ssyncset.done $0x0  }
0x1a2: {  	s24 =	simm.s32 $0x6EE0;
	s23 =	rddreg [dreg:$0x1d];
	[sflag:s12] =	ssyncadd.s32 $0xFFFFFFE0  }
0x1a3: {  	[hbm4b:s23+s1] =	stream.linear.scatter [tilespmem:s24], [sflag:$0x2], $0x20, $0x38;
	[tilespmem:$0x7920] =	vst v63  }
0x1a4: {  	_ =	swait.ge [sflag:s12], $0x20  }
0x1a5: {  	[sflag:s12] =	ssyncset.done $0x0  }
0x1a6: {  	s22 =	simm.s32 $0x74E0;
	s21 =	rddreg [dreg:$0x1e];
	[sflag:s12] =	ssyncadd.s32 $0xFFFFFFE0  }
0x1a7: {  	[hbm4b:s21+s1] =	stream.linear.scatter [tilespmem:s22], [sflag:$0x2], $0x20, $0x38;
	[tilespmem:$0x7920] =	vst v63  }
0x1a8: {  	_ =	swait.ge [sflag:s12], $0x20  }
0x1a9: {  	[sflag:s12] =	ssyncset.done $0x0  }
0x1aa: {  	s24 =	simm.s32 $0x6F00;
	s23 =	rddreg [dreg:$0x1f];
	[sflag:s12] =	ssyncadd.s32 $0xFFFFFFE0  }
0x1ab: {  	[hbm4b:s23+s1] =	stream.linear.scatter [tilespmem:s24], [sflag:$0x2], $0x20, $0x38;
	[tilespmem:$0x7920] =	vst v63  }
0x1ac: {  	_ =	swait.ge [sflag:s12], $0x20  }
0x1ad: {  	s21 =	sld [smem:$0x7C8]  }
0x1ae: {  	[sflag:s12] =	ssyncset.done $0x0  }
0x1af: {  	s22 =	simm.s32 $0x7500;
	[sflag:s12] =	ssyncadd.s32 $0xFFFFFFE0  }
0x1b0: {  	[hbm4b:s21+s1] =	stream.linear.scatter [tilespmem:s22], [sflag:$0x2], $0x20, $0x38;
	[tilespmem:$0x7920] =	vst v63  }
0x1b1: {  	_ =	swait.ge [sflag:s12], $0x20  }
0x1b2: {  	s23 =	sld [smem:$0x7C9]  }
0x1b3: {  	[sflag:s12] =	ssyncset.done $0x0  }
0x1b4: {  	s24 =	simm.s32 $0x6F20;
	[sflag:s12] =	ssyncadd.s32 $0xFFFFFFE0  }
0x1b5: {  	[hbm4b:s23+s1] =	stream.linear.scatter [tilespmem:s24], [sflag:$0x2], $0x20, $0x38;
	[tilespmem:$0x7920] =	vst v63  }
0x1b6: {  	_ =	swait.ge [sflag:s12], $0x20  }
0x1b7: {  	s21 =	sld [smem:$0x7CA]  }
0x1b8: {  	[sflag:s12] =	ssyncset.done $0x0  }
0x1b9: {  	s22 =	simm.s32 $0x7520;
	[sflag:s12] =	ssyncadd.s32 $0xFFFFFFE0  }
0x1ba: {  	[hbm4b:s21+s1] =	stream.linear.scatter [tilespmem:s22], [sflag:$0x2], $0x20, $0x38;
	[tilespmem:$0x7920] =	vst v63  }
0x1bb: {  	_ =	swait.ge [sflag:s12], $0x20  }
0x1bc: {  	s23 =	sld [smem:$0x7CB]  }
0x1bd: {  	[sflag:s12] =	ssyncset.done $0x0  }
0x1be: {  	s24 =	simm.s32 $0x6F40;
	[sflag:s12] =	ssyncadd.s32 $0xFFFFFFE0  }
0x1bf: {  	[hbm4b:s23+s1] =	stream.linear.scatter [tilespmem:s24], [sflag:$0x2], $0x20, $0x38;
	[tilespmem:$0x7920] =	vst v63  }
0x1c0: {  	_ =	swait.ge [sflag:s12], $0x20  }
0x1c1: {  	s21 =	sld [smem:$0x7CC]  }
0x1c2: {  	[sflag:s12] =	ssyncset.done $0x0  }
0x1c3: {  	s22 =	simm.s32 $0x7540;
	[sflag:s12] =	ssyncadd.s32 $0xFFFFFFE0  }
0x1c4: {  	[hbm4b:s21+s1] =	stream.linear.scatter [tilespmem:s22], [sflag:$0x2], $0x20, $0x38;
	[tilespmem:$0x7920] =	vst v63  }
0x1c5: {  	_ =	swait.ge [sflag:s12], $0x20  }
0x1c6: {  	s23 =	sld [smem:$0x7CD]  }
0x1c7: {  	[sflag:s12] =	ssyncset.done $0x0  }
0x1c8: {  	s24 =	simm.s32 $0x6F60;
	[sflag:s12] =	ssyncadd.s32 $0xFFFFFFE0  }
0x1c9: {  	[hbm4b:s23+s1] =	stream.linear.scatter [tilespmem:s24], [sflag:$0x2], $0x20, $0x38;
	[tilespmem:$0x7920] =	vst v63  }
0x1ca: {  	_ =	swait.ge [sflag:s12], $0x20  }
0x1cb: {  	s21 =	sld [smem:$0x7CE]  }
0x1cc: {  	[sflag:s12] =	ssyncset.done $0x0  }
0x1cd: {  	s22 =	simm.s32 $0x7560;
	[sflag:s12] =	ssyncadd.s32 $0xFFFFFFE0  }
0x1ce: {  	[hbm4b:s21+s1] =	stream.linear.scatter [tilespmem:s22], [sflag:$0x2], $0x20, $0x38;
	[tilespmem:$0x7920] =	vst v63  }
0x1cf: {  	_ =	swait.ge [sflag:s12], $0x20  }
0x1d0: {  	s23 =	sld [smem:$0x7CF]  }
0x1d1: {  	[sflag:s12] =	ssyncset.done $0x0  }
0x1d2: {  	s24 =	simm.s32 $0x6F80;
	[sflag:s12] =	ssyncadd.s32 $0xFFFFFFE0  }
0x1d3: {  	[hbm4b:s23+s1] =	stream.linear.scatter [tilespmem:s24], [sflag:$0x2], $0x20, $0x38;
	[tilespmem:$0x7920] =	vst v63  }
0x1d4: {  	_ =	swait.ge [sflag:s12], $0x20  }
0x1d5: {  	s21 =	sld [smem:$0x7D0]  }
0x1d6: {  	[sflag:s12] =	ssyncset.done $0x0  }
0x1d7: {  	s22 =	simm.s32 $0x7580;
	[sflag:s12] =	ssyncadd.s32 $0xFFFFFFE0  }
0x1d8: {  	[hbm4b:s21+s1] =	stream.linear.scatter [tilespmem:s22], [sflag:$0x2], $0x20, $0x38;
	[tilespmem:$0x7920] =	vst v63  }
0x1d9: {  	_ =	swait.ge [sflag:s12], $0x20  }
0x1da: {  	s23 =	sld [smem:$0x7D1]  }
0x1db: {  	[sflag:s12] =	ssyncset.done $0x0  }
0x1dc: {  	s24 =	simm.s32 $0x6FA0;
	[sflag:s12] =	ssyncadd.s32 $0xFFFFFFE0  }
0x1dd: {  	[hbm4b:s23+s1] =	stream.linear.scatter [tilespmem:s24], [sflag:$0x2], $0x20, $0x38;
	[tilespmem:$0x7920] =	vst v63  }
0x1de: {  	_ =	swait.ge [sflag:s12], $0x20  }
0x1df: {  	s21 =	sld [smem:$0x7D2]  }
0x1e0: {  	[sflag:s12] =	ssyncset.done $0x0  }
0x1e1: {  	s22 =	simm.s32 $0x75A0;
	[sflag:s12] =	ssyncadd.s32 $0xFFFFFFE0  }
0x1e2: {  	[hbm4b:s21+s1] =	stream.linear.scatter [tilespmem:s22], [sflag:$0x2], $0x20, $0x38;
	[tilespmem:$0x7920] =	vst v63  }
0x1e3: {  	_ =	swait.ge [sflag:s12], $0x20  }
0x1e4: {  	s23 =	sld [smem:$0x7D3]  }
0x1e5: {  	[sflag:s12] =	ssyncset.done $0x0  }
0x1e6: {  	s24 =	simm.s32 $0x6FC0;
	[sflag:s12] =	ssyncadd.s32 $0xFFFFFFE0  }
0x1e7: {  	[hbm4b:s23+s1] =	stream.linear.scatter [tilespmem:s24], [sflag:$0x2], $0x20, $0x38;
	[tilespmem:$0x7920] =	vst v63  }
0x1e8: {  	_ =	swait.ge [sflag:s12], $0x20  }
0x1e9: {  	s21 =	sld [smem:$0x7D4]  }
0x1ea: {  	[sflag:s12] =	ssyncset.done $0x0  }
0x1eb: {  	s22 =	simm.s32 $0x75C0;
	[sflag:s12] =	ssyncadd.s32 $0xFFFFFFE0  }
0x1ec: {  	[hbm4b:s21+s1] =	stream.linear.scatter [tilespmem:s22], [sflag:$0x2], $0x20, $0x38;
	[tilespmem:$0x7920] =	vst v63  }
0x1ed: {  	_ =	swait.ge [sflag:s12], $0x20  }
0x1ee: {  	s23 =	sld [smem:$0x7D5]  }
0x1ef: {  	[sflag:s12] =	ssyncset.done $0x0  }
0x1f0: {  	s24 =	simm.s32 $0x6FE0;
	[sflag:s12] =	ssyncadd.s32 $0xFFFFFFE0  }
0x1f1: {  	[hbm4b:s23+s1] =	stream.linear.scatter [tilespmem:s24], [sflag:$0x2], $0x20, $0x38;
	[tilespmem:$0x7920] =	vst v63  }
0x1f2: {  	_ =	swait.ge [sflag:s12], $0x20  }
0x1f3: {  	s21 =	sld [smem:$0x7D6]  }
0x1f4: {  	[sflag:s12] =	ssyncset.done $0x0  }
0x1f5: {  	s22 =	simm.s32 $0x75E0;
	[sflag:s12] =	ssyncadd.s32 $0xFFFFFFE0  }
0x1f6: {  	[hbm4b:s21+s1] =	stream.linear.scatter [tilespmem:s22], [sflag:$0x2], $0x20, $0x38;
	[tilespmem:$0x7920] =	vst v63  }
0x1f7: {  	_ =	swait.ge [sflag:s12], $0x20  }
0x1f8: {  	s23 =	sld [smem:$0x7D7]  }
0x1f9: {  	[sflag:s12] =	ssyncset.done $0x0  }
0x1fa: {  	s24 =	simm.s32 $0x7000;
	[sflag:s12] =	ssyncadd.s32 $0xFFFFFFE0  }
0x1fb: {  	[hbm4b:s23+s1] =	stream.linear.scatter [tilespmem:s24], [sflag:$0x2], $0x20, $0x38;
	[tilespmem:$0x7920] =	vst v63  }
0x1fc: {  	_ =	swait.ge [sflag:s12], $0x20  }
0x1fd: {  	s21 =	sld [smem:$0x7D8]  }
0x1fe: {  	[sflag:s12] =	ssyncset.done $0x0  }
0x1ff: {  	s22 =	simm.s32 $0x7600;
	[sflag:s12] =	ssyncadd.s32 $0xFFFFFFE0  }
0x200: {  	[hbm4b:s21+s1] =	stream.linear.scatter [tilespmem:s22], [sflag:$0x2], $0x20, $0x38;
	[tilespmem:$0x7920] =	vst v63  }
0x201: {  	_ =	swait.ge [sflag:s12], $0x20  }
0x202: {  	s23 =	sld [smem:$0x7D9]  }
0x203: {  	[sflag:s12] =	ssyncset.done $0x0  }
0x204: {  	s24 =	simm.s32 $0x7020;
	[sflag:s12] =	ssyncadd.s32 $0xFFFFFFE0  }
0x205: {  	[hbm4b:s23+s1] =	stream.linear.scatter [tilespmem:s24], [sflag:$0x2], $0x20, $0x38;
	[tilespmem:$0x7920] =	vst v63  }
0x206: {  	_ =	swait.ge [sflag:s12], $0x20  }
0x207: {  	s21 =	sld [smem:$0x7DA]  }
0x208: {  	[sflag:s12] =	ssyncset.done $0x0  }
0x209: {  	s22 =	simm.s32 $0x7620;
	[sflag:s12] =	ssyncadd.s32 $0xFFFFFFE0  }
0x20a: {  	[hbm4b:s21+s1] =	stream.linear.scatter [tilespmem:s22], [sflag:$0x2], $0x20, $0x38;
	[tilespmem:$0x7920] =	vst v63  }
0x20b: {  	_ =	swait.ge [sflag:s12], $0x20  }
0x20c: {  	s23 =	sld [smem:$0x7DB]  }
0x20d: {  	[sflag:s12] =	ssyncset.done $0x0  }
0x20e: {  	s24 =	simm.s32 $0x7040;
	[sflag:s12] =	ssyncadd.s32 $0xFFFFFFE0  }
0x20f: {  	[hbm4b:s23+s1] =	stream.linear.scatter [tilespmem:s24], [sflag:$0x2], $0x20, $0x38;
	[tilespmem:$0x7920] =	vst v63  }
0x210: {  	_ =	swait.ge [sflag:s12], $0x20  }
0x211: {  	s21 =	sld [smem:$0x7DC]  }
0x212: {  	[sflag:s12] =	ssyncset.done $0x0  }
0x213: {  	s22 =	simm.s32 $0x7640;
	[sflag:s12] =	ssyncadd.s32 $0xFFFFFFE0  }
0x214: {  	[hbm4b:s21+s1] =	stream.linear.scatter [tilespmem:s22], [sflag:$0x2], $0x20, $0x38;
	[tilespmem:$0x7920] =	vst v63  }
0x215: {  	_ =	swait.ge [sflag:s12], $0x20  }
0x216: {  	s23 =	sld [smem:$0x7DD]  }
0x217: {  	[sflag:s12] =	ssyncset.done $0x0  }
0x218: {  	s24 =	simm.s32 $0x7060;
	[sflag:s12] =	ssyncadd.s32 $0xFFFFFFE0  }
0x219: {  	[hbm4b:s23+s1] =	stream.linear.scatter [tilespmem:s24], [sflag:$0x2], $0x20, $0x38;
	[tilespmem:$0x7920] =	vst v63  }
0x21a: {  	_ =	swait.ge [sflag:s12], $0x20  }
0x21b: {  	s21 =	sld [smem:$0x7DE]  }
0x21c: {  	[sflag:s12] =	ssyncset.done $0x0  }
0x21d: {  	s22 =	simm.s32 $0x7660;
	[sflag:s12] =	ssyncadd.s32 $0xFFFFFFE0  }
0x21e: {  	[hbm4b:s21+s1] =	stream.linear.scatter [tilespmem:s22], [sflag:$0x2], $0x20, $0x38;
	[tilespmem:$0x7920] =	vst v63  }
0x21f: {  	_ =	swait.ge [sflag:s12], $0x20  }
0x220: {  	s23 =	sld [smem:$0x7DF]  }
0x221: {  	[sflag:s12] =	ssyncset.done $0x0  }
0x222: {  	s24 =	simm.s32 $0x7080;
	[sflag:s12] =	ssyncadd.s32 $0xFFFFFFE0  }
0x223: {  	[hbm4b:s23+s1] =	stream.linear.scatter [tilespmem:s24], [sflag:$0x2], $0x20, $0x38;
	[tilespmem:$0x7920] =	vst v63  }
0x224: {  	_ =	swait.ge [sflag:s12], $0x20  }
0x225: {  	s21 =	sld [smem:$0x7E0]  }
0x226: {  	[sflag:s12] =	ssyncset.done $0x0  }
0x227: {  	s22 =	simm.s32 $0x7680;
	[sflag:s12] =	ssyncadd.s32 $0xFFFFFFE0  }
0x228: {  	[hbm4b:s21+s1] =	stream.linear.scatter [tilespmem:s22], [sflag:$0x2], $0x20, $0x38;
	[tilespmem:$0x7920] =	vst v63  }
0x229: {  	_ =	swait.ge [sflag:s12], $0x20  }
0x22a: {  	s23 =	sld [smem:$0x7E1]  }
0x22b: {  	[sflag:s12] =	ssyncset.done $0x0  }
0x22c: {  	s24 =	simm.s32 $0x70A0;
	[sflag:s12] =	ssyncadd.s32 $0xFFFFFFE0  }
0x22d: {  	[hbm4b:s23+s1] =	stream.linear.scatter [tilespmem:s24], [sflag:$0x2], $0x20, $0x38;
	[tilespmem:$0x7920] =	vst v63  }
0x22e: {  	_ =	swait.ge [sflag:s12], $0x20  }
0x22f: {  	s21 =	sld [smem:$0x7E2]  }
0x230: {  	[sflag:s12] =	ssyncset.done $0x0  }
0x231: {  	s22 =	simm.s32 $0x76A0;
	[sflag:s12] =	ssyncadd.s32 $0xFFFFFFE0  }
0x232: {  	[hbm4b:s21+s1] =	stream.linear.scatter [tilespmem:s22], [sflag:$0x2], $0x20, $0x38;
	[tilespmem:$0x7920] =	vst v63  }
0x233: {  	_ =	swait.ge [sflag:s12], $0x20  }
0x234: {  	s23 =	sld [smem:$0x7E3]  }
0x235: {  	[sflag:s12] =	ssyncset.done $0x0  }
0x236: {  	s24 =	simm.s32 $0x70C0;
	[sflag:s12] =	ssyncadd.s32 $0xFFFFFFE0  }
0x237: {  	[hbm4b:s23+s1] =	stream.linear.scatter [tilespmem:s24], [sflag:$0x2], $0x20, $0x38;
	[tilespmem:$0x7920] =	vst v63  }
0x238: {  	_ =	swait.ge [sflag:s12], $0x20  }
0x239: {  	s21 =	sld [smem:$0x7E4]  }
0x23a: {  	[sflag:s12] =	ssyncset.done $0x0  }
0x23b: {  	s22 =	simm.s32 $0x76C0;
	[sflag:s12] =	ssyncadd.s32 $0xFFFFFFE0  }
0x23c: {  	[hbm4b:s21+s1] =	stream.linear.scatter [tilespmem:s22], [sflag:$0x2], $0x20, $0x38;
	[tilespmem:$0x7920] =	vst v63  }
0x23d: {  	_ =	swait.ge [sflag:s12], $0x20  }
0x23e: {  	s23 =	sld [smem:$0x7E5]  }
0x23f: {  	[sflag:s12] =	ssyncset.done $0x0  }
0x240: {  	s24 =	simm.s32 $0x70E0;
	[sflag:s12] =	ssyncadd.s32 $0xFFFFFFE0  }
0x241: {  	[hbm4b:s23+s1] =	stream.linear.scatter [tilespmem:s24], [sflag:$0x2], $0x20, $0x38;
	[tilespmem:$0x7920] =	vst v63  }
0x242: {  	_ =	swait.ge [sflag:s12], $0x20  }
0x243: {  	s21 =	sld [smem:$0x7E6]  }
0x244: {  	[sflag:s12] =	ssyncset.done $0x0  }
0x245: {  	s22 =	simm.s32 $0x76E0;
	[sflag:s12] =	ssyncadd.s32 $0xFFFFFFE0  }
0x246: {  	[hbm4b:s21+s1] =	stream.linear.scatter [tilespmem:s22], [sflag:$0x2], $0x20, $0x38;
	[tilespmem:$0x7920] =	vst v63  }
0x247: {  	_ =	swait.ge [sflag:s12], $0x20  }
0x248: {  	s23 =	sld [smem:$0x7E7]  }
0x249: {  	[sflag:s12] =	ssyncset.done $0x0  }
0x24a: {  	s24 =	simm.s32 $0x7100;
	[sflag:s12] =	ssyncadd.s32 $0xFFFFFFE0  }
0x24b: {  	[hbm4b:s23+s1] =	stream.linear.scatter [tilespmem:s24], [sflag:$0x2], $0x20, $0x38;
	[tilespmem:$0x7920] =	vst v63  }
0x24c: {  	_ =	swait.ge [sflag:s12], $0x20  }
0x24d: {  	s21 =	sld [smem:$0x7E8]  }
0x24e: {  	[sflag:s12] =	ssyncset.done $0x0  }
0x24f: {  	s22 =	simm.s32 $0x7700;
	[sflag:s12] =	ssyncadd.s32 $0xFFFFFFE0  }
0x250: {  	[hbm4b:s21+s1] =	stream.linear.scatter [tilespmem:s22], [sflag:$0x2], $0x20, $0x38;
	[tilespmem:$0x7920] =	vst v63  }
0x251: {  	_ =	swait.ge [sflag:s12], $0x20  }
0x252: {  	s23 =	sld [smem:$0x7E9]  }
0x253: {  	[sflag:s12] =	ssyncset.done $0x0  }
0x254: {  	s24 =	simm.s32 $0x7120;
	[sflag:s12] =	ssyncadd.s32 $0xFFFFFFE0  }
0x255: {  	[hbm4b:s23+s1] =	stream.linear.scatter [tilespmem:s24], [sflag:$0x2], $0x20, $0x38;
	[tilespmem:$0x7920] =	vst v63  }
0x256: {  	_ =	swait.ge [sflag:s12], $0x20  }
0x257: {  	s21 =	sld [smem:$0x7EA]  }
0x258: {  	[sflag:s12] =	ssyncset.done $0x0  }
0x259: {  	s22 =	simm.s32 $0x7720;
	[sflag:s12] =	ssyncadd.s32 $0xFFFFFFE0  }
0x25a: {  	[hbm4b:s21+s1] =	stream.linear.scatter [tilespmem:s22], [sflag:$0x2], $0x20, $0x38;
	[tilespmem:$0x7920] =	vst v63  }
0x25b: {  	_ =	swait.ge [sflag:s12], $0x20  }
0x25c: {  	s23 =	sld [smem:$0x7EB]  }
0x25d: {  	[sflag:s12] =	ssyncset.done $0x0  }
0x25e: {  	s24 =	simm.s32 $0x7140;
	[sflag:s12] =	ssyncadd.s32 $0xFFFFFFE0  }
0x25f: {  	[hbm4b:s23+s1] =	stream.linear.scatter [tilespmem:s24], [sflag:$0x2], $0x20, $0x38;
	[tilespmem:$0x7920] =	vst v63  }
0x260: {  	_ =	swait.ge [sflag:s12], $0x20  }
0x261: {  	s21 =	sld [smem:$0x7EC]  }
0x262: {  	[sflag:s12] =	ssyncset.done $0x0  }
0x263: {  	s22 =	simm.s32 $0x7740;
	[sflag:s12] =	ssyncadd.s32 $0xFFFFFFE0  }
0x264: {  	[hbm4b:s21+s1] =	stream.linear.scatter [tilespmem:s22], [sflag:$0x2], $0x20, $0x38;
	[tilespmem:$0x7920] =	vst v63  }
0x265: {  	_ =	swait.ge [sflag:s12], $0x20  }
0x266: {  	s23 =	sld [smem:$0x7ED]  }
0x267: {  	[sflag:s12] =	ssyncset.done $0x0  }
0x268: {  	s24 =	simm.s32 $0x7160;
	[sflag:s12] =	ssyncadd.s32 $0xFFFFFFE0  }
0x269: {  	[hbm4b:s23+s1] =	stream.linear.scatter [tilespmem:s24], [sflag:$0x2], $0x20, $0x38;
	[tilespmem:$0x7920] =	vst v63  }
0x26a: {  	_ =	swait.ge [sflag:s12], $0x20  }
0x26b: {  	s21 =	sld [smem:$0x7EE]  }
0x26c: {  	[sflag:s12] =	ssyncset.done $0x0  }
0x26d: {  	s22 =	simm.s32 $0x7760;
	[sflag:s12] =	ssyncadd.s32 $0xFFFFFFE0  }
0x26e: {  	[hbm4b:s21+s1] =	stream.linear.scatter [tilespmem:s22], [sflag:$0x2], $0x20, $0x38;
	[tilespmem:$0x7920] =	vst v63  }
0x26f: {  	_ =	swait.ge [sflag:s12], $0x20  }
0x270: {  	s23 =	sld [smem:$0x7EF]  }
0x271: {  	[sflag:s12] =	ssyncset.done $0x0  }
0x272: {  	s24 =	simm.s32 $0x7180;
	[sflag:s12] =	ssyncadd.s32 $0xFFFFFFE0  }
0x273: {  	[hbm4b:s23+s1] =	stream.linear.scatter [tilespmem:s24], [sflag:$0x2], $0x20, $0x38;
	[tilespmem:$0x7920] =	vst v63  }
0x274: {  	_ =	swait.ge [sflag:s12], $0x20  }
0x275: {  	s21 =	sld [smem:$0x7F0]  }
0x276: {  	[sflag:s12] =	ssyncset.done $0x0  }
0x277: {  	s22 =	simm.s32 $0x7780;
	[sflag:s12] =	ssyncadd.s32 $0xFFFFFFE0  }
0x278: {  	[hbm4b:s21+s1] =	stream.linear.scatter [tilespmem:s22], [sflag:$0x2], $0x20, $0x38;
	[tilespmem:$0x7920] =	vst v63  }
0x279: {  	_ =	swait.ge [sflag:s12], $0x20  }
0x27a: {  	s23 =	sld [smem:$0x7F1]  }
0x27b: {  	[sflag:s12] =	ssyncset.done $0x0  }
0x27c: {  	s24 =	simm.s32 $0x71A0;
	[sflag:s12] =	ssyncadd.s32 $0xFFFFFFE0  }
0x27d: {  	[hbm4b:s23+s1] =	stream.linear.scatter [tilespmem:s24], [sflag:$0x2], $0x20, $0x38;
	[tilespmem:$0x7920] =	vst v63  }
0x27e: {  	_ =	swait.ge [sflag:s12], $0x20  }
0x27f: {  	s21 =	sld [smem:$0x7F2]  }
0x280: {  	[sflag:s12] =	ssyncset.done $0x0  }
0x281: {  	s22 =	simm.s32 $0x77A0;
	[sflag:s12] =	ssyncadd.s32 $0xFFFFFFE0  }
0x282: {  	[hbm4b:s21+s1] =	stream.linear.scatter [tilespmem:s22], [sflag:$0x2], $0x20, $0x38;
	[tilespmem:$0x7920] =	vst v63  }
0x283: {  	_ =	swait.ge [sflag:s12], $0x20  }
0x284: {  	s23 =	sld [smem:$0x7F3]  }
0x285: {  	[sflag:s12] =	ssyncset.done $0x0  }
0x286: {  	s24 =	simm.s32 $0x71C0;
	[sflag:s12] =	ssyncadd.s32 $0xFFFFFFE0  }
0x287: {  	[hbm4b:s23+s1] =	stream.linear.scatter [tilespmem:s24], [sflag:$0x2], $0x20, $0x38;
	[tilespmem:$0x7920] =	vst v63  }
0x288: {  	_ =	swait.ge [sflag:s12], $0x20  }
0x289: {  	s21 =	sld [smem:$0x7F4]  }
0x28a: {  	[sflag:s12] =	ssyncset.done $0x0  }
0x28b: {  	s22 =	simm.s32 $0x77C0;
	[sflag:s12] =	ssyncadd.s32 $0xFFFFFFE0  }
0x28c: {  	[hbm4b:s21+s1] =	stream.linear.scatter [tilespmem:s22], [sflag:$0x2], $0x20, $0x38;
	[tilespmem:$0x7920] =	vst v63  }
0x28d: {  	_ =	swait.ge [sflag:s12], $0x20  }
0x28e: {  	s23 =	sld [smem:$0x7F5]  }
0x28f: {  	[sflag:s12] =	ssyncset.done $0x0  }
0x290: {  	s24 =	simm.s32 $0x71E0;
	[sflag:s12] =	ssyncadd.s32 $0xFFFFFFE0  }
0x291: {  	[hbm4b:s23+s1] =	stream.linear.scatter [tilespmem:s24], [sflag:$0x2], $0x20, $0x38;
	[tilespmem:$0x7920] =	vst v63  }
0x292: {  	_ =	swait.ge [sflag:s12], $0x20  }
0x293: {  	s21 =	sld [smem:$0x7F6]  }
0x294: {  	[sflag:s12] =	ssyncset.done $0x0  }
0x295: {  	s22 =	simm.s32 $0x77E0;
	[sflag:s12] =	ssyncadd.s32 $0xFFFFFFE0  }
0x296: {  	[hbm4b:s21+s1] =	stream.linear.scatter [tilespmem:s22], [sflag:$0x2], $0x20, $0x38;
	[tilespmem:$0x7920] =	vst v63  }
0x297: {  	_ =	swait.ge [sflag:s12], $0x20  }
0x298: {  	s23 =	sld [smem:$0x7F7]  }
0x299: {  	[sflag:s12] =	ssyncset.done $0x0  }
0x29a: {  	s24 =	simm.s32 $0x7200;
	[sflag:s12] =	ssyncadd.s32 $0xFFFFFFE0  }
0x29b: {  	[hbm4b:s23+s1] =	stream.linear.scatter [tilespmem:s24], [sflag:$0x2], $0x20, $0x38;
	[tilespmem:$0x7920] =	vst v63  }
0x29c: {  	_ =	swait.ge [sflag:s12], $0x20  }
0x29d: {  	s21 =	sld [smem:$0x7F8]  }
0x29e: {  	[sflag:s12] =	ssyncset.done $0x0  }
0x29f: {  	s22 =	simm.s32 $0x7800;
	[sflag:s12] =	ssyncadd.s32 $0xFFFFFFE0  }
0x2a0: {  	[hbm4b:s21+s1] =	stream.linear.scatter [tilespmem:s22], [sflag:$0x2], $0x20, $0x38;
	[tilespmem:$0x7920] =	vst v63  }
0x2a1: {  	_ =	swait.ge [sflag:s12], $0x20  }
0x2a2: {  	s23 =	sld [smem:$0x7F9]  }
0x2a3: {  	[sflag:s12] =	ssyncset.done $0x0  }
0x2a4: {  	s24 =	simm.s32 $0x7220;
	[sflag:s12] =	ssyncadd.s32 $0xFFFFFFE0  }
0x2a5: {  	[hbm4b:s23+s1] =	stream.linear.scatter [tilespmem:s24], [sflag:$0x2], $0x20, $0x38;
	[tilespmem:$0x7920] =	vst v63  }
0x2a6: {  	_ =	swait.ge [sflag:s12], $0x20  }
0x2a7: {  	s21 =	sld [smem:$0x7FA]  }
0x2a8: {  	[sflag:s12] =	ssyncset.done $0x0  }
0x2a9: {  	s22 =	simm.s32 $0x7820;
	[sflag:s12] =	ssyncadd.s32 $0xFFFFFFE0  }
0x2aa: {  	[hbm4b:s21+s1] =	stream.linear.scatter [tilespmem:s22], [sflag:$0x2], $0x20, $0x38;
	[tilespmem:$0x7920] =	vst v63  }
0x2ab: {  	_ =	swait.ge [sflag:s12], $0x20  }
0x2ac: {  	s23 =	sld [smem:$0x7FB]  }
0x2ad: {  	[sflag:s12] =	ssyncset.done $0x0  }
0x2ae: {  	s24 =	simm.s32 $0x7240;
	[sflag:s12] =	ssyncadd.s32 $0xFFFFFFE0  }
0x2af: {  	[hbm4b:s23+s1] =	stream.linear.scatter [tilespmem:s24], [sflag:$0x2], $0x20, $0x38;
	[tilespmem:$0x7920] =	vst v63  }
0x2b0: {  	_ =	swait.ge [sflag:s12], $0x20  }
0x2b1: {  	s20 =	sld [smem:$0x7FC]  }
0x2b2: {  	[sflag:s12] =	ssyncset.done $0x0  }
0x2b3: {  	s21 =	simm.s32 $0x7840;
	[sflag:s12] =	ssyncadd.s32 $0xFFFFFFE0  }
0x2b4: {  	[hbm4b:s20+s1] =	stream.linear.scatter [tilespmem:s21], [sflag:$0x2], $0x20, $0x38;
	[tilespmem:$0x7920] =	vst v63  }
0x2b5: {  	_ =	swait.ge [sflag:s12], $0x20  }
0x2b6: {  	s22 =	sld [smem:$0x7FD]  }
0x2b7: {  	[sflag:s12] =	ssyncset.done $0x0  }
0x2b8: {  	s23 =	simm.s32 $0x7260;
	[sflag:s12] =	ssyncadd.s32 $0xFFFFFFE0  }
0x2b9: {  	[hbm4b:s22+s1] =	stream.linear.scatter [tilespmem:s23], [sflag:$0x2], $0x20, $0x38;
	[tilespmem:$0x7920] =	vst v63  }
0x2ba: {  	_ =	swait.ge [sflag:s12], $0x20  }
0x2bb: {  	[sflag:s12] =	ssyncset.done $0x0  }
0x2bc: {  	s24 =	simm.s32 $0x7860;
	[sflag:s12] =	ssyncadd.s32 $0xFFFFFFE0  }
0x2bd: {  	[hbm4b:s25+s1] =	stream.linear.scatter [tilespmem:s24], [sflag:$0x2], $0x20, $0x38;
	[tilespmem:$0x7920] =	vst v63  }
0x2be: {  	_ =	swait.ge [sflag:s12], $0x20  }
0x2bf: {  	[sflag:s12] =	ssyncset.done $0x0  }
0x2c0: {  	s20 =	simm.s32 $0x7280;
	[sflag:s12] =	ssyncadd.s32 $0xFFFFFFE0  }
0x2c1: {  	[hbm4b:s26+s1] =	stream.linear.scatter [tilespmem:s20], [sflag:$0x2], $0x20, $0x38;
	[tilespmem:$0x7920] =	vst v63  }
0x2c2: {  	_ =	swait.ge [sflag:s12], $0x20  }
0x2c3: {  	[sflag:s12] =	ssyncset.done $0x0  }
0x2c4: {  	s21 =	simm.s32 $0x7880;
	[sflag:s12] =	ssyncadd.s32 $0xFFFFFFE0  }
0x2c5: {  	[hbm4b:s28+s1] =	stream.linear.scatter [tilespmem:s21], [sflag:$0x2], $0x20, $0x38;
	[tilespmem:$0x7920] =	vst v63  }
0x2c6: {  	_ =	swait.ge [sflag:s12], $0x20  }
0x2c7: {  	[sflag:s12] =	ssyncset.done $0x0  }
0x2c8: {  	s22 =	simm.s32 $0x72A0;
	[sflag:s12] =	ssyncadd.s32 $0xFFFFFFE0  }
0x2c9: {  	[hbm4b:s29+s1] =	stream.linear.scatter [tilespmem:s22], [sflag:$0x2], $0x20, $0x38;
	[tilespmem:$0x7920] =	vst v63  }
0x2ca: {  	_ =	swait.ge [sflag:s12], $0x20  }
0x2cb: {  	[sflag:s12] =	ssyncset.done $0x0  }
0x2cc: {  	s23 =	simm.s32 $0x78A0;
	[sflag:s12] =	ssyncadd.s32 $0xFFFFFFE0  }
0x2cd: {  	[hbm4b:s30+s1] =	stream.linear.scatter [tilespmem:s23], [sflag:$0x2], $0x20, $0x38;
	[tilespmem:$0x7920] =	vst v63  }
0x2ce: {  	_ =	swait.ge [sflag:s12], $0x20  }
0x2cf: {  	[sflag:s12] =	ssyncset.done $0x0  }
0x2d0: {  	s24 =	simm.s32 $0x72C0;
	[sflag:s12] =	ssyncadd.s32 $0xFFFFFFE0  }
0x2d1: {  	[hbm4b:s31+s1] =	stream.linear.scatter [tilespmem:s24], [sflag:$0x2], $0x20, $0x38;
	[tilespmem:$0x7920] =	vst v63  }
0x2d2: {  	_ =	swait.ge [sflag:s12], $0x20  }
0x2d3: {  	[sflag:s12] =	ssyncset.done $0x0  }
0x2d4: {  	s20 =	simm.s32 $0x78C0;
	[sflag:s12] =	ssyncadd.s32 $0xFFFFFFE0  }
0x2d5: {  	[hbm4b:s0+s1] =	stream.linear.scatter [tilespmem:s20], [sflag:$0x2], $0x20, $0x38;
	[tilespmem:$0x7920] =	vst v63  }
0x2d6: {  	_ =	swait.ge [sflag:s12], $0x20  }
0x2d7: {  	[sflag:s12] =	ssyncset.done $0x0  }
0x2d8: {  	s21 =	simm.s32 $0x72E0;
	[sflag:s12] =	ssyncadd.s32 $0xFFFFFFE0  }
0x2d9: {  	[hbm4b:s2+s1] =	stream.linear.scatter [tilespmem:s21], [sflag:$0x2], $0x20, $0x38;
	[tilespmem:$0x7920] =	vst v63  }
0x2da: {  	_ =	swait.ge [sflag:s12], $0x20  }
0x2db: {  	[sflag:s12] =	ssyncset.done $0x0  }
0x2dc: {  	s22 =	simm.s32 $0x78E0;
	[sflag:s12] =	ssyncadd.s32 $0xFFFFFFE0  }
0x2dd: {  	[hbm4b:s3+s1] =	stream.linear.scatter [tilespmem:s22], [sflag:$0x2], $0x20, $0x38;
	[tilespmem:$0x7920] =	vst v63  }
0x2de: {  	_ =	swait.ge [sflag:s12], $0x20  }
0x2df: {  	[sflag:s12] =	ssyncset.done $0x0  }
0x2e0: {  	s23 =	simm.s32 $0x7300;
	[sflag:s12] =	ssyncadd.s32 $0xFFFFFFE0  }
0x2e1: {  	[hbm4b:s6+s1] =	stream.linear.scatter [tilespmem:s23], [sflag:$0x2], $0x20, $0x38;
	[tilespmem:$0x7920] =	vst v63  }
0x2e2: {  	s18 =	sadd.s32 $0x1, s18;
	_ =	swait.ge [sflag:s12], $0x20  }
0x2e3: {  	p0 =	sne.s32 s18, s11;
	[sflag:s12] =	ssyncset.done $0x0  }
.Ltmp1:
0x2e4: {  	s24 =	simm.s32 $0x7900;
	[sflag:s12] =	ssyncadd.s32 $0xFFFFFFE0;
	(pc) =	sbr.rel @p0 .LBB2_1-.Ltmp1, $4  }
0x2e5: {  	[hbm4b:s7+s1] =	stream.linear.scatter [tilespmem:s24], [sflag:$0x2], $0x20, $0x38;
	[tilespmem:$0x7920] =	vst v63  }
0x2e6: {  	_ =	swait.ge [sflag:s12], $0x20  }
0x2e7: {  	[sflag:s12] =	ssyncset.done $0x0  }
0x2e8: {  	[sflag:s12] =	ssyncadd.s32 $0xFFFFFFE0  }
0x2e9: {  	_ =	sfence.sel $0x180000  }
0x2ea: {  	[bflag:$0x0] =	sbarrier.arrive $0xFFFF  }
0x2eb: {  	_ =	strace $0x90000047  }
0x2ec: {  	s0 =	stileid.u32;
	[bflag:$0x2] =	sbarrier.arrive $0xFFFF  }
0x2ed: {  	p0 =	sne.s32 s0, $0x0;
	s0 =	rddreg [dreg:$0x2]  }
0x2ee: {  	s0 =	sadd.s32 @!p0 $0x100000, s0  }
0x2ef: {  	[sflag:s0] =	ssyncadd.tile.s32 @!p0 $0x1;
	_ =	shalt  }
.Lfunc_end2:
_tile_overlayer_lowered:
.L_overlay_start_2:
0x2f0: {  	(tag) =	ssettag $0x2  }
0x2f1: {  	s0 =	rddreg [dreg:$0x0];
	s2 =	stileid.u32  }
0x2f2: {  	s1 =	rddreg [dreg:$0x1];
	p0 =	sne.s32 s2, $0x0  }
0x2f3: {  	s3 =	rddreg [dreg:$0x2];
	[bflag:$0x3] =	sbarrier.arrive $0xFFFF;
	s2 =	simm.s32 @!p0 $0x1C02  }
0x2f4: {  	[timem:s3], [sflag:s2] =	dma.local @!p0 [hbm:s0], s1  }
0x2f5: {  	s0 =	simm.s32 @!p0 $0x2  }
0x2f6: {  	_ =	swait.ge @!p0 [sflag:s0], s1  }
0x2f7: {  	s1 =	ssub.s32 @!p0 $0x0, s1;
	[sflag:s0] =	ssyncset.done @!p0 $0x0  }
0x2f8: {  	[sflag:s0] =	ssyncadd.s32 @!p0 s1  }
0x2f9: {  	[bflag:$0x3] =	sbarrier.arrive $0xFFFF  }
0x2fa: {  	_ =	shalt  }

// kernel: kernel.7.cloned.1.call-start
scs
__scs_entry_jumppad:
0x0: {  	(pc) =	sbr.rel $0x88, $3  }
0x1: {  	(tag) =	ssettag $0x0;
	lr =	simm.s32 $0x1  }
0x2: {  	[smem:$0x3F99] =	sst lr;
	_ =	strace $0xD0000000  }
0x3: {  	_ = 	snop  }
0x4: {  	_ = 	snop  }
0x5: {  	_ = 	snop  }
0x6: {  	_ = 	snop  }
0x7: {  	_ = 	snop  }
__scs_overlays_trampoline_lowered:
0x8: {  	[smem:$0x3FA8] =	sst s0  }
0x9: {  	[smem:$0x3FA9] =	sst s1  }
0xa: {  	[smem:$0x3FAA] =	sst s2  }
0xb: {  	[smem:$0x3FAB] =	sst s3  }
0xc: {  	[smem:$0x3FAC] =	sst s4  }
0xd: {  	[smem:$0x3FAD] =	sst s5  }
0xe: {  	[smem:$0x3FAE] =	sst s6  }
0xf: {  	[smem:$0x3FAF] =	sst s7  }
0x10: {  	[smem:$0x3FB0] =	sst s8  }
0x11: {  	[smem:$0x3FB1] =	sst s9;
	s0 =	simm.s32 @!p0 $0x0  }
0x12: {  	s1 =	sld [smem:$0x3F97];
	s0 =	simm.s32 @p0 $0x1  }
0x13: {  	[smem:$0x3FB2] =	sst s0;
	s0 =	simm.s32 @!p1 $0x0  }
0x14: {  	s2 =	sld [smem:$0x3F96];
	s0 =	simm.s32 @p1 $0x1  }
0x15: {  	[smem:$0x3FB3] =	sst s0;
	s0 =	simm.s32 @!p2 $0x0  }
0x16: {  	s3 =	sld [smem:$0x3FDB];
	s0 =	simm.s32 @p2 $0x1  }
0x17: {  	s4 =	simm.s32 $0x1BF5;
	[smem:$0x3FB5] =	sst s0  }
0x18: {  	s0 =	sld [smem:$0x3F98];
	_ =	swait.ge [sflag:s4], $0x0  }
0x19: {  	s7 =	sld [smem:$0x3F99]  }
0x1a: {  	s8 =	sadd.s32 $0xFFFFE003, lr  }
0x1b: {  	s9 =	sadd.s32 $0xFFFFFEF7, lr;
	s5 =	simm.s32 $0xFFFFFFFF;
	p2 =	slt.u32 s8, $0xFFFFF086  }
0x1c: {  	p1 =	slt.u32 s9, $0xF7A;
	s5 =	simm.s32 @!p2 $0x0  }
0x1d: {  	s5 =	simm.s32 @p1 $0x1;
	p0 =	seq.s32 s7, s2  }
0x1e: {  	s7 =	smul.u32 @!p0 $0xF7A, s2;
	p2 =	seq.s32 @!p0 s5, $0x0  }
0x1f: {  	s9 =	smul.u32 $0xF7A, s1;
	s8 =	simm.s32 @!p0 $0x1BF5;
	p2 =	por !p2, p0  }
0x20: {  	[sflag:s8] =	ssyncset.s32 @!p0 $0xFFFFF086;
	s6 =	sadd.s32 @!p0 s3, s7;
	s7 =	simm.s32 @!p0 $0x108  }
0x21: {  	s3 =	sadd.s32 s3, s9;
	s6 =	sadd.s32 @!p0 $0x88, s6;
	s7 =	simm.s32 @p2 $0x1082  }
0x22: {  	[simem:s7], [sflag:s8] =	dma.local @!p0 [hbm:s6], $0xF7A  }
0x23: {  	s9 =	sor.u32 $0xD0000000, s2;
	s6 =	simm.s32 $0x108;
	_ =	swait.ge @!p0 [sflag:s8], $0x0  }
0x24: {  	s3 =	sadd.s32 $0x88, s3;
	s6 =	simm.s32 @!p1 $0x1082;
	[sflag:s4] =	ssyncset.s32 $0xFFFFF086  }
0x25: {  	[simem:s6], [sflag:s4] =	dma.local [hbm:s3], $0xF7A  }
0x26: {  	[smem:$0x3F99] =	sst s1;
	(tag) =	ssettag s2;
	_ =	strace s9  }
0x27: {  	s1 =	sld [smem:$0x3FA9]  }
0x28: {  	s2 =	sld [smem:$0x3FAA]  }
0x29: {  	s4 =	sld [smem:$0x3FAC]  }
0x2a: {  	p0 =	seq.s32 s5, $0x0;
	s5 =	sld [smem:$0x3FAD]  }
0x2b: {  	s6 =	sld [smem:$0x3FAE]  }
0x2c: {  	s7 =	sld [smem:$0x3FAF]  }
0x2d: {  	s3 =	simm.s32 $0x108;
	s8 =	sld [smem:$0x3FB0]  }
0x2e: {  	s3 =	simm.s32 @!p0 $0x1082;
	s9 =	sld [smem:$0x3FB1]  }
0x2f: {  	lr =	sadd.s32 s0, s3;
	s0 =	sld [smem:$0x3FA8]  }
0x30: {  	s3 =	sld [smem:$0x3FAB]  }
0x31: {  	[smem:$0x3FB4] =	sst s10  }
0x32: {  	s10 =	sld [smem:$0x3FB2];
	_ =	sdelay $0x3  }
0x33: {  	p0 =	seq.s32 s10, $0x1;
	s10 =	sld [smem:$0x3FB4];
	_ =	sdelay $0x3  }
0x34: {  	[smem:$0x3FB4] =	sst s10  }
0x35: {  	s10 =	sld [smem:$0x3FB3];
	_ =	sdelay $0x3  }
0x36: {  	p1 =	seq.s32 s10, $0x1;
	s10 =	sld [smem:$0x3FB4];
	_ =	sdelay $0x3  }
0x37: {  	[smem:$0x3FB4] =	sst s10  }
0x38: {  	s10 =	sld [smem:$0x3FB5]  }
0x39: {  	_ = 	snop;
	(pc) =	sbr.ind lr, $3  }
0x3a: {  	_ = 	snop  }
0x3b: {  	_ = 	snop  }
0x3c: {  	p2 =	seq.s32 s10, $0x1;
	s10 =	sld [smem:$0x3FB4]  }
0x3d: {  	_ =	shalt  }
0x3e: {  	_ =	shalt  }
0x3f: {  	_ =	shalt  }
0x40: {  	_ =	shalt  }
0x41: {  	_ =	shalt  }
0x42: {  	_ =	shalt  }
0x43: {  	_ =	shalt  }
0x44: {  	_ =	shalt  }
0x45: {  	_ =	shalt  }
0x46: {  	_ =	shalt  }
0x47: {  	_ =	shalt  }
0x48: {  	_ =	shalt  }
0x49: {  	_ =	shalt  }
0x4a: {  	_ =	shalt  }
0x4b: {  	_ =	shalt  }
0x4c: {  	_ =	shalt  }
0x4d: {  	_ =	shalt  }
0x4e: {  	_ =	shalt  }
0x4f: {  	_ =	shalt  }
0x50: {  	_ =	shalt  }
0x51: {  	_ =	shalt  }
0x52: {  	_ =	shalt  }
0x53: {  	_ =	shalt  }
0x54: {  	_ =	shalt  }
0x55: {  	_ =	shalt  }
0x56: {  	_ =	shalt  }
0x57: {  	_ =	shalt  }
0x58: {  	_ =	shalt  }
0x59: {  	_ =	shalt  }
0x5a: {  	_ =	shalt  }
0x5b: {  	_ =	shalt  }
0x5c: {  	_ =	shalt  }
0x5d: {  	_ =	shalt  }
0x5e: {  	_ =	shalt  }
0x5f: {  	_ =	shalt  }
0x60: {  	_ =	shalt  }
0x61: {  	_ =	shalt  }
0x62: {  	_ =	shalt  }
0x63: {  	_ =	shalt  }
0x64: {  	_ =	shalt  }
0x65: {  	_ =	shalt  }
0x66: {  	_ =	shalt  }
0x67: {  	_ =	shalt  }
0x68: {  	_ =	shalt  }
0x69: {  	_ =	shalt  }
0x6a: {  	_ =	shalt  }
0x6b: {  	_ =	shalt  }
0x6c: {  	_ =	shalt  }
0x6d: {  	_ =	shalt  }
0x6e: {  	_ =	shalt  }
0x6f: {  	_ =	shalt  }
0x70: {  	_ =	shalt  }
0x71: {  	_ =	shalt  }
0x72: {  	_ =	shalt  }
0x73: {  	_ =	shalt  }
0x74: {  	_ =	shalt  }
0x75: {  	_ =	shalt  }
0x76: {  	_ =	shalt  }
0x77: {  	_ =	shalt  }
0x78: {  	_ =	shalt  }
0x79: {  	_ =	shalt  }
0x7a: {  	_ =	shalt  }
0x7b: {  	_ =	shalt  }
0x7c: {  	_ =	shalt  }
0x7d: {  	_ =	shalt  }
0x7e: {  	_ =	shalt  }
0x7f: {  	_ =	shalt  }
0x80: {  	_ =	shalt  }
0x81: {  	_ =	shalt  }
0x82: {  	_ =	shalt  }
0x83: {  	_ =	shalt  }
0x84: {  	_ =	shalt  }
0x85: {  	_ =	shalt  }
0x86: {  	_ =	shalt  }
0x87: {  	_ =	shalt  }
.Lfunc_end0:
.L_simem_size_0:
called_computation.1_lowered:
.L_overlay_start_0:
0x88: {  	s2 =	sld [smem:$0x3FD9]  }
0x89: {  	s3 =	sld [smem:$0x3FFE];
	_ =	sdelay $0x1  }
0x8a: {  	s1 =	srdreg.scid  }
0x8b: {  	s0 =	sand.u32 $0x1, s1  }
0x8c: {  	s17 =	sshll.u32 s0, $0xA;
	s2 =	sadd.s32 s3, s2  }
0x8d: {  	s2 =	sadd.s32 s2, s17  }
0x8e: {  	[smem:$0x3FC0] =	sst s2  }
0x8f: {  	_ = 	snop  }
0x90: {  	s2 =	sld [smem:$0x3FD0];
	(tm) =	ssettm $0x1  }
0x91: {  	s18 =	sld [smem:$0x3FFB];
	_ =	sdelay $0x3  }
0x92: {  	_ =	strace s18  }
0x93: {  	s3 =	sld [smem:$0x3FFC];
	_ =	sdelay $0x3  }
0x94: {  	_ =	strace s3  }
0x95: {  	s3 =	sld [smem:$0x3FFD];
	_ =	sdelay $0x3  }
0x96: {  	_ =	strace s3  }
0x97: {  	_ =	strace $0x8FFFFFFF  }
0x98: {  	s19 =	sld [smem:$0x3FDB];
	_ =	sdelay $0x1  }
0x99: {  	s4 =	simm.s32 $_scs_section_size  }
0x9a: {  	s5 =	simm.s32 $_size__tile_overlayer_lowered;
	s6 =	simm.s32 $_tile_overlayer_lowered  }
0x9b: {  	s22 =	simm.s32 $0x1BFF;
	s21 =	sshll.u32 s6, $0x1;
	s3 =	sadd.s32 s4, s19  }
0x9c: {  	s7 =	simm.s32 $0x0;
	s20 =	sshll.u32 s5, $0x1;
	s5 =	sadd.s32 s21, s3  }
0x9d: {  	[timem:s7], [sflag:s22] =	dma.local [hbm:s5], s20  }
0x9e: {  	_ =	swait.ge [sflag:s22], s20  }
0x9f: {  	s4 =	ssub.s32 $0x0, s20;
	[sflag:s22] =	ssyncset.done $0x0  }
0xa0: {  	[sflag:s22] =	ssyncadd.s32 s4;
	_ =	sdelay $0x1  }
0xa1: {  	s23 =	simm.s32 $0x1B8B  }
0xa2: {  	_ =	swait.ge [sflag:s23], $0x1  }
0xa3: {  	[sflag:s23] =	ssyncset.done $0x0  }
0xa4: {  	s25 =	simm.s32 $0x1B8E;
	s24 =	sld [smem:$0x3FFE];
	[sflag:s23] =	ssyncadd.s32 $0xFFFFFFFF  }
0xa5: {  	s26 =	simm.s32 $execute0_lowered;
	[smem:$0x3FD2] =	sst s25  }
0xa6: {  	s5 =	sshll.u32 s26, $0x1;
	_ =	strace $0x80000049;
	[dreg:$0x1] =	wrdreg $0xFFFFFFFF  }
0xa7: {  	s28 =	simm.s32 $_size_execute0_lowered;
	s3 =	sadd.s32 s3, s5;
	[dreg:$0x0] =	wrdreg $0x0  }
0xa8: {  	s5 =	sshll.u32 s28, $0x1;
	[dreg:$0x2] =	wrdreg s3  }
0xa9: {  	[dreg:$0x3] =	wrdreg s5  }
0xaa: {  	[dreg:$0x4] =	wrdreg $0xC0  }
0xab: {  	_ =	task [dreg:s7], $0x5FFFF  }
0xac: {  	[dreg:$0x1] =	wrdreg $0xFFFFFFFF  }
0xad: {  	[dreg:$0x0] =	wrdreg $0x60  }
0xae: {  	[dreg:$0x2] =	wrdreg s24  }
0xaf: {  	[dreg:$0x3] =	wrdreg s2  }
0xb0: {  	[dreg:$0x4] =	wrdreg $0x9  }
0xb1: {  	_ =	task.clear_ibuf [dreg:s7], $0x5FFFF;
	_ =	strace $0x90000049  }
0xb2: {  	s29 =	simm.s32 $0x9;
	_ =	strace $0x8000004B  }
0xb3: {  	_ =	swait.ge [sflag:s29], $0x1  }
0xb4: {  	[sflag:s29] =	ssyncadd.s32 $0xFFFFFFFF  }
0xb5: {  	_ =	strace $0x9000004B  }
0xb6: {  	_ =	sfence  }
0xb7: {  	s30 =	sld [smem:$0x0];
	_ =	sdelay $0x2  }
0xb8: {  	s31 =	sshll.u32 s1, $0xD;
	s1 =	sshrl.u32 s1, $0x2  }
0xb9: {  	s3 =	sand.u32 $0x4000, s31;
	s1 =	sadd.s32 s1, s30  }
0xba: {  	s0 =	sor.u32 s3, s0;
	s1 =	sshll.u32 s1, $0x11  }
0xbb: {  	s0 =	sor.u32 s1, s0  }
0xbc: {  	s0 =	sadd.s32 $0x8F2B, s0  }
0xbd: {  	[sflag:s0] =	ssyncadd.remote.s32 $0x1  }
0xbe: {  	_ =	sfence.sel $0xFFFF  }
0xbf: {  	[dreg:$0x0] =	wrdreg $0xFFFFFFFF;
	(pc) =	sbr.abs _section_cstart, $3  }
0xc0: {  	[dreg:$0x1] =	wrdreg $0xFFFFFFFF  }
0xc1: {  	_ =	task.clear_ibuf [dreg:s7], $0x2FFFF;
	_ =	strace $0x9FFFFFFF  }
0xc2: {  	(tm) =	ssettm $0x7FFFFFFF  }
0xc3: {  	_ =	shalt  }
tec
execute0_lowered:
.L_overlay_start_1:
0x0: {  	(tag) =	ssettag $0x1  }
0x1: {  	s0 =	rddreg [dreg:$0x0]  }
0x2: {  	s1 =	srdreg.scid;
	s2 =	stileid.u32  }
0x3: {  	s9 =	rddreg [dreg:$0x1];
	s11 =	simm.s32 $0x2;
	s12 =	simm.s32 $0x80  }
0x4: {  	s28 =	simm.s32 $0xA00;
	s29 =	simm.s32 $0x480;
	s30 =	simm.s32 $0xA80  }
0x5: {  	s31 =	simm.s32 $0x500;
	s13 =	simm.s32 $0xB80;
	s14 =	simm.s32 $0xC00  }
0x6: {  	s15 =	simm.s32 $0x1200;
	s16 =	simm.s32 $0x1800;
	s17 =	simm.s32 $0x1E00  }
0x7: {  	s18 =	simm.s32 $0x1;
	s19 =	simm.s32 $0x1E10;
	s20 =	simm.s32 $0x0  }
0x8: {  	s1 =	sand.u32 $0x1, s1;
	s3 =	sshll.u32 s2, $0x1;
	s2 =	simm.s32 $0x0  }
0x9: {  	s8 =	sor.u32 s1, s3;
	[smem:$0x7FF] =	sst s2;
	s1 =	ssub.s32 $0x2, s1  }
0xa: {  	s3 =	sadd.s32 $0x7400, s0;
	s4 =	smul.u32 $0xC0, s8;
	s5 =	sshrl.u32 s1, $0x1  }
0xb: {  	v1 =	vimm.s32 $0x52741630;
	v0 =	vlaneseq.u32;
	v2 =	vimm.s32 $0x63052741;
	_ =	strace $0x8000004A;
	s26 =	sshll.u32 s8, $0x6;
	s25 =	ssub.s32 s1, s5  }
0xc: {  	v3 =	vimm.s32 $0x74163052;
	v1 =	vunpack.c.l.s4.s8 v1;
	v4 =	vunpack.c.l.s4.s8 v2;
	s9 =	sadd.s32 s9, s26;
	s26 =	simm.s32 $0x400;
	s1 =	simm.s32 $0xB00  }
0xd: {  	v0 =	vmul.u32 $0x3, v0;
	v5 =	vunpack.c.l.s4.s8 v3;
	s10 =	sadd.s32 s4, s0;
	s4 =	sadd.s32 $0x62E00, s0;
	s0 =	simm.s32 $0x580  }
0xe: {  	v1 =	vunpack.c.0.s8.s32 v1;
	v3 =	vunpack.c.0.s8.s32 v4;
	s5 =	sadd.s32 $0x1400, s10;
	s6 =	sadd.s32 $0x4400, s10;
	s7 =	sadd.s32 $0x5C00, s10  }
0xf: {  	v2 =	vadd.s32 $0x1, v0;
	v4 =	vadd.s32 $0x2, v0;
	v5 =	vunpack.c.0.s8.s32 v5;
	s8 =	sadd.s32 $0x2C00, s10;
	s10 =	smax.u32 s25, $0x1;
	s25 =	simm.s32 $0x980  }
.LBB2_1:
0x10: {  	[tilespmem:s2], [sflag:$0x2] =	stream.linear.gather [hbm4b:s5+s2], $0x600, $0x38;
	[tilespmem:$0x2010] =	vst v63  }
0x11: {  	_ =	swait.ge [sflag:s11], $0x600  }
0x12: {  	[sflag:s11] =	ssyncset.done $0x0  }
0x13: {  	s21 =	simm.s32 $0x600;
	[sflag:s11] =	ssyncadd.s32 $0xFFFFFA00  }
0x14: {  	[tilespmem:s21], [sflag:$0x1] =	stream.indirect.gather [hbm4b:s3+s12], $0x1, s2, s12, $0xb8;
	[tilespmem:$0x2010] =	vst v63  }
0x15: {  	s23 =	simm.s32 $0x680  }
0x16: {  	[tilespmem:s23], [sflag:$0x1] =	stream.indirect.gather [hbm4b:s3+s12], $0x1, s12, s12, $0xb8;
	[tilespmem:$0x2010] =	vst v63  }
0x17: {  	s24 =	simm.s32 $0x100;
	s22 =	simm.s32 $0x700  }
0x18: {  	[tilespmem:s22], [sflag:$0x1] =	stream.indirect.gather [hbm4b:s3+s12], $0x1, s24, s12, $0xb8;
	[tilespmem:$0x2010] =	vst v63  }
0x19: {  	s23 =	simm.s32 $0x180;
	s24 =	simm.s32 $0x780  }
0x1a: {  	[tilespmem:s24], [sflag:$0x1] =	stream.indirect.gather [hbm4b:s3+s12], $0x1, s23, s12, $0xb8;
	[tilespmem:$0x2010] =	vst v63  }
0x1b: {  	s21 =	simm.s32 $0x800;
	s23 =	simm.s32 $0x200  }
0x1c: {  	[tilespmem:s21], [sflag:$0x1] =	stream.indirect.gather [hbm4b:s3+s12], $0x1, s23, s12, $0xb8;
	[tilespmem:$0x2010] =	vst v63  }
0x1d: {  	s24 =	simm.s32 $0x280;
	s23 =	simm.s32 $0x880  }
0x1e: {  	[tilespmem:s23], [sflag:$0x1] =	stream.indirect.gather [hbm4b:s3+s12], $0x1, s24, s12, $0xb8;
	[tilespmem:$0x2010] =	vst v63  }
0x1f: {  	s23 =	simm.s32 $0x300;
	s24 =	simm.s32 $0x900  }
0x20: {  	[tilespmem:s24], [sflag:$0x1] =	stream.indirect.gather [hbm4b:s3+s12], $0x1, s23, s12, $0xb8;
	[tilespmem:$0x2010] =	vst v63  }
0x21: {  	s23 =	simm.s32 $0x380  }
0x22: {  	[tilespmem:s25], [sflag:$0x1] =	stream.indirect.gather [hbm4b:s3+s12], $0x1, s23, s12, $0xb8;
	[tilespmem:$0x2010] =	vst v63  }
0x23: {  	_ = 	snop  }
0x24: {  	[tilespmem:s28], [sflag:$0x1] =	stream.indirect.gather [hbm4b:s3+s12], $0x1, s26, s12, $0xb8;
	[tilespmem:$0x2010] =	vst v63  }
0x25: {  	_ = 	snop  }
0x26: {  	[tilespmem:s30], [sflag:$0x1] =	stream.indirect.gather [hbm4b:s3+s12], $0x1, s29, s12, $0xb8;
	[tilespmem:$0x2010] =	vst v63  }
0x27: {  	_ = 	snop  }
0x28: {  	[tilespmem:s1], [sflag:$0x1] =	stream.indirect.gather [hbm4b:s3+s12], $0x1, s31, s12, $0xb8;
	[tilespmem:$0x2010] =	vst v63  }
0x29: {  	_ = 	snop  }
0x2a: {  	[tilespmem:s13], [sflag:$0x1] =	stream.indirect.gather [hbm4b:s3+s12], $0x1, s0, s12, $0xb8;
	[tilespmem:$0x2010] =	vst v63  }
0x2b: {  	_ = 	snop  }
0x2c: {  	[tilespmem:s14], [sflag:$0x2] =	stream.linear.gather [hbm4b:s6+s2], $0x600, $0x38;
	[tilespmem:$0x2010] =	vst v63  }
0x2d: {  	_ =	swait.ge [sflag:s11], $0x600  }
0x2e: {  	[sflag:s11] =	ssyncset.done $0x0  }
0x2f: {  	[sflag:s11] =	ssyncadd.s32 $0xFFFFFA00  }
0x30: {  	[tilespmem:s15], [sflag:$0x2] =	stream.linear.gather [hbm4b:s7+s2], $0x600, $0x38;
	[tilespmem:$0x2010] =	vst v63  }
0x31: {  	_ =	swait.ge [sflag:s11], $0x600  }
0x32: {  	[sflag:s11] =	ssyncset.done $0x0  }
0x33: {  	[sflag:s11] =	ssyncadd.s32 $0xFFFFFA00  }
0x34: {  	[tilespmem:s16], [sflag:$0x2] =	stream.linear.gather [hbm4b:s8+s2], $0x600, $0x38;
	[tilespmem:$0x2010] =	vst v63  }
0x35: {  	_ =	swait.ge [sflag:s11], $0x600  }
0x36: {  	[sflag:s11] =	ssyncset.done $0x0  }
0x37: {  	[sflag:s11] =	ssyncadd.s32 $0xFFFFFA00  }
0x38: {  	[tilespmem:s17], [sflag:$0x2] =	stream.linear.gather [hbm4b:s4+s2], $0x10, $0x38;
	[tilespmem:$0x2010] =	vst v63  }
0x39: {  	_ =	swait.ge [sflag:s11], $0x10  }
0x3a: {  	[sflag:s11] =	ssyncset.done $0x0  }
0x3b: {  	[sflag:s11] =	ssyncadd.s32 $0xFFFFFFF0  }
0x3c: {  	v6 =	vld [tilespmem:$0x1E00];
	_ =	swait.ge [sflag:s18], $0x80  }
0x3d: {  	[sflag:s18] =	ssyncset.done $0x0  }
0x3e: {  	[sflag:s18] =	ssyncadd.s32 $0xFFFFFF80  }
0x3f: {  	_ =	swait.ge [sflag:s18], $0x80  }
0x40: {  	[sflag:s18] =	ssyncset.done $0x0  }
0x41: {  	[sflag:s18] =	ssyncadd.s32 $0xFFFFFF80  }
0x42: {  	_ =	swait.ge [sflag:s18], $0x80  }
0x43: {  	[sflag:s18] =	ssyncset.done $0x0  }
0x44: {  	[sflag:s18] =	ssyncadd.s32 $0xFFFFFF80  }
0x45: {  	_ =	swait.ge [sflag:s18], $0x80  }
0x46: {  	[sflag:s18] =	ssyncset.done $0x0  }
0x47: {  	[sflag:s18] =	ssyncadd.s32 $0xFFFFFF80  }
0x48: {  	_ =	swait.ge [sflag:s18], $0x80  }
0x49: {  	[sflag:s18] =	ssyncset.done $0x0  }
0x4a: {  	[sflag:s18] =	ssyncadd.s32 $0xFFFFFF80  }
0x4b: {  	_ =	swait.ge [sflag:s18], $0x80  }
0x4c: {  	[sflag:s18] =	ssyncset.done $0x0  }
0x4d: {  	[sflag:s18] =	ssyncadd.s32 $0xFFFFFF80  }
0x4e: {  	_ =	swait.ge [sflag:s18], $0x80  }
0x4f: {  	[sflag:s18] =	ssyncset.done $0x0  }
0x50: {  	[sflag:s18] =	ssyncadd.s32 $0xFFFFFF80  }
0x51: {  	_ =	swait.ge [sflag:s18], $0x80  }
0x52: {  	[sflag:s18] =	ssyncset.done $0x0  }
0x53: {  	[sflag:s18] =	ssyncadd.s32 $0xFFFFFF80  }
0x54: {  	_ =	swait.ge [sflag:s18], $0x80  }
0x55: {  	[sflag:s18] =	ssyncset.done $0x0  }
0x56: {  	[sflag:s18] =	ssyncadd.s32 $0xFFFFFF80  }
0x57: {  	_ =	swait.ge [sflag:s18], $0x80  }
0x58: {  	[sflag:s18] =	ssyncset.done $0x0  }
0x59: {  	v7 =	vadd.s32 s2, v4;
	[sflag:s18] =	ssyncadd.s32 $0xFFFFFF80  }
0x5a: {  	v8 =	vadd.s32 s2, v2;
	v7 =	vand.u32 $0xFF8, v7;
	_ =	swait.ge [sflag:s18], $0x80  }
0x5b: {  	v9 =	vadd.s32 s2, v0;
	v8 =	vand.u32 $0xFF8, v8;
	v7 =	vor.u32 v5, v7;
	[sflag:s18] =	ssyncset.done $0x0  }
0x5c: {  	v9 =	vand.u32 $0xFF8, v9;
	v8 =	vor.u32 v3, v8;
	[sflag:s18] =	ssyncadd.s32 $0xFFFFFF80  }
0x5d: {  	v9 =	vor.u32 v1, v9;
	_ =	swait.ge [sflag:s18], $0x80  }
0x5e: {  	[sflag:s18] =	ssyncset.done $0x0  }
0x5f: {  	[sflag:s18] =	ssyncadd.s32 $0xFFFFFF80  }
0x60: {  	v10 =	vld.idx.msk [tilespmem:v7+s14+$0x0], $0xffff  }
0x61: {  	v11 =	vld.idx.msk [tilespmem:v8+s14+$0x0], $0xffff  }
0x62: {  	v12 =	vld.idx.msk [tilespmem:v9+s14+$0x0], $0xffff;
	_ =	sdelay $0x3  }
0x63: {  	v13 =	vmax.f32 v11, v10  }
0x64: {  	v13 =	vmax.f32 v12, v13  }
0x65: {  	v12 =	vsub.f32 v12, v13  }
0x66: {  	v11 =	vsub.f32 v11, v13  }
0x67: {  	v12 =	vmul.f32 $1.442695020e+00, v12  }
0x68: {  	v10 =	vsub.f32 v10, v13;
	v11 =	vmul.f32 $1.442695020e+00, v11  }
0x69: {  	(erf) = vpow2.f32 v12  }
0x6a: {  	v10 =	vmul.f32 $1.442695020e+00, v10;
	(erf) = vpow2.f32 v11;
	_ =	sdelay $0x1  }
0x6b: {  	(erf) = vpow2.f32 v10;
	_ =	sdelay $0x5  }
0x6c: {  	s24 =	simm.s32 $0x1A00;
	v10 =	vpop (erf)  }
0x6d: {  	v48 =	vld [tilespmem:s24+$0xFFFFFE00];
	v47 =	vpop (erf)  }
0x6e: {  	v15 =	vld [tilespmem:s21+$0xFFFFFE00];
	v14 =	vadd.f32 v47, v10  }
0x6f: {  	v9 =	vld.idx.msk [tilespmem:v9+s15+$0x0], $0xffff;
	v16 =	vpop (erf)  }
0x70: {  	v8 =	vld.idx.msk [tilespmem:v8+s15+$0x0], $0xffff;
	v14 =	vadd.f32 v14, v16  }
0x71: {  	v17 =	vld [tilespmem:s24+$0x0]  }
0x72: {  	v11 =	vld [tilespmem:s21+$0x0];
	(erf) = vrcp.f32 v14  }
0x73: {  	v7 =	vld.idx.msk [tilespmem:v7+s15+$0x0], $0xffff  }
0x74: {  	v49 =	vld [tilespmem:s21+$0x200]  }
0x75: {  	v50 =	vld [tilespmem:s24+$0x200];
	v13 =	vmul.f32 v48, v15  }
0x76: {  	s23 =	simm.s32 $0x30;
	v9 =	vmul.f32 v10, v9;
	v8 =	vmul.f32 v47, v8  }
0x77: {  	v51 =	vadd.s32 s23, v4;
	v10 =	vmul.f32 v17, v11  }
0x78: {  	v11 =	vadd.f32 v13, v6;
	v7 =	vmul.f32 v16, v7;
	v8 =	vadd.f32 v8, v9  }
0x79: {  	v12 =	vand.u32 $0xFF8, v51;
	v9 =	vadd.s32 s23, v2  }
0x7a: {  	v10 =	vadd.f32 v10, v11;
	v11 =	vmul.f32 v50, v49;
	v7 =	vadd.f32 v8, v7  }
0x7b: {  	v12 =	vor.u32 v5, v12;
	v9 =	vand.u32 $0xFF8, v9;
	v52 =	vpop (erf)  }
0x7c: {  	v8 =	vadd.s32 s23, v0;
	v10 =	vadd.f32 v11, v10;
	v7 =	vmul.f32 v52, v7  }
0x7d: {  	v9 =	vor.u32 v3, v9;
	v8 =	vand.u32 $0xFF8, v8  }
0x7e: {  	v8 =	vor.u32 v1, v8;
	v7 =	vadd.f32 v7, v10;
	_ =	sdelay $0x1  }
0x7f: {  	[tilespmem:s19+$0x0] =	vst v7  }
0x80: {  	v7 =	vld.idx.msk [tilespmem:v12+s14+$0x0], $0xffff  }
0x81: {  	v10 =	vld.idx.msk [tilespmem:v9+s14+$0x0], $0xffff  }
0x82: {  	v11 =	vld.idx.msk [tilespmem:v8+s14+$0x0], $0xffff;
	_ =	sdelay $0x3  }
0x83: {  	v53 =	vmax.f32 v10, v7  }
0x84: {  	v13 =	vmax.f32 v11, v53  }
0x85: {  	v11 =	vsub.f32 v11, v13  }
0x86: {  	v10 =	vsub.f32 v10, v13  }
0x87: {  	v11 =	vmul.f32 $1.442695020e+00, v11  }
0x88: {  	v7 =	vsub.f32 v7, v13;
	v10 =	vmul.f32 $1.442695020e+00, v10  }
0x89: {  	(erf) = vpow2.f32 v11  }
0x8a: {  	v7 =	vmul.f32 $1.442695020e+00, v7;
	(erf) = vpow2.f32 v10;
	_ =	sdelay $0x1  }
0x8b: {  	(erf) = vpow2.f32 v7;
	_ =	sdelay $0x5  }
0x8c: {  	s22 =	simm.s32 $0x1A10;
	v7 =	vpop (erf)  }
0x8d: {  	s21 =	simm.s32 $0x810;
	v54 =	vld [tilespmem:s22+$0xFFFFFE00];
	v11 =	vpop (erf)  }
0x8e: {  	v56 =	vld [tilespmem:s21+$0xFFFFFE00];
	v55 =	vadd.f32 v11, v7  }
0x8f: {  	v8 =	vld.idx.msk [tilespmem:v8+s15+$0x0], $0xffff;
	v57 =	vpop (erf)  }
0x90: {  	v9 =	vld.idx.msk [tilespmem:v9+s15+$0x0], $0xffff;
	v14 =	vadd.f32 v55, v57  }
0x91: {  	v58 =	vld [tilespmem:s22+$0x0]  }
0x92: {  	v10 =	vld [tilespmem:s21+$0x0];
	(erf) = vrcp.f32 v14  }
0x93: {  	v12 =	vld.idx.msk [tilespmem:v12+s15+$0x0], $0xffff  }
0x94: {  	v59 =	vld [tilespmem:s21+$0x200]  }
0x95: {  	v60 =	vld [tilespmem:s22+$0x200];
	v13 =	vmul.f32 v54, v56  }
0x96: {  	v7 =	vmul.f32 v7, v8;
	v8 =	vmul.f32 v11, v9  }
0x97: {  	s24 =	simm.s32 $0x60;
	v9 =	vmul.f32 v58, v10;
	v10 =	vadd.f32 v13, v6  }
0x98: {  	v11 =	vadd.s32 s24, v2;
	v7 =	vadd.f32 v8, v7;
	v8 =	vmul.f32 v57, v12  }
0x99: {  	v61 =	vadd.s32 s24, v4  }
0x9a: {  	v62 =	vmul.f32 v60, v59;
	v10 =	vadd.f32 v9, v10;
	v63 =	vadd.f32 v7, v8  }
0x9b: {  	v9 =	vand.u32 $0xFF8, v11;
	v8 =	vadd.s32 s24, v0;
	v7 =	vand.u32 $0xFF8, v61;
	v11 =	vpop (erf)  }
0x9c: {  	s23 =	simm.s32 $0x1E10;
	s24 =	simm.s32 $0x90;
	v10 =	vadd.f32 v62, v10;
	v7 =	vor.u32 v5, v7;
	v11 =	vmul.f32 v11, v63  }
.LBB2_2:
0x9d: {  	p0 =	sne.s32 s24, $0x5D0;
	v8 =	vand.u32 $0xFF8, v8;
	v9 =	vor.u32 v3, v9  }
0x9e: {  	v8 =	vor.u32 v1, v8;
	v10 =	vadd.f32 v11, v10  }
0x9f: {  	s23 =	sadd.s32 $0x10, s23  }
0xa0: {  	[tilespmem:s23+$0x0] =	vst v10  }
0xa1: {  	v10 =	vld.idx.msk [tilespmem:v7+s14+$0x0], $0xffff  }
0xa2: {  	v11 =	vld.idx.msk [tilespmem:v9+s14+$0x0], $0xffff  }
0xa3: {  	v12 =	vld.idx.msk [tilespmem:v8+s14+$0x0], $0xffff;
	_ =	sdelay $0x4  }
0xa4: {  	v13 =	vmax.f32 v11, v10  }
0xa5: {  	v13 =	vmax.f32 v12, v13  }
0xa6: {  	v12 =	vsub.f32 v12, v13  }
0xa7: {  	v11 =	vsub.f32 v11, v13  }
0xa8: {  	v12 =	vmul.f32 $1.442695020e+00, v12  }
0xa9: {  	v10 =	vsub.f32 v10, v13;
	v11 =	vmul.f32 $1.442695020e+00, v11  }
0xaa: {  	(erf) = vpow2.f32 v12  }
0xab: {  	v10 =	vmul.f32 $1.442695020e+00, v10;
	(erf) = vpow2.f32 v11;
	_ =	sdelay $0x1  }
0xac: {  	(erf) = vpow2.f32 v10;
	_ =	sdelay $0x4  }
0xad: {  	s21 =	sadd.s32 $0x10, s21  }
0xae: {  	s22 =	sadd.s32 $0x10, s22;
	v10 =	vld [tilespmem:s21+$0x0];
	v11 =	vpop (erf)  }
0xaf: {  	v12 =	vld [tilespmem:s22+$0xFFFFFE00];
	v13 =	vpop (erf)  }
0xb0: {  	v14 =	vld [tilespmem:s21+$0xFFFFFE00];
	v15 =	vadd.f32 v13, v11  }
0xb1: {  	v8 =	vld.idx.msk [tilespmem:v8+s15+$0x0], $0xffff;
	v16 =	vpop (erf)  }
0xb2: {  	v9 =	vld.idx.msk [tilespmem:v9+s15+$0x0], $0xffff;
	v15 =	vadd.f32 v15, v16  }
0xb3: {  	v17 =	vld [tilespmem:s22+$0x0]  }
0xb4: {  	v7 =	vld.idx.msk [tilespmem:v7+s15+$0x0], $0xffff;
	(erf) = vrcp.f32 v15;
	_ =	sdelay $0x1  }
0xb5: {  	v15 =	vld [tilespmem:s21+$0x200]  }
0xb6: {  	v12 =	vmul.f32 v12, v14;
	v14 =	vld [tilespmem:s22+$0x200]  }
0xb7: {  	v8 =	vmul.f32 v11, v8;
	v9 =	vmul.f32 v13, v9  }
0xb8: {  	v10 =	vmul.f32 v17, v10  }
.Ltmp0:
0xb9: {  	v11 =	vadd.f32 v12, v6;
	v8 =	vadd.f32 v9, v8;
	v7 =	vmul.f32 v16, v7;
	(pc) =	sbr.rel @p0 .LBB2_2-.Ltmp0, $4  }
0xba: {  	v9 =	vadd.s32 s24, v2;
	v16 =	vadd.s32 s24, v4  }
0xbb: {  	v10 =	vadd.f32 v10, v11;
	v13 =	vadd.f32 v8, v7;
	v11 =	vmul.f32 v14, v15  }
0xbc: {  	v9 =	vand.u32 $0xFF8, v9;
	v8 =	vadd.s32 s24, v0;
	v7 =	vand.u32 $0xFF8, v16;
	v12 =	vpop (erf)  }
0xbd: {  	s24 =	sadd.s32 $0x30, s24;
	v7 =	vor.u32 v5, v7;
	v10 =	vadd.f32 v11, v10;
	v11 =	vmul.f32 v12, v13  }
0xbe: {  	v8 =	vand.u32 $0xFF8, v8;
	v9 =	vor.u32 v3, v9  }
0xbf: {  	v8 =	vor.u32 v1, v8;
	v10 =	vadd.f32 v11, v10  }
0xc0: {  	s23 =	sadd.s32 $0x10, s23  }
0xc1: {  	[tilespmem:s23+$0x0] =	vst v10  }
0xc2: {  	v10 =	vld.idx.msk [tilespmem:v7+s14+$0x0], $0xffff  }
0xc3: {  	v54 =	vld.idx.msk [tilespmem:v9+s14+$0x0], $0xffff  }
0xc4: {  	v12 =	vld.idx.msk [tilespmem:v8+s14+$0x0], $0xffff;
	_ =	sdelay $0x3  }
0xc5: {  	v13 =	vmax.f32 v54, v10  }
0xc6: {  	v13 =	vmax.f32 v12, v13  }
0xc7: {  	v12 =	vsub.f32 v12, v13  }
0xc8: {  	v11 =	vsub.f32 v54, v13  }
0xc9: {  	v12 =	vmul.f32 $1.442695020e+00, v12  }
0xca: {  	v10 =	vsub.f32 v10, v13;
	v11 =	vmul.f32 $1.442695020e+00, v11  }
0xcb: {  	(erf) = vpow2.f32 v12  }
0xcc: {  	v10 =	vmul.f32 $1.442695020e+00, v10;
	(erf) = vpow2.f32 v11;
	_ =	sdelay $0x1  }
0xcd: {  	(erf) = vpow2.f32 v10;
	_ =	sdelay $0x5  }
0xce: {  	s21 =	sadd.s32 $0x10, s21;
	v55 =	vpop (erf)  }
0xcf: {  	s22 =	sadd.s32 $0x10, s22;
	v56 =	vld [tilespmem:s21+$0x0];
	v57 =	vpop (erf)  }
0xd0: {  	v58 =	vld [tilespmem:s22+$0xFFFFFE00];
	v14 =	vadd.f32 v57, v55  }
0xd1: {  	v15 =	vld [tilespmem:s21+$0xFFFFFE00];
	v16 =	vpop (erf)  }
0xd2: {  	v9 =	vld.idx.msk [tilespmem:v9+s15+$0x0], $0xffff;
	v14 =	vadd.f32 v14, v16  }
0xd3: {  	v8 =	vld.idx.msk [tilespmem:v8+s15+$0x0], $0xffff  }
0xd4: {  	v17 =	vld [tilespmem:s22+$0x0];
	(erf) = vrcp.f32 v14  }
0xd5: {  	v7 =	vld.idx.msk [tilespmem:v7+s15+$0x0], $0xffff  }
0xd6: {  	v59 =	vld [tilespmem:s21+$0x200]  }
0xd7: {  	v60 =	vld [tilespmem:s22+$0x200];
	v13 =	vmul.f32 v58, v15  }
0xd8: {  	v8 =	vmul.f32 v55, v8;
	v9 =	vmul.f32 v57, v9  }
0xd9: {  	v61 =	vmul.f32 v17, v56  }
0xda: {  	v6 =	vadd.f32 v13, v6;
	v7 =	vmul.f32 v16, v7;
	v8 =	vadd.f32 v9, v8;
	_ =	sdelay $0x1  }
0xdb: {  	v62 =	vmul.f32 v60, v59;
	v6 =	vadd.f32 v61, v6;
	v7 =	vadd.f32 v8, v7  }
0xdc: {  	v63 =	vpop (erf)  }
0xdd: {  	v6 =	vadd.f32 v62, v6;
	v7 =	vmul.f32 v63, v7;
	_ =	sdelay $0x1  }
0xde: {  	s20 =	sadd.s32 $0x1, s20;
	v6 =	vadd.f32 v7, v6  }
0xdf: {  	s24 =	sadd.s32 $0x10, s23;
	p0 =	sne.s32 s20, s10  }
.Ltmp1:
0xe0: {  	[tilespmem:s24+$0x0] =	vst v6;
	(pc) =	sbr.rel @p0 .LBB2_1-.Ltmp1, $4  }
0xe1: {  	[hbm4b:s9+s2] =	stream.linear.scatter [tilespmem:s19], [sflag:$0x2], $0x200, $0x38;
	[tilespmem:$0x2010] =	vst v63  }
0xe2: {  	_ =	swait.ge [sflag:s11], $0x200  }
0xe3: {  	[sflag:s11] =	ssyncset.done $0x0  }
0xe4: {  	[sflag:s11] =	ssyncadd.s32 $0xFFFFFE00  }
0xe5: {  	_ =	sfence.sel $0x180000  }
0xe6: {  	[bflag:$0x0] =	sbarrier.arrive $0xFFFF  }
0xe7: {  	_ =	strace $0x9000004A  }
0xe8: {  	s0 =	stileid.u32;
	[bflag:$0x2] =	sbarrier.arrive $0xFFFF  }
0xe9: {  	p0 =	sne.s32 s0, $0x0;
	s0 =	rddreg [dreg:$0x2]  }
0xea: {  	s0 =	sadd.s32 @!p0 $0x100000, s0  }
0xeb: {  	[sflag:s0] =	ssyncadd.tile.s32 @!p0 $0x1;
	_ =	shalt  }
.Lfunc_end2:
_tile_overlayer_lowered:
.L_overlay_start_2:
0xec: {  	(tag) =	ssettag $0x2  }
0xed: {  	s0 =	rddreg [dreg:$0x0];
	s2 =	stileid.u32  }
0xee: {  	s1 =	rddreg [dreg:$0x1];
	p0 =	sne.s32 s2, $0x0  }
0xef: {  	s3 =	rddreg [dreg:$0x2];
	[bflag:$0x3] =	sbarrier.arrive $0xFFFF;
	s2 =	simm.s32 @!p0 $0x1C02  }
0xf0: {  	[timem:s3], [sflag:s2] =	dma.local @!p0 [hbm:s0], s1  }
0xf1: {  	s0 =	simm.s32 @!p0 $0x2  }
0xf2: {  	_ =	swait.ge @!p0 [sflag:s0], s1  }
0xf3: {  	s1 =	ssub.s32 @!p0 $0x0, s1;
	[sflag:s0] =	ssyncset.done @!p0 $0x0  }
0xf4: {  	[sflag:s0] =	ssyncadd.s32 @!p0 s1  }
0xf5: {  	[bflag:$0x3] =	sbarrier.arrive $0xFFFF  }
0xf6: {  	_ =	shalt  }

</sc_bundles>
